<compile_context>
chip_gen: v7x
topology: tpu7x:2x2x1
jax: 0.10.2.dev20260603
libtpu: 0.0.44.dev20260713+nightly
codegen_flags: <defaults>
</compile_context>

<pallas_src>
import jax
import jax.numpy as jnp
from jax import lax
from jax.experimental import pallas as pl
from jax.experimental.pallas import tpu as pltpu
from jax.experimental.pallas import tpu_sc as plsc

N_ANGLES, N_ELEMENTS, N_SAMP = 16, 128, 2048
NZ, NX = 512, 256
NPIX = NZ * NX
FS = float(N_SAMP) / 2.0

N_TILES = 32
PIX_PER_TILE = NPIX // N_TILES
S_PAD = N_SAMP + 32
LANES = 16
VECS = PIX_PER_TILE // LANES
G = 8
N_GROUPS = N_ANGLES // G


def _das_body(dtx_hbm, drx_hbm, apod_hbm, rf_hbm, t0_hbm, out_hbm,
              dtx_v, acc_v, rf0_v, rf1_v, drx_v, apod_v, t0_v, sem0, sem1):
    wid = lax.axis_index("c") * 16 + lax.axis_index("s")
    base = wid * PIX_PER_TILE
    sems = (sem0, sem1)
    rfs = (rf0_v, rf1_v)

    pltpu.sync_copy(t0_hbm, t0_v)

    def start_elem(g, e, b):
        pltpu.async_copy(rf_hbm.at[e, pl.ds(g * (G * S_PAD), G * S_PAD)],
                         rfs[b], sems[b])
        pltpu.async_copy(drx_hbm.at[e, pl.ds(base, PIX_PER_TILE)],
                         drx_v.at[b], sems[b])
        pltpu.async_copy(apod_hbm.at[e, pl.ds(base, PIX_PER_TILE)],
                         apod_v.at[b], sems[b])

    def wait_elem(b):
        pltpu.make_async_copy(rf_hbm.at[0, pl.ds(0, G * S_PAD)], rfs[b],
                              sems[b]).wait()
        pltpu.make_async_copy(drx_hbm.at[0, pl.ds(0, PIX_PER_TILE)],
                              drx_v.at[b], sems[b]).wait()
        pltpu.make_async_copy(apod_hbm.at[0, pl.ds(0, PIX_PER_TILE)],
                              apod_v.at[b], sems[b]).wait()

    def group_body(g, _):
        for a in range(G):
            pltpu.sync_copy(
                dtx_hbm.at[g * G + a, pl.ds(base, PIX_PER_TILE)], dtx_v.at[a])

        for a in range(G):
            t0_b = plsc.load_gather(
                t0_v, [jnp.full((LANES,), g * G + a, jnp.int32)])
            cvec = float(a * S_PAD) - t0_b * FS

            @plsc.parallel_loop(0, VECS, unroll=4)
            def _stage(i):
                sl = pl.ds(i * LANES, LANES)
                dtx_v[a, sl] = dtx_v[a, sl] * FS + cvec
                acc_v[a, sl] = jnp.zeros((LANES,), jnp.float32)

        start_elem(g, 0, 0)
        start_elem(g, 1, 1)

        def elem_pair(j, _):
            for b in (0, 1):
                e = j * 2 + b
                wait_elem(b)
                rfb = rfs[b]

                @plsc.parallel_loop(0, VECS, unroll=8)
                def _interp(i):
                    sl = pl.ds(i * LANES, LANES)
                    drxs = drx_v[b, sl] * FS
                    w = apod_v[b, sl]
                    for a in range(G):
                        pos = dtx_v[a, sl] + drxs
                        i0 = pos.astype(jnp.int32)
                        fr = pos - i0.astype(jnp.float32)
                        v0 = plsc.load_gather(rfb, [i0])
                        v1 = plsc.load_gather(rfb, [i0 + 1])
                        plsc.addupdate(acc_v.at[a, sl],
                                       (v0 + fr * (v1 - v0)) * w)

                @pl.when(e + 2 < N_ELEMENTS)
                def _():
                    start_elem(g, e + 2, b)

            return ()

        lax.fori_loop(0, N_ELEMENTS // 2, elem_pair, (), unroll=False)

        for a in range(G):
            pltpu.sync_copy(acc_v.at[a],
                            out_hbm.at[g * G + a, pl.ds(base, PIX_PER_TILE)])
        return ()

    lax.fori_loop(0, N_GROUPS, group_body, (), unroll=False)


@jax.jit
def kernel(d_tx, d_rx, apod, rf, t0):
    dtx2 = d_tx.reshape(N_ANGLES, NPIX)
    drx2 = d_rx.reshape(N_ELEMENTS, NPIX)
    apod2 = apod.reshape(N_ELEMENTS, NPIX)
    rf_pad = jnp.pad(jnp.transpose(rf, (1, 0, 2)),
                     ((0, 0), (0, 0), (0, S_PAD - N_SAMP)))
    rf_pad = rf_pad.reshape(N_ELEMENTS, N_ANGLES * S_PAD)

    mesh = plsc.VectorSubcoreMesh(core_axis_name="c", subcore_axis_name="s")
    out = pl.kernel(
        _das_body,
        out_type=jax.ShapeDtypeStruct((N_ANGLES, NPIX), jnp.float32),
        mesh=mesh,
        compiler_params=pltpu.CompilerParams(needs_layout_passes=False),
        scratch_types=[
            pltpu.VMEM((G, PIX_PER_TILE), jnp.float32),
            pltpu.VMEM((G, PIX_PER_TILE), jnp.float32),
            pltpu.VMEM((G * S_PAD,), jnp.float32),
            pltpu.VMEM((G * S_PAD,), jnp.float32),
            pltpu.VMEM((2, PIX_PER_TILE), jnp.float32),
            pltpu.VMEM((2, PIX_PER_TILE), jnp.float32),
            pltpu.VMEM((N_ANGLES,), jnp.float32),
            pltpu.SemaphoreType.DMA,
            pltpu.SemaphoreType.DMA,
        ],
    )(dtx2, drx2, apod2, rf_pad, t0)
    return out.reshape(N_ANGLES, NZ, NX)

# --- scband reference (transcript-rebuilt; emitter-appended) ---
"""Pipeline reference for scband-rfgrid-sample-das-53223234732543 (READ-ONLY COPY).

The authoritative reference and input builder live on the scoring server;
editing this copy changes nothing except your own understanding.
"""

import jax, jax.numpy as jnp
import numpy as np

NZ, NX = 512, 256
N_ANGLES, N_ELEMENTS, N_SAMP = 16, 128, 2048
C0 = 1.0
FS = float(N_SAMP) / 2.0  # delays of rand distances in [0,2) land inside [0, N_SAMP)


def setup_inputs(seed: int = 0):
    key = jax.random.key(seed)
    k1, k2, k3, k4 = jax.random.split(key, 4)
    d_tx = jax.random.uniform(k1, (N_ANGLES, NZ, NX), dtype=jnp.float32)
    d_rx = jax.random.uniform(k2, (N_ELEMENTS, NZ, NX), dtype=jnp.float32)
    apod = jax.random.uniform(k3, (N_ELEMENTS, NZ, NX), dtype=jnp.float32)
    rf = jax.random.normal(k4, (N_ANGLES, N_ELEMENTS, N_SAMP), dtype=jnp.float32)
    t0 = jnp.zeros((N_ANGLES,), dtype=jnp.float32)
    return {"d_tx": d_tx, "d_rx": d_rx, "apod": apod, "rf": rf, "t0": t0}


def _forward(d_tx, d_rx, apod, rf, t0):
    n_angles, n_elements, n_samp = rf.shape
    nz, nx = d_tx.shape[1], d_tx.shape[2]
    # torch grid_sample with align_corners=True and grid_x = delay*2/(n_samp-1)-1
    # maps back to unnormalized sample position == delay; H=1 so it is pure 1D
    # linear interpolation along the sample axis with zero padding out of range.
    rf_t = jnp.transpose(rf, (1, 0, 2))  # [E, A, n_samp]

    def body(acc, inputs):
        rf_e, d_rx_e, apod_e = inputs
        pos = ((d_tx + d_rx_e[None, :, :]) / C0 - t0[:, None, None]) * FS
        pos0 = jnp.floor(pos)
        frac = pos - pos0
        i0 = pos0.astype(jnp.int32)
        i1 = i0 + 1
        flat0 = jnp.clip(i0.reshape(n_angles, -1), 0, n_samp - 1)
        flat1 = jnp.clip(i1.reshape(n_angles, -1), 0, n_samp - 1)
        v0 = jnp.take_along_axis(rf_e, flat0, axis=1).reshape(pos.shape)
        v1 = jnp.take_along_axis(rf_e, flat1, axis=1).reshape(pos.shape)
        v0 = jnp.where((i0 >= 0) & (i0 <= n_samp - 1), v0, 0.0)
        v1 = jnp.where((i1 >= 0) & (i1 <= n_samp - 1), v1, 0.0)
        sampled = v0 * (1.0 - frac) + v1 * frac
        return acc + sampled * apod_e[None, :, :], None

    init = jnp.zeros((n_angles, nz, nx), dtype=jnp.float32)
    das, _ = jax.lax.scan(body, init, (rf_t, d_rx, apod))
    return das


def reference(d_tx, d_rx, apod, rf, t0):
    return _forward(d_tx, d_rx, apod, rf, t0)

if __name__ == "__main__":
    import jax
    _d = setup_inputs()
    print(jax.jit(kernel)(*tuple(_d.values())))

</pallas_src>

<mosaic_0001>
#map = affine_map<(d0, d1) -> (0, 0)>
#map1 = affine_map<(d0, d1) -> (0)>
module attributes {stable_mosaic.version = 14 : i64} {
  func.func @_das_body(%arg0: i32, %arg1: i32, %arg2: memref<16x131072xf32, #tpu.memory_space<hbm>>, %arg3: memref<128x131072xf32, #tpu.memory_space<hbm>>, %arg4: memref<128x131072xf32, #tpu.memory_space<hbm>>, %arg5: memref<128x33280xf32, #tpu.memory_space<hbm>>, %arg6: memref<16xf32, #tpu.memory_space<hbm>>, %arg7: memref<16x131072xf32, #tpu.memory_space<hbm>>, %arg8: memref<8x4096xf32, #tpu.memory_space<vmem>>, %arg9: memref<8x4096xf32, #tpu.memory_space<vmem>>, %arg10: memref<16640xf32, #tpu.memory_space<vmem>>, %arg11: memref<16640xf32, #tpu.memory_space<vmem>>, %arg12: memref<2x4096xf32, #tpu.memory_space<vmem>>, %arg13: memref<2x4096xf32, #tpu.memory_space<vmem>>, %arg14: memref<16xf32, #tpu.memory_space<vmem>>, %arg15: memref<!tpu.dma_semaphore, #tpu.memory_space<semaphore_mem>>, %arg16: memref<!tpu.dma_semaphore, #tpu.memory_space<semaphore_mem>>) attributes {dimension_semantics = [#tpu.dimension_semantics<core_parallel>, #tpu.dimension_semantics<subcore_parallel>], iteration_bounds = array<i64: 2, 16>, scalar_prefetch = 0 : i64, scratch_operands = 9 : i64, tpu.core_type = #tpu.core_type<sc_vector_subcore>, window_params = [{transform_indices = #map}, {transform_indices = #map}, {transform_indices = #map}, {transform_indices = #map}, {transform_indices = #map1}, {transform_indices = #map}]} {
    %mul3A = arith.constant 16 : i32
    %mul3A_0 = arith.muli %arg0, %mul3A : i32
    %add3A = arith.addi %mul3A_0, %arg1 : i32
    %mul3A_1 = arith.constant 4096 : i32
    %mul3A_2 = arith.muli %add3A, %mul3A_1 : i32
    "tpu.region"() ({
      %run_scoped3A = tpu.sem_alloc : memref<!tpu.dma_semaphore, #tpu.memory_space<semaphore_mem>>
      tpu.enqueue_dma source(%arg6 : memref<16xf32, #tpu.memory_space<hbm>>) target(%arg14 : memref<16xf32, #tpu.memory_space<vmem>>) target_semaphore(%run_scoped3A : memref<!tpu.dma_semaphore, #tpu.memory_space<semaphore_mem>>)
      tpu.wait_dma2 semaphore(%run_scoped3A : memref<!tpu.dma_semaphore, #tpu.memory_space<semaphore_mem>>) src(%arg6 : memref<16xf32, #tpu.memory_space<hbm>>) dst(%arg14 : memref<16xf32, #tpu.memory_space<vmem>>)
      tpu.yield
    }) : () -> ()
    %scan3A = arith.constant 0 : i32
    %scan3A_3 = arith.constant 2 : i32
    %scan3A_4 = arith.addi %scan3A, %scan3A_3 : i32
    %scan3A_5 = arith.constant 1 : i32
    scf.for %scan3A_7 = %scan3A to %scan3A_4 step %scan3A_5  : i32 {
      %mul3A_8 = arith.constant 8 : i32
      %mul3A_9 = arith.muli %scan3A_7, %mul3A_8 : i32
      %add3A_10 = arith.constant 0 : i32
      %add3A_11 = arith.addi %mul3A_9, %add3A_10 : i32
      %run_scoped3A = arith.constant 0 : i32
      "tpu.region"() ({
        %run_scoped3A_269 = tpu.sem_alloc : memref<!tpu.dma_semaphore, #tpu.memory_space<semaphore_mem>>
        %dma_start3A_270 = arith.constant 0 : i32
        %dma_start3A_271 = tpu.memref_slice %arg8[%run_scoped3A, %dma_start3A_270] : memref<8x4096xf32, #tpu.memory_space<vmem>> -> memref<1x4096xf32, #tpu.memory_space<vmem>>
        %dma_start3A_272 = tpu.memref_squeeze %dma_start3A_271 : memref<1x4096xf32, #tpu.memory_space<vmem>> -> memref<4096xf32, #tpu.memory_space<vmem>>
        %dma_start3A_273 = tpu.memref_slice %arg2[%add3A_11, %mul3A_2] : memref<16x131072xf32, #tpu.memory_space<hbm>> -> memref<1x4096xf32, #tpu.memory_space<hbm>>
        %dma_start3A_274 = tpu.memref_squeeze %dma_start3A_273 : memref<1x4096xf32, #tpu.memory_space<hbm>> -> memref<4096xf32, #tpu.memory_space<hbm>>
        %dma_start3A_275 = arith.constant 0 : i32
        %dma_start3A_276 = tpu.memref_slice %arg8[%run_scoped3A, %dma_start3A_275] : memref<8x4096xf32, #tpu.memory_space<vmem>> -> memref<1x4096xf32, #tpu.memory_space<vmem>>
        %dma_start3A_277 = tpu.memref_squeeze %dma_start3A_276 : memref<1x4096xf32, #tpu.memory_space<vmem>> -> memref<4096xf32, #tpu.memory_space<vmem>>
        %dma_start3A_278 = tpu.memref_slice %arg2[%add3A_11, %mul3A_2] : memref<16x131072xf32, #tpu.memory_space<hbm>> -> memref<1x4096xf32, #tpu.memory_space<hbm>>
        %dma_start3A_279 = tpu.memref_squeeze %dma_start3A_278 : memref<1x4096xf32, #tpu.memory_space<hbm>> -> memref<4096xf32, #tpu.memory_space<hbm>>
        tpu.enqueue_dma source(%dma_start3A_279 : memref<4096xf32, #tpu.memory_space<hbm>>) target(%dma_start3A_277 : memref<4096xf32, #tpu.memory_space<vmem>>) target_semaphore(%run_scoped3A_269 : memref<!tpu.dma_semaphore, #tpu.memory_space<semaphore_mem>>)
        %dma_wait3A = arith.constant 0 : i32
        %dma_wait3A_280 = tpu.memref_slice %arg8[%run_scoped3A, %dma_wait3A] : memref<8x4096xf32, #tpu.memory_space<vmem>> -> memref<1x4096xf32, #tpu.memory_space<vmem>>
        %dma_wait3A_281 = tpu.memref_squeeze %dma_wait3A_280 : memref<1x4096xf32, #tpu.memory_space<vmem>> -> memref<4096xf32, #tpu.memory_space<vmem>>
        %dma_wait3A_282 = tpu.memref_slice %arg2[%add3A_11, %mul3A_2] : memref<16x131072xf32, #tpu.memory_space<hbm>> -> memref<1x4096xf32, #tpu.memory_space<hbm>>
        %dma_wait3A_283 = tpu.memref_squeeze %dma_wait3A_282 : memref<1x4096xf32, #tpu.memory_space<hbm>> -> memref<4096xf32, #tpu.memory_space<hbm>>
        %dma_wait3A_284 = arith.constant 0 : i32
        %dma_wait3A_285 = tpu.memref_slice %arg8[%run_scoped3A, %dma_wait3A_284] : memref<8x4096xf32, #tpu.memory_space<vmem>> -> memref<1x4096xf32, #tpu.memory_space<vmem>>
        %dma_wait3A_286 = tpu.memref_squeeze %dma_wait3A_285 : memref<1x4096xf32, #tpu.memory_space<vmem>> -> memref<4096xf32, #tpu.memory_space<vmem>>
        %dma_wait3A_287 = tpu.memref_slice %arg2[%add3A_11, %mul3A_2] : memref<16x131072xf32, #tpu.memory_space<hbm>> -> memref<1x4096xf32, #tpu.memory_space<hbm>>
        %dma_wait3A_288 = tpu.memref_squeeze %dma_wait3A_287 : memref<1x4096xf32, #tpu.memory_space<hbm>> -> memref<4096xf32, #tpu.memory_space<hbm>>
        tpu.wait_dma2 semaphore(%run_scoped3A_269 : memref<!tpu.dma_semaphore, #tpu.memory_space<semaphore_mem>>) src(%dma_wait3A_288 : memref<4096xf32, #tpu.memory_space<hbm>>) dst(%dma_wait3A_286 : memref<4096xf32, #tpu.memory_space<vmem>>)
        tpu.yield
      }) : () -> ()
      %mul3A_12 = arith.constant 8 : i32
      %mul3A_13 = arith.muli %scan3A_7, %mul3A_12 : i32
      %add3A_14 = arith.constant 1 : i32
      %add3A_15 = arith.addi %mul3A_13, %add3A_14 : i32
      %run_scoped3A_16 = arith.constant 1 : i32
      "tpu.region"() ({
        %run_scoped3A_269 = tpu.sem_alloc : memref<!tpu.dma_semaphore, #tpu.memory_space<semaphore_mem>>
        %dma_start3A_270 = arith.constant 0 : i32
        %dma_start3A_271 = tpu.memref_slice %arg8[%run_scoped3A_16, %dma_start3A_270] : memref<8x4096xf32, #tpu.memory_space<vmem>> -> memref<1x4096xf32, #tpu.memory_space<vmem>>
        %dma_start3A_272 = tpu.memref_squeeze %dma_start3A_271 : memref<1x4096xf32, #tpu.memory_space<vmem>> -> memref<4096xf32, #tpu.memory_space<vmem>>
        %dma_start3A_273 = tpu.memref_slice %arg2[%add3A_15, %mul3A_2] : memref<16x131072xf32, #tpu.memory_space<hbm>> -> memref<1x4096xf32, #tpu.memory_space<hbm>>
        %dma_start3A_274 = tpu.memref_squeeze %dma_start3A_273 : memref<1x4096xf32, #tpu.memory_space<hbm>> -> memref<4096xf32, #tpu.memory_space<hbm>>
        %dma_start3A_275 = arith.constant 0 : i32
        %dma_start3A_276 = tpu.memref_slice %arg8[%run_scoped3A_16, %dma_start3A_275] : memref<8x4096xf32, #tpu.memory_space<vmem>> -> memref<1x4096xf32, #tpu.memory_space<vmem>>
        %dma_start3A_277 = tpu.memref_squeeze %dma_start3A_276 : memref<1x4096xf32, #tpu.memory_space<vmem>> -> memref<4096xf32, #tpu.memory_space<vmem>>
        %dma_start3A_278 = tpu.memref_slice %arg2[%add3A_15, %mul3A_2] : memref<16x131072xf32, #tpu.memory_space<hbm>> -> memref<1x4096xf32, #tpu.memory_space<hbm>>
        %dma_start3A_279 = tpu.memref_squeeze %dma_start3A_278 : memref<1x4096xf32, #tpu.memory_space<hbm>> -> memref<4096xf32, #tpu.memory_space<hbm>>
        tpu.enqueue_dma source(%dma_start3A_279 : memref<4096xf32, #tpu.memory_space<hbm>>) target(%dma_start3A_277 : memref<4096xf32, #tpu.memory_space<vmem>>) target_semaphore(%run_scoped3A_269 : memref<!tpu.dma_semaphore, #tpu.memory_space<semaphore_mem>>)
        %dma_wait3A = arith.constant 0 : i32
        %dma_wait3A_280 = tpu.memref_slice %arg8[%run_scoped3A_16, %dma_wait3A] : memref<8x4096xf32, #tpu.memory_space<vmem>> -> memref<1x4096xf32, #tpu.memory_space<vmem>>
        %dma_wait3A_281 = tpu.memref_squeeze %dma_wait3A_280 : memref<1x4096xf32, #tpu.memory_space<vmem>> -> memref<4096xf32, #tpu.memory_space<vmem>>
        %dma_wait3A_282 = tpu.memref_slice %arg2[%add3A_15, %mul3A_2] : memref<16x131072xf32, #tpu.memory_space<hbm>> -> memref<1x4096xf32, #tpu.memory_space<hbm>>
        %dma_wait3A_283 = tpu.memref_squeeze %dma_wait3A_282 : memref<1x4096xf32, #tpu.memory_space<hbm>> -> memref<4096xf32, #tpu.memory_space<hbm>>
        %dma_wait3A_284 = arith.constant 0 : i32
        %dma_wait3A_285 = tpu.memref_slice %arg8[%run_scoped3A_16, %dma_wait3A_284] : memref<8x4096xf32, #tpu.memory_space<vmem>> -> memref<1x4096xf32, #tpu.memory_space<vmem>>
        %dma_wait3A_286 = tpu.memref_squeeze %dma_wait3A_285 : memref<1x4096xf32, #tpu.memory_space<vmem>> -> memref<4096xf32, #tpu.memory_space<vmem>>
        %dma_wait3A_287 = tpu.memref_slice %arg2[%add3A_15, %mul3A_2] : memref<16x131072xf32, #tpu.memory_space<hbm>> -> memref<1x4096xf32, #tpu.memory_space<hbm>>
        %dma_wait3A_288 = tpu.memref_squeeze %dma_wait3A_287 : memref<1x4096xf32, #tpu.memory_space<hbm>> -> memref<4096xf32, #tpu.memory_space<hbm>>
        tpu.wait_dma2 semaphore(%run_scoped3A_269 : memref<!tpu.dma_semaphore, #tpu.memory_space<semaphore_mem>>) src(%dma_wait3A_288 : memref<4096xf32, #tpu.memory_space<hbm>>) dst(%dma_wait3A_286 : memref<4096xf32, #tpu.memory_space<vmem>>)
        tpu.yield
      }) : () -> ()
      %mul3A_17 = arith.constant 8 : i32
      %mul3A_18 = arith.muli %scan3A_7, %mul3A_17 : i32
      %add3A_19 = arith.constant 2 : i32
      %add3A_20 = arith.addi %mul3A_18, %add3A_19 : i32
      %run_scoped3A_21 = arith.constant 2 : i32
      "tpu.region"() ({
        %run_scoped3A_269 = tpu.sem_alloc : memref<!tpu.dma_semaphore, #tpu.memory_space<semaphore_mem>>
        %dma_start3A_270 = arith.constant 0 : i32
        %dma_start3A_271 = tpu.memref_slice %arg8[%run_scoped3A_21, %dma_start3A_270] : memref<8x4096xf32, #tpu.memory_space<vmem>> -> memref<1x4096xf32, #tpu.memory_space<vmem>>
        %dma_start3A_272 = tpu.memref_squeeze %dma_start3A_271 : memref<1x4096xf32, #tpu.memory_space<vmem>> -> memref<4096xf32, #tpu.memory_space<vmem>>
        %dma_start3A_273 = tpu.memref_slice %arg2[%add3A_20, %mul3A_2] : memref<16x131072xf32, #tpu.memory_space<hbm>> -> memref<1x4096xf32, #tpu.memory_space<hbm>>
        %dma_start3A_274 = tpu.memref_squeeze %dma_start3A_273 : memref<1x4096xf32, #tpu.memory_space<hbm>> -> memref<4096xf32, #tpu.memory_space<hbm>>
        %dma_start3A_275 = arith.constant 0 : i32
        %dma_start3A_276 = tpu.memref_slice %arg8[%run_scoped3A_21, %dma_start3A_275] : memref<8x4096xf32, #tpu.memory_space<vmem>> -> memref<1x4096xf32, #tpu.memory_space<vmem>>
        %dma_start3A_277 = tpu.memref_squeeze %dma_start3A_276 : memref<1x4096xf32, #tpu.memory_space<vmem>> -> memref<4096xf32, #tpu.memory_space<vmem>>
        %dma_start3A_278 = tpu.memref_slice %arg2[%add3A_20, %mul3A_2] : memref<16x131072xf32, #tpu.memory_space<hbm>> -> memref<1x4096xf32, #tpu.memory_space<hbm>>
        %dma_start3A_279 = tpu.memref_squeeze %dma_start3A_278 : memref<1x4096xf32, #tpu.memory_space<hbm>> -> memref<4096xf32, #tpu.memory_space<hbm>>
        tpu.enqueue_dma source(%dma_start3A_279 : memref<4096xf32, #tpu.memory_space<hbm>>) target(%dma_start3A_277 : memref<4096xf32, #tpu.memory_space<vmem>>) target_semaphore(%run_scoped3A_269 : memref<!tpu.dma_semaphore, #tpu.memory_space<semaphore_mem>>)
        %dma_wait3A = arith.constant 0 : i32
        %dma_wait3A_280 = tpu.memref_slice %arg8[%run_scoped3A_21, %dma_wait3A] : memref<8x4096xf32, #tpu.memory_space<vmem>> -> memref<1x4096xf32, #tpu.memory_space<vmem>>
        %dma_wait3A_281 = tpu.memref_squeeze %dma_wait3A_280 : memref<1x4096xf32, #tpu.memory_space<vmem>> -> memref<4096xf32, #tpu.memory_space<vmem>>
        %dma_wait3A_282 = tpu.memref_slice %arg2[%add3A_20, %mul3A_2] : memref<16x131072xf32, #tpu.memory_space<hbm>> -> memref<1x4096xf32, #tpu.memory_space<hbm>>
        %dma_wait3A_283 = tpu.memref_squeeze %dma_wait3A_282 : memref<1x4096xf32, #tpu.memory_space<hbm>> -> memref<4096xf32, #tpu.memory_space<hbm>>
        %dma_wait3A_284 = arith.constant 0 : i32
        %dma_wait3A_285 = tpu.memref_slice %arg8[%run_scoped3A_21, %dma_wait3A_284] : memref<8x4096xf32, #tpu.memory_space<vmem>> -> memref<1x4096xf32, #tpu.memory_space<vmem>>
        %dma_wait3A_286 = tpu.memref_squeeze %dma_wait3A_285 : memref<1x4096xf32, #tpu.memory_space<vmem>> -> memref<4096xf32, #tpu.memory_space<vmem>>
        %dma_wait3A_287 = tpu.memref_slice %arg2[%add3A_20, %mul3A_2] : memref<16x131072xf32, #tpu.memory_space<hbm>> -> memref<1x4096xf32, #tpu.memory_space<hbm>>
        %dma_wait3A_288 = tpu.memref_squeeze %dma_wait3A_287 : memref<1x4096xf32, #tpu.memory_space<hbm>> -> memref<4096xf32, #tpu.memory_space<hbm>>
        tpu.wait_dma2 semaphore(%run_scoped3A_269 : memref<!tpu.dma_semaphore, #tpu.memory_space<semaphore_mem>>) src(%dma_wait3A_288 : memref<4096xf32, #tpu.memory_space<hbm>>) dst(%dma_wait3A_286 : memref<4096xf32, #tpu.memory_space<vmem>>)
        tpu.yield
      }) : () -> ()
      %mul3A_22 = arith.constant 8 : i32
      %mul3A_23 = arith.muli %scan3A_7, %mul3A_22 : i32
      %add3A_24 = arith.constant 3 : i32
      %add3A_25 = arith.addi %mul3A_23, %add3A_24 : i32
      %run_scoped3A_26 = arith.constant 3 : i32
      "tpu.region"() ({
        %run_scoped3A_269 = tpu.sem_alloc : memref<!tpu.dma_semaphore, #tpu.memory_space<semaphore_mem>>
        %dma_start3A_270 = arith.constant 0 : i32
        %dma_start3A_271 = tpu.memref_slice %arg8[%run_scoped3A_26, %dma_start3A_270] : memref<8x4096xf32, #tpu.memory_space<vmem>> -> memref<1x4096xf32, #tpu.memory_space<vmem>>
        %dma_start3A_272 = tpu.memref_squeeze %dma_start3A_271 : memref<1x4096xf32, #tpu.memory_space<vmem>> -> memref<4096xf32, #tpu.memory_space<vmem>>
        %dma_start3A_273 = tpu.memref_slice %arg2[%add3A_25, %mul3A_2] : memref<16x131072xf32, #tpu.memory_space<hbm>> -> memref<1x4096xf32, #tpu.memory_space<hbm>>
        %dma_start3A_274 = tpu.memref_squeeze %dma_start3A_273 : memref<1x4096xf32, #tpu.memory_space<hbm>> -> memref<4096xf32, #tpu.memory_space<hbm>>
        %dma_start3A_275 = arith.constant 0 : i32
        %dma_start3A_276 = tpu.memref_slice %arg8[%run_scoped3A_26, %dma_start3A_275] : memref<8x4096xf32, #tpu.memory_space<vmem>> -> memref<1x4096xf32, #tpu.memory_space<vmem>>
        %dma_start3A_277 = tpu.memref_squeeze %dma_start3A_276 : memref<1x4096xf32, #tpu.memory_space<vmem>> -> memref<4096xf32, #tpu.memory_space<vmem>>
        %dma_start3A_278 = tpu.memref_slice %arg2[%add3A_25, %mul3A_2] : memref<16x131072xf32, #tpu.memory_space<hbm>> -> memref<1x4096xf32, #tpu.memory_space<hbm>>
        %dma_start3A_279 = tpu.memref_squeeze %dma_start3A_278 : memref<1x4096xf32, #tpu.memory_space<hbm>> -> memref<4096xf32, #tpu.memory_space<hbm>>
        tpu.enqueue_dma source(%dma_start3A_279 : memref<4096xf32, #tpu.memory_space<hbm>>) target(%dma_start3A_277 : memref<4096xf32, #tpu.memory_space<vmem>>) target_semaphore(%run_scoped3A_269 : memref<!tpu.dma_semaphore, #tpu.memory_space<semaphore_mem>>)
        %dma_wait3A = arith.constant 0 : i32
        %dma_wait3A_280 = tpu.memref_slice %arg8[%run_scoped3A_26, %dma_wait3A] : memref<8x4096xf32, #tpu.memory_space<vmem>> -> memref<1x4096xf32, #tpu.memory_space<vmem>>
        %dma_wait3A_281 = tpu.memref_squeeze %dma_wait3A_280 : memref<1x4096xf32, #tpu.memory_space<vmem>> -> memref<4096xf32, #tpu.memory_space<vmem>>
        %dma_wait3A_282 = tpu.memref_slice %arg2[%add3A_25, %mul3A_2] : memref<16x131072xf32, #tpu.memory_space<hbm>> -> memref<1x4096xf32, #tpu.memory_space<hbm>>
        %dma_wait3A_283 = tpu.memref_squeeze %dma_wait3A_282 : memref<1x4096xf32, #tpu.memory_space<hbm>> -> memref<4096xf32, #tpu.memory_space<hbm>>
        %dma_wait3A_284 = arith.constant 0 : i32
        %dma_wait3A_285 = tpu.memref_slice %arg8[%run_scoped3A_26, %dma_wait3A_284] : memref<8x4096xf32, #tpu.memory_space<vmem>> -> memref<1x4096xf32, #tpu.memory_space<vmem>>
        %dma_wait3A_286 = tpu.memref_squeeze %dma_wait3A_285 : memref<1x4096xf32, #tpu.memory_space<vmem>> -> memref<4096xf32, #tpu.memory_space<vmem>>
        %dma_wait3A_287 = tpu.memref_slice %arg2[%add3A_25, %mul3A_2] : memref<16x131072xf32, #tpu.memory_space<hbm>> -> memref<1x4096xf32, #tpu.memory_space<hbm>>
        %dma_wait3A_288 = tpu.memref_squeeze %dma_wait3A_287 : memref<1x4096xf32, #tpu.memory_space<hbm>> -> memref<4096xf32, #tpu.memory_space<hbm>>
        tpu.wait_dma2 semaphore(%run_scoped3A_269 : memref<!tpu.dma_semaphore, #tpu.memory_space<semaphore_mem>>) src(%dma_wait3A_288 : memref<4096xf32, #tpu.memory_space<hbm>>) dst(%dma_wait3A_286 : memref<4096xf32, #tpu.memory_space<vmem>>)
        tpu.yield
      }) : () -> ()
      %mul3A_27 = arith.constant 8 : i32
      %mul3A_28 = arith.muli %scan3A_7, %mul3A_27 : i32
      %add3A_29 = arith.constant 4 : i32
      %add3A_30 = arith.addi %mul3A_28, %add3A_29 : i32
      %run_scoped3A_31 = arith.constant 4 : i32
      "tpu.region"() ({
        %run_scoped3A_269 = tpu.sem_alloc : memref<!tpu.dma_semaphore, #tpu.memory_space<semaphore_mem>>
        %dma_start3A_270 = arith.constant 0 : i32
        %dma_start3A_271 = tpu.memref_slice %arg8[%run_scoped3A_31, %dma_start3A_270] : memref<8x4096xf32, #tpu.memory_space<vmem>> -> memref<1x4096xf32, #tpu.memory_space<vmem>>
        %dma_start3A_272 = tpu.memref_squeeze %dma_start3A_271 : memref<1x4096xf32, #tpu.memory_space<vmem>> -> memref<4096xf32, #tpu.memory_space<vmem>>
        %dma_start3A_273 = tpu.memref_slice %arg2[%add3A_30, %mul3A_2] : memref<16x131072xf32, #tpu.memory_space<hbm>> -> memref<1x4096xf32, #tpu.memory_space<hbm>>
        %dma_start3A_274 = tpu.memref_squeeze %dma_start3A_273 : memref<1x4096xf32, #tpu.memory_space<hbm>> -> memref<4096xf32, #tpu.memory_space<hbm>>
        %dma_start3A_275 = arith.constant 0 : i32
        %dma_start3A_276 = tpu.memref_slice %arg8[%run_scoped3A_31, %dma_start3A_275] : memref<8x4096xf32, #tpu.memory_space<vmem>> -> memref<1x4096xf32, #tpu.memory_space<vmem>>
        %dma_start3A_277 = tpu.memref_squeeze %dma_start3A_276 : memref<1x4096xf32, #tpu.memory_space<vmem>> -> memref<4096xf32, #tpu.memory_space<vmem>>
        %dma_start3A_278 = tpu.memref_slice %arg2[%add3A_30, %mul3A_2] : memref<16x131072xf32, #tpu.memory_space<hbm>> -> memref<1x4096xf32, #tpu.memory_space<hbm>>
        %dma_start3A_279 = tpu.memref_squeeze %dma_start3A_278 : memref<1x4096xf32, #tpu.memory_space<hbm>> -> memref<4096xf32, #tpu.memory_space<hbm>>
        tpu.enqueue_dma source(%dma_start3A_279 : memref<4096xf32, #tpu.memory_space<hbm>>) target(%dma_start3A_277 : memref<4096xf32, #tpu.memory_space<vmem>>) target_semaphore(%run_scoped3A_269 : memref<!tpu.dma_semaphore, #tpu.memory_space<semaphore_mem>>)
        %dma_wait3A = arith.constant 0 : i32
        %dma_wait3A_280 = tpu.memref_slice %arg8[%run_scoped3A_31, %dma_wait3A] : memref<8x4096xf32, #tpu.memory_space<vmem>> -> memref<1x4096xf32, #tpu.memory_space<vmem>>
        %dma_wait3A_281 = tpu.memref_squeeze %dma_wait3A_280 : memref<1x4096xf32, #tpu.memory_space<vmem>> -> memref<4096xf32, #tpu.memory_space<vmem>>
        %dma_wait3A_282 = tpu.memref_slice %arg2[%add3A_30, %mul3A_2] : memref<16x131072xf32, #tpu.memory_space<hbm>> -> memref<1x4096xf32, #tpu.memory_space<hbm>>
        %dma_wait3A_283 = tpu.memref_squeeze %dma_wait3A_282 : memref<1x4096xf32, #tpu.memory_space<hbm>> -> memref<4096xf32, #tpu.memory_space<hbm>>
        %dma_wait3A_284 = arith.constant 0 : i32
        %dma_wait3A_285 = tpu.memref_slice %arg8[%run_scoped3A_31, %dma_wait3A_284] : memref<8x4096xf32, #tpu.memory_space<vmem>> -> memref<1x4096xf32, #tpu.memory_space<vmem>>
        %dma_wait3A_286 = tpu.memref_squeeze %dma_wait3A_285 : memref<1x4096xf32, #tpu.memory_space<vmem>> -> memref<4096xf32, #tpu.memory_space<vmem>>
        %dma_wait3A_287 = tpu.memref_slice %arg2[%add3A_30, %mul3A_2] : memref<16x131072xf32, #tpu.memory_space<hbm>> -> memref<1x4096xf32, #tpu.memory_space<hbm>>
        %dma_wait3A_288 = tpu.memref_squeeze %dma_wait3A_287 : memref<1x4096xf32, #tpu.memory_space<hbm>> -> memref<4096xf32, #tpu.memory_space<hbm>>
        tpu.wait_dma2 semaphore(%run_scoped3A_269 : memref<!tpu.dma_semaphore, #tpu.memory_space<semaphore_mem>>) src(%dma_wait3A_288 : memref<4096xf32, #tpu.memory_space<hbm>>) dst(%dma_wait3A_286 : memref<4096xf32, #tpu.memory_space<vmem>>)
        tpu.yield
      }) : () -> ()
      %mul3A_32 = arith.constant 8 : i32
      %mul3A_33 = arith.muli %scan3A_7, %mul3A_32 : i32
      %add3A_34 = arith.constant 5 : i32
      %add3A_35 = arith.addi %mul3A_33, %add3A_34 : i32
      %run_scoped3A_36 = arith.constant 5 : i32
      "tpu.region"() ({
        %run_scoped3A_269 = tpu.sem_alloc : memref<!tpu.dma_semaphore, #tpu.memory_space<semaphore_mem>>
        %dma_start3A_270 = arith.constant 0 : i32
        %dma_start3A_271 = tpu.memref_slice %arg8[%run_scoped3A_36, %dma_start3A_270] : memref<8x4096xf32, #tpu.memory_space<vmem>> -> memref<1x4096xf32, #tpu.memory_space<vmem>>
        %dma_start3A_272 = tpu.memref_squeeze %dma_start3A_271 : memref<1x4096xf32, #tpu.memory_space<vmem>> -> memref<4096xf32, #tpu.memory_space<vmem>>
        %dma_start3A_273 = tpu.memref_slice %arg2[%add3A_35, %mul3A_2] : memref<16x131072xf32, #tpu.memory_space<hbm>> -> memref<1x4096xf32, #tpu.memory_space<hbm>>
        %dma_start3A_274 = tpu.memref_squeeze %dma_start3A_273 : memref<1x4096xf32, #tpu.memory_space<hbm>> -> memref<4096xf32, #tpu.memory_space<hbm>>
        %dma_start3A_275 = arith.constant 0 : i32
        %dma_start3A_276 = tpu.memref_slice %arg8[%run_scoped3A_36, %dma_start3A_275] : memref<8x4096xf32, #tpu.memory_space<vmem>> -> memref<1x4096xf32, #tpu.memory_space<vmem>>
        %dma_start3A_277 = tpu.memref_squeeze %dma_start3A_276 : memref<1x4096xf32, #tpu.memory_space<vmem>> -> memref<4096xf32, #tpu.memory_space<vmem>>
        %dma_start3A_278 = tpu.memref_slice %arg2[%add3A_35, %mul3A_2] : memref<16x131072xf32, #tpu.memory_space<hbm>> -> memref<1x4096xf32, #tpu.memory_space<hbm>>
        %dma_start3A_279 = tpu.memref_squeeze %dma_start3A_278 : memref<1x4096xf32, #tpu.memory_space<hbm>> -> memref<4096xf32, #tpu.memory_space<hbm>>
        tpu.enqueue_dma source(%dma_start3A_279 : memref<4096xf32, #tpu.memory_space<hbm>>) target(%dma_start3A_277 : memref<4096xf32, #tpu.memory_space<vmem>>) target_semaphore(%run_scoped3A_269 : memref<!tpu.dma_semaphore, #tpu.memory_space<semaphore_mem>>)
        %dma_wait3A = arith.constant 0 : i32
        %dma_wait3A_280 = tpu.memref_slice %arg8[%run_scoped3A_36, %dma_wait3A] : memref<8x4096xf32, #tpu.memory_space<vmem>> -> memref<1x4096xf32, #tpu.memory_space<vmem>>
        %dma_wait3A_281 = tpu.memref_squeeze %dma_wait3A_280 : memref<1x4096xf32, #tpu.memory_space<vmem>> -> memref<4096xf32, #tpu.memory_space<vmem>>
        %dma_wait3A_282 = tpu.memref_slice %arg2[%add3A_35, %mul3A_2] : memref<16x131072xf32, #tpu.memory_space<hbm>> -> memref<1x4096xf32, #tpu.memory_space<hbm>>
        %dma_wait3A_283 = tpu.memref_squeeze %dma_wait3A_282 : memref<1x4096xf32, #tpu.memory_space<hbm>> -> memref<4096xf32, #tpu.memory_space<hbm>>
        %dma_wait3A_284 = arith.constant 0 : i32
        %dma_wait3A_285 = tpu.memref_slice %arg8[%run_scoped3A_36, %dma_wait3A_284] : memref<8x4096xf32, #tpu.memory_space<vmem>> -> memref<1x4096xf32, #tpu.memory_space<vmem>>
        %dma_wait3A_286 = tpu.memref_squeeze %dma_wait3A_285 : memref<1x4096xf32, #tpu.memory_space<vmem>> -> memref<4096xf32, #tpu.memory_space<vmem>>
        %dma_wait3A_287 = tpu.memref_slice %arg2[%add3A_35, %mul3A_2] : memref<16x131072xf32, #tpu.memory_space<hbm>> -> memref<1x4096xf32, #tpu.memory_space<hbm>>
        %dma_wait3A_288 = tpu.memref_squeeze %dma_wait3A_287 : memref<1x4096xf32, #tpu.memory_space<hbm>> -> memref<4096xf32, #tpu.memory_space<hbm>>
        tpu.wait_dma2 semaphore(%run_scoped3A_269 : memref<!tpu.dma_semaphore, #tpu.memory_space<semaphore_mem>>) src(%dma_wait3A_288 : memref<4096xf32, #tpu.memory_space<hbm>>) dst(%dma_wait3A_286 : memref<4096xf32, #tpu.memory_space<vmem>>)
        tpu.yield
      }) : () -> ()
      %mul3A_37 = arith.constant 8 : i32
      %mul3A_38 = arith.muli %scan3A_7, %mul3A_37 : i32
      %add3A_39 = arith.constant 6 : i32
      %add3A_40 = arith.addi %mul3A_38, %add3A_39 : i32
      %run_scoped3A_41 = arith.constant 6 : i32
      "tpu.region"() ({
        %run_scoped3A_269 = tpu.sem_alloc : memref<!tpu.dma_semaphore, #tpu.memory_space<semaphore_mem>>
        %dma_start3A_270 = arith.constant 0 : i32
        %dma_start3A_271 = tpu.memref_slice %arg8[%run_scoped3A_41, %dma_start3A_270] : memref<8x4096xf32, #tpu.memory_space<vmem>> -> memref<1x4096xf32, #tpu.memory_space<vmem>>
        %dma_start3A_272 = tpu.memref_squeeze %dma_start3A_271 : memref<1x4096xf32, #tpu.memory_space<vmem>> -> memref<4096xf32, #tpu.memory_space<vmem>>
        %dma_start3A_273 = tpu.memref_slice %arg2[%add3A_40, %mul3A_2] : memref<16x131072xf32, #tpu.memory_space<hbm>> -> memref<1x4096xf32, #tpu.memory_space<hbm>>
        %dma_start3A_274 = tpu.memref_squeeze %dma_start3A_273 : memref<1x4096xf32, #tpu.memory_space<hbm>> -> memref<4096xf32, #tpu.memory_space<hbm>>
        %dma_start3A_275 = arith.constant 0 : i32
        %dma_start3A_276 = tpu.memref_slice %arg8[%run_scoped3A_41, %dma_start3A_275] : memref<8x4096xf32, #tpu.memory_space<vmem>> -> memref<1x4096xf32, #tpu.memory_space<vmem>>
        %dma_start3A_277 = tpu.memref_squeeze %dma_start3A_276 : memref<1x4096xf32, #tpu.memory_space<vmem>> -> memref<4096xf32, #tpu.memory_space<vmem>>
        %dma_start3A_278 = tpu.memref_slice %arg2[%add3A_40, %mul3A_2] : memref<16x131072xf32, #tpu.memory_space<hbm>> -> memref<1x4096xf32, #tpu.memory_space<hbm>>
        %dma_start3A_279 = tpu.memref_squeeze %dma_start3A_278 : memref<1x4096xf32, #tpu.memory_space<hbm>> -> memref<4096xf32, #tpu.memory_space<hbm>>
        tpu.enqueue_dma source(%dma_start3A_279 : memref<4096xf32, #tpu.memory_space<hbm>>) target(%dma_start3A_277 : memref<4096xf32, #tpu.memory_space<vmem>>) target_semaphore(%run_scoped3A_269 : memref<!tpu.dma_semaphore, #tpu.memory_space<semaphore_mem>>)
        %dma_wait3A = arith.constant 0 : i32
        %dma_wait3A_280 = tpu.memref_slice %arg8[%run_scoped3A_41, %dma_wait3A] : memref<8x4096xf32, #tpu.memory_space<vmem>> -> memref<1x4096xf32, #tpu.memory_space<vmem>>
        %dma_wait3A_281 = tpu.memref_squeeze %dma_wait3A_280 : memref<1x4096xf32, #tpu.memory_space<vmem>> -> memref<4096xf32, #tpu.memory_space<vmem>>
        %dma_wait3A_282 = tpu.memref_slice %arg2[%add3A_40, %mul3A_2] : memref<16x131072xf32, #tpu.memory_space<hbm>> -> memref<1x4096xf32, #tpu.memory_space<hbm>>
        %dma_wait3A_283 = tpu.memref_squeeze %dma_wait3A_282 : memref<1x4096xf32, #tpu.memory_space<hbm>> -> memref<4096xf32, #tpu.memory_space<hbm>>
        %dma_wait3A_284 = arith.constant 0 : i32
        %dma_wait3A_285 = tpu.memref_slice %arg8[%run_scoped3A_41, %dma_wait3A_284] : memref<8x4096xf32, #tpu.memory_space<vmem>> -> memref<1x4096xf32, #tpu.memory_space<vmem>>
        %dma_wait3A_286 = tpu.memref_squeeze %dma_wait3A_285 : memref<1x4096xf32, #tpu.memory_space<vmem>> -> memref<4096xf32, #tpu.memory_space<vmem>>
        %dma_wait3A_287 = tpu.memref_slice %arg2[%add3A_40, %mul3A_2] : memref<16x131072xf32, #tpu.memory_space<hbm>> -> memref<1x4096xf32, #tpu.memory_space<hbm>>
        %dma_wait3A_288 = tpu.memref_squeeze %dma_wait3A_287 : memref<1x4096xf32, #tpu.memory_space<hbm>> -> memref<4096xf32, #tpu.memory_space<hbm>>
        tpu.wait_dma2 semaphore(%run_scoped3A_269 : memref<!tpu.dma_semaphore, #tpu.memory_space<semaphore_mem>>) src(%dma_wait3A_288 : memref<4096xf32, #tpu.memory_space<hbm>>) dst(%dma_wait3A_286 : memref<4096xf32, #tpu.memory_space<vmem>>)
        tpu.yield
      }) : () -> ()
      %mul3A_42 = arith.constant 8 : i32
      %mul3A_43 = arith.muli %scan3A_7, %mul3A_42 : i32
      %add3A_44 = arith.constant 7 : i32
      %add3A_45 = arith.addi %mul3A_43, %add3A_44 : i32
      %run_scoped3A_46 = arith.constant 7 : i32
      "tpu.region"() ({
        %run_scoped3A_269 = tpu.sem_alloc : memref<!tpu.dma_semaphore, #tpu.memory_space<semaphore_mem>>
        %dma_start3A_270 = arith.constant 0 : i32
        %dma_start3A_271 = tpu.memref_slice %arg8[%run_scoped3A_46, %dma_start3A_270] : memref<8x4096xf32, #tpu.memory_space<vmem>> -> memref<1x4096xf32, #tpu.memory_space<vmem>>
        %dma_start3A_272 = tpu.memref_squeeze %dma_start3A_271 : memref<1x4096xf32, #tpu.memory_space<vmem>> -> memref<4096xf32, #tpu.memory_space<vmem>>
        %dma_start3A_273 = tpu.memref_slice %arg2[%add3A_45, %mul3A_2] : memref<16x131072xf32, #tpu.memory_space<hbm>> -> memref<1x4096xf32, #tpu.memory_space<hbm>>
        %dma_start3A_274 = tpu.memref_squeeze %dma_start3A_273 : memref<1x4096xf32, #tpu.memory_space<hbm>> -> memref<4096xf32, #tpu.memory_space<hbm>>
        %dma_start3A_275 = arith.constant 0 : i32
        %dma_start3A_276 = tpu.memref_slice %arg8[%run_scoped3A_46, %dma_start3A_275] : memref<8x4096xf32, #tpu.memory_space<vmem>> -> memref<1x4096xf32, #tpu.memory_space<vmem>>
        %dma_start3A_277 = tpu.memref_squeeze %dma_start3A_276 : memref<1x4096xf32, #tpu.memory_space<vmem>> -> memref<4096xf32, #tpu.memory_space<vmem>>
        %dma_start3A_278 = tpu.memref_slice %arg2[%add3A_45, %mul3A_2] : memref<16x131072xf32, #tpu.memory_space<hbm>> -> memref<1x4096xf32, #tpu.memory_space<hbm>>
        %dma_start3A_279 = tpu.memref_squeeze %dma_start3A_278 : memref<1x4096xf32, #tpu.memory_space<hbm>> -> memref<4096xf32, #tpu.memory_space<hbm>>
        tpu.enqueue_dma source(%dma_start3A_279 : memref<4096xf32, #tpu.memory_space<hbm>>) target(%dma_start3A_277 : memref<4096xf32, #tpu.memory_space<vmem>>) target_semaphore(%run_scoped3A_269 : memref<!tpu.dma_semaphore, #tpu.memory_space<semaphore_mem>>)
        %dma_wait3A = arith.constant 0 : i32
        %dma_wait3A_280 = tpu.memref_slice %arg8[%run_scoped3A_46, %dma_wait3A] : memref<8x4096xf32, #tpu.memory_space<vmem>> -> memref<1x4096xf32, #tpu.memory_space<vmem>>
        %dma_wait3A_281 = tpu.memref_squeeze %dma_wait3A_280 : memref<1x4096xf32, #tpu.memory_space<vmem>> -> memref<4096xf32, #tpu.memory_space<vmem>>
        %dma_wait3A_282 = tpu.memref_slice %arg2[%add3A_45, %mul3A_2] : memref<16x131072xf32, #tpu.memory_space<hbm>> -> memref<1x4096xf32, #tpu.memory_space<hbm>>
        %dma_wait3A_283 = tpu.memref_squeeze %dma_wait3A_282 : memref<1x4096xf32, #tpu.memory_space<hbm>> -> memref<4096xf32, #tpu.memory_space<hbm>>
        %dma_wait3A_284 = arith.constant 0 : i32
        %dma_wait3A_285 = tpu.memref_slice %arg8[%run_scoped3A_46, %dma_wait3A_284] : memref<8x4096xf32, #tpu.memory_space<vmem>> -> memref<1x4096xf32, #tpu.memory_space<vmem>>
        %dma_wait3A_286 = tpu.memref_squeeze %dma_wait3A_285 : memref<1x4096xf32, #tpu.memory_space<vmem>> -> memref<4096xf32, #tpu.memory_space<vmem>>
        %dma_wait3A_287 = tpu.memref_slice %arg2[%add3A_45, %mul3A_2] : memref<16x131072xf32, #tpu.memory_space<hbm>> -> memref<1x4096xf32, #tpu.memory_space<hbm>>
        %dma_wait3A_288 = tpu.memref_squeeze %dma_wait3A_287 : memref<1x4096xf32, #tpu.memory_space<hbm>> -> memref<4096xf32, #tpu.memory_space<hbm>>
        tpu.wait_dma2 semaphore(%run_scoped3A_269 : memref<!tpu.dma_semaphore, #tpu.memory_space<semaphore_mem>>) src(%dma_wait3A_288 : memref<4096xf32, #tpu.memory_space<hbm>>) dst(%dma_wait3A_286 : memref<4096xf32, #tpu.memory_space<vmem>>)
        tpu.yield
      }) : () -> ()
      %mul3A_47 = arith.constant 8 : i32
      %mul3A_48 = arith.muli %scan3A_7, %mul3A_47 : i32
      %add3A_49 = arith.constant 0 : i32
      %add3A_50 = arith.addi %mul3A_48, %add3A_49 : i32
      %broadcast_in_dim3A = vector.broadcast %add3A_50 : i32 to vector<16xi32>
      %gather3A = tpu.vector_load_idx %arg14[%broadcast_in_dim3A] : memref<16xf32, #tpu.memory_space<vmem>>[vector<16xi32>], vector<16xf32>,
      %mul3A_51 = arith.constant 1.024000e+03 : f32
      %mul3A_52 = vector.broadcast %mul3A_51 : f32 to vector<16xf32>
      %mul3A_53 = arith.mulf %gather3A, %mul3A_52 : vector<16xf32>
      %sub3A = arith.constant 0.000000e+00 : f32
      %sub3A_54 = vector.broadcast %sub3A : f32 to vector<16xf32>
      %sub3A_55 = arith.subf %sub3A_54, %mul3A_53 : vector<16xf32>
      %parallel_loop3A = arith.constant 0 : i32
      %parallel_loop3A_56 = arith.constant 256 : i32
      %parallel_loop3A_57 = arith.constant 1 : i32
      scf.for %parallel_loop3A_269 = %parallel_loop3A to %parallel_loop3A_56 step %parallel_loop3A_57  : i32 {
        %parallel_loop3A_270 = arith.constant 16 : i32
        %parallel_loop3A_271 = arith.muli %parallel_loop3A_269, %parallel_loop3A_270 : i32
        %parallel_loop3A_272 = arith.constant 0 : i32
        %parallel_loop3A_273 = arith.index_cast %parallel_loop3A_272 : i32 to index
        %parallel_loop3A_274 = arith.index_cast %parallel_loop3A_271 : i32 to index
        %parallel_loop3A_275 = tpu.vector_load %arg8[%parallel_loop3A_273, %parallel_loop3A_274] {strides = array<i32>} : memref<8x4096xf32, #tpu.memory_space<vmem>>, vector<16xf32>,
        %parallel_loop3A_276 = arith.constant 1.024000e+03 : f32
        %parallel_loop3A_277 = vector.broadcast %parallel_loop3A_276 : f32 to vector<16xf32>
        %parallel_loop3A_278 = arith.mulf %parallel_loop3A_275, %parallel_loop3A_277 : vector<16xf32>
        %parallel_loop3A_279 = arith.addf %parallel_loop3A_278, %sub3A_55 : vector<16xf32>
        %parallel_loop3A_280 = arith.constant 0 : i32
        %parallel_loop3A_281 = arith.index_cast %parallel_loop3A_280 : i32 to index
        %parallel_loop3A_282 = arith.index_cast %parallel_loop3A_271 : i32 to index
        %parallel_loop3A_283 = tpu.vector_load %arg8[%parallel_loop3A_281, %parallel_loop3A_282] {strides = array<i32>} : memref<8x4096xf32, #tpu.memory_space<vmem>>, vector<16xf32>,
        tpu.vector_store %arg8[%parallel_loop3A_281, %parallel_loop3A_282], %parallel_loop3A_279 {strides = array<i32>} : memref<8x4096xf32, #tpu.memory_space<vmem>>, vector<16xf32>,
        %parallel_loop3A_284 = arith.constant 0.000000e+00 : f32
        %parallel_loop3A_285 = vector.broadcast %parallel_loop3A_284 : f32 to vector<16xf32>
        %parallel_loop3A_286 = arith.constant 0 : i32
        %parallel_loop3A_287 = arith.index_cast %parallel_loop3A_286 : i32 to index
        %parallel_loop3A_288 = arith.index_cast %parallel_loop3A_271 : i32 to index
        %parallel_loop3A_289 = tpu.vector_load %arg9[%parallel_loop3A_287, %parallel_loop3A_288] {strides = array<i32>} : memref<8x4096xf32, #tpu.memory_space<vmem>>, vector<16xf32>,
        tpu.vector_store %arg9[%parallel_loop3A_287, %parallel_loop3A_288], %parallel_loop3A_285 {strides = array<i32>} : memref<8x4096xf32, #tpu.memory_space<vmem>>, vector<16xf32>,
      } {sc.loop_unroll_factor = 4 : i64, sc.parallel_access}
      %mul3A_58 = arith.constant 8 : i32
      %mul3A_59 = arith.muli %scan3A_7, %mul3A_58 : i32
      %add3A_60 = arith.constant 1 : i32
      %add3A_61 = arith.addi %mul3A_59, %add3A_60 : i32
      %broadcast_in_dim3A_62 = vector.broadcast %add3A_61 : i32 to vector<16xi32>
      %gather3A_63 = tpu.vector_load_idx %arg14[%broadcast_in_dim3A_62] : memref<16xf32, #tpu.memory_space<vmem>>[vector<16xi32>], vector<16xf32>,
      %mul3A_64 = arith.constant 1.024000e+03 : f32
      %mul3A_65 = vector.broadcast %mul3A_64 : f32 to vector<16xf32>
      %mul3A_66 = arith.mulf %gather3A_63, %mul3A_65 : vector<16xf32>
      %sub3A_67 = arith.constant 2.080000e+03 : f32
      %sub3A_68 = vector.broadcast %sub3A_67 : f32 to vector<16xf32>
      %sub3A_69 = arith.subf %sub3A_68, %mul3A_66 : vector<16xf32>
      %parallel_loop3A_70 = arith.constant 0 : i32
      %parallel_loop3A_71 = arith.constant 256 : i32
      %parallel_loop3A_72 = arith.constant 1 : i32
      scf.for %parallel_loop3A_269 = %parallel_loop3A_70 to %parallel_loop3A_71 step %parallel_loop3A_72  : i32 {
        %parallel_loop3A_270 = arith.constant 16 : i32
        %parallel_loop3A_271 = arith.muli %parallel_loop3A_269, %parallel_loop3A_270 : i32
        %parallel_loop3A_272 = arith.constant 1 : i32
        %parallel_loop3A_273 = arith.index_cast %parallel_loop3A_272 : i32 to index
        %parallel_loop3A_274 = arith.index_cast %parallel_loop3A_271 : i32 to index
        %parallel_loop3A_275 = tpu.vector_load %arg8[%parallel_loop3A_273, %parallel_loop3A_274] {strides = array<i32>} : memref<8x4096xf32, #tpu.memory_space<vmem>>, vector<16xf32>,
        %parallel_loop3A_276 = arith.constant 1.024000e+03 : f32
        %parallel_loop3A_277 = vector.broadcast %parallel_loop3A_276 : f32 to vector<16xf32>
        %parallel_loop3A_278 = arith.mulf %parallel_loop3A_275, %parallel_loop3A_277 : vector<16xf32>
        %parallel_loop3A_279 = arith.addf %parallel_loop3A_278, %sub3A_69 : vector<16xf32>
        %parallel_loop3A_280 = arith.constant 1 : i32
        %parallel_loop3A_281 = arith.index_cast %parallel_loop3A_280 : i32 to index
        %parallel_loop3A_282 = arith.index_cast %parallel_loop3A_271 : i32 to index
        %parallel_loop3A_283 = tpu.vector_load %arg8[%parallel_loop3A_281, %parallel_loop3A_282] {strides = array<i32>} : memref<8x4096xf32, #tpu.memory_space<vmem>>, vector<16xf32>,
        tpu.vector_store %arg8[%parallel_loop3A_281, %parallel_loop3A_282], %parallel_loop3A_279 {strides = array<i32>} : memref<8x4096xf32, #tpu.memory_space<vmem>>, vector<16xf32>,
        %parallel_loop3A_284 = arith.constant 0.000000e+00 : f32
        %parallel_loop3A_285 = vector.broadcast %parallel_loop3A_284 : f32 to vector<16xf32>
        %parallel_loop3A_286 = arith.constant 1 : i32
        %parallel_loop3A_287 = arith.index_cast %parallel_loop3A_286 : i32 to index
        %parallel_loop3A_288 = arith.index_cast %parallel_loop3A_271 : i32 to index
        %parallel_loop3A_289 = tpu.vector_load %arg9[%parallel_loop3A_287, %parallel_loop3A_288] {strides = array<i32>} : memref<8x4096xf32, #tpu.memory_space<vmem>>, vector<16xf32>,
        tpu.vector_store %arg9[%parallel_loop3A_287, %parallel_loop3A_288], %parallel_loop3A_285 {strides = array<i32>} : memref<8x4096xf32, #tpu.memory_space<vmem>>, vector<16xf32>,
      } {sc.loop_unroll_factor = 4 : i64, sc.parallel_access}
      %mul3A_73 = arith.constant 8 : i32
      %mul3A_74 = arith.muli %scan3A_7, %mul3A_73 : i32
      %add3A_75 = arith.constant 2 : i32
      %add3A_76 = arith.addi %mul3A_74, %add3A_75 : i32
      %broadcast_in_dim3A_77 = vector.broadcast %add3A_76 : i32 to vector<16xi32>
      %gather3A_78 = tpu.vector_load_idx %arg14[%broadcast_in_dim3A_77] : memref<16xf32, #tpu.memory_space<vmem>>[vector<16xi32>], vector<16xf32>,
      %mul3A_79 = arith.constant 1.024000e+03 : f32
      %mul3A_80 = vector.broadcast %mul3A_79 : f32 to vector<16xf32>
      %mul3A_81 = arith.mulf %gather3A_78, %mul3A_80 : vector<16xf32>
      %sub3A_82 = arith.constant 4.160000e+03 : f32
      %sub3A_83 = vector.broadcast %sub3A_82 : f32 to vector<16xf32>
      %sub3A_84 = arith.subf %sub3A_83, %mul3A_81 : vector<16xf32>
      %parallel_loop3A_85 = arith.constant 0 : i32
      %parallel_loop3A_86 = arith.constant 256 : i32
      %parallel_loop3A_87 = arith.constant 1 : i32
      scf.for %parallel_loop3A_269 = %parallel_loop3A_85 to %parallel_loop3A_86 step %parallel_loop3A_87  : i32 {
        %parallel_loop3A_270 = arith.constant 16 : i32
        %parallel_loop3A_271 = arith.muli %parallel_loop3A_269, %parallel_loop3A_270 : i32
        %parallel_loop3A_272 = arith.constant 2 : i32
        %parallel_loop3A_273 = arith.index_cast %parallel_loop3A_272 : i32 to index
        %parallel_loop3A_274 = arith.index_cast %parallel_loop3A_271 : i32 to index
        %parallel_loop3A_275 = tpu.vector_load %arg8[%parallel_loop3A_273, %parallel_loop3A_274] {strides = array<i32>} : memref<8x4096xf32, #tpu.memory_space<vmem>>, vector<16xf32>,
        %parallel_loop3A_276 = arith.constant 1.024000e+03 : f32
        %parallel_loop3A_277 = vector.broadcast %parallel_loop3A_276 : f32 to vector<16xf32>
        %parallel_loop3A_278 = arith.mulf %parallel_loop3A_275, %parallel_loop3A_277 : vector<16xf32>
        %parallel_loop3A_279 = arith.addf %parallel_loop3A_278, %sub3A_84 : vector<16xf32>
        %parallel_loop3A_280 = arith.constant 2 : i32
        %parallel_loop3A_281 = arith.index_cast %parallel_loop3A_280 : i32 to index
        %parallel_loop3A_282 = arith.index_cast %parallel_loop3A_271 : i32 to index
        %parallel_loop3A_283 = tpu.vector_load %arg8[%parallel_loop3A_281, %parallel_loop3A_282] {strides = array<i32>} : memref<8x4096xf32, #tpu.memory_space<vmem>>, vector<16xf32>,
        tpu.vector_store %arg8[%parallel_loop3A_281, %parallel_loop3A_282], %parallel_loop3A_279 {strides = array<i32>} : memref<8x4096xf32, #tpu.memory_space<vmem>>, vector<16xf32>,
        %parallel_loop3A_284 = arith.constant 0.000000e+00 : f32
        %parallel_loop3A_285 = vector.broadcast %parallel_loop3A_284 : f32 to vector<16xf32>
        %parallel_loop3A_286 = arith.constant 2 : i32
        %parallel_loop3A_287 = arith.index_cast %parallel_loop3A_286 : i32 to index
        %parallel_loop3A_288 = arith.index_cast %parallel_loop3A_271 : i32 to index
        %parallel_loop3A_289 = tpu.vector_load %arg9[%parallel_loop3A_287, %parallel_loop3A_288] {strides = array<i32>} : memref<8x4096xf32, #tpu.memory_space<vmem>>, vector<16xf32>,
        tpu.vector_store %arg9[%parallel_loop3A_287, %parallel_loop3A_288], %parallel_loop3A_285 {strides = array<i32>} : memref<8x4096xf32, #tpu.memory_space<vmem>>, vector<16xf32>,
      } {sc.loop_unroll_factor = 4 : i64, sc.parallel_access}
      %mul3A_88 = arith.constant 8 : i32
      %mul3A_89 = arith.muli %scan3A_7, %mul3A_88 : i32
      %add3A_90 = arith.constant 3 : i32
      %add3A_91 = arith.addi %mul3A_89, %add3A_90 : i32
      %broadcast_in_dim3A_92 = vector.broadcast %add3A_91 : i32 to vector<16xi32>
      %gather3A_93 = tpu.vector_load_idx %arg14[%broadcast_in_dim3A_92] : memref<16xf32, #tpu.memory_space<vmem>>[vector<16xi32>], vector<16xf32>,
      %mul3A_94 = arith.constant 1.024000e+03 : f32
      %mul3A_95 = vector.broadcast %mul3A_94 : f32 to vector<16xf32>
      %mul3A_96 = arith.mulf %gather3A_93, %mul3A_95 : vector<16xf32>
      %sub3A_97 = arith.constant 6.240000e+03 : f32
      %sub3A_98 = vector.broadcast %sub3A_97 : f32 to vector<16xf32>
      %sub3A_99 = arith.subf %sub3A_98, %mul3A_96 : vector<16xf32>
      %parallel_loop3A_100 = arith.constant 0 : i32
      %parallel_loop3A_101 = arith.constant 256 : i32
      %parallel_loop3A_102 = arith.constant 1 : i32
      scf.for %parallel_loop3A_269 = %parallel_loop3A_100 to %parallel_loop3A_101 step %parallel_loop3A_102  : i32 {
        %parallel_loop3A_270 = arith.constant 16 : i32
        %parallel_loop3A_271 = arith.muli %parallel_loop3A_269, %parallel_loop3A_270 : i32
        %parallel_loop3A_272 = arith.constant 3 : i32
        %parallel_loop3A_273 = arith.index_cast %parallel_loop3A_272 : i32 to index
        %parallel_loop3A_274 = arith.index_cast %parallel_loop3A_271 : i32 to index
        %parallel_loop3A_275 = tpu.vector_load %arg8[%parallel_loop3A_273, %parallel_loop3A_274] {strides = array<i32>} : memref<8x4096xf32, #tpu.memory_space<vmem>>, vector<16xf32>,
        %parallel_loop3A_276 = arith.constant 1.024000e+03 : f32
        %parallel_loop3A_277 = vector.broadcast %parallel_loop3A_276 : f32 to vector<16xf32>
        %parallel_loop3A_278 = arith.mulf %parallel_loop3A_275, %parallel_loop3A_277 : vector<16xf32>
        %parallel_loop3A_279 = arith.addf %parallel_loop3A_278, %sub3A_99 : vector<16xf32>
        %parallel_loop3A_280 = arith.constant 3 : i32
        %parallel_loop3A_281 = arith.index_cast %parallel_loop3A_280 : i32 to index
        %parallel_loop3A_282 = arith.index_cast %parallel_loop3A_271 : i32 to index
        %parallel_loop3A_283 = tpu.vector_load %arg8[%parallel_loop3A_281, %parallel_loop3A_282] {strides = array<i32>} : memref<8x4096xf32, #tpu.memory_space<vmem>>, vector<16xf32>,
        tpu.vector_store %arg8[%parallel_loop3A_281, %parallel_loop3A_282], %parallel_loop3A_279 {strides = array<i32>} : memref<8x4096xf32, #tpu.memory_space<vmem>>, vector<16xf32>,
        %parallel_loop3A_284 = arith.constant 0.000000e+00 : f32
        %parallel_loop3A_285 = vector.broadcast %parallel_loop3A_284 : f32 to vector<16xf32>
        %parallel_loop3A_286 = arith.constant 3 : i32
        %parallel_loop3A_287 = arith.index_cast %parallel_loop3A_286 : i32 to index
        %parallel_loop3A_288 = arith.index_cast %parallel_loop3A_271 : i32 to index
        %parallel_loop3A_289 = tpu.vector_load %arg9[%parallel_loop3A_287, %parallel_loop3A_288] {strides = array<i32>} : memref<8x4096xf32, #tpu.memory_space<vmem>>, vector<16xf32>,
        tpu.vector_store %arg9[%parallel_loop3A_287, %parallel_loop3A_288], %parallel_loop3A_285 {strides = array<i32>} : memref<8x4096xf32, #tpu.memory_space<vmem>>, vector<16xf32>,
      } {sc.loop_unroll_factor = 4 : i64, sc.parallel_access}
      %mul3A_103 = arith.constant 8 : i32
      %mul3A_104 = arith.muli %scan3A_7, %mul3A_103 : i32
      %add3A_105 = arith.constant 4 : i32
      %add3A_106 = arith.addi %mul3A_104, %add3A_105 : i32
      %broadcast_in_dim3A_107 = vector.broadcast %add3A_106 : i32 to vector<16xi32>
      %gather3A_108 = tpu.vector_load_idx %arg14[%broadcast_in_dim3A_107] : memref<16xf32, #tpu.memory_space<vmem>>[vector<16xi32>], vector<16xf32>,
      %mul3A_109 = arith.constant 1.024000e+03 : f32
      %mul3A_110 = vector.broadcast %mul3A_109 : f32 to vector<16xf32>
      %mul3A_111 = arith.mulf %gather3A_108, %mul3A_110 : vector<16xf32>
      %sub3A_112 = arith.constant 8.320000e+03 : f32
      %sub3A_113 = vector.broadcast %sub3A_112 : f32 to vector<16xf32>
      %sub3A_114 = arith.subf %sub3A_113, %mul3A_111 : vector<16xf32>
      %parallel_loop3A_115 = arith.constant 0 : i32
      %parallel_loop3A_116 = arith.constant 256 : i32
      %parallel_loop3A_117 = arith.constant 1 : i32
      scf.for %parallel_loop3A_269 = %parallel_loop3A_115 to %parallel_loop3A_116 step %parallel_loop3A_117  : i32 {
        %parallel_loop3A_270 = arith.constant 16 : i32
        %parallel_loop3A_271 = arith.muli %parallel_loop3A_269, %parallel_loop3A_270 : i32
        %parallel_loop3A_272 = arith.constant 4 : i32
        %parallel_loop3A_273 = arith.index_cast %parallel_loop3A_272 : i32 to index
        %parallel_loop3A_274 = arith.index_cast %parallel_loop3A_271 : i32 to index
        %parallel_loop3A_275 = tpu.vector_load %arg8[%parallel_loop3A_273, %parallel_loop3A_274] {strides = array<i32>} : memref<8x4096xf32, #tpu.memory_space<vmem>>, vector<16xf32>,
        %parallel_loop3A_276 = arith.constant 1.024000e+03 : f32
        %parallel_loop3A_277 = vector.broadcast %parallel_loop3A_276 : f32 to vector<16xf32>
        %parallel_loop3A_278 = arith.mulf %parallel_loop3A_275, %parallel_loop3A_277 : vector<16xf32>
        %parallel_loop3A_279 = arith.addf %parallel_loop3A_278, %sub3A_114 : vector<16xf32>
        %parallel_loop3A_280 = arith.constant 4 : i32
        %parallel_loop3A_281 = arith.index_cast %parallel_loop3A_280 : i32 to index
        %parallel_loop3A_282 = arith.index_cast %parallel_loop3A_271 : i32 to index
        %parallel_loop3A_283 = tpu.vector_load %arg8[%parallel_loop3A_281, %parallel_loop3A_282] {strides = array<i32>} : memref<8x4096xf32, #tpu.memory_space<vmem>>, vector<16xf32>,
        tpu.vector_store %arg8[%parallel_loop3A_281, %parallel_loop3A_282], %parallel_loop3A_279 {strides = array<i32>} : memref<8x4096xf32, #tpu.memory_space<vmem>>, vector<16xf32>,
        %parallel_loop3A_284 = arith.constant 0.000000e+00 : f32
        %parallel_loop3A_285 = vector.broadcast %parallel_loop3A_284 : f32 to vector<16xf32>
        %parallel_loop3A_286 = arith.constant 4 : i32
        %parallel_loop3A_287 = arith.index_cast %parallel_loop3A_286 : i32 to index
        %parallel_loop3A_288 = arith.index_cast %parallel_loop3A_271 : i32 to index
        %parallel_loop3A_289 = tpu.vector_load %arg9[%parallel_loop3A_287, %parallel_loop3A_288] {strides = array<i32>} : memref<8x4096xf32, #tpu.memory_space<vmem>>, vector<16xf32>,
        tpu.vector_store %arg9[%parallel_loop3A_287, %parallel_loop3A_288], %parallel_loop3A_285 {strides = array<i32>} : memref<8x4096xf32, #tpu.memory_space<vmem>>, vector<16xf32>,
      } {sc.loop_unroll_factor = 4 : i64, sc.parallel_access}
      %mul3A_118 = arith.constant 8 : i32
      %mul3A_119 = arith.muli %scan3A_7, %mul3A_118 : i32
      %add3A_120 = arith.constant 5 : i32
      %add3A_121 = arith.addi %mul3A_119, %add3A_120 : i32
      %broadcast_in_dim3A_122 = vector.broadcast %add3A_121 : i32 to vector<16xi32>
      %gather3A_123 = tpu.vector_load_idx %arg14[%broadcast_in_dim3A_122] : memref<16xf32, #tpu.memory_space<vmem>>[vector<16xi32>], vector<16xf32>,
      %mul3A_124 = arith.constant 1.024000e+03 : f32
      %mul3A_125 = vector.broadcast %mul3A_124 : f32 to vector<16xf32>
      %mul3A_126 = arith.mulf %gather3A_123, %mul3A_125 : vector<16xf32>
      %sub3A_127 = arith.constant 1.040000e+04 : f32
      %sub3A_128 = vector.broadcast %sub3A_127 : f32 to vector<16xf32>
      %sub3A_129 = arith.subf %sub3A_128, %mul3A_126 : vector<16xf32>
      %parallel_loop3A_130 = arith.constant 0 : i32
      %parallel_loop3A_131 = arith.constant 256 : i32
      %parallel_loop3A_132 = arith.constant 1 : i32
      scf.for %parallel_loop3A_269 = %parallel_loop3A_130 to %parallel_loop3A_131 step %parallel_loop3A_132  : i32 {
        %parallel_loop3A_270 = arith.constant 16 : i32
        %parallel_loop3A_271 = arith.muli %parallel_loop3A_269, %parallel_loop3A_270 : i32
        %parallel_loop3A_272 = arith.constant 5 : i32
        %parallel_loop3A_273 = arith.index_cast %parallel_loop3A_272 : i32 to index
        %parallel_loop3A_274 = arith.index_cast %parallel_loop3A_271 : i32 to index
        %parallel_loop3A_275 = tpu.vector_load %arg8[%parallel_loop3A_273, %parallel_loop3A_274] {strides = array<i32>} : memref<8x4096xf32, #tpu.memory_space<vmem>>, vector<16xf32>,
        %parallel_loop3A_276 = arith.constant 1.024000e+03 : f32
        %parallel_loop3A_277 = vector.broadcast %parallel_loop3A_276 : f32 to vector<16xf32>
        %parallel_loop3A_278 = arith.mulf %parallel_loop3A_275, %parallel_loop3A_277 : vector<16xf32>
        %parallel_loop3A_279 = arith.addf %parallel_loop3A_278, %sub3A_129 : vector<16xf32>
        %parallel_loop3A_280 = arith.constant 5 : i32
        %parallel_loop3A_281 = arith.index_cast %parallel_loop3A_280 : i32 to index
        %parallel_loop3A_282 = arith.index_cast %parallel_loop3A_271 : i32 to index
        %parallel_loop3A_283 = tpu.vector_load %arg8[%parallel_loop3A_281, %parallel_loop3A_282] {strides = array<i32>} : memref<8x4096xf32, #tpu.memory_space<vmem>>, vector<16xf32>,
        tpu.vector_store %arg8[%parallel_loop3A_281, %parallel_loop3A_282], %parallel_loop3A_279 {strides = array<i32>} : memref<8x4096xf32, #tpu.memory_space<vmem>>, vector<16xf32>,
        %parallel_loop3A_284 = arith.constant 0.000000e+00 : f32
        %parallel_loop3A_285 = vector.broadcast %parallel_loop3A_284 : f32 to vector<16xf32>
        %parallel_loop3A_286 = arith.constant 5 : i32
        %parallel_loop3A_287 = arith.index_cast %parallel_loop3A_286 : i32 to index
        %parallel_loop3A_288 = arith.index_cast %parallel_loop3A_271 : i32 to index
        %parallel_loop3A_289 = tpu.vector_load %arg9[%parallel_loop3A_287, %parallel_loop3A_288] {strides = array<i32>} : memref<8x4096xf32, #tpu.memory_space<vmem>>, vector<16xf32>,
        tpu.vector_store %arg9[%parallel_loop3A_287, %parallel_loop3A_288], %parallel_loop3A_285 {strides = array<i32>} : memref<8x4096xf32, #tpu.memory_space<vmem>>, vector<16xf32>,
      } {sc.loop_unroll_factor = 4 : i64, sc.parallel_access}
      %mul3A_133 = arith.constant 8 : i32
      %mul3A_134 = arith.muli %scan3A_7, %mul3A_133 : i32
      %add3A_135 = arith.constant 6 : i32
      %add3A_136 = arith.addi %mul3A_134, %add3A_135 : i32
      %broadcast_in_dim3A_137 = vector.broadcast %add3A_136 : i32 to vector<16xi32>
      %gather3A_138 = tpu.vector_load_idx %arg14[%broadcast_in_dim3A_137] : memref<16xf32, #tpu.memory_space<vmem>>[vector<16xi32>], vector<16xf32>,
      %mul3A_139 = arith.constant 1.024000e+03 : f32
      %mul3A_140 = vector.broadcast %mul3A_139 : f32 to vector<16xf32>
      %mul3A_141 = arith.mulf %gather3A_138, %mul3A_140 : vector<16xf32>
      %sub3A_142 = arith.constant 1.248000e+04 : f32
      %sub3A_143 = vector.broadcast %sub3A_142 : f32 to vector<16xf32>
      %sub3A_144 = arith.subf %sub3A_143, %mul3A_141 : vector<16xf32>
      %parallel_loop3A_145 = arith.constant 0 : i32
      %parallel_loop3A_146 = arith.constant 256 : i32
      %parallel_loop3A_147 = arith.constant 1 : i32
      scf.for %parallel_loop3A_269 = %parallel_loop3A_145 to %parallel_loop3A_146 step %parallel_loop3A_147  : i32 {
        %parallel_loop3A_270 = arith.constant 16 : i32
        %parallel_loop3A_271 = arith.muli %parallel_loop3A_269, %parallel_loop3A_270 : i32
        %parallel_loop3A_272 = arith.constant 6 : i32
        %parallel_loop3A_273 = arith.index_cast %parallel_loop3A_272 : i32 to index
        %parallel_loop3A_274 = arith.index_cast %parallel_loop3A_271 : i32 to index
        %parallel_loop3A_275 = tpu.vector_load %arg8[%parallel_loop3A_273, %parallel_loop3A_274] {strides = array<i32>} : memref<8x4096xf32, #tpu.memory_space<vmem>>, vector<16xf32>,
        %parallel_loop3A_276 = arith.constant 1.024000e+03 : f32
        %parallel_loop3A_277 = vector.broadcast %parallel_loop3A_276 : f32 to vector<16xf32>
        %parallel_loop3A_278 = arith.mulf %parallel_loop3A_275, %parallel_loop3A_277 : vector<16xf32>
        %parallel_loop3A_279 = arith.addf %parallel_loop3A_278, %sub3A_144 : vector<16xf32>
        %parallel_loop3A_280 = arith.constant 6 : i32
        %parallel_loop3A_281 = arith.index_cast %parallel_loop3A_280 : i32 to index
        %parallel_loop3A_282 = arith.index_cast %parallel_loop3A_271 : i32 to index
        %parallel_loop3A_283 = tpu.vector_load %arg8[%parallel_loop3A_281, %parallel_loop3A_282] {strides = array<i32>} : memref<8x4096xf32, #tpu.memory_space<vmem>>, vector<16xf32>,
        tpu.vector_store %arg8[%parallel_loop3A_281, %parallel_loop3A_282], %parallel_loop3A_279 {strides = array<i32>} : memref<8x4096xf32, #tpu.memory_space<vmem>>, vector<16xf32>,
        %parallel_loop3A_284 = arith.constant 0.000000e+00 : f32
        %parallel_loop3A_285 = vector.broadcast %parallel_loop3A_284 : f32 to vector<16xf32>
        %parallel_loop3A_286 = arith.constant 6 : i32
        %parallel_loop3A_287 = arith.index_cast %parallel_loop3A_286 : i32 to index
        %parallel_loop3A_288 = arith.index_cast %parallel_loop3A_271 : i32 to index
        %parallel_loop3A_289 = tpu.vector_load %arg9[%parallel_loop3A_287, %parallel_loop3A_288] {strides = array<i32>} : memref<8x4096xf32, #tpu.memory_space<vmem>>, vector<16xf32>,
        tpu.vector_store %arg9[%parallel_loop3A_287, %parallel_loop3A_288], %parallel_loop3A_285 {strides = array<i32>} : memref<8x4096xf32, #tpu.memory_space<vmem>>, vector<16xf32>,
      } {sc.loop_unroll_factor = 4 : i64, sc.parallel_access}
      %mul3A_148 = arith.constant 8 : i32
      %mul3A_149 = arith.muli %scan3A_7, %mul3A_148 : i32
      %add3A_150 = arith.constant 7 : i32
      %add3A_151 = arith.addi %mul3A_149, %add3A_150 : i32
      %broadcast_in_dim3A_152 = vector.broadcast %add3A_151 : i32 to vector<16xi32>
      %gather3A_153 = tpu.vector_load_idx %arg14[%broadcast_in_dim3A_152] : memref<16xf32, #tpu.memory_space<vmem>>[vector<16xi32>], vector<16xf32>,
      %mul3A_154 = arith.constant 1.024000e+03 : f32
      %mul3A_155 = vector.broadcast %mul3A_154 : f32 to vector<16xf32>
      %mul3A_156 = arith.mulf %gather3A_153, %mul3A_155 : vector<16xf32>
      %sub3A_157 = arith.constant 1.456000e+04 : f32
      %sub3A_158 = vector.broadcast %sub3A_157 : f32 to vector<16xf32>
      %sub3A_159 = arith.subf %sub3A_158, %mul3A_156 : vector<16xf32>
      %parallel_loop3A_160 = arith.constant 0 : i32
      %parallel_loop3A_161 = arith.constant 256 : i32
      %parallel_loop3A_162 = arith.constant 1 : i32
      scf.for %parallel_loop3A_269 = %parallel_loop3A_160 to %parallel_loop3A_161 step %parallel_loop3A_162  : i32 {
        %parallel_loop3A_270 = arith.constant 16 : i32
        %parallel_loop3A_271 = arith.muli %parallel_loop3A_269, %parallel_loop3A_270 : i32
        %parallel_loop3A_272 = arith.constant 7 : i32
        %parallel_loop3A_273 = arith.index_cast %parallel_loop3A_272 : i32 to index
        %parallel_loop3A_274 = arith.index_cast %parallel_loop3A_271 : i32 to index
        %parallel_loop3A_275 = tpu.vector_load %arg8[%parallel_loop3A_273, %parallel_loop3A_274] {strides = array<i32>} : memref<8x4096xf32, #tpu.memory_space<vmem>>, vector<16xf32>,
        %parallel_loop3A_276 = arith.constant 1.024000e+03 : f32
        %parallel_loop3A_277 = vector.broadcast %parallel_loop3A_276 : f32 to vector<16xf32>
        %parallel_loop3A_278 = arith.mulf %parallel_loop3A_275, %parallel_loop3A_277 : vector<16xf32>
        %parallel_loop3A_279 = arith.addf %parallel_loop3A_278, %sub3A_159 : vector<16xf32>
        %parallel_loop3A_280 = arith.constant 7 : i32
        %parallel_loop3A_281 = arith.index_cast %parallel_loop3A_280 : i32 to index
        %parallel_loop3A_282 = arith.index_cast %parallel_loop3A_271 : i32 to index
        %parallel_loop3A_283 = tpu.vector_load %arg8[%parallel_loop3A_281, %parallel_loop3A_282] {strides = array<i32>} : memref<8x4096xf32, #tpu.memory_space<vmem>>, vector<16xf32>,
        tpu.vector_store %arg8[%parallel_loop3A_281, %parallel_loop3A_282], %parallel_loop3A_279 {strides = array<i32>} : memref<8x4096xf32, #tpu.memory_space<vmem>>, vector<16xf32>,
        %parallel_loop3A_284 = arith.constant 0.000000e+00 : f32
        %parallel_loop3A_285 = vector.broadcast %parallel_loop3A_284 : f32 to vector<16xf32>
        %parallel_loop3A_286 = arith.constant 7 : i32
        %parallel_loop3A_287 = arith.index_cast %parallel_loop3A_286 : i32 to index
        %parallel_loop3A_288 = arith.index_cast %parallel_loop3A_271 : i32 to index
        %parallel_loop3A_289 = tpu.vector_load %arg9[%parallel_loop3A_287, %parallel_loop3A_288] {strides = array<i32>} : memref<8x4096xf32, #tpu.memory_space<vmem>>, vector<16xf32>,
        tpu.vector_store %arg9[%parallel_loop3A_287, %parallel_loop3A_288], %parallel_loop3A_285 {strides = array<i32>} : memref<8x4096xf32, #tpu.memory_space<vmem>>, vector<16xf32>,
      } {sc.loop_unroll_factor = 4 : i64, sc.parallel_access}
      %mul3A_163 = arith.constant 16640 : i32
      %mul3A_164 = arith.muli %scan3A_7, %mul3A_163 : i32
      %dma_start3A = arith.constant 0 : i32
      %dma_start3A_165 = tpu.memref_slice %arg5[%dma_start3A, %mul3A_164] : memref<128x33280xf32, #tpu.memory_space<hbm>> -> memref<1x16640xf32, #tpu.memory_space<hbm>>
      %dma_start3A_166 = tpu.memref_squeeze %dma_start3A_165 : memref<1x16640xf32, #tpu.memory_space<hbm>> -> memref<16640xf32, #tpu.memory_space<hbm>>
      %dma_start3A_167 = tpu.memref_slice %arg5[%dma_start3A, %mul3A_164] : memref<128x33280xf32, #tpu.memory_space<hbm>> -> memref<1x16640xf32, #tpu.memory_space<hbm>>
      %dma_start3A_168 = tpu.memref_squeeze %dma_start3A_167 : memref<1x16640xf32, #tpu.memory_space<hbm>> -> memref<16640xf32, #tpu.memory_space<hbm>>
      tpu.enqueue_dma source(%dma_start3A_168 : memref<16640xf32, #tpu.memory_space<hbm>>) target(%arg10 : memref<16640xf32, #tpu.memory_space<vmem>>) target_semaphore(%arg15 : memref<!tpu.dma_semaphore, #tpu.memory_space<semaphore_mem>>)
      %dma_start3A_169 = arith.constant 0 : i32
      %dma_start3A_170 = arith.constant 0 : i32
      %dma_start3A_171 = arith.constant 0 : i32
      %dma_start3A_172 = tpu.memref_slice %arg12[%dma_start3A_170, %dma_start3A_171] : memref<2x4096xf32, #tpu.memory_space<vmem>> -> memref<1x4096xf32, #tpu.memory_space<vmem>>
      %dma_start3A_173 = tpu.memref_squeeze %dma_start3A_172 : memref<1x4096xf32, #tpu.memory_space<vmem>> -> memref<4096xf32, #tpu.memory_space<vmem>>
      %dma_start3A_174 = tpu.memref_slice %arg3[%dma_start3A_169, %mul3A_2] : memref<128x131072xf32, #tpu.memory_space<hbm>> -> memref<1x4096xf32, #tpu.memory_space<hbm>>
      %dma_start3A_175 = tpu.memref_squeeze %dma_start3A_174 : memref<1x4096xf32, #tpu.memory_space<hbm>> -> memref<4096xf32, #tpu.memory_space<hbm>>
      %dma_start3A_176 = arith.constant 0 : i32
      %dma_start3A_177 = tpu.memref_slice %arg12[%dma_start3A_170, %dma_start3A_176] : memref<2x4096xf32, #tpu.memory_space<vmem>> -> memref<1x4096xf32, #tpu.memory_space<vmem>>
      %dma_start3A_178 = tpu.memref_squeeze %dma_start3A_177 : memref<1x4096xf32, #tpu.memory_space<vmem>> -> memref<4096xf32, #tpu.memory_space<vmem>>
      %dma_start3A_179 = tpu.memref_slice %arg3[%dma_start3A_169, %mul3A_2] : memref<128x131072xf32, #tpu.memory_space<hbm>> -> memref<1x4096xf32, #tpu.memory_space<hbm>>
      %dma_start3A_180 = tpu.memref_squeeze %dma_start3A_179 : memref<1x4096xf32, #tpu.memory_space<hbm>> -> memref<4096xf32, #tpu.memory_space<hbm>>
      tpu.enqueue_dma source(%dma_start3A_180 : memref<4096xf32, #tpu.memory_space<hbm>>) target(%dma_start3A_178 : memref<4096xf32, #tpu.memory_space<vmem>>) target_semaphore(%arg15 : memref<!tpu.dma_semaphore, #tpu.memory_space<semaphore_mem>>)
      %dma_start3A_181 = arith.constant 0 : i32
      %dma_start3A_182 = arith.constant 0 : i32
      %dma_start3A_183 = arith.constant 0 : i32
      %dma_start3A_184 = tpu.memref_slice %arg13[%dma_start3A_182, %dma_start3A_183] : memref<2x4096xf32, #tpu.memory_space<vmem>> -> memref<1x4096xf32, #tpu.memory_space<vmem>>
      %dma_start3A_185 = tpu.memref_squeeze %dma_start3A_184 : memref<1x4096xf32, #tpu.memory_space<vmem>> -> memref<4096xf32, #tpu.memory_space<vmem>>
      %dma_start3A_186 = tpu.memref_slice %arg4[%dma_start3A_181, %mul3A_2] : memref<128x131072xf32, #tpu.memory_space<hbm>> -> memref<1x4096xf32, #tpu.memory_space<hbm>>
      %dma_start3A_187 = tpu.memref_squeeze %dma_start3A_186 : memref<1x4096xf32, #tpu.memory_space<hbm>> -> memref<4096xf32, #tpu.memory_space<hbm>>
      %dma_start3A_188 = arith.constant 0 : i32
      %dma_start3A_189 = tpu.memref_slice %arg13[%dma_start3A_182, %dma_start3A_188] : memref<2x4096xf32, #tpu.memory_space<vmem>> -> memref<1x4096xf32, #tpu.memory_space<vmem>>
      %dma_start3A_190 = tpu.memref_squeeze %dma_start3A_189 : memref<1x4096xf32, #tpu.memory_space<vmem>> -> memref<4096xf32, #tpu.memory_space<vmem>>
      %dma_start3A_191 = tpu.memref_slice %arg4[%dma_start3A_181, %mul3A_2] : memref<128x131072xf32, #tpu.memory_space<hbm>> -> memref<1x4096xf32, #tpu.memory_space<hbm>>
      %dma_start3A_192 = tpu.memref_squeeze %dma_start3A_191 : memref<1x4096xf32, #tpu.memory_space<hbm>> -> memref<4096xf32, #tpu.memory_space<hbm>>
      tpu.enqueue_dma source(%dma_start3A_192 : memref<4096xf32, #tpu.memory_space<hbm>>) target(%dma_start3A_190 : memref<4096xf32, #tpu.memory_space<vmem>>) target_semaphore(%arg15 : memref<!tpu.dma_semaphore, #tpu.memory_space<semaphore_mem>>)
      %mul3A_193 = arith.constant 16640 : i32
      %mul3A_194 = arith.muli %scan3A_7, %mul3A_193 : i32
      %dma_start3A_195 = arith.constant 1 : i32
      %dma_start3A_196 = tpu.memref_slice %arg5[%dma_start3A_195, %mul3A_194] : memref<128x33280xf32, #tpu.memory_space<hbm>> -> memref<1x16640xf32, #tpu.memory_space<hbm>>
      %dma_start3A_197 = tpu.memref_squeeze %dma_start3A_196 : memref<1x16640xf32, #tpu.memory_space<hbm>> -> memref<16640xf32, #tpu.memory_space<hbm>>
      %dma_start3A_198 = tpu.memref_slice %arg5[%dma_start3A_195, %mul3A_194] : memref<128x33280xf32, #tpu.memory_space<hbm>> -> memref<1x16640xf32, #tpu.memory_space<hbm>>
      %dma_start3A_199 = tpu.memref_squeeze %dma_start3A_198 : memref<1x16640xf32, #tpu.memory_space<hbm>> -> memref<16640xf32, #tpu.memory_space<hbm>>
      tpu.enqueue_dma source(%dma_start3A_199 : memref<16640xf32, #tpu.memory_space<hbm>>) target(%arg11 : memref<16640xf32, #tpu.memory_space<vmem>>) target_semaphore(%arg16 : memref<!tpu.dma_semaphore, #tpu.memory_space<semaphore_mem>>)
      %dma_start3A_200 = arith.constant 1 : i32
      %dma_start3A_201 = arith.constant 1 : i32
      %dma_start3A_202 = arith.constant 0 : i32
      %dma_start3A_203 = tpu.memref_slice %arg12[%dma_start3A_201, %dma_start3A_202] : memref<2x4096xf32, #tpu.memory_space<vmem>> -> memref<1x4096xf32, #tpu.memory_space<vmem>>
      %dma_start3A_204 = tpu.memref_squeeze %dma_start3A_203 : memref<1x4096xf32, #tpu.memory_space<vmem>> -> memref<4096xf32, #tpu.memory_space<vmem>>
      %dma_start3A_205 = tpu.memref_slice %arg3[%dma_start3A_200, %mul3A_2] : memref<128x131072xf32, #tpu.memory_space<hbm>> -> memref<1x4096xf32, #tpu.memory_space<hbm>>
      %dma_start3A_206 = tpu.memref_squeeze %dma_start3A_205 : memref<1x4096xf32, #tpu.memory_space<hbm>> -> memref<4096xf32, #tpu.memory_space<hbm>>
      %dma_start3A_207 = arith.constant 0 : i32
      %dma_start3A_208 = tpu.memref_slice %arg12[%dma_start3A_201, %dma_start3A_207] : memref<2x4096xf32, #tpu.memory_space<vmem>> -> memref<1x4096xf32, #tpu.memory_space<vmem>>
      %dma_start3A_209 = tpu.memref_squeeze %dma_start3A_208 : memref<1x4096xf32, #tpu.memory_space<vmem>> -> memref<4096xf32, #tpu.memory_space<vmem>>
      %dma_start3A_210 = tpu.memref_slice %arg3[%dma_start3A_200, %mul3A_2] : memref<128x131072xf32, #tpu.memory_space<hbm>> -> memref<1x4096xf32, #tpu.memory_space<hbm>>
      %dma_start3A_211 = tpu.memref_squeeze %dma_start3A_210 : memref<1x4096xf32, #tpu.memory_space<hbm>> -> memref<4096xf32, #tpu.memory_space<hbm>>
      tpu.enqueue_dma source(%dma_start3A_211 : memref<4096xf32, #tpu.memory_space<hbm>>) target(%dma_start3A_209 : memref<4096xf32, #tpu.memory_space<vmem>>) target_semaphore(%arg16 : memref<!tpu.dma_semaphore, #tpu.memory_space<semaphore_mem>>)
      %dma_start3A_212 = arith.constant 1 : i32
      %dma_start3A_213 = arith.constant 1 : i32
      %dma_start3A_214 = arith.constant 0 : i32
      %dma_start3A_215 = tpu.memref_slice %arg13[%dma_start3A_213, %dma_start3A_214] : memref<2x4096xf32, #tpu.memory_space<vmem>> -> memref<1x4096xf32, #tpu.memory_space<vmem>>
      %dma_start3A_216 = tpu.memref_squeeze %dma_start3A_215 : memref<1x4096xf32, #tpu.memory_space<vmem>> -> memref<4096xf32, #tpu.memory_space<vmem>>
      %dma_start3A_217 = tpu.memref_slice %arg4[%dma_start3A_212, %mul3A_2] : memref<128x131072xf32, #tpu.memory_space<hbm>> -> memref<1x4096xf32, #tpu.memory_space<hbm>>
      %dma_start3A_218 = tpu.memref_squeeze %dma_start3A_217 : memref<1x4096xf32, #tpu.memory_space<hbm>> -> memref<4096xf32, #tpu.memory_space<hbm>>
      %dma_start3A_219 = arith.constant 0 : i32
      %dma_start3A_220 = tpu.memref_slice %arg13[%dma_start3A_213, %dma_start3A_219] : memref<2x4096xf32, #tpu.memory_space<vmem>> -> memref<1x4096xf32, #tpu.memory_space<vmem>>
      %dma_start3A_221 = tpu.memref_squeeze %dma_start3A_220 : memref<1x4096xf32, #tpu.memory_space<vmem>> -> memref<4096xf32, #tpu.memory_space<vmem>>
      %dma_start3A_222 = tpu.memref_slice %arg4[%dma_start3A_212, %mul3A_2] : memref<128x131072xf32, #tpu.memory_space<hbm>> -> memref<1x4096xf32, #tpu.memory_space<hbm>>
      %dma_start3A_223 = tpu.memref_squeeze %dma_start3A_222 : memref<1x4096xf32, #tpu.memory_space<hbm>> -> memref<4096xf32, #tpu.memory_space<hbm>>
      tpu.enqueue_dma source(%dma_start3A_223 : memref<4096xf32, #tpu.memory_space<hbm>>) target(%dma_start3A_221 : memref<4096xf32, #tpu.memory_space<vmem>>) target_semaphore(%arg16 : memref<!tpu.dma_semaphore, #tpu.memory_space<semaphore_mem>>)
      %scan3A_224 = arith.constant 0 : i32
      %scan3A_225 = arith.constant 64 : i32
      %scan3A_226 = arith.addi %scan3A_224, %scan3A_225 : i32
      %scan3A_227 = arith.constant 1 : i32
      scf.for %scan3A_269 = %scan3A_224 to %scan3A_226 step %scan3A_227  : i32 {
        %mul3A_270 = arith.constant 2 : i32
        %mul3A_271 = arith.muli %scan3A_269, %mul3A_270 : i32
        %add3A_272 = arith.constant 0 : i32
        %add3A_273 = arith.addi %mul3A_271, %add3A_272 : i32
        %dma_wait3A = arith.constant 0 : i32
        %dma_wait3A_274 = arith.constant 0 : i32
        %dma_wait3A_275 = tpu.memref_slice %arg5[%dma_wait3A, %dma_wait3A_274] : memref<128x33280xf32, #tpu.memory_space<hbm>> -> memref<1x16640xf32, #tpu.memory_space<hbm>>
        %dma_wait3A_276 = tpu.memref_squeeze %dma_wait3A_275 : memref<1x16640xf32, #tpu.memory_space<hbm>> -> memref<16640xf32, #tpu.memory_space<hbm>>
        %dma_wait3A_277 = arith.constant 0 : i32
        %dma_wait3A_278 = tpu.memref_slice %arg5[%dma_wait3A, %dma_wait3A_277] : memref<128x33280xf32, #tpu.memory_space<hbm>> -> memref<1x16640xf32, #tpu.memory_space<hbm>>
        %dma_wait3A_279 = tpu.memref_squeeze %dma_wait3A_278 : memref<1x16640xf32, #tpu.memory_space<hbm>> -> memref<16640xf32, #tpu.memory_space<hbm>>
        tpu.wait_dma2 semaphore(%arg15 : memref<!tpu.dma_semaphore, #tpu.memory_space<semaphore_mem>>) src(%dma_wait3A_279 : memref<16640xf32, #tpu.memory_space<hbm>>) dst(%arg10 : memref<16640xf32, #tpu.memory_space<vmem>>)
        %dma_wait3A_280 = arith.constant 0 : i32
        %dma_wait3A_281 = arith.constant 0 : i32
        %dma_wait3A_282 = arith.constant 0 : i32
        %dma_wait3A_283 = tpu.memref_slice %arg12[%dma_wait3A_281, %dma_wait3A_282] : memref<2x4096xf32, #tpu.memory_space<vmem>> -> memref<1x4096xf32, #tpu.memory_space<vmem>>
        %dma_wait3A_284 = tpu.memref_squeeze %dma_wait3A_283 : memref<1x4096xf32, #tpu.memory_space<vmem>> -> memref<4096xf32, #tpu.memory_space<vmem>>
        %dma_wait3A_285 = arith.constant 0 : i32
        %dma_wait3A_286 = tpu.memref_slice %arg3[%dma_wait3A_280, %dma_wait3A_285] : memref<128x131072xf32, #tpu.memory_space<hbm>> -> memref<1x4096xf32, #tpu.memory_space<hbm>>
        %dma_wait3A_287 = tpu.memref_squeeze %dma_wait3A_286 : memref<1x4096xf32, #tpu.memory_space<hbm>> -> memref<4096xf32, #tpu.memory_space<hbm>>
        %dma_wait3A_288 = arith.constant 0 : i32
        %dma_wait3A_289 = tpu.memref_slice %arg12[%dma_wait3A_281, %dma_wait3A_288] : memref<2x4096xf32, #tpu.memory_space<vmem>> -> memref<1x4096xf32, #tpu.memory_space<vmem>>
        %dma_wait3A_290 = tpu.memref_squeeze %dma_wait3A_289 : memref<1x4096xf32, #tpu.memory_space<vmem>> -> memref<4096xf32, #tpu.memory_space<vmem>>
        %dma_wait3A_291 = arith.constant 0 : i32
        %dma_wait3A_292 = tpu.memref_slice %arg3[%dma_wait3A_280, %dma_wait3A_291] : memref<128x131072xf32, #tpu.memory_space<hbm>> -> memref<1x4096xf32, #tpu.memory_space<hbm>>
        %dma_wait3A_293 = tpu.memref_squeeze %dma_wait3A_292 : memref<1x4096xf32, #tpu.memory_space<hbm>> -> memref<4096xf32, #tpu.memory_space<hbm>>
        tpu.wait_dma2 semaphore(%arg15 : memref<!tpu.dma_semaphore, #tpu.memory_space<semaphore_mem>>) src(%dma_wait3A_293 : memref<4096xf32, #tpu.memory_space<hbm>>) dst(%dma_wait3A_290 : memref<4096xf32, #tpu.memory_space<vmem>>)
        %dma_wait3A_294 = arith.constant 0 : i32
        %dma_wait3A_295 = arith.constant 0 : i32
        %dma_wait3A_296 = arith.constant 0 : i32
        %dma_wait3A_297 = tpu.memref_slice %arg13[%dma_wait3A_295, %dma_wait3A_296] : memref<2x4096xf32, #tpu.memory_space<vmem>> -> memref<1x4096xf32, #tpu.memory_space<vmem>>
        %dma_wait3A_298 = tpu.memref_squeeze %dma_wait3A_297 : memref<1x4096xf32, #tpu.memory_space<vmem>> -> memref<4096xf32, #tpu.memory_space<vmem>>
        %dma_wait3A_299 = arith.constant 0 : i32
        %dma_wait3A_300 = tpu.memref_slice %arg4[%dma_wait3A_294, %dma_wait3A_299] : memref<128x131072xf32, #tpu.memory_space<hbm>> -> memref<1x4096xf32, #tpu.memory_space<hbm>>
        %dma_wait3A_301 = tpu.memref_squeeze %dma_wait3A_300 : memref<1x4096xf32, #tpu.memory_space<hbm>> -> memref<4096xf32, #tpu.memory_space<hbm>>
        %dma_wait3A_302 = arith.constant 0 : i32
        %dma_wait3A_303 = tpu.memref_slice %arg13[%dma_wait3A_295, %dma_wait3A_302] : memref<2x4096xf32, #tpu.memory_space<vmem>> -> memref<1x4096xf32, #tpu.memory_space<vmem>>
        %dma_wait3A_304 = tpu.memref_squeeze %dma_wait3A_303 : memref<1x4096xf32, #tpu.memory_space<vmem>> -> memref<4096xf32, #tpu.memory_space<vmem>>
        %dma_wait3A_305 = arith.constant 0 : i32
        %dma_wait3A_306 = tpu.memref_slice %arg4[%dma_wait3A_294, %dma_wait3A_305] : memref<128x131072xf32, #tpu.memory_space<hbm>> -> memref<1x4096xf32, #tpu.memory_space<hbm>>
        %dma_wait3A_307 = tpu.memref_squeeze %dma_wait3A_306 : memref<1x4096xf32, #tpu.memory_space<hbm>> -> memref<4096xf32, #tpu.memory_space<hbm>>
        tpu.wait_dma2 semaphore(%arg15 : memref<!tpu.dma_semaphore, #tpu.memory_space<semaphore_mem>>) src(%dma_wait3A_307 : memref<4096xf32, #tpu.memory_space<hbm>>) dst(%dma_wait3A_304 : memref<4096xf32, #tpu.memory_space<vmem>>)
        %parallel_loop3A_308 = arith.constant 0 : i32
        %parallel_loop3A_309 = arith.constant 256 : i32
        %parallel_loop3A_310 = arith.constant 1 : i32
        scf.for %parallel_loop3A_364 = %parallel_loop3A_308 to %parallel_loop3A_309 step %parallel_loop3A_310  : i32 {
          %parallel_loop3A_365 = arith.constant 16 : i32
          %parallel_loop3A_366 = arith.muli %parallel_loop3A_364, %parallel_loop3A_365 : i32
          %parallel_loop3A_367 = arith.constant 0 : i32
          %parallel_loop3A_368 = arith.index_cast %parallel_loop3A_367 : i32 to index
          %parallel_loop3A_369 = arith.index_cast %parallel_loop3A_366 : i32 to index
          %parallel_loop3A_370 = tpu.vector_load %arg12[%parallel_loop3A_368, %parallel_loop3A_369] {strides = array<i32>} : memref<2x4096xf32, #tpu.memory_space<vmem>>, vector<16xf32>,
          %parallel_loop3A_371 = arith.constant 1.024000e+03 : f32
          %parallel_loop3A_372 = vector.broadcast %parallel_loop3A_371 : f32 to vector<16xf32>
          %parallel_loop3A_373 = arith.mulf %parallel_loop3A_370, %parallel_loop3A_372 : vector<16xf32>
          %parallel_loop3A_374 = arith.constant 0 : i32
          %parallel_loop3A_375 = arith.index_cast %parallel_loop3A_374 : i32 to index
          %parallel_loop3A_376 = arith.index_cast %parallel_loop3A_366 : i32 to index
          %parallel_loop3A_377 = tpu.vector_load %arg13[%parallel_loop3A_375, %parallel_loop3A_376] {strides = array<i32>} : memref<2x4096xf32, #tpu.memory_space<vmem>>, vector<16xf32>,
          %parallel_loop3A_378 = arith.constant 0 : i32
          %parallel_loop3A_379 = arith.index_cast %parallel_loop3A_378 : i32 to index
          %parallel_loop3A_380 = arith.index_cast %parallel_loop3A_366 : i32 to index
          %parallel_loop3A_381 = tpu.vector_load %arg8[%parallel_loop3A_379, %parallel_loop3A_380] {strides = array<i32>} : memref<8x4096xf32, #tpu.memory_space<vmem>>, vector<16xf32>,
          %parallel_loop3A_382 = arith.addf %parallel_loop3A_381, %parallel_loop3A_373 : vector<16xf32>
          %parallel_loop3A_383 = arith.fptosi %parallel_loop3A_382 : vector<16xf32> to vector<16xi32>
          %parallel_loop3A_384 = arith.sitofp %parallel_loop3A_383 : vector<16xi32> to vector<16xf32>
          %parallel_loop3A_385 = arith.subf %parallel_loop3A_382, %parallel_loop3A_384 : vector<16xf32>
          %parallel_loop3A_386 = tpu.vector_load_idx %arg10[%parallel_loop3A_383] : memref<16640xf32, #tpu.memory_space<vmem>>[vector<16xi32>], vector<16xf32>,
          %parallel_loop3A_387 = arith.constant 1 : i32
          %parallel_loop3A_388 = vector.broadcast %parallel_loop3A_387 : i32 to vector<16xi32>
          %parallel_loop3A_389 = arith.addi %parallel_loop3A_383, %parallel_loop3A_388 : vector<16xi32>
          %parallel_loop3A_390 = tpu.vector_load_idx %arg10[%parallel_loop3A_389] : memref<16640xf32, #tpu.memory_space<vmem>>[vector<16xi32>], vector<16xf32>,
          %parallel_loop3A_391 = arith.subf %parallel_loop3A_390, %parallel_loop3A_386 : vector<16xf32>
          %parallel_loop3A_392 = arith.mulf %parallel_loop3A_385, %parallel_loop3A_391 : vector<16xf32>
          %parallel_loop3A_393 = arith.addf %parallel_loop3A_386, %parallel_loop3A_392 : vector<16xf32>
          %parallel_loop3A_394 = arith.mulf %parallel_loop3A_393, %parallel_loop3A_377 : vector<16xf32>
          %parallel_loop3A_395 = arith.constant 0 : i32
          %parallel_loop3A_396 = arith.index_cast %parallel_loop3A_395 : i32 to index
          %parallel_loop3A_397 = arith.index_cast %parallel_loop3A_366 : i32 to index
          %parallel_loop3A_398 = tpu.vector_load %arg9[%parallel_loop3A_396, %parallel_loop3A_397] {strides = array<i32>} : memref<8x4096xf32, #tpu.memory_space<vmem>>, vector<16xf32>,
          tpu.vector_store %arg9[%parallel_loop3A_396, %parallel_loop3A_397], %parallel_loop3A_394 {add = true, strides = array<i32>} : memref<8x4096xf32, #tpu.memory_space<vmem>>, vector<16xf32>,
          %parallel_loop3A_399 = arith.constant 1 : i32
          %parallel_loop3A_400 = arith.index_cast %parallel_loop3A_399 : i32 to index
          %parallel_loop3A_401 = arith.index_cast %parallel_loop3A_366 : i32 to index
          %parallel_loop3A_402 = tpu.vector_load %arg8[%parallel_loop3A_400, %parallel_loop3A_401] {strides = array<i32>} : memref<8x4096xf32, #tpu.memory_space<vmem>>, vector<16xf32>,
          %parallel_loop3A_403 = arith.addf %parallel_loop3A_402, %parallel_loop3A_373 : vector<16xf32>
          %parallel_loop3A_404 = arith.fptosi %parallel_loop3A_403 : vector<16xf32> to vector<16xi32>
          %parallel_loop3A_405 = arith.sitofp %parallel_loop3A_404 : vector<16xi32> to vector<16xf32>
          %parallel_loop3A_406 = arith.subf %parallel_loop3A_403, %parallel_loop3A_405 : vector<16xf32>
          %parallel_loop3A_407 = tpu.vector_load_idx %arg10[%parallel_loop3A_404] : memref<16640xf32, #tpu.memory_space<vmem>>[vector<16xi32>], vector<16xf32>,
          %parallel_loop3A_408 = arith.constant 1 : i32
          %parallel_loop3A_409 = vector.broadcast %parallel_loop3A_408 : i32 to vector<16xi32>
          %parallel_loop3A_410 = arith.addi %parallel_loop3A_404, %parallel_loop3A_409 : vector<16xi32>
          %parallel_loop3A_411 = tpu.vector_load_idx %arg10[%parallel_loop3A_410] : memref<16640xf32, #tpu.memory_space<vmem>>[vector<16xi32>], vector<16xf32>,
          %parallel_loop3A_412 = arith.subf %parallel_loop3A_411, %parallel_loop3A_407 : vector<16xf32>
          %parallel_loop3A_413 = arith.mulf %parallel_loop3A_406, %parallel_loop3A_412 : vector<16xf32>
          %parallel_loop3A_414 = arith.addf %parallel_loop3A_407, %parallel_loop3A_413 : vector<16xf32>
          %parallel_loop3A_415 = arith.mulf %parallel_loop3A_414, %parallel_loop3A_377 : vector<16xf32>
          %parallel_loop3A_416 = arith.constant 1 : i32
          %parallel_loop3A_417 = arith.index_cast %parallel_loop3A_416 : i32 to index
          %parallel_loop3A_418 = arith.index_cast %parallel_loop3A_366 : i32 to index
          %parallel_loop3A_419 = tpu.vector_load %arg9[%parallel_loop3A_417, %parallel_loop3A_418] {strides = array<i32>} : memref<8x4096xf32, #tpu.memory_space<vmem>>, vector<16xf32>,
          tpu.vector_store %arg9[%parallel_loop3A_417, %parallel_loop3A_418], %parallel_loop3A_415 {add = true, strides = array<i32>} : memref<8x4096xf32, #tpu.memory_space<vmem>>, vector<16xf32>,
          %parallel_loop3A_420 = arith.constant 2 : i32
          %parallel_loop3A_421 = arith.index_cast %parallel_loop3A_420 : i32 to index
          %parallel_loop3A_422 = arith.index_cast %parallel_loop3A_366 : i32 to index
          %parallel_loop3A_423 = tpu.vector_load %arg8[%parallel_loop3A_421, %parallel_loop3A_422] {strides = array<i32>} : memref<8x4096xf32, #tpu.memory_space<vmem>>, vector<16xf32>,
          %parallel_loop3A_424 = arith.addf %parallel_loop3A_423, %parallel_loop3A_373 : vector<16xf32>
          %parallel_loop3A_425 = arith.fptosi %parallel_loop3A_424 : vector<16xf32> to vector<16xi32>
          %parallel_loop3A_426 = arith.sitofp %parallel_loop3A_425 : vector<16xi32> to vector<16xf32>
          %parallel_loop3A_427 = arith.subf %parallel_loop3A_424, %parallel_loop3A_426 : vector<16xf32>
          %parallel_loop3A_428 = tpu.vector_load_idx %arg10[%parallel_loop3A_425] : memref<16640xf32, #tpu.memory_space<vmem>>[vector<16xi32>], vector<16xf32>,
          %parallel_loop3A_429 = arith.constant 1 : i32
          %parallel_loop3A_430 = vector.broadcast %parallel_loop3A_429 : i32 to vector<16xi32>
          %parallel_loop3A_431 = arith.addi %parallel_loop3A_425, %parallel_loop3A_430 : vector<16xi32>
          %parallel_loop3A_432 = tpu.vector_load_idx %arg10[%parallel_loop3A_431] : memref<16640xf32, #tpu.memory_space<vmem>>[vector<16xi32>], vector<16xf32>,
          %parallel_loop3A_433 = arith.subf %parallel_loop3A_432, %parallel_loop3A_428 : vector<16xf32>
          %parallel_loop3A_434 = arith.mulf %parallel_loop3A_427, %parallel_loop3A_433 : vector<16xf32>
          %parallel_loop3A_435 = arith.addf %parallel_loop3A_428, %parallel_loop3A_434 : vector<16xf32>
          %parallel_loop3A_436 = arith.mulf %parallel_loop3A_435, %parallel_loop3A_377 : vector<16xf32>
          %parallel_loop3A_437 = arith.constant 2 : i32
          %parallel_loop3A_438 = arith.index_cast %parallel_loop3A_437 : i32 to index
          %parallel_loop3A_439 = arith.index_cast %parallel_loop3A_366 : i32 to index
          %parallel_loop3A_440 = tpu.vector_load %arg9[%parallel_loop3A_438, %parallel_loop3A_439] {strides = array<i32>} : memref<8x4096xf32, #tpu.memory_space<vmem>>, vector<16xf32>,
          tpu.vector_store %arg9[%parallel_loop3A_438, %parallel_loop3A_439], %parallel_loop3A_436 {add = true, strides = array<i32>} : memref<8x4096xf32, #tpu.memory_space<vmem>>, vector<16xf32>,
          %parallel_loop3A_441 = arith.constant 3 : i32
          %parallel_loop3A_442 = arith.index_cast %parallel_loop3A_441 : i32 to index
          %parallel_loop3A_443 = arith.index_cast %parallel_loop3A_366 : i32 to index
          %parallel_loop3A_444 = tpu.vector_load %arg8[%parallel_loop3A_442, %parallel_loop3A_443] {strides = array<i32>} : memref<8x4096xf32, #tpu.memory_space<vmem>>, vector<16xf32>,
          %parallel_loop3A_445 = arith.addf %parallel_loop3A_444, %parallel_loop3A_373 : vector<16xf32>
          %parallel_loop3A_446 = arith.fptosi %parallel_loop3A_445 : vector<16xf32> to vector<16xi32>
          %parallel_loop3A_447 = arith.sitofp %parallel_loop3A_446 : vector<16xi32> to vector<16xf32>
          %parallel_loop3A_448 = arith.subf %parallel_loop3A_445, %parallel_loop3A_447 : vector<16xf32>
          %parallel_loop3A_449 = tpu.vector_load_idx %arg10[%parallel_loop3A_446] : memref<16640xf32, #tpu.memory_space<vmem>>[vector<16xi32>], vector<16xf32>,
          %parallel_loop3A_450 = arith.constant 1 : i32
          %parallel_loop3A_451 = vector.broadcast %parallel_loop3A_450 : i32 to vector<16xi32>
          %parallel_loop3A_452 = arith.addi %parallel_loop3A_446, %parallel_loop3A_451 : vector<16xi32>
          %parallel_loop3A_453 = tpu.vector_load_idx %arg10[%parallel_loop3A_452] : memref<16640xf32, #tpu.memory_space<vmem>>[vector<16xi32>], vector<16xf32>,
          %parallel_loop3A_454 = arith.subf %parallel_loop3A_453, %parallel_loop3A_449 : vector<16xf32>
          %parallel_loop3A_455 = arith.mulf %parallel_loop3A_448, %parallel_loop3A_454 : vector<16xf32>
          %parallel_loop3A_456 = arith.addf %parallel_loop3A_449, %parallel_loop3A_455 : vector<16xf32>
          %parallel_loop3A_457 = arith.mulf %parallel_loop3A_456, %parallel_loop3A_377 : vector<16xf32>
          %parallel_loop3A_458 = arith.constant 3 : i32
          %parallel_loop3A_459 = arith.index_cast %parallel_loop3A_458 : i32 to index
          %parallel_loop3A_460 = arith.index_cast %parallel_loop3A_366 : i32 to index
          %parallel_loop3A_461 = tpu.vector_load %arg9[%parallel_loop3A_459, %parallel_loop3A_460] {strides = array<i32>} : memref<8x4096xf32, #tpu.memory_space<vmem>>, vector<16xf32>,
          tpu.vector_store %arg9[%parallel_loop3A_459, %parallel_loop3A_460], %parallel_loop3A_457 {add = true, strides = array<i32>} : memref<8x4096xf32, #tpu.memory_space<vmem>>, vector<16xf32>,
          %parallel_loop3A_462 = arith.constant 4 : i32
          %parallel_loop3A_463 = arith.index_cast %parallel_loop3A_462 : i32 to index
          %parallel_loop3A_464 = arith.index_cast %parallel_loop3A_366 : i32 to index
          %parallel_loop3A_465 = tpu.vector_load %arg8[%parallel_loop3A_463, %parallel_loop3A_464] {strides = array<i32>} : memref<8x4096xf32, #tpu.memory_space<vmem>>, vector<16xf32>,
          %parallel_loop3A_466 = arith.addf %parallel_loop3A_465, %parallel_loop3A_373 : vector<16xf32>
          %parallel_loop3A_467 = arith.fptosi %parallel_loop3A_466 : vector<16xf32> to vector<16xi32>
          %parallel_loop3A_468 = arith.sitofp %parallel_loop3A_467 : vector<16xi32> to vector<16xf32>
          %parallel_loop3A_469 = arith.subf %parallel_loop3A_466, %parallel_loop3A_468 : vector<16xf32>
          %parallel_loop3A_470 = tpu.vector_load_idx %arg10[%parallel_loop3A_467] : memref<16640xf32, #tpu.memory_space<vmem>>[vector<16xi32>], vector<16xf32>,
          %parallel_loop3A_471 = arith.constant 1 : i32
          %parallel_loop3A_472 = vector.broadcast %parallel_loop3A_471 : i32 to vector<16xi32>
          %parallel_loop3A_473 = arith.addi %parallel_loop3A_467, %parallel_loop3A_472 : vector<16xi32>
          %parallel_loop3A_474 = tpu.vector_load_idx %arg10[%parallel_loop3A_473] : memref<16640xf32, #tpu.memory_space<vmem>>[vector<16xi32>], vector<16xf32>,
          %parallel_loop3A_475 = arith.subf %parallel_loop3A_474, %parallel_loop3A_470 : vector<16xf32>
          %parallel_loop3A_476 = arith.mulf %parallel_loop3A_469, %parallel_loop3A_475 : vector<16xf32>
          %parallel_loop3A_477 = arith.addf %parallel_loop3A_470, %parallel_loop3A_476 : vector<16xf32>
          %parallel_loop3A_478 = arith.mulf %parallel_loop3A_477, %parallel_loop3A_377 : vector<16xf32>
          %parallel_loop3A_479 = arith.constant 4 : i32
          %parallel_loop3A_480 = arith.index_cast %parallel_loop3A_479 : i32 to index
          %parallel_loop3A_481 = arith.index_cast %parallel_loop3A_366 : i32 to index
          %parallel_loop3A_482 = tpu.vector_load %arg9[%parallel_loop3A_480, %parallel_loop3A_481] {strides = array<i32>} : memref<8x4096xf32, #tpu.memory_space<vmem>>, vector<16xf32>,
          tpu.vector_store %arg9[%parallel_loop3A_480, %parallel_loop3A_481], %parallel_loop3A_478 {add = true, strides = array<i32>} : memref<8x4096xf32, #tpu.memory_space<vmem>>, vector<16xf32>,
          %parallel_loop3A_483 = arith.constant 5 : i32
          %parallel_loop3A_484 = arith.index_cast %parallel_loop3A_483 : i32 to index
          %parallel_loop3A_485 = arith.index_cast %parallel_loop3A_366 : i32 to index
          %parallel_loop3A_486 = tpu.vector_load %arg8[%parallel_loop3A_484, %parallel_loop3A_485] {strides = array<i32>} : memref<8x4096xf32, #tpu.memory_space<vmem>>, vector<16xf32>,
          %parallel_loop3A_487 = arith.addf %parallel_loop3A_486, %parallel_loop3A_373 : vector<16xf32>
          %parallel_loop3A_488 = arith.fptosi %parallel_loop3A_487 : vector<16xf32> to vector<16xi32>
          %parallel_loop3A_489 = arith.sitofp %parallel_loop3A_488 : vector<16xi32> to vector<16xf32>
          %parallel_loop3A_490 = arith.subf %parallel_loop3A_487, %parallel_loop3A_489 : vector<16xf32>
          %parallel_loop3A_491 = tpu.vector_load_idx %arg10[%parallel_loop3A_488] : memref<16640xf32, #tpu.memory_space<vmem>>[vector<16xi32>], vector<16xf32>,
          %parallel_loop3A_492 = arith.constant 1 : i32
          %parallel_loop3A_493 = vector.broadcast %parallel_loop3A_492 : i32 to vector<16xi32>
          %parallel_loop3A_494 = arith.addi %parallel_loop3A_488, %parallel_loop3A_493 : vector<16xi32>
          %parallel_loop3A_495 = tpu.vector_load_idx %arg10[%parallel_loop3A_494] : memref<16640xf32, #tpu.memory_space<vmem>>[vector<16xi32>], vector<16xf32>,
          %parallel_loop3A_496 = arith.subf %parallel_loop3A_495, %parallel_loop3A_491 : vector<16xf32>
          %parallel_loop3A_497 = arith.mulf %parallel_loop3A_490, %parallel_loop3A_496 : vector<16xf32>
          %parallel_loop3A_498 = arith.addf %parallel_loop3A_491, %parallel_loop3A_497 : vector<16xf32>
          %parallel_loop3A_499 = arith.mulf %parallel_loop3A_498, %parallel_loop3A_377 : vector<16xf32>
          %parallel_loop3A_500 = arith.constant 5 : i32
          %parallel_loop3A_501 = arith.index_cast %parallel_loop3A_500 : i32 to index
          %parallel_loop3A_502 = arith.index_cast %parallel_loop3A_366 : i32 to index
          %parallel_loop3A_503 = tpu.vector_load %arg9[%parallel_loop3A_501, %parallel_loop3A_502] {strides = array<i32>} : memref<8x4096xf32, #tpu.memory_space<vmem>>, vector<16xf32>,
          tpu.vector_store %arg9[%parallel_loop3A_501, %parallel_loop3A_502], %parallel_loop3A_499 {add = true, strides = array<i32>} : memref<8x4096xf32, #tpu.memory_space<vmem>>, vector<16xf32>,
          %parallel_loop3A_504 = arith.constant 6 : i32
          %parallel_loop3A_505 = arith.index_cast %parallel_loop3A_504 : i32 to index
          %parallel_loop3A_506 = arith.index_cast %parallel_loop3A_366 : i32 to index
          %parallel_loop3A_507 = tpu.vector_load %arg8[%parallel_loop3A_505, %parallel_loop3A_506] {strides = array<i32>} : memref<8x4096xf32, #tpu.memory_space<vmem>>, vector<16xf32>,
          %parallel_loop3A_508 = arith.addf %parallel_loop3A_507, %parallel_loop3A_373 : vector<16xf32>
          %parallel_loop3A_509 = arith.fptosi %parallel_loop3A_508 : vector<16xf32> to vector<16xi32>
          %parallel_loop3A_510 = arith.sitofp %parallel_loop3A_509 : vector<16xi32> to vector<16xf32>
          %parallel_loop3A_511 = arith.subf %parallel_loop3A_508, %parallel_loop3A_510 : vector<16xf32>
          %parallel_loop3A_512 = tpu.vector_load_idx %arg10[%parallel_loop3A_509] : memref<16640xf32, #tpu.memory_space<vmem>>[vector<16xi32>], vector<16xf32>,
          %parallel_loop3A_513 = arith.constant 1 : i32
          %parallel_loop3A_514 = vector.broadcast %parallel_loop3A_513 : i32 to vector<16xi32>
          %parallel_loop3A_515 = arith.addi %parallel_loop3A_509, %parallel_loop3A_514 : vector<16xi32>
          %parallel_loop3A_516 = tpu.vector_load_idx %arg10[%parallel_loop3A_515] : memref<16640xf32, #tpu.memory_space<vmem>>[vector<16xi32>], vector<16xf32>,
          %parallel_loop3A_517 = arith.subf %parallel_loop3A_516, %parallel_loop3A_512 : vector<16xf32>
          %parallel_loop3A_518 = arith.mulf %parallel_loop3A_511, %parallel_loop3A_517 : vector<16xf32>
          %parallel_loop3A_519 = arith.addf %parallel_loop3A_512, %parallel_loop3A_518 : vector<16xf32>
          %parallel_loop3A_520 = arith.mulf %parallel_loop3A_519, %parallel_loop3A_377 : vector<16xf32>
          %parallel_loop3A_521 = arith.constant 6 : i32
          %parallel_loop3A_522 = arith.index_cast %parallel_loop3A_521 : i32 to index
          %parallel_loop3A_523 = arith.index_cast %parallel_loop3A_366 : i32 to index
          %parallel_loop3A_524 = tpu.vector_load %arg9[%parallel_loop3A_522, %parallel_loop3A_523] {strides = array<i32>} : memref<8x4096xf32, #tpu.memory_space<vmem>>, vector<16xf32>,
          tpu.vector_store %arg9[%parallel_loop3A_522, %parallel_loop3A_523], %parallel_loop3A_520 {add = true, strides = array<i32>} : memref<8x4096xf32, #tpu.memory_space<vmem>>, vector<16xf32>,
          %parallel_loop3A_525 = arith.constant 7 : i32
          %parallel_loop3A_526 = arith.index_cast %parallel_loop3A_525 : i32 to index
          %parallel_loop3A_527 = arith.index_cast %parallel_loop3A_366 : i32 to index
          %parallel_loop3A_528 = tpu.vector_load %arg8[%parallel_loop3A_526, %parallel_loop3A_527] {strides = array<i32>} : memref<8x4096xf32, #tpu.memory_space<vmem>>, vector<16xf32>,
          %parallel_loop3A_529 = arith.addf %parallel_loop3A_528, %parallel_loop3A_373 : vector<16xf32>
          %parallel_loop3A_530 = arith.fptosi %parallel_loop3A_529 : vector<16xf32> to vector<16xi32>
          %parallel_loop3A_531 = arith.sitofp %parallel_loop3A_530 : vector<16xi32> to vector<16xf32>
          %parallel_loop3A_532 = arith.subf %parallel_loop3A_529, %parallel_loop3A_531 : vector<16xf32>
          %parallel_loop3A_533 = tpu.vector_load_idx %arg10[%parallel_loop3A_530] : memref<16640xf32, #tpu.memory_space<vmem>>[vector<16xi32>], vector<16xf32>,
          %parallel_loop3A_534 = arith.constant 1 : i32
          %parallel_loop3A_535 = vector.broadcast %parallel_loop3A_534 : i32 to vector<16xi32>
          %parallel_loop3A_536 = arith.addi %parallel_loop3A_530, %parallel_loop3A_535 : vector<16xi32>
          %parallel_loop3A_537 = tpu.vector_load_idx %arg10[%parallel_loop3A_536] : memref<16640xf32, #tpu.memory_space<vmem>>[vector<16xi32>], vector<16xf32>,
          %parallel_loop3A_538 = arith.subf %parallel_loop3A_537, %parallel_loop3A_533 : vector<16xf32>
          %parallel_loop3A_539 = arith.mulf %parallel_loop3A_532, %parallel_loop3A_538 : vector<16xf32>
          %parallel_loop3A_540 = arith.addf %parallel_loop3A_533, %parallel_loop3A_539 : vector<16xf32>
          %parallel_loop3A_541 = arith.mulf %parallel_loop3A_540, %parallel_loop3A_377 : vector<16xf32>
          %parallel_loop3A_542 = arith.constant 7 : i32
          %parallel_loop3A_543 = arith.index_cast %parallel_loop3A_542 : i32 to index
          %parallel_loop3A_544 = arith.index_cast %parallel_loop3A_366 : i32 to index
          %parallel_loop3A_545 = tpu.vector_load %arg9[%parallel_loop3A_543, %parallel_loop3A_544] {strides = array<i32>} : memref<8x4096xf32, #tpu.memory_space<vmem>>, vector<16xf32>,
          tpu.vector_store %arg9[%parallel_loop3A_543, %parallel_loop3A_544], %parallel_loop3A_541 {add = true, strides = array<i32>} : memref<8x4096xf32, #tpu.memory_space<vmem>>, vector<16xf32>,
        } {sc.loop_unroll_factor = 8 : i64, sc.parallel_access}
        %add3A_311 = arith.constant 2 : i32
        %add3A_312 = arith.addi %add3A_273, %add3A_311 : i32
        %lt3A = arith.constant 128 : i32
        %lt3A_313 = arith.cmpi slt, %add3A_312, %lt3A : i32
        %convert_element_type3A = arith.extui %lt3A_313 : i1 to i32
        %cond3A = arith.constant 0 : i32
        %cond3A_314 = arith.cmpi ne, %convert_element_type3A, %cond3A : i32
        scf.if %cond3A_314 {
          %add3A_364 = arith.constant 2 : i32
          %add3A_365 = arith.addi %add3A_273, %add3A_364 : i32
          %mul3A_366 = arith.constant 16640 : i32
          %mul3A_367 = arith.muli %scan3A_7, %mul3A_366 : i32
          %dma_start3A_368 = tpu.memref_slice %arg5[%add3A_365, %mul3A_367] : memref<128x33280xf32, #tpu.memory_space<hbm>> -> memref<1x16640xf32, #tpu.memory_space<hbm>>
          %dma_start3A_369 = tpu.memref_squeeze %dma_start3A_368 : memref<1x16640xf32, #tpu.memory_space<hbm>> -> memref<16640xf32, #tpu.memory_space<hbm>>
          %dma_start3A_370 = tpu.memref_slice %arg5[%add3A_365, %mul3A_367] : memref<128x33280xf32, #tpu.memory_space<hbm>> -> memref<1x16640xf32, #tpu.memory_space<hbm>>
          %dma_start3A_371 = tpu.memref_squeeze %dma_start3A_370 : memref<1x16640xf32, #tpu.memory_space<hbm>> -> memref<16640xf32, #tpu.memory_space<hbm>>
          tpu.enqueue_dma source(%dma_start3A_371 : memref<16640xf32, #tpu.memory_space<hbm>>) target(%arg10 : memref<16640xf32, #tpu.memory_space<vmem>>) target_semaphore(%arg15 : memref<!tpu.dma_semaphore, #tpu.memory_space<semaphore_mem>>)
          %dma_start3A_372 = arith.constant 0 : i32
          %dma_start3A_373 = arith.constant 0 : i32
          %dma_start3A_374 = tpu.memref_slice %arg12[%dma_start3A_372, %dma_start3A_373] : memref<2x4096xf32, #tpu.memory_space<vmem>> -> memref<1x4096xf32, #tpu.memory_space<vmem>>
          %dma_start3A_375 = tpu.memref_squeeze %dma_start3A_374 : memref<1x4096xf32, #tpu.memory_space<vmem>> -> memref<4096xf32, #tpu.memory_space<vmem>>
          %dma_start3A_376 = tpu.memref_slice %arg3[%add3A_365, %mul3A_2] : memref<128x131072xf32, #tpu.memory_space<hbm>> -> memref<1x4096xf32, #tpu.memory_space<hbm>>
          %dma_start3A_377 = tpu.memref_squeeze %dma_start3A_376 : memref<1x4096xf32, #tpu.memory_space<hbm>> -> memref<4096xf32, #tpu.memory_space<hbm>>
          %dma_start3A_378 = arith.constant 0 : i32
          %dma_start3A_379 = tpu.memref_slice %arg12[%dma_start3A_372, %dma_start3A_378] : memref<2x4096xf32, #tpu.memory_space<vmem>> -> memref<1x4096xf32, #tpu.memory_space<vmem>>
          %dma_start3A_380 = tpu.memref_squeeze %dma_start3A_379 : memref<1x4096xf32, #tpu.memory_space<vmem>> -> memref<4096xf32, #tpu.memory_space<vmem>>
          %dma_start3A_381 = tpu.memref_slice %arg3[%add3A_365, %mul3A_2] : memref<128x131072xf32, #tpu.memory_space<hbm>> -> memref<1x4096xf32, #tpu.memory_space<hbm>>
          %dma_start3A_382 = tpu.memref_squeeze %dma_start3A_381 : memref<1x4096xf32, #tpu.memory_space<hbm>> -> memref<4096xf32, #tpu.memory_space<hbm>>
          tpu.enqueue_dma source(%dma_start3A_382 : memref<4096xf32, #tpu.memory_space<hbm>>) target(%dma_start3A_380 : memref<4096xf32, #tpu.memory_space<vmem>>) target_semaphore(%arg15 : memref<!tpu.dma_semaphore, #tpu.memory_space<semaphore_mem>>)
          %dma_start3A_383 = arith.constant 0 : i32
          %dma_start3A_384 = arith.constant 0 : i32
          %dma_start3A_385 = tpu.memref_slice %arg13[%dma_start3A_383, %dma_start3A_384] : memref<2x4096xf32, #tpu.memory_space<vmem>> -> memref<1x4096xf32, #tpu.memory_space<vmem>>
          %dma_start3A_386 = tpu.memref_squeeze %dma_start3A_385 : memref<1x4096xf32, #tpu.memory_space<vmem>> -> memref<4096xf32, #tpu.memory_space<vmem>>
          %dma_start3A_387 = tpu.memref_slice %arg4[%add3A_365, %mul3A_2] : memref<128x131072xf32, #tpu.memory_space<hbm>> -> memref<1x4096xf32, #tpu.memory_space<hbm>>
          %dma_start3A_388 = tpu.memref_squeeze %dma_start3A_387 : memref<1x4096xf32, #tpu.memory_space<hbm>> -> memref<4096xf32, #tpu.memory_space<hbm>>
          %dma_start3A_389 = arith.constant 0 : i32
          %dma_start3A_390 = tpu.memref_slice %arg13[%dma_start3A_383, %dma_start3A_389] : memref<2x4096xf32, #tpu.memory_space<vmem>> -> memref<1x4096xf32, #tpu.memory_space<vmem>>
          %dma_start3A_391 = tpu.memref_squeeze %dma_start3A_390 : memref<1x4096xf32, #tpu.memory_space<vmem>> -> memref<4096xf32, #tpu.memory_space<vmem>>
          %dma_start3A_392 = tpu.memref_slice %arg4[%add3A_365, %mul3A_2] : memref<128x131072xf32, #tpu.memory_space<hbm>> -> memref<1x4096xf32, #tpu.memory_space<hbm>>
          %dma_start3A_393 = tpu.memref_squeeze %dma_start3A_392 : memref<1x4096xf32, #tpu.memory_space<hbm>> -> memref<4096xf32, #tpu.memory_space<hbm>>
          tpu.enqueue_dma source(%dma_start3A_393 : memref<4096xf32, #tpu.memory_space<hbm>>) target(%dma_start3A_391 : memref<4096xf32, #tpu.memory_space<vmem>>) target_semaphore(%arg15 : memref<!tpu.dma_semaphore, #tpu.memory_space<semaphore_mem>>)
        } else {
        }
        %mul3A_315 = arith.constant 2 : i32
        %mul3A_316 = arith.muli %scan3A_269, %mul3A_315 : i32
        %add3A_317 = arith.constant 1 : i32
        %add3A_318 = arith.addi %mul3A_316, %add3A_317 : i32
        %dma_wait3A_319 = arith.constant 0 : i32
        %dma_wait3A_320 = arith.constant 0 : i32
        %dma_wait3A_321 = tpu.memref_slice %arg5[%dma_wait3A_319, %dma_wait3A_320] : memref<128x33280xf32, #tpu.memory_space<hbm>> -> memref<1x16640xf32, #tpu.memory_space<hbm>>
        %dma_wait3A_322 = tpu.memref_squeeze %dma_wait3A_321 : memref<1x16640xf32, #tpu.memory_space<hbm>> -> memref<16640xf32, #tpu.memory_space<hbm>>
        %dma_wait3A_323 = arith.constant 0 : i32
        %dma_wait3A_324 = tpu.memref_slice %arg5[%dma_wait3A_319, %dma_wait3A_323] : memref<128x33280xf32, #tpu.memory_space<hbm>> -> memref<1x16640xf32, #tpu.memory_space<hbm>>
        %dma_wait3A_325 = tpu.memref_squeeze %dma_wait3A_324 : memref<1x16640xf32, #tpu.memory_space<hbm>> -> memref<16640xf32, #tpu.memory_space<hbm>>
        tpu.wait_dma2 semaphore(%arg16 : memref<!tpu.dma_semaphore, #tpu.memory_space<semaphore_mem>>) src(%dma_wait3A_325 : memref<16640xf32, #tpu.memory_space<hbm>>) dst(%arg11 : memref<16640xf32, #tpu.memory_space<vmem>>)
        %dma_wait3A_326 = arith.constant 0 : i32
        %dma_wait3A_327 = arith.constant 1 : i32
        %dma_wait3A_328 = arith.constant 0 : i32
        %dma_wait3A_329 = tpu.memref_slice %arg12[%dma_wait3A_327, %dma_wait3A_328] : memref<2x4096xf32, #tpu.memory_space<vmem>> -> memref<1x4096xf32, #tpu.memory_space<vmem>>
        %dma_wait3A_330 = tpu.memref_squeeze %dma_wait3A_329 : memref<1x4096xf32, #tpu.memory_space<vmem>> -> memref<4096xf32, #tpu.memory_space<vmem>>
        %dma_wait3A_331 = arith.constant 0 : i32
        %dma_wait3A_332 = tpu.memref_slice %arg3[%dma_wait3A_326, %dma_wait3A_331] : memref<128x131072xf32, #tpu.memory_space<hbm>> -> memref<1x4096xf32, #tpu.memory_space<hbm>>
        %dma_wait3A_333 = tpu.memref_squeeze %dma_wait3A_332 : memref<1x4096xf32, #tpu.memory_space<hbm>> -> memref<4096xf32, #tpu.memory_space<hbm>>
        %dma_wait3A_334 = arith.constant 0 : i32
        %dma_wait3A_335 = tpu.memref_slice %arg12[%dma_wait3A_327, %dma_wait3A_334] : memref<2x4096xf32, #tpu.memory_space<vmem>> -> memref<1x4096xf32, #tpu.memory_space<vmem>>
        %dma_wait3A_336 = tpu.memref_squeeze %dma_wait3A_335 : memref<1x4096xf32, #tpu.memory_space<vmem>> -> memref<4096xf32, #tpu.memory_space<vmem>>
        %dma_wait3A_337 = arith.constant 0 : i32
        %dma_wait3A_338 = tpu.memref_slice %arg3[%dma_wait3A_326, %dma_wait3A_337] : memref<128x131072xf32, #tpu.memory_space<hbm>> -> memref<1x4096xf32, #tpu.memory_space<hbm>>
        %dma_wait3A_339 = tpu.memref_squeeze %dma_wait3A_338 : memref<1x4096xf32, #tpu.memory_space<hbm>> -> memref<4096xf32, #tpu.memory_space<hbm>>
        tpu.wait_dma2 semaphore(%arg16 : memref<!tpu.dma_semaphore, #tpu.memory_space<semaphore_mem>>) src(%dma_wait3A_339 : memref<4096xf32, #tpu.memory_space<hbm>>) dst(%dma_wait3A_336 : memref<4096xf32, #tpu.memory_space<vmem>>)
        %dma_wait3A_340 = arith.constant 0 : i32
        %dma_wait3A_341 = arith.constant 1 : i32
        %dma_wait3A_342 = arith.constant 0 : i32
        %dma_wait3A_343 = tpu.memref_slice %arg13[%dma_wait3A_341, %dma_wait3A_342] : memref<2x4096xf32, #tpu.memory_space<vmem>> -> memref<1x4096xf32, #tpu.memory_space<vmem>>
        %dma_wait3A_344 = tpu.memref_squeeze %dma_wait3A_343 : memref<1x4096xf32, #tpu.memory_space<vmem>> -> memref<4096xf32, #tpu.memory_space<vmem>>
        %dma_wait3A_345 = arith.constant 0 : i32
        %dma_wait3A_346 = tpu.memref_slice %arg4[%dma_wait3A_340, %dma_wait3A_345] : memref<128x131072xf32, #tpu.memory_space<hbm>> -> memref<1x4096xf32, #tpu.memory_space<hbm>>
        %dma_wait3A_347 = tpu.memref_squeeze %dma_wait3A_346 : memref<1x4096xf32, #tpu.memory_space<hbm>> -> memref<4096xf32, #tpu.memory_space<hbm>>
        %dma_wait3A_348 = arith.constant 0 : i32
        %dma_wait3A_349 = tpu.memref_slice %arg13[%dma_wait3A_341, %dma_wait3A_348] : memref<2x4096xf32, #tpu.memory_space<vmem>> -> memref<1x4096xf32, #tpu.memory_space<vmem>>
        %dma_wait3A_350 = tpu.memref_squeeze %dma_wait3A_349 : memref<1x4096xf32, #tpu.memory_space<vmem>> -> memref<4096xf32, #tpu.memory_space<vmem>>
        %dma_wait3A_351 = arith.constant 0 : i32
        %dma_wait3A_352 = tpu.memref_slice %arg4[%dma_wait3A_340, %dma_wait3A_351] : memref<128x131072xf32, #tpu.memory_space<hbm>> -> memref<1x4096xf32, #tpu.memory_space<hbm>>
        %dma_wait3A_353 = tpu.memref_squeeze %dma_wait3A_352 : memref<1x4096xf32, #tpu.memory_space<hbm>> -> memref<4096xf32, #tpu.memory_space<hbm>>
        tpu.wait_dma2 semaphore(%arg16 : memref<!tpu.dma_semaphore, #tpu.memory_space<semaphore_mem>>) src(%dma_wait3A_353 : memref<4096xf32, #tpu.memory_space<hbm>>) dst(%dma_wait3A_350 : memref<4096xf32, #tpu.memory_space<vmem>>)
        %parallel_loop3A_354 = arith.constant 0 : i32
        %parallel_loop3A_355 = arith.constant 256 : i32
        %parallel_loop3A_356 = arith.constant 1 : i32
        scf.for %parallel_loop3A_364 = %parallel_loop3A_354 to %parallel_loop3A_355 step %parallel_loop3A_356  : i32 {
          %parallel_loop3A_365 = arith.constant 16 : i32
          %parallel_loop3A_366 = arith.muli %parallel_loop3A_364, %parallel_loop3A_365 : i32
          %parallel_loop3A_367 = arith.constant 1 : i32
          %parallel_loop3A_368 = arith.index_cast %parallel_loop3A_367 : i32 to index
          %parallel_loop3A_369 = arith.index_cast %parallel_loop3A_366 : i32 to index
          %parallel_loop3A_370 = tpu.vector_load %arg12[%parallel_loop3A_368, %parallel_loop3A_369] {strides = array<i32>} : memref<2x4096xf32, #tpu.memory_space<vmem>>, vector<16xf32>,
          %parallel_loop3A_371 = arith.constant 1.024000e+03 : f32
          %parallel_loop3A_372 = vector.broadcast %parallel_loop3A_371 : f32 to vector<16xf32>
          %parallel_loop3A_373 = arith.mulf %parallel_loop3A_370, %parallel_loop3A_372 : vector<16xf32>
          %parallel_loop3A_374 = arith.constant 1 : i32
          %parallel_loop3A_375 = arith.index_cast %parallel_loop3A_374 : i32 to index
          %parallel_loop3A_376 = arith.index_cast %parallel_loop3A_366 : i32 to index
          %parallel_loop3A_377 = tpu.vector_load %arg13[%parallel_loop3A_375, %parallel_loop3A_376] {strides = array<i32>} : memref<2x4096xf32, #tpu.memory_space<vmem>>, vector<16xf32>,
          %parallel_loop3A_378 = arith.constant 0 : i32
          %parallel_loop3A_379 = arith.index_cast %parallel_loop3A_378 : i32 to index
          %parallel_loop3A_380 = arith.index_cast %parallel_loop3A_366 : i32 to index
          %parallel_loop3A_381 = tpu.vector_load %arg8[%parallel_loop3A_379, %parallel_loop3A_380] {strides = array<i32>} : memref<8x4096xf32, #tpu.memory_space<vmem>>, vector<16xf32>,
          %parallel_loop3A_382 = arith.addf %parallel_loop3A_381, %parallel_loop3A_373 : vector<16xf32>
          %parallel_loop3A_383 = arith.fptosi %parallel_loop3A_382 : vector<16xf32> to vector<16xi32>
          %parallel_loop3A_384 = arith.sitofp %parallel_loop3A_383 : vector<16xi32> to vector<16xf32>
          %parallel_loop3A_385 = arith.subf %parallel_loop3A_382, %parallel_loop3A_384 : vector<16xf32>
          %parallel_loop3A_386 = tpu.vector_load_idx %arg11[%parallel_loop3A_383] : memref<16640xf32, #tpu.memory_space<vmem>>[vector<16xi32>], vector<16xf32>,
          %parallel_loop3A_387 = arith.constant 1 : i32
          %parallel_loop3A_388 = vector.broadcast %parallel_loop3A_387 : i32 to vector<16xi32>
          %parallel_loop3A_389 = arith.addi %parallel_loop3A_383, %parallel_loop3A_388 : vector<16xi32>
          %parallel_loop3A_390 = tpu.vector_load_idx %arg11[%parallel_loop3A_389] : memref<16640xf32, #tpu.memory_space<vmem>>[vector<16xi32>], vector<16xf32>,
          %parallel_loop3A_391 = arith.subf %parallel_loop3A_390, %parallel_loop3A_386 : vector<16xf32>
          %parallel_loop3A_392 = arith.mulf %parallel_loop3A_385, %parallel_loop3A_391 : vector<16xf32>
          %parallel_loop3A_393 = arith.addf %parallel_loop3A_386, %parallel_loop3A_392 : vector<16xf32>
          %parallel_loop3A_394 = arith.mulf %parallel_loop3A_393, %parallel_loop3A_377 : vector<16xf32>
          %parallel_loop3A_395 = arith.constant 0 : i32
          %parallel_loop3A_396 = arith.index_cast %parallel_loop3A_395 : i32 to index
          %parallel_loop3A_397 = arith.index_cast %parallel_loop3A_366 : i32 to index
          %parallel_loop3A_398 = tpu.vector_load %arg9[%parallel_loop3A_396, %parallel_loop3A_397] {strides = array<i32>} : memref<8x4096xf32, #tpu.memory_space<vmem>>, vector<16xf32>,
          tpu.vector_store %arg9[%parallel_loop3A_396, %parallel_loop3A_397], %parallel_loop3A_394 {add = true, strides = array<i32>} : memref<8x4096xf32, #tpu.memory_space<vmem>>, vector<16xf32>,
          %parallel_loop3A_399 = arith.constant 1 : i32
          %parallel_loop3A_400 = arith.index_cast %parallel_loop3A_399 : i32 to index
          %parallel_loop3A_401 = arith.index_cast %parallel_loop3A_366 : i32 to index
          %parallel_loop3A_402 = tpu.vector_load %arg8[%parallel_loop3A_400, %parallel_loop3A_401] {strides = array<i32>} : memref<8x4096xf32, #tpu.memory_space<vmem>>, vector<16xf32>,
          %parallel_loop3A_403 = arith.addf %parallel_loop3A_402, %parallel_loop3A_373 : vector<16xf32>
          %parallel_loop3A_404 = arith.fptosi %parallel_loop3A_403 : vector<16xf32> to vector<16xi32>
          %parallel_loop3A_405 = arith.sitofp %parallel_loop3A_404 : vector<16xi32> to vector<16xf32>
          %parallel_loop3A_406 = arith.subf %parallel_loop3A_403, %parallel_loop3A_405 : vector<16xf32>
          %parallel_loop3A_407 = tpu.vector_load_idx %arg11[%parallel_loop3A_404] : memref<16640xf32, #tpu.memory_space<vmem>>[vector<16xi32>], vector<16xf32>,
          %parallel_loop3A_408 = arith.constant 1 : i32
          %parallel_loop3A_409 = vector.broadcast %parallel_loop3A_408 : i32 to vector<16xi32>
          %parallel_loop3A_410 = arith.addi %parallel_loop3A_404, %parallel_loop3A_409 : vector<16xi32>
          %parallel_loop3A_411 = tpu.vector_load_idx %arg11[%parallel_loop3A_410] : memref<16640xf32, #tpu.memory_space<vmem>>[vector<16xi32>], vector<16xf32>,
          %parallel_loop3A_412 = arith.subf %parallel_loop3A_411, %parallel_loop3A_407 : vector<16xf32>
          %parallel_loop3A_413 = arith.mulf %parallel_loop3A_406, %parallel_loop3A_412 : vector<16xf32>
          %parallel_loop3A_414 = arith.addf %parallel_loop3A_407, %parallel_loop3A_413 : vector<16xf32>
          %parallel_loop3A_415 = arith.mulf %parallel_loop3A_414, %parallel_loop3A_377 : vector<16xf32>
          %parallel_loop3A_416 = arith.constant 1 : i32
          %parallel_loop3A_417 = arith.index_cast %parallel_loop3A_416 : i32 to index
          %parallel_loop3A_418 = arith.index_cast %parallel_loop3A_366 : i32 to index
          %parallel_loop3A_419 = tpu.vector_load %arg9[%parallel_loop3A_417, %parallel_loop3A_418] {strides = array<i32>} : memref<8x4096xf32, #tpu.memory_space<vmem>>, vector<16xf32>,
          tpu.vector_store %arg9[%parallel_loop3A_417, %parallel_loop3A_418], %parallel_loop3A_415 {add = true, strides = array<i32>} : memref<8x4096xf32, #tpu.memory_space<vmem>>, vector<16xf32>,
          %parallel_loop3A_420 = arith.constant 2 : i32
          %parallel_loop3A_421 = arith.index_cast %parallel_loop3A_420 : i32 to index
          %parallel_loop3A_422 = arith.index_cast %parallel_loop3A_366 : i32 to index
          %parallel_loop3A_423 = tpu.vector_load %arg8[%parallel_loop3A_421, %parallel_loop3A_422] {strides = array<i32>} : memref<8x4096xf32, #tpu.memory_space<vmem>>, vector<16xf32>,
          %parallel_loop3A_424 = arith.addf %parallel_loop3A_423, %parallel_loop3A_373 : vector<16xf32>
          %parallel_loop3A_425 = arith.fptosi %parallel_loop3A_424 : vector<16xf32> to vector<16xi32>
          %parallel_loop3A_426 = arith.sitofp %parallel_loop3A_425 : vector<16xi32> to vector<16xf32>
          %parallel_loop3A_427 = arith.subf %parallel_loop3A_424, %parallel_loop3A_426 : vector<16xf32>
          %parallel_loop3A_428 = tpu.vector_load_idx %arg11[%parallel_loop3A_425] : memref<16640xf32, #tpu.memory_space<vmem>>[vector<16xi32>], vector<16xf32>,
          %parallel_loop3A_429 = arith.constant 1 : i32
          %parallel_loop3A_430 = vector.broadcast %parallel_loop3A_429 : i32 to vector<16xi32>
          %parallel_loop3A_431 = arith.addi %parallel_loop3A_425, %parallel_loop3A_430 : vector<16xi32>
          %parallel_loop3A_432 = tpu.vector_load_idx %arg11[%parallel_loop3A_431] : memref<16640xf32, #tpu.memory_space<vmem>>[vector<16xi32>], vector<16xf32>,
          %parallel_loop3A_433 = arith.subf %parallel_loop3A_432, %parallel_loop3A_428 : vector<16xf32>
          %parallel_loop3A_434 = arith.mulf %parallel_loop3A_427, %parallel_loop3A_433 : vector<16xf32>
          %parallel_loop3A_435 = arith.addf %parallel_loop3A_428, %parallel_loop3A_434 : vector<16xf32>
          %parallel_loop3A_436 = arith.mulf %parallel_loop3A_435, %parallel_loop3A_377 : vector<16xf32>
          %parallel_loop3A_437 = arith.constant 2 : i32
          %parallel_loop3A_438 = arith.index_cast %parallel_loop3A_437 : i32 to index
          %parallel_loop3A_439 = arith.index_cast %parallel_loop3A_366 : i32 to index
          %parallel_loop3A_440 = tpu.vector_load %arg9[%parallel_loop3A_438, %parallel_loop3A_439] {strides = array<i32>} : memref<8x4096xf32, #tpu.memory_space<vmem>>, vector<16xf32>,
          tpu.vector_store %arg9[%parallel_loop3A_438, %parallel_loop3A_439], %parallel_loop3A_436 {add = true, strides = array<i32>} : memref<8x4096xf32, #tpu.memory_space<vmem>>, vector<16xf32>,
          %parallel_loop3A_441 = arith.constant 3 : i32
          %parallel_loop3A_442 = arith.index_cast %parallel_loop3A_441 : i32 to index
          %parallel_loop3A_443 = arith.index_cast %parallel_loop3A_366 : i32 to index
          %parallel_loop3A_444 = tpu.vector_load %arg8[%parallel_loop3A_442, %parallel_loop3A_443] {strides = array<i32>} : memref<8x4096xf32, #tpu.memory_space<vmem>>, vector<16xf32>,
          %parallel_loop3A_445 = arith.addf %parallel_loop3A_444, %parallel_loop3A_373 : vector<16xf32>
          %parallel_loop3A_446 = arith.fptosi %parallel_loop3A_445 : vector<16xf32> to vector<16xi32>
          %parallel_loop3A_447 = arith.sitofp %parallel_loop3A_446 : vector<16xi32> to vector<16xf32>
          %parallel_loop3A_448 = arith.subf %parallel_loop3A_445, %parallel_loop3A_447 : vector<16xf32>
          %parallel_loop3A_449 = tpu.vector_load_idx %arg11[%parallel_loop3A_446] : memref<16640xf32, #tpu.memory_space<vmem>>[vector<16xi32>], vector<16xf32>,
          %parallel_loop3A_450 = arith.constant 1 : i32
          %parallel_loop3A_451 = vector.broadcast %parallel_loop3A_450 : i32 to vector<16xi32>
          %parallel_loop3A_452 = arith.addi %parallel_loop3A_446, %parallel_loop3A_451 : vector<16xi32>
          %parallel_loop3A_453 = tpu.vector_load_idx %arg11[%parallel_loop3A_452] : memref<16640xf32, #tpu.memory_space<vmem>>[vector<16xi32>], vector<16xf32>,
          %parallel_loop3A_454 = arith.subf %parallel_loop3A_453, %parallel_loop3A_449 : vector<16xf32>
          %parallel_loop3A_455 = arith.mulf %parallel_loop3A_448, %parallel_loop3A_454 : vector<16xf32>
          %parallel_loop3A_456 = arith.addf %parallel_loop3A_449, %parallel_loop3A_455 : vector<16xf32>
          %parallel_loop3A_457 = arith.mulf %parallel_loop3A_456, %parallel_loop3A_377 : vector<16xf32>
          %parallel_loop3A_458 = arith.constant 3 : i32
          %parallel_loop3A_459 = arith.index_cast %parallel_loop3A_458 : i32 to index
          %parallel_loop3A_460 = arith.index_cast %parallel_loop3A_366 : i32 to index
          %parallel_loop3A_461 = tpu.vector_load %arg9[%parallel_loop3A_459, %parallel_loop3A_460] {strides = array<i32>} : memref<8x4096xf32, #tpu.memory_space<vmem>>, vector<16xf32>,
          tpu.vector_store %arg9[%parallel_loop3A_459, %parallel_loop3A_460], %parallel_loop3A_457 {add = true, strides = array<i32>} : memref<8x4096xf32, #tpu.memory_space<vmem>>, vector<16xf32>,
          %parallel_loop3A_462 = arith.constant 4 : i32
          %parallel_loop3A_463 = arith.index_cast %parallel_loop3A_462 : i32 to index
          %parallel_loop3A_464 = arith.index_cast %parallel_loop3A_366 : i32 to index
          %parallel_loop3A_465 = tpu.vector_load %arg8[%parallel_loop3A_463, %parallel_loop3A_464] {strides = array<i32>} : memref<8x4096xf32, #tpu.memory_space<vmem>>, vector<16xf32>,
          %parallel_loop3A_466 = arith.addf %parallel_loop3A_465, %parallel_loop3A_373 : vector<16xf32>
          %parallel_loop3A_467 = arith.fptosi %parallel_loop3A_466 : vector<16xf32> to vector<16xi32>
          %parallel_loop3A_468 = arith.sitofp %parallel_loop3A_467 : vector<16xi32> to vector<16xf32>
          %parallel_loop3A_469 = arith.subf %parallel_loop3A_466, %parallel_loop3A_468 : vector<16xf32>
          %parallel_loop3A_470 = tpu.vector_load_idx %arg11[%parallel_loop3A_467] : memref<16640xf32, #tpu.memory_space<vmem>>[vector<16xi32>], vector<16xf32>,
          %parallel_loop3A_471 = arith.constant 1 : i32
          %parallel_loop3A_472 = vector.broadcast %parallel_loop3A_471 : i32 to vector<16xi32>
          %parallel_loop3A_473 = arith.addi %parallel_loop3A_467, %parallel_loop3A_472 : vector<16xi32>
          %parallel_loop3A_474 = tpu.vector_load_idx %arg11[%parallel_loop3A_473] : memref<16640xf32, #tpu.memory_space<vmem>>[vector<16xi32>], vector<16xf32>,
          %parallel_loop3A_475 = arith.subf %parallel_loop3A_474, %parallel_loop3A_470 : vector<16xf32>
          %parallel_loop3A_476 = arith.mulf %parallel_loop3A_469, %parallel_loop3A_475 : vector<16xf32>
          %parallel_loop3A_477 = arith.addf %parallel_loop3A_470, %parallel_loop3A_476 : vector<16xf32>
          %parallel_loop3A_478 = arith.mulf %parallel_loop3A_477, %parallel_loop3A_377 : vector<16xf32>
          %parallel_loop3A_479 = arith.constant 4 : i32
          %parallel_loop3A_480 = arith.index_cast %parallel_loop3A_479 : i32 to index
          %parallel_loop3A_481 = arith.index_cast %parallel_loop3A_366 : i32 to index
          %parallel_loop3A_482 = tpu.vector_load %arg9[%parallel_loop3A_480, %parallel_loop3A_481] {strides = array<i32>} : memref<8x4096xf32, #tpu.memory_space<vmem>>, vector<16xf32>,
          tpu.vector_store %arg9[%parallel_loop3A_480, %parallel_loop3A_481], %parallel_loop3A_478 {add = true, strides = array<i32>} : memref<8x4096xf32, #tpu.memory_space<vmem>>, vector<16xf32>,
          %parallel_loop3A_483 = arith.constant 5 : i32
          %parallel_loop3A_484 = arith.index_cast %parallel_loop3A_483 : i32 to index
          %parallel_loop3A_485 = arith.index_cast %parallel_loop3A_366 : i32 to index
          %parallel_loop3A_486 = tpu.vector_load %arg8[%parallel_loop3A_484, %parallel_loop3A_485] {strides = array<i32>} : memref<8x4096xf32, #tpu.memory_space<vmem>>, vector<16xf32>,
          %parallel_loop3A_487 = arith.addf %parallel_loop3A_486, %parallel_loop3A_373 : vector<16xf32>
          %parallel_loop3A_488 = arith.fptosi %parallel_loop3A_487 : vector<16xf32> to vector<16xi32>
          %parallel_loop3A_489 = arith.sitofp %parallel_loop3A_488 : vector<16xi32> to vector<16xf32>
          %parallel_loop3A_490 = arith.subf %parallel_loop3A_487, %parallel_loop3A_489 : vector<16xf32>
          %parallel_loop3A_491 = tpu.vector_load_idx %arg11[%parallel_loop3A_488] : memref<16640xf32, #tpu.memory_space<vmem>>[vector<16xi32>], vector<16xf32>,
          %parallel_loop3A_492 = arith.constant 1 : i32
          %parallel_loop3A_493 = vector.broadcast %parallel_loop3A_492 : i32 to vector<16xi32>
          %parallel_loop3A_494 = arith.addi %parallel_loop3A_488, %parallel_loop3A_493 : vector<16xi32>
          %parallel_loop3A_495 = tpu.vector_load_idx %arg11[%parallel_loop3A_494] : memref<16640xf32, #tpu.memory_space<vmem>>[vector<16xi32>], vector<16xf32>,
          %parallel_loop3A_496 = arith.subf %parallel_loop3A_495, %parallel_loop3A_491 : vector<16xf32>
          %parallel_loop3A_497 = arith.mulf %parallel_loop3A_490, %parallel_loop3A_496 : vector<16xf32>
          %parallel_loop3A_498 = arith.addf %parallel_loop3A_491, %parallel_loop3A_497 : vector<16xf32>
          %parallel_loop3A_499 = arith.mulf %parallel_loop3A_498, %parallel_loop3A_377 : vector<16xf32>
          %parallel_loop3A_500 = arith.constant 5 : i32
          %parallel_loop3A_501 = arith.index_cast %parallel_loop3A_500 : i32 to index
          %parallel_loop3A_502 = arith.index_cast %parallel_loop3A_366 : i32 to index
          %parallel_loop3A_503 = tpu.vector_load %arg9[%parallel_loop3A_501, %parallel_loop3A_502] {strides = array<i32>} : memref<8x4096xf32, #tpu.memory_space<vmem>>, vector<16xf32>,
          tpu.vector_store %arg9[%parallel_loop3A_501, %parallel_loop3A_502], %parallel_loop3A_499 {add = true, strides = array<i32>} : memref<8x4096xf32, #tpu.memory_space<vmem>>, vector<16xf32>,
          %parallel_loop3A_504 = arith.constant 6 : i32
          %parallel_loop3A_505 = arith.index_cast %parallel_loop3A_504 : i32 to index
          %parallel_loop3A_506 = arith.index_cast %parallel_loop3A_366 : i32 to index
          %parallel_loop3A_507 = tpu.vector_load %arg8[%parallel_loop3A_505, %parallel_loop3A_506] {strides = array<i32>} : memref<8x4096xf32, #tpu.memory_space<vmem>>, vector<16xf32>,
          %parallel_loop3A_508 = arith.addf %parallel_loop3A_507, %parallel_loop3A_373 : vector<16xf32>
          %parallel_loop3A_509 = arith.fptosi %parallel_loop3A_508 : vector<16xf32> to vector<16xi32>
          %parallel_loop3A_510 = arith.sitofp %parallel_loop3A_509 : vector<16xi32> to vector<16xf32>
          %parallel_loop3A_511 = arith.subf %parallel_loop3A_508, %parallel_loop3A_510 : vector<16xf32>
          %parallel_loop3A_512 = tpu.vector_load_idx %arg11[%parallel_loop3A_509] : memref<16640xf32, #tpu.memory_space<vmem>>[vector<16xi32>], vector<16xf32>,
          %parallel_loop3A_513 = arith.constant 1 : i32
          %parallel_loop3A_514 = vector.broadcast %parallel_loop3A_513 : i32 to vector<16xi32>
          %parallel_loop3A_515 = arith.addi %parallel_loop3A_509, %parallel_loop3A_514 : vector<16xi32>
          %parallel_loop3A_516 = tpu.vector_load_idx %arg11[%parallel_loop3A_515] : memref<16640xf32, #tpu.memory_space<vmem>>[vector<16xi32>], vector<16xf32>,
          %parallel_loop3A_517 = arith.subf %parallel_loop3A_516, %parallel_loop3A_512 : vector<16xf32>
          %parallel_loop3A_518 = arith.mulf %parallel_loop3A_511, %parallel_loop3A_517 : vector<16xf32>
          %parallel_loop3A_519 = arith.addf %parallel_loop3A_512, %parallel_loop3A_518 : vector<16xf32>
          %parallel_loop3A_520 = arith.mulf %parallel_loop3A_519, %parallel_loop3A_377 : vector<16xf32>
          %parallel_loop3A_521 = arith.constant 6 : i32
          %parallel_loop3A_522 = arith.index_cast %parallel_loop3A_521 : i32 to index
          %parallel_loop3A_523 = arith.index_cast %parallel_loop3A_366 : i32 to index
          %parallel_loop3A_524 = tpu.vector_load %arg9[%parallel_loop3A_522, %parallel_loop3A_523] {strides = array<i32>} : memref<8x4096xf32, #tpu.memory_space<vmem>>, vector<16xf32>,
          tpu.vector_store %arg9[%parallel_loop3A_522, %parallel_loop3A_523], %parallel_loop3A_520 {add = true, strides = array<i32>} : memref<8x4096xf32, #tpu.memory_space<vmem>>, vector<16xf32>,
          %parallel_loop3A_525 = arith.constant 7 : i32
          %parallel_loop3A_526 = arith.index_cast %parallel_loop3A_525 : i32 to index
          %parallel_loop3A_527 = arith.index_cast %parallel_loop3A_366 : i32 to index
          %parallel_loop3A_528 = tpu.vector_load %arg8[%parallel_loop3A_526, %parallel_loop3A_527] {strides = array<i32>} : memref<8x4096xf32, #tpu.memory_space<vmem>>, vector<16xf32>,
          %parallel_loop3A_529 = arith.addf %parallel_loop3A_528, %parallel_loop3A_373 : vector<16xf32>
          %parallel_loop3A_530 = arith.fptosi %parallel_loop3A_529 : vector<16xf32> to vector<16xi32>
          %parallel_loop3A_531 = arith.sitofp %parallel_loop3A_530 : vector<16xi32> to vector<16xf32>
          %parallel_loop3A_532 = arith.subf %parallel_loop3A_529, %parallel_loop3A_531 : vector<16xf32>
          %parallel_loop3A_533 = tpu.vector_load_idx %arg11[%parallel_loop3A_530] : memref<16640xf32, #tpu.memory_space<vmem>>[vector<16xi32>], vector<16xf32>,
          %parallel_loop3A_534 = arith.constant 1 : i32
          %parallel_loop3A_535 = vector.broadcast %parallel_loop3A_534 : i32 to vector<16xi32>
          %parallel_loop3A_536 = arith.addi %parallel_loop3A_530, %parallel_loop3A_535 : vector<16xi32>
          %parallel_loop3A_537 = tpu.vector_load_idx %arg11[%parallel_loop3A_536] : memref<16640xf32, #tpu.memory_space<vmem>>[vector<16xi32>], vector<16xf32>,
          %parallel_loop3A_538 = arith.subf %parallel_loop3A_537, %parallel_loop3A_533 : vector<16xf32>
          %parallel_loop3A_539 = arith.mulf %parallel_loop3A_532, %parallel_loop3A_538 : vector<16xf32>
          %parallel_loop3A_540 = arith.addf %parallel_loop3A_533, %parallel_loop3A_539 : vector<16xf32>
          %parallel_loop3A_541 = arith.mulf %parallel_loop3A_540, %parallel_loop3A_377 : vector<16xf32>
          %parallel_loop3A_542 = arith.constant 7 : i32
          %parallel_loop3A_543 = arith.index_cast %parallel_loop3A_542 : i32 to index
          %parallel_loop3A_544 = arith.index_cast %parallel_loop3A_366 : i32 to index
          %parallel_loop3A_545 = tpu.vector_load %arg9[%parallel_loop3A_543, %parallel_loop3A_544] {strides = array<i32>} : memref<8x4096xf32, #tpu.memory_space<vmem>>, vector<16xf32>,
          tpu.vector_store %arg9[%parallel_loop3A_543, %parallel_loop3A_544], %parallel_loop3A_541 {add = true, strides = array<i32>} : memref<8x4096xf32, #tpu.memory_space<vmem>>, vector<16xf32>,
        } {sc.loop_unroll_factor = 8 : i64, sc.parallel_access}
        %add3A_357 = arith.constant 2 : i32
        %add3A_358 = arith.addi %add3A_318, %add3A_357 : i32
        %lt3A_359 = arith.constant 128 : i32
        %lt3A_360 = arith.cmpi slt, %add3A_358, %lt3A_359 : i32
        %convert_element_type3A_361 = arith.extui %lt3A_360 : i1 to i32
        %cond3A_362 = arith.constant 0 : i32
        %cond3A_363 = arith.cmpi ne, %convert_element_type3A_361, %cond3A_362 : i32
        scf.if %cond3A_363 {
          %add3A_364 = arith.constant 2 : i32
          %add3A_365 = arith.addi %add3A_318, %add3A_364 : i32
          %mul3A_366 = arith.constant 16640 : i32
          %mul3A_367 = arith.muli %scan3A_7, %mul3A_366 : i32
          %dma_start3A_368 = tpu.memref_slice %arg5[%add3A_365, %mul3A_367] : memref<128x33280xf32, #tpu.memory_space<hbm>> -> memref<1x16640xf32, #tpu.memory_space<hbm>>
          %dma_start3A_369 = tpu.memref_squeeze %dma_start3A_368 : memref<1x16640xf32, #tpu.memory_space<hbm>> -> memref<16640xf32, #tpu.memory_space<hbm>>
          %dma_start3A_370 = tpu.memref_slice %arg5[%add3A_365, %mul3A_367] : memref<128x33280xf32, #tpu.memory_space<hbm>> -> memref<1x16640xf32, #tpu.memory_space<hbm>>
          %dma_start3A_371 = tpu.memref_squeeze %dma_start3A_370 : memref<1x16640xf32, #tpu.memory_space<hbm>> -> memref<16640xf32, #tpu.memory_space<hbm>>
          tpu.enqueue_dma source(%dma_start3A_371 : memref<16640xf32, #tpu.memory_space<hbm>>) target(%arg11 : memref<16640xf32, #tpu.memory_space<vmem>>) target_semaphore(%arg16 : memref<!tpu.dma_semaphore, #tpu.memory_space<semaphore_mem>>)
          %dma_start3A_372 = arith.constant 1 : i32
          %dma_start3A_373 = arith.constant 0 : i32
          %dma_start3A_374 = tpu.memref_slice %arg12[%dma_start3A_372, %dma_start3A_373] : memref<2x4096xf32, #tpu.memory_space<vmem>> -> memref<1x4096xf32, #tpu.memory_space<vmem>>
          %dma_start3A_375 = tpu.memref_squeeze %dma_start3A_374 : memref<1x4096xf32, #tpu.memory_space<vmem>> -> memref<4096xf32, #tpu.memory_space<vmem>>
          %dma_start3A_376 = tpu.memref_slice %arg3[%add3A_365, %mul3A_2] : memref<128x131072xf32, #tpu.memory_space<hbm>> -> memref<1x4096xf32, #tpu.memory_space<hbm>>
          %dma_start3A_377 = tpu.memref_squeeze %dma_start3A_376 : memref<1x4096xf32, #tpu.memory_space<hbm>> -> memref<4096xf32, #tpu.memory_space<hbm>>
          %dma_start3A_378 = arith.constant 0 : i32
          %dma_start3A_379 = tpu.memref_slice %arg12[%dma_start3A_372, %dma_start3A_378] : memref<2x4096xf32, #tpu.memory_space<vmem>> -> memref<1x4096xf32, #tpu.memory_space<vmem>>
          %dma_start3A_380 = tpu.memref_squeeze %dma_start3A_379 : memref<1x4096xf32, #tpu.memory_space<vmem>> -> memref<4096xf32, #tpu.memory_space<vmem>>
          %dma_start3A_381 = tpu.memref_slice %arg3[%add3A_365, %mul3A_2] : memref<128x131072xf32, #tpu.memory_space<hbm>> -> memref<1x4096xf32, #tpu.memory_space<hbm>>
          %dma_start3A_382 = tpu.memref_squeeze %dma_start3A_381 : memref<1x4096xf32, #tpu.memory_space<hbm>> -> memref<4096xf32, #tpu.memory_space<hbm>>
          tpu.enqueue_dma source(%dma_start3A_382 : memref<4096xf32, #tpu.memory_space<hbm>>) target(%dma_start3A_380 : memref<4096xf32, #tpu.memory_space<vmem>>) target_semaphore(%arg16 : memref<!tpu.dma_semaphore, #tpu.memory_space<semaphore_mem>>)
          %dma_start3A_383 = arith.constant 1 : i32
          %dma_start3A_384 = arith.constant 0 : i32
          %dma_start3A_385 = tpu.memref_slice %arg13[%dma_start3A_383, %dma_start3A_384] : memref<2x4096xf32, #tpu.memory_space<vmem>> -> memref<1x4096xf32, #tpu.memory_space<vmem>>
          %dma_start3A_386 = tpu.memref_squeeze %dma_start3A_385 : memref<1x4096xf32, #tpu.memory_space<vmem>> -> memref<4096xf32, #tpu.memory_space<vmem>>
          %dma_start3A_387 = tpu.memref_slice %arg4[%add3A_365, %mul3A_2] : memref<128x131072xf32, #tpu.memory_space<hbm>> -> memref<1x4096xf32, #tpu.memory_space<hbm>>
          %dma_start3A_388 = tpu.memref_squeeze %dma_start3A_387 : memref<1x4096xf32, #tpu.memory_space<hbm>> -> memref<4096xf32, #tpu.memory_space<hbm>>
          %dma_start3A_389 = arith.constant 0 : i32
          %dma_start3A_390 = tpu.memref_slice %arg13[%dma_start3A_383, %dma_start3A_389] : memref<2x4096xf32, #tpu.memory_space<vmem>> -> memref<1x4096xf32, #tpu.memory_space<vmem>>
          %dma_start3A_391 = tpu.memref_squeeze %dma_start3A_390 : memref<1x4096xf32, #tpu.memory_space<vmem>> -> memref<4096xf32, #tpu.memory_space<vmem>>
          %dma_start3A_392 = tpu.memref_slice %arg4[%add3A_365, %mul3A_2] : memref<128x131072xf32, #tpu.memory_space<hbm>> -> memref<1x4096xf32, #tpu.memory_space<hbm>>
          %dma_start3A_393 = tpu.memref_squeeze %dma_start3A_392 : memref<1x4096xf32, #tpu.memory_space<hbm>> -> memref<4096xf32, #tpu.memory_space<hbm>>
          tpu.enqueue_dma source(%dma_start3A_393 : memref<4096xf32, #tpu.memory_space<hbm>>) target(%dma_start3A_391 : memref<4096xf32, #tpu.memory_space<vmem>>) target_semaphore(%arg16 : memref<!tpu.dma_semaphore, #tpu.memory_space<semaphore_mem>>)
        } else {
        }
      }
      %scan3A_228 = arith.constant 64 : i32
      %mul3A_229 = arith.constant 8 : i32
      %mul3A_230 = arith.muli %scan3A_7, %mul3A_229 : i32
      %add3A_231 = arith.constant 0 : i32
      %add3A_232 = arith.addi %mul3A_230, %add3A_231 : i32
      %run_scoped3A_233 = arith.constant 0 : i32
      "tpu.region"() ({
        %run_scoped3A_269 = tpu.sem_alloc : memref<!tpu.dma_semaphore, #tpu.memory_space<semaphore_mem>>
        %dma_start3A_270 = arith.constant 0 : i32
        %dma_start3A_271 = tpu.memref_slice %arg9[%run_scoped3A_233, %dma_start3A_270] : memref<8x4096xf32, #tpu.memory_space<vmem>> -> memref<1x4096xf32, #tpu.memory_space<vmem>>
        %dma_start3A_272 = tpu.memref_squeeze %dma_start3A_271 : memref<1x4096xf32, #tpu.memory_space<vmem>> -> memref<4096xf32, #tpu.memory_space<vmem>>
        %dma_start3A_273 = tpu.memref_slice %arg7[%add3A_232, %mul3A_2] : memref<16x131072xf32, #tpu.memory_space<hbm>> -> memref<1x4096xf32, #tpu.memory_space<hbm>>
        %dma_start3A_274 = tpu.memref_squeeze %dma_start3A_273 : memref<1x4096xf32, #tpu.memory_space<hbm>> -> memref<4096xf32, #tpu.memory_space<hbm>>
        %dma_start3A_275 = tpu.memref_slice %arg7[%add3A_232, %mul3A_2] : memref<16x131072xf32, #tpu.memory_space<hbm>> -> memref<1x4096xf32, #tpu.memory_space<hbm>>
        %dma_start3A_276 = tpu.memref_squeeze %dma_start3A_275 : memref<1x4096xf32, #tpu.memory_space<hbm>> -> memref<4096xf32, #tpu.memory_space<hbm>>
        %dma_start3A_277 = arith.constant 0 : i32
        %dma_start3A_278 = tpu.memref_slice %arg9[%run_scoped3A_233, %dma_start3A_277] : memref<8x4096xf32, #tpu.memory_space<vmem>> -> memref<1x4096xf32, #tpu.memory_space<vmem>>
        %dma_start3A_279 = tpu.memref_squeeze %dma_start3A_278 : memref<1x4096xf32, #tpu.memory_space<vmem>> -> memref<4096xf32, #tpu.memory_space<vmem>>
        tpu.enqueue_dma source(%dma_start3A_279 : memref<4096xf32, #tpu.memory_space<vmem>>) target(%dma_start3A_276 : memref<4096xf32, #tpu.memory_space<hbm>>) target_semaphore(%run_scoped3A_269 : memref<!tpu.dma_semaphore, #tpu.memory_space<semaphore_mem>>)
        %dma_wait3A = arith.constant 0 : i32
        %dma_wait3A_280 = tpu.memref_slice %arg9[%run_scoped3A_233, %dma_wait3A] : memref<8x4096xf32, #tpu.memory_space<vmem>> -> memref<1x4096xf32, #tpu.memory_space<vmem>>
        %dma_wait3A_281 = tpu.memref_squeeze %dma_wait3A_280 : memref<1x4096xf32, #tpu.memory_space<vmem>> -> memref<4096xf32, #tpu.memory_space<vmem>>
        %dma_wait3A_282 = tpu.memref_slice %arg7[%add3A_232, %mul3A_2] : memref<16x131072xf32, #tpu.memory_space<hbm>> -> memref<1x4096xf32, #tpu.memory_space<hbm>>
        %dma_wait3A_283 = tpu.memref_squeeze %dma_wait3A_282 : memref<1x4096xf32, #tpu.memory_space<hbm>> -> memref<4096xf32, #tpu.memory_space<hbm>>
        %dma_wait3A_284 = tpu.memref_slice %arg7[%add3A_232, %mul3A_2] : memref<16x131072xf32, #tpu.memory_space<hbm>> -> memref<1x4096xf32, #tpu.memory_space<hbm>>
        %dma_wait3A_285 = tpu.memref_squeeze %dma_wait3A_284 : memref<1x4096xf32, #tpu.memory_space<hbm>> -> memref<4096xf32, #tpu.memory_space<hbm>>
        %dma_wait3A_286 = arith.constant 0 : i32
        %dma_wait3A_287 = tpu.memref_slice %arg9[%run_scoped3A_233, %dma_wait3A_286] : memref<8x4096xf32, #tpu.memory_space<vmem>> -> memref<1x4096xf32, #tpu.memory_space<vmem>>
        %dma_wait3A_288 = tpu.memref_squeeze %dma_wait3A_287 : memref<1x4096xf32, #tpu.memory_space<vmem>> -> memref<4096xf32, #tpu.memory_space<vmem>>
        tpu.wait_dma2 semaphore(%run_scoped3A_269 : memref<!tpu.dma_semaphore, #tpu.memory_space<semaphore_mem>>) src(%dma_wait3A_288 : memref<4096xf32, #tpu.memory_space<vmem>>) dst(%dma_wait3A_285 : memref<4096xf32, #tpu.memory_space<hbm>>)
        tpu.yield
      }) : () -> ()
      %mul3A_234 = arith.constant 8 : i32
      %mul3A_235 = arith.muli %scan3A_7, %mul3A_234 : i32
      %add3A_236 = arith.constant 1 : i32
      %add3A_237 = arith.addi %mul3A_235, %add3A_236 : i32
      %run_scoped3A_238 = arith.constant 1 : i32
      "tpu.region"() ({
        %run_scoped3A_269 = tpu.sem_alloc : memref<!tpu.dma_semaphore, #tpu.memory_space<semaphore_mem>>
        %dma_start3A_270 = arith.constant 0 : i32
        %dma_start3A_271 = tpu.memref_slice %arg9[%run_scoped3A_238, %dma_start3A_270] : memref<8x4096xf32, #tpu.memory_space<vmem>> -> memref<1x4096xf32, #tpu.memory_space<vmem>>
        %dma_start3A_272 = tpu.memref_squeeze %dma_start3A_271 : memref<1x4096xf32, #tpu.memory_space<vmem>> -> memref<4096xf32, #tpu.memory_space<vmem>>
        %dma_start3A_273 = tpu.memref_slice %arg7[%add3A_237, %mul3A_2] : memref<16x131072xf32, #tpu.memory_space<hbm>> -> memref<1x4096xf32, #tpu.memory_space<hbm>>
        %dma_start3A_274 = tpu.memref_squeeze %dma_start3A_273 : memref<1x4096xf32, #tpu.memory_space<hbm>> -> memref<4096xf32, #tpu.memory_space<hbm>>
        %dma_start3A_275 = tpu.memref_slice %arg7[%add3A_237, %mul3A_2] : memref<16x131072xf32, #tpu.memory_space<hbm>> -> memref<1x4096xf32, #tpu.memory_space<hbm>>
        %dma_start3A_276 = tpu.memref_squeeze %dma_start3A_275 : memref<1x4096xf32, #tpu.memory_space<hbm>> -> memref<4096xf32, #tpu.memory_space<hbm>>
        %dma_start3A_277 = arith.constant 0 : i32
        %dma_start3A_278 = tpu.memref_slice %arg9[%run_scoped3A_238, %dma_start3A_277] : memref<8x4096xf32, #tpu.memory_space<vmem>> -> memref<1x4096xf32, #tpu.memory_space<vmem>>
        %dma_start3A_279 = tpu.memref_squeeze %dma_start3A_278 : memref<1x4096xf32, #tpu.memory_space<vmem>> -> memref<4096xf32, #tpu.memory_space<vmem>>
        tpu.enqueue_dma source(%dma_start3A_279 : memref<4096xf32, #tpu.memory_space<vmem>>) target(%dma_start3A_276 : memref<4096xf32, #tpu.memory_space<hbm>>) target_semaphore(%run_scoped3A_269 : memref<!tpu.dma_semaphore, #tpu.memory_space<semaphore_mem>>)
        %dma_wait3A = arith.constant 0 : i32
        %dma_wait3A_280 = tpu.memref_slice %arg9[%run_scoped3A_238, %dma_wait3A] : memref<8x4096xf32, #tpu.memory_space<vmem>> -> memref<1x4096xf32, #tpu.memory_space<vmem>>
        %dma_wait3A_281 = tpu.memref_squeeze %dma_wait3A_280 : memref<1x4096xf32, #tpu.memory_space<vmem>> -> memref<4096xf32, #tpu.memory_space<vmem>>
        %dma_wait3A_282 = tpu.memref_slice %arg7[%add3A_237, %mul3A_2] : memref<16x131072xf32, #tpu.memory_space<hbm>> -> memref<1x4096xf32, #tpu.memory_space<hbm>>
        %dma_wait3A_283 = tpu.memref_squeeze %dma_wait3A_282 : memref<1x4096xf32, #tpu.memory_space<hbm>> -> memref<4096xf32, #tpu.memory_space<hbm>>
        %dma_wait3A_284 = tpu.memref_slice %arg7[%add3A_237, %mul3A_2] : memref<16x131072xf32, #tpu.memory_space<hbm>> -> memref<1x4096xf32, #tpu.memory_space<hbm>>
        %dma_wait3A_285 = tpu.memref_squeeze %dma_wait3A_284 : memref<1x4096xf32, #tpu.memory_space<hbm>> -> memref<4096xf32, #tpu.memory_space<hbm>>
        %dma_wait3A_286 = arith.constant 0 : i32
        %dma_wait3A_287 = tpu.memref_slice %arg9[%run_scoped3A_238, %dma_wait3A_286] : memref<8x4096xf32, #tpu.memory_space<vmem>> -> memref<1x4096xf32, #tpu.memory_space<vmem>>
        %dma_wait3A_288 = tpu.memref_squeeze %dma_wait3A_287 : memref<1x4096xf32, #tpu.memory_space<vmem>> -> memref<4096xf32, #tpu.memory_space<vmem>>
        tpu.wait_dma2 semaphore(%run_scoped3A_269 : memref<!tpu.dma_semaphore, #tpu.memory_space<semaphore_mem>>) src(%dma_wait3A_288 : memref<4096xf32, #tpu.memory_space<vmem>>) dst(%dma_wait3A_285 : memref<4096xf32, #tpu.memory_space<hbm>>)
        tpu.yield
      }) : () -> ()
      %mul3A_239 = arith.constant 8 : i32
      %mul3A_240 = arith.muli %scan3A_7, %mul3A_239 : i32
      %add3A_241 = arith.constant 2 : i32
      %add3A_242 = arith.addi %mul3A_240, %add3A_241 : i32
      %run_scoped3A_243 = arith.constant 2 : i32
      "tpu.region"() ({
        %run_scoped3A_269 = tpu.sem_alloc : memref<!tpu.dma_semaphore, #tpu.memory_space<semaphore_mem>>
        %dma_start3A_270 = arith.constant 0 : i32
        %dma_start3A_271 = tpu.memref_slice %arg9[%run_scoped3A_243, %dma_start3A_270] : memref<8x4096xf32, #tpu.memory_space<vmem>> -> memref<1x4096xf32, #tpu.memory_space<vmem>>
        %dma_start3A_272 = tpu.memref_squeeze %dma_start3A_271 : memref<1x4096xf32, #tpu.memory_space<vmem>> -> memref<4096xf32, #tpu.memory_space<vmem>>
        %dma_start3A_273 = tpu.memref_slice %arg7[%add3A_242, %mul3A_2] : memref<16x131072xf32, #tpu.memory_space<hbm>> -> memref<1x4096xf32, #tpu.memory_space<hbm>>
        %dma_start3A_274 = tpu.memref_squeeze %dma_start3A_273 : memref<1x4096xf32, #tpu.memory_space<hbm>> -> memref<4096xf32, #tpu.memory_space<hbm>>
        %dma_start3A_275 = tpu.memref_slice %arg7[%add3A_242, %mul3A_2] : memref<16x131072xf32, #tpu.memory_space<hbm>> -> memref<1x4096xf32, #tpu.memory_space<hbm>>
        %dma_start3A_276 = tpu.memref_squeeze %dma_start3A_275 : memref<1x4096xf32, #tpu.memory_space<hbm>> -> memref<4096xf32, #tpu.memory_space<hbm>>
        %dma_start3A_277 = arith.constant 0 : i32
        %dma_start3A_278 = tpu.memref_slice %arg9[%run_scoped3A_243, %dma_start3A_277] : memref<8x4096xf32, #tpu.memory_space<vmem>> -> memref<1x4096xf32, #tpu.memory_space<vmem>>
        %dma_start3A_279 = tpu.memref_squeeze %dma_start3A_278 : memref<1x4096xf32, #tpu.memory_space<vmem>> -> memref<4096xf32, #tpu.memory_space<vmem>>
        tpu.enqueue_dma source(%dma_start3A_279 : memref<4096xf32, #tpu.memory_space<vmem>>) target(%dma_start3A_276 : memref<4096xf32, #tpu.memory_space<hbm>>) target_semaphore(%run_scoped3A_269 : memref<!tpu.dma_semaphore, #tpu.memory_space<semaphore_mem>>)
        %dma_wait3A = arith.constant 0 : i32
        %dma_wait3A_280 = tpu.memref_slice %arg9[%run_scoped3A_243, %dma_wait3A] : memref<8x4096xf32, #tpu.memory_space<vmem>> -> memref<1x4096xf32, #tpu.memory_space<vmem>>
        %dma_wait3A_281 = tpu.memref_squeeze %dma_wait3A_280 : memref<1x4096xf32, #tpu.memory_space<vmem>> -> memref<4096xf32, #tpu.memory_space<vmem>>
        %dma_wait3A_282 = tpu.memref_slice %arg7[%add3A_242, %mul3A_2] : memref<16x131072xf32, #tpu.memory_space<hbm>> -> memref<1x4096xf32, #tpu.memory_space<hbm>>
        %dma_wait3A_283 = tpu.memref_squeeze %dma_wait3A_282 : memref<1x4096xf32, #tpu.memory_space<hbm>> -> memref<4096xf32, #tpu.memory_space<hbm>>
        %dma_wait3A_284 = tpu.memref_slice %arg7[%add3A_242, %mul3A_2] : memref<16x131072xf32, #tpu.memory_space<hbm>> -> memref<1x4096xf32, #tpu.memory_space<hbm>>
        %dma_wait3A_285 = tpu.memref_squeeze %dma_wait3A_284 : memref<1x4096xf32, #tpu.memory_space<hbm>> -> memref<4096xf32, #tpu.memory_space<hbm>>
        %dma_wait3A_286 = arith.constant 0 : i32
        %dma_wait3A_287 = tpu.memref_slice %arg9[%run_scoped3A_243, %dma_wait3A_286] : memref<8x4096xf32, #tpu.memory_space<vmem>> -> memref<1x4096xf32, #tpu.memory_space<vmem>>
        %dma_wait3A_288 = tpu.memref_squeeze %dma_wait3A_287 : memref<1x4096xf32, #tpu.memory_space<vmem>> -> memref<4096xf32, #tpu.memory_space<vmem>>
        tpu.wait_dma2 semaphore(%run_scoped3A_269 : memref<!tpu.dma_semaphore, #tpu.memory_space<semaphore_mem>>) src(%dma_wait3A_288 : memref<4096xf32, #tpu.memory_space<vmem>>) dst(%dma_wait3A_285 : memref<4096xf32, #tpu.memory_space<hbm>>)
        tpu.yield
      }) : () -> ()
      %mul3A_244 = arith.constant 8 : i32
      %mul3A_245 = arith.muli %scan3A_7, %mul3A_244 : i32
      %add3A_246 = arith.constant 3 : i32
      %add3A_247 = arith.addi %mul3A_245, %add3A_246 : i32
      %run_scoped3A_248 = arith.constant 3 : i32
      "tpu.region"() ({
        %run_scoped3A_269 = tpu.sem_alloc : memref<!tpu.dma_semaphore, #tpu.memory_space<semaphore_mem>>
        %dma_start3A_270 = arith.constant 0 : i32
        %dma_start3A_271 = tpu.memref_slice %arg9[%run_scoped3A_248, %dma_start3A_270] : memref<8x4096xf32, #tpu.memory_space<vmem>> -> memref<1x4096xf32, #tpu.memory_space<vmem>>
        %dma_start3A_272 = tpu.memref_squeeze %dma_start3A_271 : memref<1x4096xf32, #tpu.memory_space<vmem>> -> memref<4096xf32, #tpu.memory_space<vmem>>
        %dma_start3A_273 = tpu.memref_slice %arg7[%add3A_247, %mul3A_2] : memref<16x131072xf32, #tpu.memory_space<hbm>> -> memref<1x4096xf32, #tpu.memory_space<hbm>>
        %dma_start3A_274 = tpu.memref_squeeze %dma_start3A_273 : memref<1x4096xf32, #tpu.memory_space<hbm>> -> memref<4096xf32, #tpu.memory_space<hbm>>
        %dma_start3A_275 = tpu.memref_slice %arg7[%add3A_247, %mul3A_2] : memref<16x131072xf32, #tpu.memory_space<hbm>> -> memref<1x4096xf32, #tpu.memory_space<hbm>>
        %dma_start3A_276 = tpu.memref_squeeze %dma_start3A_275 : memref<1x4096xf32, #tpu.memory_space<hbm>> -> memref<4096xf32, #tpu.memory_space<hbm>>
        %dma_start3A_277 = arith.constant 0 : i32
        %dma_start3A_278 = tpu.memref_slice %arg9[%run_scoped3A_248, %dma_start3A_277] : memref<8x4096xf32, #tpu.memory_space<vmem>> -> memref<1x4096xf32, #tpu.memory_space<vmem>>
        %dma_start3A_279 = tpu.memref_squeeze %dma_start3A_278 : memref<1x4096xf32, #tpu.memory_space<vmem>> -> memref<4096xf32, #tpu.memory_space<vmem>>
        tpu.enqueue_dma source(%dma_start3A_279 : memref<4096xf32, #tpu.memory_space<vmem>>) target(%dma_start3A_276 : memref<4096xf32, #tpu.memory_space<hbm>>) target_semaphore(%run_scoped3A_269 : memref<!tpu.dma_semaphore, #tpu.memory_space<semaphore_mem>>)
        %dma_wait3A = arith.constant 0 : i32
        %dma_wait3A_280 = tpu.memref_slice %arg9[%run_scoped3A_248, %dma_wait3A] : memref<8x4096xf32, #tpu.memory_space<vmem>> -> memref<1x4096xf32, #tpu.memory_space<vmem>>
        %dma_wait3A_281 = tpu.memref_squeeze %dma_wait3A_280 : memref<1x4096xf32, #tpu.memory_space<vmem>> -> memref<4096xf32, #tpu.memory_space<vmem>>
        %dma_wait3A_282 = tpu.memref_slice %arg7[%add3A_247, %mul3A_2] : memref<16x131072xf32, #tpu.memory_space<hbm>> -> memref<1x4096xf32, #tpu.memory_space<hbm>>
        %dma_wait3A_283 = tpu.memref_squeeze %dma_wait3A_282 : memref<1x4096xf32, #tpu.memory_space<hbm>> -> memref<4096xf32, #tpu.memory_space<hbm>>
        %dma_wait3A_284 = tpu.memref_slice %arg7[%add3A_247, %mul3A_2] : memref<16x131072xf32, #tpu.memory_space<hbm>> -> memref<1x4096xf32, #tpu.memory_space<hbm>>
        %dma_wait3A_285 = tpu.memref_squeeze %dma_wait3A_284 : memref<1x4096xf32, #tpu.memory_space<hbm>> -> memref<4096xf32, #tpu.memory_space<hbm>>
        %dma_wait3A_286 = arith.constant 0 : i32
        %dma_wait3A_287 = tpu.memref_slice %arg9[%run_scoped3A_248, %dma_wait3A_286] : memref<8x4096xf32, #tpu.memory_space<vmem>> -> memref<1x4096xf32, #tpu.memory_space<vmem>>
        %dma_wait3A_288 = tpu.memref_squeeze %dma_wait3A_287 : memref<1x4096xf32, #tpu.memory_space<vmem>> -> memref<4096xf32, #tpu.memory_space<vmem>>
        tpu.wait_dma2 semaphore(%run_scoped3A_269 : memref<!tpu.dma_semaphore, #tpu.memory_space<semaphore_mem>>) src(%dma_wait3A_288 : memref<4096xf32, #tpu.memory_space<vmem>>) dst(%dma_wait3A_285 : memref<4096xf32, #tpu.memory_space<hbm>>)
        tpu.yield
      }) : () -> ()
      %mul3A_249 = arith.constant 8 : i32
      %mul3A_250 = arith.muli %scan3A_7, %mul3A_249 : i32
      %add3A_251 = arith.constant 4 : i32
      %add3A_252 = arith.addi %mul3A_250, %add3A_251 : i32
      %run_scoped3A_253 = arith.constant 4 : i32
      "tpu.region"() ({
        %run_scoped3A_269 = tpu.sem_alloc : memref<!tpu.dma_semaphore, #tpu.memory_space<semaphore_mem>>
        %dma_start3A_270 = arith.constant 0 : i32
        %dma_start3A_271 = tpu.memref_slice %arg9[%run_scoped3A_253, %dma_start3A_270] : memref<8x4096xf32, #tpu.memory_space<vmem>> -> memref<1x4096xf32, #tpu.memory_space<vmem>>
        %dma_start3A_272 = tpu.memref_squeeze %dma_start3A_271 : memref<1x4096xf32, #tpu.memory_space<vmem>> -> memref<4096xf32, #tpu.memory_space<vmem>>
        %dma_start3A_273 = tpu.memref_slice %arg7[%add3A_252, %mul3A_2] : memref<16x131072xf32, #tpu.memory_space<hbm>> -> memref<1x4096xf32, #tpu.memory_space<hbm>>
        %dma_start3A_274 = tpu.memref_squeeze %dma_start3A_273 : memref<1x4096xf32, #tpu.memory_space<hbm>> -> memref<4096xf32, #tpu.memory_space<hbm>>
        %dma_start3A_275 = tpu.memref_slice %arg7[%add3A_252, %mul3A_2] : memref<16x131072xf32, #tpu.memory_space<hbm>> -> memref<1x4096xf32, #tpu.memory_space<hbm>>
        %dma_start3A_276 = tpu.memref_squeeze %dma_start3A_275 : memref<1x4096xf32, #tpu.memory_space<hbm>> -> memref<4096xf32, #tpu.memory_space<hbm>>
        %dma_start3A_277 = arith.constant 0 : i32
        %dma_start3A_278 = tpu.memref_slice %arg9[%run_scoped3A_253, %dma_start3A_277] : memref<8x4096xf32, #tpu.memory_space<vmem>> -> memref<1x4096xf32, #tpu.memory_space<vmem>>
        %dma_start3A_279 = tpu.memref_squeeze %dma_start3A_278 : memref<1x4096xf32, #tpu.memory_space<vmem>> -> memref<4096xf32, #tpu.memory_space<vmem>>
        tpu.enqueue_dma source(%dma_start3A_279 : memref<4096xf32, #tpu.memory_space<vmem>>) target(%dma_start3A_276 : memref<4096xf32, #tpu.memory_space<hbm>>) target_semaphore(%run_scoped3A_269 : memref<!tpu.dma_semaphore, #tpu.memory_space<semaphore_mem>>)
        %dma_wait3A = arith.constant 0 : i32
        %dma_wait3A_280 = tpu.memref_slice %arg9[%run_scoped3A_253, %dma_wait3A] : memref<8x4096xf32, #tpu.memory_space<vmem>> -> memref<1x4096xf32, #tpu.memory_space<vmem>>
        %dma_wait3A_281 = tpu.memref_squeeze %dma_wait3A_280 : memref<1x4096xf32, #tpu.memory_space<vmem>> -> memref<4096xf32, #tpu.memory_space<vmem>>
        %dma_wait3A_282 = tpu.memref_slice %arg7[%add3A_252, %mul3A_2] : memref<16x131072xf32, #tpu.memory_space<hbm>> -> memref<1x4096xf32, #tpu.memory_space<hbm>>
        %dma_wait3A_283 = tpu.memref_squeeze %dma_wait3A_282 : memref<1x4096xf32, #tpu.memory_space<hbm>> -> memref<4096xf32, #tpu.memory_space<hbm>>
        %dma_wait3A_284 = tpu.memref_slice %arg7[%add3A_252, %mul3A_2] : memref<16x131072xf32, #tpu.memory_space<hbm>> -> memref<1x4096xf32, #tpu.memory_space<hbm>>
        %dma_wait3A_285 = tpu.memref_squeeze %dma_wait3A_284 : memref<1x4096xf32, #tpu.memory_space<hbm>> -> memref<4096xf32, #tpu.memory_space<hbm>>
        %dma_wait3A_286 = arith.constant 0 : i32
        %dma_wait3A_287 = tpu.memref_slice %arg9[%run_scoped3A_253, %dma_wait3A_286] : memref<8x4096xf32, #tpu.memory_space<vmem>> -> memref<1x4096xf32, #tpu.memory_space<vmem>>
        %dma_wait3A_288 = tpu.memref_squeeze %dma_wait3A_287 : memref<1x4096xf32, #tpu.memory_space<vmem>> -> memref<4096xf32, #tpu.memory_space<vmem>>
        tpu.wait_dma2 semaphore(%run_scoped3A_269 : memref<!tpu.dma_semaphore, #tpu.memory_space<semaphore_mem>>) src(%dma_wait3A_288 : memref<4096xf32, #tpu.memory_space<vmem>>) dst(%dma_wait3A_285 : memref<4096xf32, #tpu.memory_space<hbm>>)
        tpu.yield
      }) : () -> ()
      %mul3A_254 = arith.constant 8 : i32
      %mul3A_255 = arith.muli %scan3A_7, %mul3A_254 : i32
      %add3A_256 = arith.constant 5 : i32
      %add3A_257 = arith.addi %mul3A_255, %add3A_256 : i32
      %run_scoped3A_258 = arith.constant 5 : i32
      "tpu.region"() ({
        %run_scoped3A_269 = tpu.sem_alloc : memref<!tpu.dma_semaphore, #tpu.memory_space<semaphore_mem>>
        %dma_start3A_270 = arith.constant 0 : i32
        %dma_start3A_271 = tpu.memref_slice %arg9[%run_scoped3A_258, %dma_start3A_270] : memref<8x4096xf32, #tpu.memory_space<vmem>> -> memref<1x4096xf32, #tpu.memory_space<vmem>>
        %dma_start3A_272 = tpu.memref_squeeze %dma_start3A_271 : memref<1x4096xf32, #tpu.memory_space<vmem>> -> memref<4096xf32, #tpu.memory_space<vmem>>
        %dma_start3A_273 = tpu.memref_slice %arg7[%add3A_257, %mul3A_2] : memref<16x131072xf32, #tpu.memory_space<hbm>> -> memref<1x4096xf32, #tpu.memory_space<hbm>>
        %dma_start3A_274 = tpu.memref_squeeze %dma_start3A_273 : memref<1x4096xf32, #tpu.memory_space<hbm>> -> memref<4096xf32, #tpu.memory_space<hbm>>
        %dma_start3A_275 = tpu.memref_slice %arg7[%add3A_257, %mul3A_2] : memref<16x131072xf32, #tpu.memory_space<hbm>> -> memref<1x4096xf32, #tpu.memory_space<hbm>>
        %dma_start3A_276 = tpu.memref_squeeze %dma_start3A_275 : memref<1x4096xf32, #tpu.memory_space<hbm>> -> memref<4096xf32, #tpu.memory_space<hbm>>
        %dma_start3A_277 = arith.constant 0 : i32
        %dma_start3A_278 = tpu.memref_slice %arg9[%run_scoped3A_258, %dma_start3A_277] : memref<8x4096xf32, #tpu.memory_space<vmem>> -> memref<1x4096xf32, #tpu.memory_space<vmem>>
        %dma_start3A_279 = tpu.memref_squeeze %dma_start3A_278 : memref<1x4096xf32, #tpu.memory_space<vmem>> -> memref<4096xf32, #tpu.memory_space<vmem>>
        tpu.enqueue_dma source(%dma_start3A_279 : memref<4096xf32, #tpu.memory_space<vmem>>) target(%dma_start3A_276 : memref<4096xf32, #tpu.memory_space<hbm>>) target_semaphore(%run_scoped3A_269 : memref<!tpu.dma_semaphore, #tpu.memory_space<semaphore_mem>>)
        %dma_wait3A = arith.constant 0 : i32
        %dma_wait3A_280 = tpu.memref_slice %arg9[%run_scoped3A_258, %dma_wait3A] : memref<8x4096xf32, #tpu.memory_space<vmem>> -> memref<1x4096xf32, #tpu.memory_space<vmem>>
        %dma_wait3A_281 = tpu.memref_squeeze %dma_wait3A_280 : memref<1x4096xf32, #tpu.memory_space<vmem>> -> memref<4096xf32, #tpu.memory_space<vmem>>
        %dma_wait3A_282 = tpu.memref_slice %arg7[%add3A_257, %mul3A_2] : memref<16x131072xf32, #tpu.memory_space<hbm>> -> memref<1x4096xf32, #tpu.memory_space<hbm>>
        %dma_wait3A_283 = tpu.memref_squeeze %dma_wait3A_282 : memref<1x4096xf32, #tpu.memory_space<hbm>> -> memref<4096xf32, #tpu.memory_space<hbm>>
        %dma_wait3A_284 = tpu.memref_slice %arg7[%add3A_257, %mul3A_2] : memref<16x131072xf32, #tpu.memory_space<hbm>> -> memref<1x4096xf32, #tpu.memory_space<hbm>>
        %dma_wait3A_285 = tpu.memref_squeeze %dma_wait3A_284 : memref<1x4096xf32, #tpu.memory_space<hbm>> -> memref<4096xf32, #tpu.memory_space<hbm>>
        %dma_wait3A_286 = arith.constant 0 : i32
        %dma_wait3A_287 = tpu.memref_slice %arg9[%run_scoped3A_258, %dma_wait3A_286] : memref<8x4096xf32, #tpu.memory_space<vmem>> -> memref<1x4096xf32, #tpu.memory_space<vmem>>
        %dma_wait3A_288 = tpu.memref_squeeze %dma_wait3A_287 : memref<1x4096xf32, #tpu.memory_space<vmem>> -> memref<4096xf32, #tpu.memory_space<vmem>>
        tpu.wait_dma2 semaphore(%run_scoped3A_269 : memref<!tpu.dma_semaphore, #tpu.memory_space<semaphore_mem>>) src(%dma_wait3A_288 : memref<4096xf32, #tpu.memory_space<vmem>>) dst(%dma_wait3A_285 : memref<4096xf32, #tpu.memory_space<hbm>>)
        tpu.yield
      }) : () -> ()
      %mul3A_259 = arith.constant 8 : i32
      %mul3A_260 = arith.muli %scan3A_7, %mul3A_259 : i32
      %add3A_261 = arith.constant 6 : i32
      %add3A_262 = arith.addi %mul3A_260, %add3A_261 : i32
      %run_scoped3A_263 = arith.constant 6 : i32
      "tpu.region"() ({
        %run_scoped3A_269 = tpu.sem_alloc : memref<!tpu.dma_semaphore, #tpu.memory_space<semaphore_mem>>
        %dma_start3A_270 = arith.constant 0 : i32
        %dma_start3A_271 = tpu.memref_slice %arg9[%run_scoped3A_263, %dma_start3A_270] : memref<8x4096xf32, #tpu.memory_space<vmem>> -> memref<1x4096xf32, #tpu.memory_space<vmem>>
        %dma_start3A_272 = tpu.memref_squeeze %dma_start3A_271 : memref<1x4096xf32, #tpu.memory_space<vmem>> -> memref<4096xf32, #tpu.memory_space<vmem>>
        %dma_start3A_273 = tpu.memref_slice %arg7[%add3A_262, %mul3A_2] : memref<16x131072xf32, #tpu.memory_space<hbm>> -> memref<1x4096xf32, #tpu.memory_space<hbm>>
        %dma_start3A_274 = tpu.memref_squeeze %dma_start3A_273 : memref<1x4096xf32, #tpu.memory_space<hbm>> -> memref<4096xf32, #tpu.memory_space<hbm>>
        %dma_start3A_275 = tpu.memref_slice %arg7[%add3A_262, %mul3A_2] : memref<16x131072xf32, #tpu.memory_space<hbm>> -> memref<1x4096xf32, #tpu.memory_space<hbm>>
        %dma_start3A_276 = tpu.memref_squeeze %dma_start3A_275 : memref<1x4096xf32, #tpu.memory_space<hbm>> -> memref<4096xf32, #tpu.memory_space<hbm>>
        %dma_start3A_277 = arith.constant 0 : i32
        %dma_start3A_278 = tpu.memref_slice %arg9[%run_scoped3A_263, %dma_start3A_277] : memref<8x4096xf32, #tpu.memory_space<vmem>> -> memref<1x4096xf32, #tpu.memory_space<vmem>>
        %dma_start3A_279 = tpu.memref_squeeze %dma_start3A_278 : memref<1x4096xf32, #tpu.memory_space<vmem>> -> memref<4096xf32, #tpu.memory_space<vmem>>
        tpu.enqueue_dma source(%dma_start3A_279 : memref<4096xf32, #tpu.memory_space<vmem>>) target(%dma_start3A_276 : memref<4096xf32, #tpu.memory_space<hbm>>) target_semaphore(%run_scoped3A_269 : memref<!tpu.dma_semaphore, #tpu.memory_space<semaphore_mem>>)
        %dma_wait3A = arith.constant 0 : i32
        %dma_wait3A_280 = tpu.memref_slice %arg9[%run_scoped3A_263, %dma_wait3A] : memref<8x4096xf32, #tpu.memory_space<vmem>> -> memref<1x4096xf32, #tpu.memory_space<vmem>>
        %dma_wait3A_281 = tpu.memref_squeeze %dma_wait3A_280 : memref<1x4096xf32, #tpu.memory_space<vmem>> -> memref<4096xf32, #tpu.memory_space<vmem>>
        %dma_wait3A_282 = tpu.memref_slice %arg7[%add3A_262, %mul3A_2] : memref<16x131072xf32, #tpu.memory_space<hbm>> -> memref<1x4096xf32, #tpu.memory_space<hbm>>
        %dma_wait3A_283 = tpu.memref_squeeze %dma_wait3A_282 : memref<1x4096xf32, #tpu.memory_space<hbm>> -> memref<4096xf32, #tpu.memory_space<hbm>>
        %dma_wait3A_284 = tpu.memref_slice %arg7[%add3A_262, %mul3A_2] : memref<16x131072xf32, #tpu.memory_space<hbm>> -> memref<1x4096xf32, #tpu.memory_space<hbm>>
        %dma_wait3A_285 = tpu.memref_squeeze %dma_wait3A_284 : memref<1x4096xf32, #tpu.memory_space<hbm>> -> memref<4096xf32, #tpu.memory_space<hbm>>
        %dma_wait3A_286 = arith.constant 0 : i32
        %dma_wait3A_287 = tpu.memref_slice %arg9[%run_scoped3A_263, %dma_wait3A_286] : memref<8x4096xf32, #tpu.memory_space<vmem>> -> memref<1x4096xf32, #tpu.memory_space<vmem>>
        %dma_wait3A_288 = tpu.memref_squeeze %dma_wait3A_287 : memref<1x4096xf32, #tpu.memory_space<vmem>> -> memref<4096xf32, #tpu.memory_space<vmem>>
        tpu.wait_dma2 semaphore(%run_scoped3A_269 : memref<!tpu.dma_semaphore, #tpu.memory_space<semaphore_mem>>) src(%dma_wait3A_288 : memref<4096xf32, #tpu.memory_space<vmem>>) dst(%dma_wait3A_285 : memref<4096xf32, #tpu.memory_space<hbm>>)
        tpu.yield
      }) : () -> ()
      %mul3A_264 = arith.constant 8 : i32
      %mul3A_265 = arith.muli %scan3A_7, %mul3A_264 : i32
      %add3A_266 = arith.constant 7 : i32
      %add3A_267 = arith.addi %mul3A_265, %add3A_266 : i32
      %run_scoped3A_268 = arith.constant 7 : i32
      "tpu.region"() ({
        %run_scoped3A_269 = tpu.sem_alloc : memref<!tpu.dma_semaphore, #tpu.memory_space<semaphore_mem>>
        %dma_start3A_270 = arith.constant 0 : i32
        %dma_start3A_271 = tpu.memref_slice %arg9[%run_scoped3A_268, %dma_start3A_270] : memref<8x4096xf32, #tpu.memory_space<vmem>> -> memref<1x4096xf32, #tpu.memory_space<vmem>>
        %dma_start3A_272 = tpu.memref_squeeze %dma_start3A_271 : memref<1x4096xf32, #tpu.memory_space<vmem>> -> memref<4096xf32, #tpu.memory_space<vmem>>
        %dma_start3A_273 = tpu.memref_slice %arg7[%add3A_267, %mul3A_2] : memref<16x131072xf32, #tpu.memory_space<hbm>> -> memref<1x4096xf32, #tpu.memory_space<hbm>>
        %dma_start3A_274 = tpu.memref_squeeze %dma_start3A_273 : memref<1x4096xf32, #tpu.memory_space<hbm>> -> memref<4096xf32, #tpu.memory_space<hbm>>
        %dma_start3A_275 = tpu.memref_slice %arg7[%add3A_267, %mul3A_2] : memref<16x131072xf32, #tpu.memory_space<hbm>> -> memref<1x4096xf32, #tpu.memory_space<hbm>>
        %dma_start3A_276 = tpu.memref_squeeze %dma_start3A_275 : memref<1x4096xf32, #tpu.memory_space<hbm>> -> memref<4096xf32, #tpu.memory_space<hbm>>
        %dma_start3A_277 = arith.constant 0 : i32
        %dma_start3A_278 = tpu.memref_slice %arg9[%run_scoped3A_268, %dma_start3A_277] : memref<8x4096xf32, #tpu.memory_space<vmem>> -> memref<1x4096xf32, #tpu.memory_space<vmem>>
        %dma_start3A_279 = tpu.memref_squeeze %dma_start3A_278 : memref<1x4096xf32, #tpu.memory_space<vmem>> -> memref<4096xf32, #tpu.memory_space<vmem>>
        tpu.enqueue_dma source(%dma_start3A_279 : memref<4096xf32, #tpu.memory_space<vmem>>) target(%dma_start3A_276 : memref<4096xf32, #tpu.memory_space<hbm>>) target_semaphore(%run_scoped3A_269 : memref<!tpu.dma_semaphore, #tpu.memory_space<semaphore_mem>>)
        %dma_wait3A = arith.constant 0 : i32
        %dma_wait3A_280 = tpu.memref_slice %arg9[%run_scoped3A_268, %dma_wait3A] : memref<8x4096xf32, #tpu.memory_space<vmem>> -> memref<1x4096xf32, #tpu.memory_space<vmem>>
        %dma_wait3A_281 = tpu.memref_squeeze %dma_wait3A_280 : memref<1x4096xf32, #tpu.memory_space<vmem>> -> memref<4096xf32, #tpu.memory_space<vmem>>
        %dma_wait3A_282 = tpu.memref_slice %arg7[%add3A_267, %mul3A_2] : memref<16x131072xf32, #tpu.memory_space<hbm>> -> memref<1x4096xf32, #tpu.memory_space<hbm>>
        %dma_wait3A_283 = tpu.memref_squeeze %dma_wait3A_282 : memref<1x4096xf32, #tpu.memory_space<hbm>> -> memref<4096xf32, #tpu.memory_space<hbm>>
        %dma_wait3A_284 = tpu.memref_slice %arg7[%add3A_267, %mul3A_2] : memref<16x131072xf32, #tpu.memory_space<hbm>> -> memref<1x4096xf32, #tpu.memory_space<hbm>>
        %dma_wait3A_285 = tpu.memref_squeeze %dma_wait3A_284 : memref<1x4096xf32, #tpu.memory_space<hbm>> -> memref<4096xf32, #tpu.memory_space<hbm>>
        %dma_wait3A_286 = arith.constant 0 : i32
        %dma_wait3A_287 = tpu.memref_slice %arg9[%run_scoped3A_268, %dma_wait3A_286] : memref<8x4096xf32, #tpu.memory_space<vmem>> -> memref<1x4096xf32, #tpu.memory_space<vmem>>
        %dma_wait3A_288 = tpu.memref_squeeze %dma_wait3A_287 : memref<1x4096xf32, #tpu.memory_space<vmem>> -> memref<4096xf32, #tpu.memory_space<vmem>>
        tpu.wait_dma2 semaphore(%run_scoped3A_269 : memref<!tpu.dma_semaphore, #tpu.memory_space<semaphore_mem>>) src(%dma_wait3A_288 : memref<4096xf32, #tpu.memory_space<vmem>>) dst(%dma_wait3A_285 : memref<4096xf32, #tpu.memory_space<hbm>>)
        tpu.yield
      }) : () -> ()
    }
    %scan3A_6 = arith.constant 2 : i32
    return
  }
}

</mosaic_0001>

<sc_bundles>
// kernel: kernel.3.cloned.1.call-start
scs
__scs_entry_jumppad:
0x0: {  	(pc) =	sbr.rel $0x88, $3  }
0x1: {  	(tag) =	ssettag $0x0;
	lr =	simm.s32 $0x1  }
0x2: {  	[smem:$0x3F9C] =	sst lr;
	_ =	strace $0xD0000000  }
0x3: {  	_ = 	snop  }
0x4: {  	_ = 	snop  }
0x5: {  	_ = 	snop  }
0x6: {  	_ = 	snop  }
0x7: {  	_ = 	snop  }
__scs_overlays_trampoline_lowered:
0x8: {  	[smem:$0x3FAB] =	sst s0  }
0x9: {  	[smem:$0x3FAC] =	sst s1  }
0xa: {  	[smem:$0x3FAD] =	sst s2  }
0xb: {  	[smem:$0x3FAE] =	sst s3  }
0xc: {  	[smem:$0x3FAF] =	sst s4  }
0xd: {  	[smem:$0x3FB0] =	sst s5  }
0xe: {  	[smem:$0x3FB1] =	sst s6  }
0xf: {  	[smem:$0x3FB2] =	sst s7  }
0x10: {  	[smem:$0x3FB3] =	sst s8  }
0x11: {  	[smem:$0x3FB4] =	sst s9;
	s0 =	simm.s32 @!p0 $0x0  }
0x12: {  	s1 =	sld [smem:$0x3F9A];
	s0 =	simm.s32 @p0 $0x1  }
0x13: {  	[smem:$0x3FB5] =	sst s0;
	s0 =	simm.s32 @!p1 $0x0  }
0x14: {  	s2 =	sld [smem:$0x3F99];
	s0 =	simm.s32 @p1 $0x1  }
0x15: {  	[smem:$0x3FB6] =	sst s0;
	s0 =	simm.s32 @!p2 $0x0  }
0x16: {  	s3 =	sld [smem:$0x3FDB];
	s0 =	simm.s32 @p2 $0x1  }
0x17: {  	s4 =	simm.s32 $0x1BF5;
	[smem:$0x3FB8] =	sst s0  }
0x18: {  	s0 =	sld [smem:$0x3F9B];
	_ =	swait.ge [sflag:s4], $0x0  }
0x19: {  	s7 =	sld [smem:$0x3F9C]  }
0x1a: {  	s8 =	sadd.s32 $0xFFFFE003, lr  }
0x1b: {  	s9 =	sadd.s32 $0xFFFFFEF7, lr;
	s5 =	simm.s32 $0xFFFFFFFF;
	p2 =	slt.u32 s8, $0xFFFFF086  }
0x1c: {  	p1 =	slt.u32 s9, $0xF7A;
	s5 =	simm.s32 @!p2 $0x0  }
0x1d: {  	s5 =	simm.s32 @p1 $0x1;
	p0 =	seq.s32 s7, s2  }
0x1e: {  	s7 =	smul.u32 @!p0 $0xF7A, s2;
	p2 =	seq.s32 @!p0 s5, $0x0  }
0x1f: {  	s9 =	smul.u32 $0xF7A, s1;
	s8 =	simm.s32 @!p0 $0x1BF5;
	p2 =	por !p2, p0  }
0x20: {  	[sflag:s8] =	ssyncset.s32 @!p0 $0xFFFFF086;
	s6 =	sadd.s32 @!p0 s3, s7;
	s7 =	simm.s32 @!p0 $0x108  }
0x21: {  	s3 =	sadd.s32 s3, s9;
	s6 =	sadd.s32 @!p0 $0x88, s6;
	s7 =	simm.s32 @p2 $0x1082  }
0x22: {  	[simem:s7], [sflag:s8] =	dma.local @!p0 [hbm:s6], $0xF7A  }
0x23: {  	s9 =	sor.u32 $0xD0000000, s2;
	s6 =	simm.s32 $0x108;
	_ =	swait.ge @!p0 [sflag:s8], $0x0  }
0x24: {  	s3 =	sadd.s32 $0x88, s3;
	s6 =	simm.s32 @!p1 $0x1082;
	[sflag:s4] =	ssyncset.s32 $0xFFFFF086  }
0x25: {  	[simem:s6], [sflag:s4] =	dma.local [hbm:s3], $0xF7A  }
0x26: {  	[smem:$0x3F9C] =	sst s1;
	(tag) =	ssettag s2;
	_ =	strace s9  }
0x27: {  	s1 =	sld [smem:$0x3FAC]  }
0x28: {  	s2 =	sld [smem:$0x3FAD]  }
0x29: {  	s4 =	sld [smem:$0x3FAF]  }
0x2a: {  	p0 =	seq.s32 s5, $0x0;
	s5 =	sld [smem:$0x3FB0]  }
0x2b: {  	s6 =	sld [smem:$0x3FB1]  }
0x2c: {  	s7 =	sld [smem:$0x3FB2]  }
0x2d: {  	s3 =	simm.s32 $0x108;
	s8 =	sld [smem:$0x3FB3]  }
0x2e: {  	s3 =	simm.s32 @!p0 $0x1082;
	s9 =	sld [smem:$0x3FB4]  }
0x2f: {  	lr =	sadd.s32 s0, s3;
	s0 =	sld [smem:$0x3FAB]  }
0x30: {  	s3 =	sld [smem:$0x3FAE]  }
0x31: {  	[smem:$0x3FB7] =	sst s10  }
0x32: {  	s10 =	sld [smem:$0x3FB5];
	_ =	sdelay $0x3  }
0x33: {  	p0 =	seq.s32 s10, $0x1;
	s10 =	sld [smem:$0x3FB7];
	_ =	sdelay $0x3  }
0x34: {  	[smem:$0x3FB7] =	sst s10  }
0x35: {  	s10 =	sld [smem:$0x3FB6];
	_ =	sdelay $0x3  }
0x36: {  	p1 =	seq.s32 s10, $0x1;
	s10 =	sld [smem:$0x3FB7];
	_ =	sdelay $0x3  }
0x37: {  	[smem:$0x3FB7] =	sst s10  }
0x38: {  	s10 =	sld [smem:$0x3FB8]  }
0x39: {  	_ = 	snop;
	(pc) =	sbr.ind lr, $3  }
0x3a: {  	_ = 	snop  }
0x3b: {  	_ = 	snop  }
0x3c: {  	p2 =	seq.s32 s10, $0x1;
	s10 =	sld [smem:$0x3FB7]  }
0x3d: {  	_ =	shalt  }
0x3e: {  	_ =	shalt  }
0x3f: {  	_ =	shalt  }
0x40: {  	_ =	shalt  }
0x41: {  	_ =	shalt  }
0x42: {  	_ =	shalt  }
0x43: {  	_ =	shalt  }
0x44: {  	_ =	shalt  }
0x45: {  	_ =	shalt  }
0x46: {  	_ =	shalt  }
0x47: {  	_ =	shalt  }
0x48: {  	_ =	shalt  }
0x49: {  	_ =	shalt  }
0x4a: {  	_ =	shalt  }
0x4b: {  	_ =	shalt  }
0x4c: {  	_ =	shalt  }
0x4d: {  	_ =	shalt  }
0x4e: {  	_ =	shalt  }
0x4f: {  	_ =	shalt  }
0x50: {  	_ =	shalt  }
0x51: {  	_ =	shalt  }
0x52: {  	_ =	shalt  }
0x53: {  	_ =	shalt  }
0x54: {  	_ =	shalt  }
0x55: {  	_ =	shalt  }
0x56: {  	_ =	shalt  }
0x57: {  	_ =	shalt  }
0x58: {  	_ =	shalt  }
0x59: {  	_ =	shalt  }
0x5a: {  	_ =	shalt  }
0x5b: {  	_ =	shalt  }
0x5c: {  	_ =	shalt  }
0x5d: {  	_ =	shalt  }
0x5e: {  	_ =	shalt  }
0x5f: {  	_ =	shalt  }
0x60: {  	_ =	shalt  }
0x61: {  	_ =	shalt  }
0x62: {  	_ =	shalt  }
0x63: {  	_ =	shalt  }
0x64: {  	_ =	shalt  }
0x65: {  	_ =	shalt  }
0x66: {  	_ =	shalt  }
0x67: {  	_ =	shalt  }
0x68: {  	_ =	shalt  }
0x69: {  	_ =	shalt  }
0x6a: {  	_ =	shalt  }
0x6b: {  	_ =	shalt  }
0x6c: {  	_ =	shalt  }
0x6d: {  	_ =	shalt  }
0x6e: {  	_ =	shalt  }
0x6f: {  	_ =	shalt  }
0x70: {  	_ =	shalt  }
0x71: {  	_ =	shalt  }
0x72: {  	_ =	shalt  }
0x73: {  	_ =	shalt  }
0x74: {  	_ =	shalt  }
0x75: {  	_ =	shalt  }
0x76: {  	_ =	shalt  }
0x77: {  	_ =	shalt  }
0x78: {  	_ =	shalt  }
0x79: {  	_ =	shalt  }
0x7a: {  	_ =	shalt  }
0x7b: {  	_ =	shalt  }
0x7c: {  	_ =	shalt  }
0x7d: {  	_ =	shalt  }
0x7e: {  	_ =	shalt  }
0x7f: {  	_ =	shalt  }
0x80: {  	_ =	shalt  }
0x81: {  	_ =	shalt  }
0x82: {  	_ =	shalt  }
0x83: {  	_ =	shalt  }
0x84: {  	_ =	shalt  }
0x85: {  	_ =	shalt  }
0x86: {  	_ =	shalt  }
0x87: {  	_ =	shalt  }
.Lfunc_end0:
.L_simem_size_0:
called_computation.2_lowered:
.L_overlay_start_0:
0x88: {  	s2 =	sld [smem:$0x3FD9]  }
0x89: {  	s3 =	sld [smem:$0x3FFE];
	_ =	sdelay $0x1  }
0x8a: {  	s1 =	srdreg.scid  }
0x8b: {  	s0 =	sand.u32 $0x1, s1  }
0x8c: {  	s17 =	sshll.u32 s0, $0xA;
	s2 =	sadd.s32 s3, s2  }
0x8d: {  	s2 =	sadd.s32 s2, s17  }
0x8e: {  	[smem:$0x3FC3] =	sst s2  }
0x8f: {  	_ = 	snop  }
0x90: {  	s2 =	sld [smem:$0x3FC5]  }
0x91: {  	s18 =	sld [smem:$0x3FD0];
	(tm) =	ssettm $0x1  }
0x92: {  	s4 =	sld [smem:$0x3FFB];
	_ =	sdelay $0x3  }
0x93: {  	_ =	strace s4  }
0x94: {  	s4 =	sld [smem:$0x3FFC];
	_ =	sdelay $0x3  }
0x95: {  	_ =	strace s4  }
0x96: {  	s4 =	sld [smem:$0x3FFD];
	_ =	sdelay $0x3  }
0x97: {  	_ =	strace s4  }
0x98: {  	_ =	strace $0x8FFFFFFF  }
0x99: {  	s19 =	sld [smem:$0x3FDB];
	_ =	sdelay $0x1  }
0x9a: {  	s5 =	simm.s32 $_scs_section_size  }
0x9b: {  	s6 =	simm.s32 $_size__tile_overlayer_lowered;
	s7 =	simm.s32 $_tile_overlayer_lowered  }
0x9c: {  	s22 =	simm.s32 $0x1BFF;
	s21 =	sshll.u32 s7, $0x1;
	s4 =	sadd.s32 s5, s19  }
0x9d: {  	s8 =	simm.s32 $0x0;
	s20 =	sshll.u32 s6, $0x1;
	s6 =	sadd.s32 s21, s4  }
0x9e: {  	[timem:s8], [sflag:s22] =	dma.local [hbm:s6], s20  }
0x9f: {  	_ =	swait.ge [sflag:s22], s20  }
0xa0: {  	s5 =	ssub.s32 $0x0, s20;
	[sflag:s22] =	ssyncset.done $0x0  }
0xa1: {  	[sflag:s22] =	ssyncadd.s32 s5;
	_ =	sdelay $0x1  }
0xa2: {  	s23 =	simm.s32 $0x1B8B  }
0xa3: {  	_ =	swait.ge [sflag:s23], $0x1  }
0xa4: {  	[sflag:s23] =	ssyncset.done $0x0  }
0xa5: {  	s25 =	simm.s32 $0x1B8E;
	s24 =	sld [smem:$0x3FFE];
	[sflag:s23] =	ssyncadd.s32 $0xFFFFFFFF  }
0xa6: {  	s26 =	simm.s32 $execute0_lowered;
	[smem:$0x3FD2] =	sst s25  }
0xa7: {  	s6 =	sshll.u32 s26, $0x1;
	_ =	strace $0x8000004C;
	[dreg:$0x1] =	wrdreg $0xFFFFFFFF  }
0xa8: {  	s28 =	simm.s32 $_size_execute0_lowered;
	s4 =	sadd.s32 s4, s6;
	[dreg:$0x0] =	wrdreg $0x0  }
0xa9: {  	s6 =	sshll.u32 s28, $0x1;
	[dreg:$0x2] =	wrdreg s4  }
0xaa: {  	[dreg:$0x3] =	wrdreg s6  }
0xab: {  	[dreg:$0x4] =	wrdreg $0xC0  }
0xac: {  	_ =	task [dreg:s8], $0x5FFFF  }
0xad: {  	[dreg:$0x1] =	wrdreg $0xFFFFFFFF  }
0xae: {  	[dreg:$0x0] =	wrdreg $0x60  }
0xaf: {  	[dreg:$0x2] =	wrdreg s18  }
0xb0: {  	[dreg:$0x3] =	wrdreg s24  }
0xb1: {  	[dreg:$0x4] =	wrdreg s2  }
0xb2: {  	[dreg:$0x5] =	wrdreg $0x9  }
0xb3: {  	_ =	task.clear_ibuf [dreg:s8], $0x6FFFF;
	_ =	strace $0x9000004C  }
0xb4: {  	s29 =	simm.s32 $0x9;
	_ =	strace $0x8000004E  }
0xb5: {  	_ =	swait.ge [sflag:s29], $0x1  }
0xb6: {  	[sflag:s29] =	ssyncadd.s32 $0xFFFFFFFF  }
0xb7: {  	_ =	strace $0x9000004E  }
0xb8: {  	_ =	sfence  }
0xb9: {  	s30 =	sld [smem:$0x0];
	_ =	sdelay $0x2  }
0xba: {  	s31 =	sshll.u32 s1, $0xD;
	s1 =	sshrl.u32 s1, $0x2  }
0xbb: {  	s3 =	sand.u32 $0x4000, s31;
	s1 =	sadd.s32 s1, s30  }
0xbc: {  	s0 =	sor.u32 s3, s0;
	s1 =	sshll.u32 s1, $0x11  }
0xbd: {  	s0 =	sor.u32 s1, s0  }
0xbe: {  	s0 =	sadd.s32 $0x8F2B, s0  }
0xbf: {  	[sflag:s0] =	ssyncadd.remote.s32 $0x1  }
0xc0: {  	_ =	sfence.sel $0xFFFF  }
0xc1: {  	[dreg:$0x0] =	wrdreg $0xFFFFFFFF;
	(pc) =	sbr.abs _section_cstart, $3  }
0xc2: {  	[dreg:$0x1] =	wrdreg $0xFFFFFFFF  }
0xc3: {  	_ =	task.clear_ibuf [dreg:s8], $0x2FFFF;
	_ =	strace $0x9FFFFFFF  }
0xc4: {  	(tm) =	ssettm $0x7FFFFFFF  }
0xc5: {  	_ =	shalt  }
tec
execute0_lowered:
.L_overlay_start_1:
0x0: {  	(tag) =	ssettag $0x1  }
0x1: {  	s1 =	rddreg [dreg:$0x0]  }
0x2: {  	s0 =	rddreg [dreg:$0x1];
	s4 =	simm.s32 $0x0;
	s2 =	srdreg.scid  }
0x3: {  	s6 =	stileid.u32;
	s16 =	simm.s32 $0x1C200;
	s17 =	simm.s32 $0x3  }
0x4: {  	s18 =	simm.s32 $0x1;
	s19 =	simm.s32 $0x80;
	s20 =	simm.s32 $0x400  }
0x5: {  	s21 =	simm.s32 $0x10000;
	s22 =	simm.s32 $0x14100;
	s23 =	simm.s32 $0x2  }
0x6: {  	[smem:$0x7FF] =	sst s4;
	s7 =	sshll.u32 s6, $0xF;
	s6 =	sadd.s32 $0x201E00, s0  }
0x7: {  	s2 =	sand.u32 $0x1, s2;
	s8 =	sadd.s32 $0x401E00, s0;
	s9 =	sadd.s32 $0x483E00, s0  }
0x8: {  	s5 =	sadd.s32 $0x1E00, s0;
	s0 =	sadd.s32 $0x401E10, s0;
	s3 =	sshll.u32 s2, $0x13  }
0x9: {  	_ =	strace $0x8000004D;
	s2 =	ssub.s32 $0x2, s2;
	s7 =	sor.u32 s7, s3  }
0xa: {  	[dreg:$0x4] =	wrdreg s0;
	s29 =	sshrl.u32 s2, $0x1;
	s12 =	sshrl.u32 s7, $0x3  }
0xb: {  	s2 =	ssub.s32 s2, s29;
	s10 =	sadd.s32 s5, s12;
	s11 =	sadd.s32 s6, s12  }
0xc: {  	s30 =	sor.u32 $0x10, s12;
	s31 =	smax.u32 s2, $0x1;
	s2 =	simm.s32 $0x0  }
0xd: {  	v0 =	vimm.f32 $0.0e+00;
	s13 =	sadd.s32 s5, s30;
	s14 =	sadd.s32 s6, s30;
	[dreg:$0x5] =	wrdreg s31  }
.LBB2_1:
0xe: {  	[dreg:$0x6] =	wrdreg s2  }
0xf: {  	s0 =	rddreg [dreg:$0x2]  }
0x10: {  	[tilespmem:s16], [sflag:$0x3] =	stream.linear.gather [hbm4b:s0+s4], $0x80, $0x38;
	[tilespmem:$0x1C280] =	vst v63  }
0x11: {  	_ =	swait.ge [sflag:s17], $0x80  }
0x12: {  	[sflag:s17] =	ssyncset.done $0x0  }
0x13: {  	p1 =	por $0x1, $0x1;
	s2 =	simm.s32 $0x0;
	[sflag:s17] =	ssyncadd.s32 $0xFFFFFF80  }
.LBB2_2:
0x14: {  	s0 =	sshll.u32 s2, $0x14  }
0x15: {  	s0 =	sor.u32 s7, s0  }
0x16: {  	s25 =	sshrl.u32 s0, $0x3  }
0x17: {  	s3 =	simm.s32 $0x0;
	p0 =	por p1, p1;
	s0 =	sadd.s32 s1, s25  }
0x18: {  	s12 =	simm.s32 $0x80;
	s15 =	simm.s32 $0x400;
	s24 =	sadd.s32 $0x0, s0  }
.LBB2_3:
0x19: {  	[tilespmem:s3], [sflag:$0x3] =	stream.linear.gather [hbm4b:s24+s4], $0x80, $0x38;
	[tilespmem:$0x1C280] =	vst v63  }
0x1a: {  	s24 =	smov.u32 s12;
	s3 =	smov.u32 s15;
	p1 =	sne.s32 s12, $0xF80  }
.Ltmp0:
0x1b: {  	s12 =	sadd.s32 $0x80, s12;
	(pc) =	sbr.rel @p1 .LBB2_3-.Ltmp0, $2  }
0x1c: {  	_ =	sdelay $0x2  }
0x1d: {  	s15 =	sadd.s32 $0x400, s15;
	s24 =	sadd.s32 s24, s0  }
0x1e: {  	[tilespmem:s3], [sflag:$0x3] =	stream.linear.gather [hbm4b:s24+s4], $0x80, $0x38;
	[tilespmem:$0x1C280] =	vst v63  }
0x1f: {  	s0 =	sor.u32 $0x10, s25  }
0x20: {  	s3 =	simm.s32 $0x80;
	s12 =	simm.s32 $0x80;
	_ =	swait.ge [sflag:s17], $0x1000  }
0x21: {  	[dreg:$0x8] =	wrdreg s0;
	s0 =	sadd.s32 s1, s0;
	[sflag:s17] =	ssyncset.done $0x0  }
0x22: {  	s15 =	simm.s32 $0x480;
	s24 =	sadd.s32 $0x0, s0;
	[sflag:s17] =	ssyncadd.s32 $0xFFFFF000  }
.LBB2_5:
0x23: {  	[tilespmem:s3], [sflag:$0x3] =	stream.linear.gather [hbm4b:s24+s4], $0x80, $0x38;
	[tilespmem:$0x1C280] =	vst v63  }
0x24: {  	s24 =	smov.u32 s12;
	s3 =	smov.u32 s15;
	p1 =	sne.s32 s12, $0xF80  }
.Ltmp1:
0x25: {  	s12 =	sadd.s32 $0x80, s12;
	(pc) =	sbr.rel @p1 .LBB2_5-.Ltmp1, $2  }
0x26: {  	_ =	sdelay $0x2  }
0x27: {  	s15 =	sadd.s32 $0x400, s15;
	s24 =	sadd.s32 s24, s0  }
0x28: {  	[tilespmem:s3], [sflag:$0x3] =	stream.linear.gather [hbm4b:s24+s4], $0x80, $0x38;
	[tilespmem:$0x1C280] =	vst v63  }
0x29: {  	s0 =	sor.u32 $0x20, s25  }
0x2a: {  	s3 =	simm.s32 $0x100;
	s12 =	simm.s32 $0x80;
	_ =	swait.ge [sflag:s17], $0x1000  }
0x2b: {  	[dreg:$0x9] =	wrdreg s0;
	s0 =	sadd.s32 s1, s0;
	[sflag:s17] =	ssyncset.done $0x0  }
0x2c: {  	s15 =	simm.s32 $0x500;
	s24 =	sadd.s32 $0x0, s0;
	[sflag:s17] =	ssyncadd.s32 $0xFFFFF000  }
.LBB2_7:
0x2d: {  	[tilespmem:s3], [sflag:$0x3] =	stream.linear.gather [hbm4b:s24+s4], $0x80, $0x38;
	[tilespmem:$0x1C280] =	vst v63  }
0x2e: {  	s24 =	smov.u32 s12;
	s3 =	smov.u32 s15;
	p1 =	sne.s32 s12, $0xF80  }
.Ltmp2:
0x2f: {  	s12 =	sadd.s32 $0x80, s12;
	(pc) =	sbr.rel @p1 .LBB2_7-.Ltmp2, $2  }
0x30: {  	_ =	sdelay $0x2  }
0x31: {  	s15 =	sadd.s32 $0x400, s15;
	s24 =	sadd.s32 s24, s0  }
0x32: {  	[tilespmem:s3], [sflag:$0x3] =	stream.linear.gather [hbm4b:s24+s4], $0x80, $0x38;
	[tilespmem:$0x1C280] =	vst v63  }
0x33: {  	s0 =	sor.u32 $0x30, s25  }
0x34: {  	s3 =	simm.s32 $0x180;
	s12 =	simm.s32 $0x80;
	_ =	swait.ge [sflag:s17], $0x1000  }
0x35: {  	[dreg:$0xa] =	wrdreg s0;
	s0 =	sadd.s32 s1, s0;
	[sflag:s17] =	ssyncset.done $0x0  }
0x36: {  	s15 =	simm.s32 $0x580;
	s24 =	sadd.s32 $0x0, s0;
	[sflag:s17] =	ssyncadd.s32 $0xFFFFF000  }
.LBB2_9:
0x37: {  	[tilespmem:s3], [sflag:$0x3] =	stream.linear.gather [hbm4b:s24+s4], $0x80, $0x38;
	[tilespmem:$0x1C280] =	vst v63  }
0x38: {  	s24 =	smov.u32 s12;
	s3 =	smov.u32 s15;
	p1 =	sne.s32 s12, $0xF80  }
.Ltmp3:
0x39: {  	s12 =	sadd.s32 $0x80, s12;
	(pc) =	sbr.rel @p1 .LBB2_9-.Ltmp3, $2  }
0x3a: {  	_ =	sdelay $0x2  }
0x3b: {  	s15 =	sadd.s32 $0x400, s15;
	s24 =	sadd.s32 s24, s0  }
0x3c: {  	[tilespmem:s3], [sflag:$0x3] =	stream.linear.gather [hbm4b:s24+s4], $0x80, $0x38;
	[tilespmem:$0x1C280] =	vst v63  }
0x3d: {  	s0 =	sor.u32 $0x40, s25  }
0x3e: {  	s3 =	simm.s32 $0x200;
	s12 =	simm.s32 $0x80;
	_ =	swait.ge [sflag:s17], $0x1000  }
0x3f: {  	[dreg:$0xb] =	wrdreg s0;
	s0 =	sadd.s32 s1, s0;
	[sflag:s17] =	ssyncset.done $0x0  }
0x40: {  	s15 =	simm.s32 $0x600;
	s24 =	sadd.s32 $0x0, s0;
	[sflag:s17] =	ssyncadd.s32 $0xFFFFF000  }
.LBB2_11:
0x41: {  	[tilespmem:s3], [sflag:$0x3] =	stream.linear.gather [hbm4b:s24+s4], $0x80, $0x38;
	[tilespmem:$0x1C280] =	vst v63  }
0x42: {  	s24 =	smov.u32 s12;
	s3 =	smov.u32 s15;
	p1 =	sne.s32 s12, $0xF80  }
.Ltmp4:
0x43: {  	s12 =	sadd.s32 $0x80, s12;
	(pc) =	sbr.rel @p1 .LBB2_11-.Ltmp4, $2  }
0x44: {  	_ =	sdelay $0x2  }
0x45: {  	s15 =	sadd.s32 $0x400, s15;
	s24 =	sadd.s32 s24, s0  }
0x46: {  	[tilespmem:s3], [sflag:$0x3] =	stream.linear.gather [hbm4b:s24+s4], $0x80, $0x38;
	[tilespmem:$0x1C280] =	vst v63  }
0x47: {  	s0 =	sor.u32 $0x50, s25  }
0x48: {  	s3 =	simm.s32 $0x280;
	s12 =	simm.s32 $0x80;
	_ =	swait.ge [sflag:s17], $0x1000  }
0x49: {  	[dreg:$0xc] =	wrdreg s0;
	s0 =	sadd.s32 s1, s0;
	[sflag:s17] =	ssyncset.done $0x0  }
0x4a: {  	s15 =	simm.s32 $0x680;
	s24 =	sadd.s32 $0x0, s0;
	[sflag:s17] =	ssyncadd.s32 $0xFFFFF000  }
.LBB2_13:
0x4b: {  	[tilespmem:s3], [sflag:$0x3] =	stream.linear.gather [hbm4b:s24+s4], $0x80, $0x38;
	[tilespmem:$0x1C280] =	vst v63  }
0x4c: {  	s24 =	smov.u32 s12;
	s3 =	smov.u32 s15;
	p1 =	sne.s32 s12, $0xF80  }
.Ltmp5:
0x4d: {  	s12 =	sadd.s32 $0x80, s12;
	(pc) =	sbr.rel @p1 .LBB2_13-.Ltmp5, $2  }
0x4e: {  	_ =	sdelay $0x2  }
0x4f: {  	s15 =	sadd.s32 $0x400, s15;
	s24 =	sadd.s32 s24, s0  }
0x50: {  	[tilespmem:s3], [sflag:$0x3] =	stream.linear.gather [hbm4b:s24+s4], $0x80, $0x38;
	[tilespmem:$0x1C280] =	vst v63  }
0x51: {  	s0 =	sor.u32 $0x60, s25  }
0x52: {  	s12 =	simm.s32 $0x300;
	s15 =	simm.s32 $0x80;
	_ =	swait.ge [sflag:s17], $0x1000  }
0x53: {  	s24 =	simm.s32 $0x700;
	s3 =	sadd.s32 s1, s0;
	[sflag:s17] =	ssyncset.done $0x0  }
0x54: {  	[dreg:$0xd] =	wrdreg s0;
	s26 =	sadd.s32 $0x0, s3;
	[sflag:s17] =	ssyncadd.s32 $0xFFFFF000  }
.LBB2_15:
0x55: {  	[tilespmem:s12], [sflag:$0x3] =	stream.linear.gather [hbm4b:s26+s4], $0x80, $0x38;
	[tilespmem:$0x1C280] =	vst v63  }
0x56: {  	s26 =	smov.u32 s15;
	s12 =	smov.u32 s24;
	p1 =	sne.s32 s15, $0xF80  }
.Ltmp6:
0x57: {  	s15 =	sadd.s32 $0x80, s15;
	(pc) =	sbr.rel @p1 .LBB2_15-.Ltmp6, $2  }
0x58: {  	_ =	sdelay $0x2  }
0x59: {  	s24 =	sadd.s32 $0x400, s24;
	s26 =	sadd.s32 s26, s3  }
0x5a: {  	[tilespmem:s12], [sflag:$0x3] =	stream.linear.gather [hbm4b:s26+s4], $0x80, $0x38;
	[tilespmem:$0x1C280] =	vst v63  }
0x5b: {  	s0 =	sor.u32 $0x70, s25  }
0x5c: {  	s15 =	simm.s32 $0x380;
	s24 =	simm.s32 $0x80;
	_ =	swait.ge [sflag:s17], $0x1000  }
0x5d: {  	s26 =	simm.s32 $0x780;
	s12 =	sadd.s32 s1, s0;
	[sflag:s17] =	ssyncset.done $0x0  }
0x5e: {  	[dreg:$0xe] =	wrdreg s0;
	s28 =	sadd.s32 $0x0, s12;
	[sflag:s17] =	ssyncadd.s32 $0xFFFFF000  }
.LBB2_17:
0x5f: {  	[tilespmem:s15], [sflag:$0x3] =	stream.linear.gather [hbm4b:s28+s4], $0x80, $0x38;
	[tilespmem:$0x1C280] =	vst v63  }
0x60: {  	s28 =	smov.u32 s24;
	s15 =	smov.u32 s26;
	p1 =	sne.s32 s24, $0xF80  }
.Ltmp7:
0x61: {  	s24 =	sadd.s32 $0x80, s24;
	(pc) =	sbr.rel @p1 .LBB2_17-.Ltmp7, $2  }
0x62: {  	_ =	sdelay $0x2  }
0x63: {  	s26 =	sadd.s32 $0x400, s26;
	s28 =	sadd.s32 s28, s12  }
0x64: {  	s12 =	sshll.u32 s2, $0x3  }
0x65: {  	v1 =	vmov s12  }
0x66: {  	v1 =	vbroadcast v1, $0x0;
	_ =	sdelay $0x1  }
0x67: {  	[tilespmem:s15], [sflag:$0x3] =	stream.linear.gather [hbm4b:s28+s4], $0x80, $0x38;
	[tilespmem:$0x1C280] =	vst v63  }
0x68: {  	_ =	swait.ge [sflag:s17], $0x1000  }
0x69: {  	[sflag:s17] =	ssyncset.done $0x0  }
0x6a: {  	s31 =	simm.s32 $0x0;
	[sflag:s17] =	ssyncadd.s32 $0xFFFFF000  }
0x6b: {  	s24 =	sand.u32 $0x40, s31;
	s15 =	sand.u32 $0x7C00, s31;
	v1 =	vld.idx.msk [tilespmem:v1+s16+$0x0], $0xffff  }
0x6c: {  	s15 =	sor.u32 s24, s15  }
0x6d: {  	v5 =	vld [tilespmem:s15+$0x30]  }
0x6e: {  	v4 =	vld [tilespmem:s15+$0x0]  }
0x6f: {  	v3 =	vld [tilespmem:s15+$0x10]  }
0x70: {  	v2 =	vld [tilespmem:s15+$0x20];
	v1 =	vmul.f32 $-1.024000000e+03, v1  }
0x71: {  	[tilespmem:s15+$0x8000] =	vst v0  }
0x72: {  	s26 =	simm.s32 $0x200;
	s28 =	simm.s32 $0x40;
	s24 =	simm.s32 $0x0;
	[tilespmem:s15+$0x8010] =	vst v0;
	v5 =	vmul.f32 $1.024000000e+03, v5;
	v1 =	vadd.f32 $0.0e+00, v1  }
.LBB2_19:
0x73: {  	s29 =	sand.u32 $0x40, s28;
	s30 =	sand.u32 $0x7C00, s26;
	s24 =	sadd.s32 $0x4, s24;
	v4 =	vmul.f32 $1.024000000e+03, v4;
	[tilespmem:s15+$0x8020] =	vst v0  }
0x74: {  	s29 =	sor.u32 s29, s30;
	p1 =	slt.u32 s24, $0xFC;
	v3 =	vmul.f32 $1.024000000e+03, v3;
	v5 =	vadd.f32 v5, v1;
	[tilespmem:s15+$0x8030] =	vst v0  }
0x75: {  	[tilespmem:s29+$0x8000] =	vst v0;
	v6 =	vld [tilespmem:s29+$0x30];
	v7 =	vadd.f32 v4, v1;
	v2 =	vmul.f32 $1.024000000e+03, v2  }
.Ltmp8:
0x76: {  	v4 =	vld [tilespmem:s29+$0x0];
	v8 =	vadd.f32 v3, v1;
	[tilespmem:s15+$0x30] =	vst v5;
	(pc) =	sbr.rel @p1 .LBB2_19-.Ltmp8, $4  }
0x77: {  	v3 =	vld [tilespmem:s29+$0x10];
	[tilespmem:s15+$0x0] =	vst v7;
	v5 =	vadd.f32 v2, v1  }
0x78: {  	v2 =	vld [tilespmem:s29+$0x20];
	[tilespmem:s15+$0x10] =	vst v8  }
0x79: {  	[tilespmem:s15+$0x20] =	vst v5;
	s15 =	smov.u32 s29  }
0x7a: {  	s26 =	sadd.s32 $0x200, s26;
	s28 =	sadd.s32 $0x40, s28;
	[tilespmem:s15+$0x8010] =	vst v0;
	v5 =	vmul.f32 $1.024000000e+03, v6  }
0x7b: {  	s24 =	sor.u32 $0x1, s12  }
0x7c: {  	v6 =	vmov s24  }
0x7d: {  	v4 =	vmul.f32 $1.024000000e+03, v4;
	v6 =	vand.u32 $0xFFFFFFF9, v6  }
0x7e: {  	[tilespmem:s15+$0x8030] =	vst v0;
	v5 =	vadd.f32 v5, v1;
	v3 =	vmul.f32 $1.024000000e+03, v3;
	v6 =	vbroadcast v6, $0x0  }
0x7f: {  	[tilespmem:s15+$0x8020] =	vst v0;
	v4 =	vadd.f32 v4, v1;
	v2 =	vmul.f32 $1.024000000e+03, v2  }
0x80: {  	[tilespmem:s15+$0x30] =	vst v5;
	v3 =	vadd.f32 v3, v1  }
0x81: {  	[tilespmem:s15+$0x0] =	vst v4;
	v1 =	vadd.f32 v2, v1  }
0x82: {  	[tilespmem:s15+$0x10] =	vst v3  }
0x83: {  	s30 =	simm.s32 $0x0;
	[tilespmem:s15+$0x20] =	vst v1  }
0x84: {  	s31 =	sand.u32 $0x40, s30;
	s15 =	sand.u32 $0x7C00, s30;
	v1 =	vld.idx.msk [tilespmem:v6+s16+$0x0], $0xffff  }
0x85: {  	s15 =	sor.u32 s31, s15  }
0x86: {  	v5 =	vld [tilespmem:s15+$0xB0]  }
0x87: {  	v4 =	vld [tilespmem:s15+$0x80]  }
0x88: {  	v3 =	vld [tilespmem:s15+$0x90]  }
0x89: {  	v2 =	vld [tilespmem:s15+$0xA0];
	v1 =	vmul.f32 $-1.024000000e+03, v1  }
0x8a: {  	[tilespmem:s15+$0x8080] =	vst v0  }
0x8b: {  	s26 =	simm.s32 $0x200;
	s28 =	simm.s32 $0x40;
	s24 =	simm.s32 $0x0;
	[tilespmem:s15+$0x8090] =	vst v0;
	v5 =	vmul.f32 $1.024000000e+03, v5;
	v1 =	vadd.f32 $2.080000000e+03, v1  }
.LBB2_21:
0x8c: {  	s29 =	sand.u32 $0x40, s28;
	s30 =	sand.u32 $0x7C00, s26;
	s24 =	sadd.s32 $0x4, s24;
	v4 =	vmul.f32 $1.024000000e+03, v4;
	[tilespmem:s15+$0x80A0] =	vst v0  }
0x8d: {  	s29 =	sor.u32 s29, s30;
	p1 =	slt.u32 s24, $0xFC;
	v3 =	vmul.f32 $1.024000000e+03, v3;
	v5 =	vadd.f32 v5, v1;
	[tilespmem:s15+$0x80B0] =	vst v0  }
0x8e: {  	[tilespmem:s29+$0x8080] =	vst v0;
	v6 =	vld [tilespmem:s29+$0xB0];
	v7 =	vadd.f32 v4, v1;
	v2 =	vmul.f32 $1.024000000e+03, v2  }
.Ltmp9:
0x8f: {  	v4 =	vld [tilespmem:s29+$0x80];
	v8 =	vadd.f32 v3, v1;
	[tilespmem:s15+$0xB0] =	vst v5;
	(pc) =	sbr.rel @p1 .LBB2_21-.Ltmp9, $4  }
0x90: {  	v3 =	vld [tilespmem:s29+$0x90];
	[tilespmem:s15+$0x80] =	vst v7;
	v5 =	vadd.f32 v2, v1  }
0x91: {  	v2 =	vld [tilespmem:s29+$0xA0];
	[tilespmem:s15+$0x90] =	vst v8  }
0x92: {  	[tilespmem:s15+$0xA0] =	vst v5;
	s15 =	smov.u32 s29  }
0x93: {  	s26 =	sadd.s32 $0x200, s26;
	s28 =	sadd.s32 $0x40, s28;
	[tilespmem:s15+$0x8090] =	vst v0;
	v5 =	vmul.f32 $1.024000000e+03, v6  }
0x94: {  	s24 =	sor.u32 $0x2, s12  }
0x95: {  	v6 =	vmov s24  }
0x96: {  	[dreg:$0x7] =	wrdreg s25;
	v4 =	vmul.f32 $1.024000000e+03, v4;
	v6 =	vand.u32 $0xFFFFFFFA, v6  }
0x97: {  	v5 =	vadd.f32 v5, v1;
	v3 =	vmul.f32 $1.024000000e+03, v3;
	[tilespmem:s15+$0x80B0] =	vst v0;
	v6 =	vbroadcast v6, $0x0  }
0x98: {  	[tilespmem:s15+$0x80A0] =	vst v0;
	v4 =	vadd.f32 v4, v1;
	v2 =	vmul.f32 $1.024000000e+03, v2  }
0x99: {  	[tilespmem:s15+$0xB0] =	vst v5;
	v3 =	vadd.f32 v3, v1  }
0x9a: {  	[tilespmem:s15+$0x80] =	vst v4;
	v1 =	vadd.f32 v2, v1  }
0x9b: {  	[tilespmem:s15+$0x90] =	vst v3  }
0x9c: {  	s30 =	simm.s32 $0x0;
	[tilespmem:s15+$0xA0] =	vst v1  }
0x9d: {  	s31 =	sand.u32 $0x40, s30;
	s15 =	sand.u32 $0x7C00, s30;
	v1 =	vld.idx.msk [tilespmem:v6+s16+$0x0], $0xffff  }
0x9e: {  	s15 =	sor.u32 s31, s15  }
0x9f: {  	v5 =	vld [tilespmem:s15+$0x130]  }
0xa0: {  	v4 =	vld [tilespmem:s15+$0x100]  }
0xa1: {  	v3 =	vld [tilespmem:s15+$0x110]  }
0xa2: {  	v2 =	vld [tilespmem:s15+$0x120];
	v1 =	vmul.f32 $-1.024000000e+03, v1  }
0xa3: {  	[tilespmem:s15+$0x8100] =	vst v0  }
0xa4: {  	s26 =	simm.s32 $0x200;
	s28 =	simm.s32 $0x40;
	s24 =	simm.s32 $0x0;
	[tilespmem:s15+$0x8110] =	vst v0;
	v5 =	vmul.f32 $1.024000000e+03, v5;
	v1 =	vadd.f32 $4.160000000e+03, v1  }
.LBB2_23:
0xa5: {  	s29 =	sand.u32 $0x40, s28;
	s30 =	sand.u32 $0x7C00, s26;
	s24 =	sadd.s32 $0x4, s24;
	v4 =	vmul.f32 $1.024000000e+03, v4;
	[tilespmem:s15+$0x8120] =	vst v0  }
0xa6: {  	s29 =	sor.u32 s29, s30;
	p1 =	slt.u32 s24, $0xFC;
	v3 =	vmul.f32 $1.024000000e+03, v3;
	v5 =	vadd.f32 v5, v1;
	[tilespmem:s15+$0x8130] =	vst v0  }
0xa7: {  	[tilespmem:s29+$0x8100] =	vst v0;
	v6 =	vld [tilespmem:s29+$0x130];
	v7 =	vadd.f32 v4, v1;
	v2 =	vmul.f32 $1.024000000e+03, v2  }
.Ltmp10:
0xa8: {  	v4 =	vld [tilespmem:s29+$0x100];
	v8 =	vadd.f32 v3, v1;
	[tilespmem:s15+$0x130] =	vst v5;
	(pc) =	sbr.rel @p1 .LBB2_23-.Ltmp10, $4  }
0xa9: {  	v3 =	vld [tilespmem:s29+$0x110];
	[tilespmem:s15+$0x100] =	vst v7;
	v5 =	vadd.f32 v2, v1  }
0xaa: {  	v2 =	vld [tilespmem:s29+$0x120];
	[tilespmem:s15+$0x110] =	vst v8  }
0xab: {  	[tilespmem:s15+$0x120] =	vst v5;
	s15 =	smov.u32 s29  }
0xac: {  	s26 =	sadd.s32 $0x200, s26;
	s28 =	sadd.s32 $0x40, s28;
	[tilespmem:s15+$0x8110] =	vst v0;
	v5 =	vmul.f32 $1.024000000e+03, v6  }
0xad: {  	s24 =	sor.u32 $0x3, s12  }
0xae: {  	v6 =	vmov s24  }
0xaf: {  	v4 =	vmul.f32 $1.024000000e+03, v4;
	v6 =	vand.u32 $0xFFFFFFFB, v6  }
0xb0: {  	[tilespmem:s15+$0x8130] =	vst v0;
	v5 =	vadd.f32 v5, v1;
	v3 =	vmul.f32 $1.024000000e+03, v3;
	v6 =	vbroadcast v6, $0x0  }
0xb1: {  	[tilespmem:s15+$0x8120] =	vst v0;
	v4 =	vadd.f32 v4, v1;
	v2 =	vmul.f32 $1.024000000e+03, v2  }
0xb2: {  	[tilespmem:s15+$0x130] =	vst v5;
	v3 =	vadd.f32 v3, v1  }
0xb3: {  	[tilespmem:s15+$0x100] =	vst v4;
	v1 =	vadd.f32 v2, v1  }
0xb4: {  	[tilespmem:s15+$0x110] =	vst v3  }
0xb5: {  	s30 =	simm.s32 $0x0;
	[tilespmem:s15+$0x120] =	vst v1  }
0xb6: {  	s31 =	sand.u32 $0x40, s30;
	s15 =	sand.u32 $0x7C00, s30;
	v1 =	vld.idx.msk [tilespmem:v6+s16+$0x0], $0xffff  }
0xb7: {  	s15 =	sor.u32 s31, s15  }
0xb8: {  	v5 =	vld [tilespmem:s15+$0x1B0]  }
0xb9: {  	v4 =	vld [tilespmem:s15+$0x180]  }
0xba: {  	v3 =	vld [tilespmem:s15+$0x190]  }
0xbb: {  	v2 =	vld [tilespmem:s15+$0x1A0];
	v1 =	vmul.f32 $-1.024000000e+03, v1  }
0xbc: {  	s25 =	smov.u32 s9;
	[tilespmem:s15+$0x8180] =	vst v0  }
0xbd: {  	s26 =	simm.s32 $0x200;
	s28 =	simm.s32 $0x40;
	s24 =	simm.s32 $0x0;
	[tilespmem:s15+$0x8190] =	vst v0;
	v5 =	vmul.f32 $1.024000000e+03, v5;
	v1 =	vadd.f32 $6.240000000e+03, v1  }
.LBB2_25:
0xbe: {  	s29 =	sand.u32 $0x40, s28;
	s30 =	sand.u32 $0x7C00, s26;
	s24 =	sadd.s32 $0x4, s24;
	v4 =	vmul.f32 $1.024000000e+03, v4;
	[tilespmem:s15+$0x81A0] =	vst v0  }
0xbf: {  	s29 =	sor.u32 s29, s30;
	p1 =	slt.u32 s24, $0xFC;
	v3 =	vmul.f32 $1.024000000e+03, v3;
	v5 =	vadd.f32 v5, v1;
	[tilespmem:s15+$0x81B0] =	vst v0  }
0xc0: {  	[tilespmem:s29+$0x8180] =	vst v0;
	v6 =	vld [tilespmem:s29+$0x1B0];
	v7 =	vadd.f32 v4, v1;
	v2 =	vmul.f32 $1.024000000e+03, v2  }
.Ltmp11:
0xc1: {  	v4 =	vld [tilespmem:s29+$0x180];
	v8 =	vadd.f32 v3, v1;
	[tilespmem:s15+$0x1B0] =	vst v5;
	(pc) =	sbr.rel @p1 .LBB2_25-.Ltmp11, $4  }
0xc2: {  	v3 =	vld [tilespmem:s29+$0x190];
	[tilespmem:s15+$0x180] =	vst v7;
	v5 =	vadd.f32 v2, v1  }
0xc3: {  	v2 =	vld [tilespmem:s29+$0x1A0];
	[tilespmem:s15+$0x190] =	vst v8  }
0xc4: {  	[tilespmem:s15+$0x1A0] =	vst v5;
	s15 =	smov.u32 s29  }
0xc5: {  	s26 =	sadd.s32 $0x200, s26;
	s28 =	sadd.s32 $0x40, s28;
	[tilespmem:s15+$0x8190] =	vst v0;
	v5 =	vmul.f32 $1.024000000e+03, v6  }
0xc6: {  	s24 =	sor.u32 $0x4, s12  }
0xc7: {  	v6 =	vmov s24  }
0xc8: {  	v4 =	vmul.f32 $1.024000000e+03, v4;
	v6 =	vand.u32 $0xFFFFFFFC, v6  }
0xc9: {  	[tilespmem:s15+$0x81A0] =	vst v0;
	v3 =	vmul.f32 $1.024000000e+03, v3;
	v5 =	vadd.f32 v5, v1;
	v6 =	vbroadcast v6, $0x0  }
0xca: {  	[tilespmem:s15+$0x81B0] =	vst v0;
	v4 =	vadd.f32 v4, v1;
	v2 =	vmul.f32 $1.024000000e+03, v2  }
0xcb: {  	v3 =	vadd.f32 v3, v1;
	[tilespmem:s15+$0x1B0] =	vst v5  }
0xcc: {  	p1 =	por $0x0, $0x0;
	s24 =	simm.s32 $0x1;
	[tilespmem:s15+$0x180] =	vst v4;
	v1 =	vadd.f32 v2, v1  }
0xcd: {  	s24 =	simm.s32 @!p1 $0x0;
	[tilespmem:s15+$0x190] =	vst v3  }
0xce: {  	s26 =	sshll.u32 s24, $0x6;
	[tilespmem:s15+$0x1A0] =	vst v1  }
0xcf: {  	s15 =	sadd.s32 $0x0, s26;
	v1 =	vld.idx.msk [tilespmem:v6+s16+$0x0], $0xffff  }
0xd0: {  	s29 =	sor.u32 $0x230, s15  }
0xd1: {  	s30 =	sor.u32 $0x200, s15;
	v2 =	vld [tilespmem:s29+$0x0]  }
0xd2: {  	s0 =	sor.u32 $0x210, s15;
	v3 =	vld [tilespmem:s30+$0x0]  }
0xd3: {  	v4 =	vld [tilespmem:s0+$0x0]  }
0xd4: {  	p1 =	por !p1, !p1;
	s24 =	sor.u32 $0x220, s15;
	s15 =	simm.s32 $0x1;
	v1 =	vmul.f32 $-1.024000000e+03, v1  }
0xd5: {  	v5 =	vld [tilespmem:s24+$0x0];
	s15 =	simm.s32 @!p1 $0x0;
	[tilespmem:s30+$0x8000] =	vst v0  }
0xd6: {  	s15 =	sshll.u32 s15, $0x6;
	[tilespmem:s0+$0x8000] =	vst v0;
	v2 =	vmul.f32 $1.024000000e+03, v2;
	v1 =	vadd.f32 $8.320000000e+03, v1  }
0xd7: {  	[tilespmem:s24+$0x8000] =	vst v0;
	s31 =	sadd.s32 $0x200, s15;
	v6 =	vmul.f32 $1.024000000e+03, v3  }
0xd8: {  	[tilespmem:s29+$0x8000] =	vst v0;
	s15 =	sor.u32 $0x200, s31;
	s26 =	sor.u32 $0x230, s31;
	v7 =	vmul.f32 $1.024000000e+03, v4;
	v2 =	vadd.f32 v2, v1  }
0xd9: {  	[tilespmem:s15+$0x8000] =	vst v0;
	v3 =	vld [tilespmem:s26+$0x0];
	v6 =	vadd.f32 v6, v1  }
0xda: {  	s28 =	sor.u32 $0x210, s31;
	v8 =	vmul.f32 $1.024000000e+03, v5;
	v4 =	vld [tilespmem:s15+$0x0];
	v7 =	vadd.f32 v7, v1;
	[tilespmem:s29+$0x0] =	vst v2  }
0xdb: {  	s9 =	simm.s32 $0x1C200;
	v5 =	vld [tilespmem:s28+$0x0];
	s29 =	sor.u32 $0x220, s31;
	[tilespmem:s30+$0x0] =	vst v6  }
0xdc: {  	p1 =	por !p1, !p1;
	s30 =	simm.s32 $0x4;
	s31 =	simm.s32 $0x200;
	v6 =	vadd.f32 v8, v1;
	[tilespmem:s0+$0x0] =	vst v7;
	v2 =	vld [tilespmem:s29+$0x0]  }
.LBB2_27:
0xdd: {  	s0 =	simm.s32 $0x1  }
0xde: {  	s30 =	sadd.s32 $0x4, s30;
	s0 =	simm.s32 @!p1 $0x0  }
0xdf: {  	[tilespmem:s24+$0x0] =	vst v6;
	s24 =	smov.u32 s29;
	s31 =	sadd.s32 $0x200, s31;
	s0 =	sshll.u32 s0, $0x6  }
0xe0: {  	p2 =	slt.u32 s30, $0xFC;
	v3 =	vmul.f32 $1.024000000e+03, v3;
	[tilespmem:s28+$0x8000] =	vst v0;
	s0 =	sadd.s32 s0, s31  }
0xe1: {  	v4 =	vmul.f32 $1.024000000e+03, v4;
	[tilespmem:s24+$0x8000] =	vst v0;
	s3 =	sor.u32 $0x200, s0  }
.Ltmp12:
0xe2: {  	v5 =	vmul.f32 $1.024000000e+03, v5;
	v6 =	vadd.f32 v3, v1;
	s1 =	sor.u32 $0x210, s0;
	s16 =	sor.u32 $0x230, s0;
	[tilespmem:s26+$0x8000] =	vst v0;
	(pc) =	sbr.rel @p2 .LBB2_27-.Ltmp12, $4  }
0xe3: {  	s29 =	sor.u32 $0x220, s0;
	v7 =	vadd.f32 v4, v1;
	v2 =	vmul.f32 $1.024000000e+03, v2;
	[tilespmem:s3+$0x8000] =	vst v0;
	v3 =	vld [tilespmem:s16+$0x0]  }
0xe4: {  	v8 =	vadd.f32 v5, v1;
	v4 =	vld [tilespmem:s3+$0x0];
	[tilespmem:s26+$0x0] =	vst v6;
	s26 =	smov.u32 s16  }
0xe5: {  	v6 =	vadd.f32 v2, v1;
	v5 =	vld [tilespmem:s1+$0x0];
	[tilespmem:s15+$0x0] =	vst v7;
	s15 =	smov.u32 s3  }
0xe6: {  	p1 =	por !p1, !p1;
	v2 =	vld [tilespmem:s29+$0x0];
	[tilespmem:s28+$0x0] =	vst v8;
	s28 =	smov.u32 s1  }
0xe7: {  	s0 =	sor.u32 $0x5, s12  }
0xe8: {  	[tilespmem:s24+$0x0] =	vst v6;
	v3 =	vmul.f32 $1.024000000e+03, v3;
	v6 =	vmov s0  }
0xe9: {  	[tilespmem:s28+$0x8000] =	vst v0;
	v4 =	vmul.f32 $1.024000000e+03, v4;
	v6 =	vand.u32 $0xFFFFFFFD, v6  }
0xea: {  	[tilespmem:s29+$0x8000] =	vst v0;
	v5 =	vmul.f32 $1.024000000e+03, v5;
	v3 =	vadd.f32 v3, v1;
	v6 =	vbroadcast v6, $0x0  }
0xeb: {  	[tilespmem:s26+$0x8000] =	vst v0;
	v4 =	vadd.f32 v4, v1;
	v2 =	vmul.f32 $1.024000000e+03, v2  }
0xec: {  	v5 =	vadd.f32 v5, v1;
	[tilespmem:s26+$0x0] =	vst v3  }
0xed: {  	p1 =	por $0x0, $0x0;
	s0 =	simm.s32 $0x1;
	[tilespmem:s15+$0x0] =	vst v4;
	v1 =	vadd.f32 v2, v1  }
0xee: {  	s0 =	simm.s32 @!p1 $0x0;
	[tilespmem:s28+$0x0] =	vst v5  }
0xef: {  	s0 =	sshll.u32 s0, $0x6;
	[tilespmem:s29+$0x0] =	vst v1  }
0xf0: {  	s0 =	sadd.s32 $0x0, s0;
	v1 =	vld.idx.msk [tilespmem:v6+s9+$0x0], $0xffff  }
0xf1: {  	s1 =	sor.u32 $0x2B0, s0  }
0xf2: {  	s3 =	sor.u32 $0x280, s0;
	v2 =	vld [tilespmem:s1+$0x0]  }
0xf3: {  	s16 =	sor.u32 $0x290, s0;
	v3 =	vld [tilespmem:s3+$0x0]  }
0xf4: {  	v4 =	vld [tilespmem:s16+$0x0]  }
0xf5: {  	p1 =	por !p1, !p1;
	s24 =	sor.u32 $0x2A0, s0;
	s0 =	simm.s32 $0x1;
	v1 =	vmul.f32 $-1.024000000e+03, v1  }
0xf6: {  	s0 =	simm.s32 @!p1 $0x0;
	[tilespmem:s3+$0x8000] =	vst v0;
	v5 =	vld [tilespmem:s24+$0x0]  }
0xf7: {  	s0 =	sshll.u32 s0, $0x6;
	[tilespmem:s16+$0x8000] =	vst v0;
	v2 =	vmul.f32 $1.024000000e+03, v2;
	v1 =	vadd.f32 $1.040000000e+04, v1  }
0xf8: {  	s0 =	sadd.s32 $0x200, s0;
	[tilespmem:s24+$0x8000] =	vst v0;
	v6 =	vmul.f32 $1.024000000e+03, v3  }
0xf9: {  	s15 =	sor.u32 $0x280, s0;
	s26 =	sor.u32 $0x2B0, s0;
	[tilespmem:s1+$0x8000] =	vst v0;
	v7 =	vmul.f32 $1.024000000e+03, v4;
	v2 =	vadd.f32 v2, v1  }
0xfa: {  	[tilespmem:s15+$0x8000] =	vst v0;
	v3 =	vld [tilespmem:s26+$0x0];
	v6 =	vadd.f32 v6, v1  }
0xfb: {  	s28 =	sor.u32 $0x290, s0;
	v8 =	vmul.f32 $1.024000000e+03, v5;
	v4 =	vld [tilespmem:s15+$0x0];
	v7 =	vadd.f32 v7, v1;
	[tilespmem:s1+$0x0] =	vst v2  }
0xfc: {  	s29 =	sor.u32 $0x2A0, s0;
	v5 =	vld [tilespmem:s28+$0x0];
	[tilespmem:s3+$0x0] =	vst v6  }
0xfd: {  	s30 =	simm.s32 $0x4;
	s31 =	simm.s32 $0x200;
	p1 =	por !p1, !p1;
	v6 =	vadd.f32 v8, v1;
	v2 =	vld [tilespmem:s29+$0x0];
	[tilespmem:s16+$0x0] =	vst v7  }
.LBB2_29:
0xfe: {  	s0 =	simm.s32 $0x1  }
0xff: {  	s30 =	sadd.s32 $0x4, s30;
	s0 =	simm.s32 @!p1 $0x0  }
0x100: {  	[tilespmem:s24+$0x0] =	vst v6;
	s24 =	smov.u32 s29;
	s31 =	sadd.s32 $0x200, s31;
	s0 =	sshll.u32 s0, $0x6  }
0x101: {  	p2 =	slt.u32 s30, $0xFC;
	v3 =	vmul.f32 $1.024000000e+03, v3;
	[tilespmem:s28+$0x8000] =	vst v0;
	s0 =	sadd.s32 s0, s31  }
0x102: {  	v4 =	vmul.f32 $1.024000000e+03, v4;
	[tilespmem:s24+$0x8000] =	vst v0;
	s1 =	sor.u32 $0x280, s0  }
.Ltmp13:
0x103: {  	v5 =	vmul.f32 $1.024000000e+03, v5;
	v6 =	vadd.f32 v3, v1;
	s3 =	sor.u32 $0x290, s0;
	s16 =	sor.u32 $0x2B0, s0;
	[tilespmem:s26+$0x8000] =	vst v0;
	(pc) =	sbr.rel @p2 .LBB2_29-.Ltmp13, $4  }
0x104: {  	s29 =	sor.u32 $0x2A0, s0;
	v7 =	vadd.f32 v4, v1;
	v2 =	vmul.f32 $1.024000000e+03, v2;
	[tilespmem:s1+$0x8000] =	vst v0;
	v3 =	vld [tilespmem:s16+$0x0]  }
0x105: {  	v8 =	vadd.f32 v5, v1;
	v4 =	vld [tilespmem:s1+$0x0];
	[tilespmem:s26+$0x0] =	vst v6;
	s26 =	smov.u32 s16  }
0x106: {  	v6 =	vadd.f32 v2, v1;
	v5 =	vld [tilespmem:s3+$0x0];
	[tilespmem:s15+$0x0] =	vst v7;
	s15 =	smov.u32 s1  }
0x107: {  	p1 =	por !p1, !p1;
	v2 =	vld [tilespmem:s29+$0x0];
	[tilespmem:s28+$0x0] =	vst v8;
	s28 =	smov.u32 s3  }
0x108: {  	s0 =	sor.u32 $0x6, s12  }
0x109: {  	[tilespmem:s24+$0x0] =	vst v6;
	v3 =	vmul.f32 $1.024000000e+03, v3;
	v6 =	vmov s0  }
0x10a: {  	[tilespmem:s28+$0x8000] =	vst v0;
	v4 =	vmul.f32 $1.024000000e+03, v4;
	v6 =	vand.u32 $0xFFFFFFFE, v6  }
0x10b: {  	[tilespmem:s29+$0x8000] =	vst v0;
	v5 =	vmul.f32 $1.024000000e+03, v5;
	v3 =	vadd.f32 v3, v1;
	v6 =	vbroadcast v6, $0x0  }
0x10c: {  	[tilespmem:s26+$0x8000] =	vst v0;
	v4 =	vadd.f32 v4, v1;
	v2 =	vmul.f32 $1.024000000e+03, v2  }
0x10d: {  	v5 =	vadd.f32 v5, v1;
	[tilespmem:s26+$0x0] =	vst v3  }
0x10e: {  	p1 =	por $0x0, $0x0;
	s0 =	simm.s32 $0x1;
	[tilespmem:s15+$0x0] =	vst v4;
	v1 =	vadd.f32 v2, v1  }
0x10f: {  	s0 =	simm.s32 @!p1 $0x0;
	[tilespmem:s28+$0x0] =	vst v5  }
0x110: {  	s0 =	sshll.u32 s0, $0x6;
	[tilespmem:s29+$0x0] =	vst v1  }
0x111: {  	s0 =	sadd.s32 $0x0, s0;
	v1 =	vld.idx.msk [tilespmem:v6+s9+$0x0], $0xffff  }
0x112: {  	s1 =	sor.u32 $0x330, s0  }
0x113: {  	s3 =	sor.u32 $0x300, s0;
	v2 =	vld [tilespmem:s1+$0x0]  }
0x114: {  	s16 =	sor.u32 $0x310, s0;
	v3 =	vld [tilespmem:s3+$0x0]  }
0x115: {  	v4 =	vld [tilespmem:s16+$0x0]  }
0x116: {  	p1 =	por !p1, !p1;
	s15 =	sor.u32 $0x320, s0;
	s0 =	simm.s32 $0x1;
	v1 =	vmul.f32 $-1.024000000e+03, v1  }
0x117: {  	s0 =	simm.s32 @!p1 $0x0;
	[tilespmem:s3+$0x8000] =	vst v0;
	v5 =	vld [tilespmem:s15+$0x0]  }
0x118: {  	s0 =	sshll.u32 s0, $0x6;
	[tilespmem:s16+$0x8000] =	vst v0;
	v2 =	vmul.f32 $1.024000000e+03, v2;
	v1 =	vadd.f32 $1.248000000e+04, v1  }
0x119: {  	s0 =	sadd.s32 $0x200, s0;
	[tilespmem:s15+$0x8000] =	vst v0;
	v3 =	vmul.f32 $1.024000000e+03, v3  }
0x11a: {  	[tilespmem:s1+$0x8000] =	vst v0;
	s24 =	sor.u32 $0x300, s0;
	v6 =	vmul.f32 $1.024000000e+03, v4;
	v7 =	vadd.f32 v2, v1  }
0x11b: {  	s28 =	sor.u32 $0x310, s0;
	[tilespmem:s24+$0x8000] =	vst v0;
	v4 =	vld [tilespmem:s24+$0x0];
	v3 =	vadd.f32 v3, v1  }
0x11c: {  	s26 =	sor.u32 $0x330, s0;
	v8 =	vmul.f32 $1.024000000e+03, v5;
	v5 =	vld [tilespmem:s28+$0x0];
	v9 =	vadd.f32 v6, v1;
	[tilespmem:s1+$0x0] =	vst v7  }
0x11d: {  	s29 =	sor.u32 $0x320, s0;
	v2 =	vld [tilespmem:s26+$0x0];
	[tilespmem:s3+$0x0] =	vst v3  }
0x11e: {  	s30 =	simm.s32 $0x4;
	s31 =	simm.s32 $0x200;
	p1 =	por !p1, !p1;
	v6 =	vadd.f32 v8, v1;
	v3 =	vld [tilespmem:s29+$0x0];
	[tilespmem:s16+$0x0] =	vst v9  }
.LBB2_31:
0x11f: {  	s0 =	simm.s32 $0x1  }
0x120: {  	s30 =	sadd.s32 $0x4, s30;
	s0 =	simm.s32 @!p1 $0x0  }
0x121: {  	[tilespmem:s15+$0x0] =	vst v6;
	s15 =	smov.u32 s29;
	s31 =	sadd.s32 $0x200, s31;
	s0 =	sshll.u32 s0, $0x6  }
0x122: {  	p2 =	slt.u32 s30, $0xFC;
	v2 =	vmul.f32 $1.024000000e+03, v2;
	[tilespmem:s28+$0x8000] =	vst v0;
	s0 =	sadd.s32 s0, s31  }
0x123: {  	v4 =	vmul.f32 $1.024000000e+03, v4;
	[tilespmem:s15+$0x8000] =	vst v0;
	s1 =	sor.u32 $0x300, s0  }
.Ltmp14:
0x124: {  	v5 =	vmul.f32 $1.024000000e+03, v5;
	v6 =	vadd.f32 v2, v1;
	s3 =	sor.u32 $0x310, s0;
	s16 =	sor.u32 $0x330, s0;
	[tilespmem:s26+$0x8000] =	vst v0;
	(pc) =	sbr.rel @p2 .LBB2_31-.Ltmp14, $4  }
0x125: {  	s29 =	sor.u32 $0x320, s0;
	v7 =	vadd.f32 v4, v1;
	v3 =	vmul.f32 $1.024000000e+03, v3;
	[tilespmem:s1+$0x8000] =	vst v0;
	v2 =	vld [tilespmem:s16+$0x0]  }
0x126: {  	v8 =	vadd.f32 v5, v1;
	v4 =	vld [tilespmem:s1+$0x0];
	[tilespmem:s26+$0x0] =	vst v6;
	s26 =	smov.u32 s16  }
0x127: {  	v6 =	vadd.f32 v3, v1;
	v5 =	vld [tilespmem:s3+$0x0];
	[tilespmem:s24+$0x0] =	vst v7;
	s24 =	smov.u32 s1  }
0x128: {  	p1 =	por !p1, !p1;
	v3 =	vld [tilespmem:s29+$0x0];
	[tilespmem:s28+$0x0] =	vst v8;
	s28 =	smov.u32 s3  }
0x129: {  	_ = 	snop  }
0x12a: {  	[tilespmem:s15+$0x0] =	vst v6;
	v2 =	vmul.f32 $1.024000000e+03, v2  }
0x12b: {  	[tilespmem:s28+$0x8000] =	vst v0;
	v4 =	vmul.f32 $1.024000000e+03, v4  }
0x12c: {  	[tilespmem:s29+$0x8000] =	vst v0;
	s0 =	sor.u32 $0x7, s12;
	v5 =	vmul.f32 $1.024000000e+03, v5;
	v2 =	vadd.f32 v2, v1  }
0x12d: {  	[tilespmem:s26+$0x8000] =	vst v0;
	v6 =	vmov s0;
	v4 =	vadd.f32 v4, v1;
	v3 =	vmul.f32 $1.024000000e+03, v3  }
0x12e: {  	v5 =	vadd.f32 v5, v1;
	[tilespmem:s26+$0x0] =	vst v2  }
0x12f: {  	p1 =	por $0x0, $0x0;
	s0 =	simm.s32 $0x1;
	[tilespmem:s24+$0x0] =	vst v4;
	v1 =	vadd.f32 v3, v1  }
0x130: {  	s0 =	simm.s32 @!p1 $0x0;
	[tilespmem:s28+$0x0] =	vst v5  }
0x131: {  	s0 =	sshll.u32 s0, $0x6;
	[tilespmem:s29+$0x0] =	vst v1  }
0x132: {  	s0 =	sadd.s32 $0x0, s0;
	v1 =	vld.idx.msk [tilespmem:v6+s9+$0x0], $0xffff  }
0x133: {  	s1 =	sor.u32 $0x3B0, s0  }
0x134: {  	s3 =	sor.u32 $0x380, s0;
	v2 =	vld [tilespmem:s1+$0x0]  }
0x135: {  	s16 =	sor.u32 $0x390, s0;
	v3 =	vld [tilespmem:s3+$0x0]  }
0x136: {  	v4 =	vld [tilespmem:s16+$0x0]  }
0x137: {  	p1 =	por !p1, !p1;
	s12 =	sor.u32 $0x3A0, s0;
	s0 =	simm.s32 $0x1;
	v1 =	vmul.f32 $-1.024000000e+03, v1  }
0x138: {  	s0 =	simm.s32 @!p1 $0x0;
	[tilespmem:s3+$0x8000] =	vst v0;
	v5 =	vld [tilespmem:s12+$0x0]  }
0x139: {  	s0 =	sshll.u32 s0, $0x6;
	[tilespmem:s16+$0x8000] =	vst v0;
	v2 =	vmul.f32 $1.024000000e+03, v2;
	v1 =	vadd.f32 $1.456000000e+04, v1  }
0x13a: {  	s0 =	sadd.s32 $0x200, s0;
	[tilespmem:s12+$0x8000] =	vst v0;
	v3 =	vmul.f32 $1.024000000e+03, v3  }
0x13b: {  	s15 =	sor.u32 $0x380, s0;
	[tilespmem:s1+$0x8000] =	vst v0;
	v6 =	vmul.f32 $1.024000000e+03, v4;
	v7 =	vadd.f32 v2, v1  }
0x13c: {  	s26 =	sor.u32 $0x390, s0;
	[tilespmem:s15+$0x8000] =	vst v0;
	v4 =	vld [tilespmem:s15+$0x0];
	v3 =	vadd.f32 v3, v1  }
0x13d: {  	s24 =	sor.u32 $0x3B0, s0;
	v8 =	vmul.f32 $1.024000000e+03, v5;
	v5 =	vld [tilespmem:s26+$0x0];
	v9 =	vadd.f32 v6, v1;
	[tilespmem:s1+$0x0] =	vst v7  }
0x13e: {  	s28 =	sor.u32 $0x3A0, s0;
	v2 =	vld [tilespmem:s24+$0x0];
	[tilespmem:s3+$0x0] =	vst v3  }
0x13f: {  	s30 =	simm.s32 $0x200;
	p1 =	por !p1, !p1;
	s29 =	simm.s32 $0x4;
	v6 =	vadd.f32 v8, v1;
	v3 =	vld [tilespmem:s28+$0x0];
	[tilespmem:s16+$0x0] =	vst v9  }
.LBB2_33:
0x140: {  	s0 =	simm.s32 $0x1  }
0x141: {  	s29 =	sadd.s32 $0x4, s29;
	s0 =	simm.s32 @!p1 $0x0  }
0x142: {  	[tilespmem:s12+$0x0] =	vst v6;
	s12 =	smov.u32 s28;
	s30 =	sadd.s32 $0x200, s30;
	s0 =	sshll.u32 s0, $0x6  }
0x143: {  	p2 =	slt.u32 s29, $0xFC;
	v2 =	vmul.f32 $1.024000000e+03, v2;
	[tilespmem:s26+$0x8000] =	vst v0;
	s0 =	sadd.s32 s0, s30  }
0x144: {  	v4 =	vmul.f32 $1.024000000e+03, v4;
	[tilespmem:s12+$0x8000] =	vst v0;
	s1 =	sor.u32 $0x380, s0  }
.Ltmp15:
0x145: {  	v5 =	vmul.f32 $1.024000000e+03, v5;
	v6 =	vadd.f32 v2, v1;
	s3 =	sor.u32 $0x390, s0;
	s16 =	sor.u32 $0x3B0, s0;
	[tilespmem:s24+$0x8000] =	vst v0;
	(pc) =	sbr.rel @p2 .LBB2_33-.Ltmp15, $4  }
0x146: {  	s28 =	sor.u32 $0x3A0, s0;
	v7 =	vadd.f32 v4, v1;
	v3 =	vmul.f32 $1.024000000e+03, v3;
	[tilespmem:s1+$0x8000] =	vst v0;
	v2 =	vld [tilespmem:s16+$0x0]  }
0x147: {  	v8 =	vadd.f32 v5, v1;
	v4 =	vld [tilespmem:s1+$0x0];
	[tilespmem:s24+$0x0] =	vst v6;
	s24 =	smov.u32 s16  }
0x148: {  	v6 =	vadd.f32 v3, v1;
	v5 =	vld [tilespmem:s3+$0x0];
	[tilespmem:s15+$0x0] =	vst v7;
	s15 =	smov.u32 s1  }
0x149: {  	p1 =	por !p1, !p1;
	v3 =	vld [tilespmem:s28+$0x0];
	[tilespmem:s26+$0x0] =	vst v8;
	s26 =	smov.u32 s3  }
0x14a: {  	_ = 	snop  }
0x14b: {  	[tilespmem:s12+$0x0] =	vst v6;
	v2 =	vmul.f32 $1.024000000e+03, v2  }
0x14c: {  	[tilespmem:s26+$0x8000] =	vst v0;
	v4 =	vmul.f32 $1.024000000e+03, v4  }
0x14d: {  	[tilespmem:s28+$0x8000] =	vst v0;
	v5 =	vmul.f32 $1.024000000e+03, v5;
	v2 =	vadd.f32 v2, v1  }
0x14e: {  	[tilespmem:s24+$0x8000] =	vst v0;
	s2 =	smul.u32 $0x20800, s2;
	v4 =	vadd.f32 v4, v1;
	v3 =	vmul.f32 $1.024000000e+03, v3  }
0x14f: {  	v5 =	vadd.f32 v5, v1;
	[tilespmem:s24+$0x0] =	vst v2  }
0x150: {  	s12 =	sshrl.u32 s2, $0x3;
	[tilespmem:s15+$0x0] =	vst v4;
	v1 =	vadd.f32 v3, v1  }
0x151: {  	s9 =	smov.u32 s25;
	s0 =	sadd.s32 s8, s12;
	s24 =	simm.s32 $0x80;
	[tilespmem:s26+$0x0] =	vst v5  }
0x152: {  	s15 =	simm.s32 $0x18200;
	s26 =	simm.s32 $0x18300;
	[tilespmem:s28+$0x0] =	vst v1;
	s28 =	sadd.s32 $0x0, s10  }
0x153: {  	[tilespmem:s21], [sflag:$0x1] =	stream.strided.gather [hbm4b:s0+s19], $0x4100, s20, s19, $0x38;
	[tilespmem:$0x1C280] =	vst v63  }
.LBB2_35:
0x154: {  	[tilespmem:s15], [sflag:$0x1] =	stream.linear.gather [hbm4b:s28+s4], $0x80, $0x38;
	[tilespmem:$0x1C280] =	vst v63  }
0x155: {  	s0 =	smov.u32 s24;
	s15 =	smov.u32 s26;
	p1 =	sne.s32 s24, $0xF80  }
.Ltmp16:
0x156: {  	s24 =	sadd.s32 $0x80, s24;
	(pc) =	sbr.rel @p1 .LBB2_35-.Ltmp16, $2  }
0x157: {  	_ =	sdelay $0x2  }
0x158: {  	s26 =	sadd.s32 $0x100, s26;
	s28 =	sadd.s32 s0, s10  }
0x159: {  	[tilespmem:s15], [sflag:$0x1] =	stream.linear.gather [hbm4b:s28+s4], $0x80, $0x38;
	[tilespmem:$0x1C280] =	vst v63  }
0x15a: {  	s15 =	simm.s32 $0x1A200;
	s24 =	simm.s32 $0x80;
	s28 =	sadd.s32 $0x0, s11  }
0x15b: {  	s26 =	simm.s32 $0x1A300;
	s16 =	simm.s32 $0x1C200;
	s25 =	rddreg [dreg:$0x7]  }
.LBB2_37:
0x15c: {  	[tilespmem:s15], [sflag:$0x1] =	stream.linear.gather [hbm4b:s28+s4], $0x80, $0x38;
	[tilespmem:$0x1C280] =	vst v63  }
0x15d: {  	s0 =	smov.u32 s24;
	s15 =	smov.u32 s26;
	p1 =	sne.s32 s24, $0xF80  }
.Ltmp17:
0x15e: {  	s24 =	sadd.s32 $0x80, s24;
	(pc) =	sbr.rel @p1 .LBB2_37-.Ltmp17, $2  }
0x15f: {  	_ =	sdelay $0x2  }
0x160: {  	s26 =	sadd.s32 $0x100, s26;
	s28 =	sadd.s32 s0, s11  }
0x161: {  	[tilespmem:s15], [sflag:$0x1] =	stream.linear.gather [hbm4b:s28+s4], $0x80, $0x38;
	[tilespmem:$0x1C280] =	vst v63  }
0x162: {  	s0 =	rddreg [dreg:$0x4];
	s15 =	simm.s32 $0x80;
	s26 =	sadd.s32 $0x0, s13  }
0x163: {  	s24 =	simm.s32 $0x18380;
	s0 =	sadd.s32 s12, s0;
	s12 =	simm.s32 $0x18280  }
0x164: {  	[tilespmem:s22], [sflag:$0x2] =	stream.strided.gather [hbm4b:s0+s19], $0x4100, s20, s19, $0x38;
	[tilespmem:$0x1C280] =	vst v63  }
.LBB2_39:
0x165: {  	[tilespmem:s12], [sflag:$0x2] =	stream.linear.gather [hbm4b:s26+s4], $0x80, $0x38;
	[tilespmem:$0x1C280] =	vst v63  }
0x166: {  	s0 =	smov.u32 s15;
	s12 =	smov.u32 s24;
	p1 =	sne.s32 s15, $0xF80  }
.Ltmp18:
0x167: {  	s15 =	sadd.s32 $0x80, s15;
	(pc) =	sbr.rel @p1 .LBB2_39-.Ltmp18, $2  }
0x168: {  	_ =	sdelay $0x2  }
0x169: {  	s24 =	sadd.s32 $0x100, s24;
	s26 =	sadd.s32 s0, s13  }
0x16a: {  	[tilespmem:s12], [sflag:$0x2] =	stream.linear.gather [hbm4b:s26+s4], $0x80, $0x38;
	[tilespmem:$0x1C280] =	vst v63  }
0x16b: {  	s15 =	simm.s32 $0x0;
	s12 =	simm.s32 $0x1A280  }
0x16c: {  	s24 =	simm.s32 $0x80;
	s28 =	sadd.s32 $0x0, s14;
	s26 =	simm.s32 $0x1A380  }
.LBB2_41:
0x16d: {  	[tilespmem:s12], [sflag:$0x2] =	stream.linear.gather [hbm4b:s28+s15], $0x80, $0x38;
	[tilespmem:$0x1C280] =	vst v63  }
0x16e: {  	s0 =	smov.u32 s24;
	s12 =	smov.u32 s26;
	p1 =	sne.s32 s24, $0xF80  }
.Ltmp19:
0x16f: {  	s24 =	sadd.s32 $0x80, s24;
	(pc) =	sbr.rel @p1 .LBB2_41-.Ltmp19, $2  }
0x170: {  	_ =	sdelay $0x2  }
0x171: {  	s26 =	sadd.s32 $0x100, s26;
	s28 =	sadd.s32 s0, s14  }
0x172: {  	[tilespmem:s12], [sflag:$0x2] =	stream.linear.gather [hbm4b:s28+s15], $0x80, $0x38;
	[tilespmem:$0x1C280] =	vst v63  }
.LBB2_43:
0x173: {  	_ =	swait.ge [sflag:s18], $0x4100  }
0x174: {  	[sflag:s18] =	ssyncset.done $0x0  }
0x175: {  	[sflag:s18] =	ssyncadd.s32 $0xFFFFBF00  }
0x176: {  	_ =	swait.ge [sflag:s18], $0x1000  }
0x177: {  	[sflag:s18] =	ssyncset.done $0x0  }
0x178: {  	[sflag:s18] =	ssyncadd.s32 $0xFFFFF000  }
0x179: {  	_ =	swait.ge [sflag:s18], $0x1000  }
0x17a: {  	[sflag:s18] =	ssyncset.done $0x0  }
0x17b: {  	s0 =	simm.s32 $0x18240;
	[sflag:s18] =	ssyncadd.s32 $0xFFFFF000  }
0x17c: {  	v1 =	vld [tilespmem:s0+$0x30]  }
0x17d: {  	s24 =	simm.s32 $0x0;
	v2 =	vld [tilespmem:s0+$0xFFFFFFD0]  }
0x17e: {  	v3 =	vld [tilespmem:s24+$0x70]  }
0x17f: {  	v4 =	vld [tilespmem:s0+$0xFFFFFFE0]  }
0x180: {  	v5 =	vld [tilespmem:s0+$0xFFFFFFF0]  }
0x181: {  	v6 =	vld [tilespmem:s0+$0x0]  }
0x182: {  	v8 =	vld [tilespmem:s0+$0x20]  }
0x183: {  	v7 =	vld [tilespmem:s0+$0xFFFFFFC0]  }
0x184: {  	v9 =	vld [tilespmem:s24+$0x0]  }
0x185: {  	v11 =	vld [tilespmem:s24+$0x10]  }
0x186: {  	v13 =	vld [tilespmem:s24+$0x20]  }
0x187: {  	v14 =	vld [tilespmem:s24+$0x30]  }
0x188: {  	v18 =	vld [tilespmem:s24+$0x40];
	v16 =	vmul.f32 $1.024000000e+03, v1  }
0x189: {  	v20 =	vld [tilespmem:s24+$0xF0]  }
0x18a: {  	v24 =	vld [tilespmem:s24+$0x60];
	v15 =	vmul.f32 $1.024000000e+03, v7;
	v3 =	vadd.f32 v3, v16  }
0x18b: {  	v27 =	vld [tilespmem:s24+$0x90];
	v12 =	vmul.f32 $1.024000000e+03, v2;
	v7 =	vmul.f32 $1.024000000e+03, v5  }
0x18c: {  	v29 =	vld [tilespmem:s24+$0xA0];
	v6 =	vmul.f32 $1.024000000e+03, v6;
	v10 =	vtrunc.f32 v3  }
0x18d: {  	v1 =	vld [tilespmem:s0+$0x10];
	v19 =	vadd.f32 v9, v15;
	v11 =	vadd.f32 v11, v12;
	v10 =	vcvt.f32.s32 v10  }
0x18e: {  	v31 =	vld [tilespmem:s24+$0xB0];
	v9 =	vmul.f32 $1.024000000e+03, v4;
	v14 =	vadd.f32 v14, v7;
	v18 =	vadd.f32 v18, v6  }
0x18f: {  	v40 =	vld [tilespmem:s24+$0x170];
	v4 =	vtrunc.f32 v19;
	v55 =	vtrunc.f32 v11;
	v17 =	vadd.s32 $0x1, v10  }
0x190: {  	v61 =	vld [tilespmem:s24+$0x1F0];
	v32 =	vtrunc.f32 v14;
	v23 =	vcvt.f32.s32 v4  }
0x191: {  	v2 =	vld [tilespmem:s24+$0x50];
	v56 =	vtrunc.f32 v18;
	v25 =	vcvt.f32.s32 v55  }
0x192: {  	v5 =	vmul.f32 $1.024000000e+03, v1;
	v1 =	vadd.f32 v13, v9;
	v13 =	vld [tilespmem:s24+$0x80];
	v32 =	vcvt.f32.s32 v32  }
0x193: {  	v57 =	vcvt.f32.s32 v56;
	v21 =	vld.idx.msk [tilespmem:v10+s21+$0x0], $0xffff  }
0x194: {  	s12 =	simm.s32 $0x1A240;
	v4 =	vmul.f32 $1.024000000e+03, v8;
	v8 =	vtrunc.f32 v1;
	v22 =	vld.idx.msk [tilespmem:v17+s21+$0x0], $0xffff  }
0x195: {  	v30 =	vcvt.f32.s32 v8;
	v8 =	vld [tilespmem:s12+$0x30]  }
0x196: {  	v26 =	vadd.s32 $0x1, v23;
	v35 =	vld.idx.msk [tilespmem:v23+s21+$0x0], $0xffff  }
0x197: {  	v28 =	vadd.s32 $0x1, v25;
	v10 =	vcvt.s32.f32 v10;
	v59 =	vld.idx.msk [tilespmem:v25+s21+$0x0], $0xffff  }
0x198: {  	v20 =	vadd.f32 v20, v16;
	v37 =	vadd.s32 $0x1, v32;
	v45 =	vld.idx.msk [tilespmem:v32+s21+$0x0], $0xffff  }
0x199: {  	v39 =	vadd.s32 $0x1, v57;
	v60 =	vld.idx.msk [tilespmem:v57+s21+$0x0], $0xffff;
	v3 =	vsub.f32 v3, v10;
	v10 =	vsub.f32 v22, v21  }
0x19a: {  	v24 =	vadd.f32 v24, v4;
	v17 =	vld [tilespmem:s24+$0xC0]  }
0x19b: {  	v33 =	vadd.s32 $0x1, v30;
	v26 =	vld.idx.msk [tilespmem:v26+s21+$0x0], $0xffff;
	v3 =	vmul.f32 v3, v10;
	v10 =	vtrunc.f32 v20  }
0x19c: {  	v2 =	vadd.f32 v2, v5;
	v28 =	vld.idx.msk [tilespmem:v28+s21+$0x0], $0xffff;
	v10 =	vcvt.f32.s32 v10  }
0x19d: {  	v38 =	vtrunc.f32 v24;
	v37 =	vld.idx.msk [tilespmem:v37+s21+$0x0], $0xffff;
	v3 =	vadd.f32 v3, v21  }
0x19e: {  	v34 =	vtrunc.f32 v2;
	v38 =	vcvt.f32.s32 v38;
	v39 =	vld.idx.msk [tilespmem:v39+s21+$0x0], $0xffff;
	v36 =	vadd.s32 $0x1, v10  }
0x19f: {  	v58 =	vcvt.f32.s32 v34;
	v44 =	vld.idx.msk [tilespmem:v30+s21+$0x0], $0xffff;
	v3 =	vmul.f32 v3, v8  }
0x1a0: {  	v25 =	vcvt.s32.f32 v25;
	v33 =	vld.idx.msk [tilespmem:v33+s21+$0x0], $0xffff  }
0x1a1: {  	v22 =	vcvt.s32.f32 v58;
	[tilespmem:s24+$0x8070] =	vst.add.f32.msk $0xffff, v3;
	v3 =	vadd.s32 $0x1, v38  }
0x1a2: {  	v41 =	vadd.s32 $0x1, v58;
	v11 =	vsub.f32 v11, v25;
	v42 =	vld.idx.msk [tilespmem:v10+s21+$0x0], $0xffff  }
0x1a3: {  	v32 =	vcvt.s32.f32 v32;
	v22 =	vsub.f32 v2, v22;
	v2 =	vsub.f32 v28, v59;
	v36 =	vld.idx.msk [tilespmem:v36+s21+$0x0], $0xffff  }
0x1a4: {  	v30 =	vcvt.s32.f32 v30;
	v46 =	vld.idx.msk [tilespmem:v38+s21+$0x0], $0xffff  }
0x1a5: {  	v62 =	vsub.f32 v14, v32;
	v52 =	vsub.f32 v37, v45;
	v2 =	vmul.f32 v11, v2;
	v11 =	vld [tilespmem:s12+$0xFFFFFFF0]  }
0x1a6: {  	v1 =	vsub.f32 v1, v30;
	v51 =	vsub.f32 v33, v44;
	v43 =	vld.idx.msk [tilespmem:v3+s21+$0x0], $0xffff;
	v3 =	vcvt.s32.f32 v10  }
0x1a7: {  	v41 =	vld.idx.msk [tilespmem:v41+s21+$0x0], $0xffff;
	v30 =	vmul.f32 v62, v52;
	v54 =	vadd.f32 v2, v59  }
0x1a8: {  	v1 =	vmul.f32 v1, v51;
	v2 =	vld [tilespmem:s12+$0x10];
	v3 =	vsub.f32 v20, v3;
	v10 =	vsub.f32 v36, v42  }
0x1a9: {  	v40 =	vadd.f32 v40, v16;
	v63 =	vcvt.s32.f32 v38;
	v36 =	vld.idx.msk [tilespmem:v58+s21+$0x0], $0xffff;
	v58 =	vadd.f32 v30, v45  }
0x1aa: {  	v21 =	vcvt.s32.f32 v57;
	v57 =	vadd.f32 v1, v44;
	v1 =	vld [tilespmem:s12+$0x20];
	v3 =	vmul.f32 v3, v10  }
0x1ab: {  	v24 =	vsub.f32 v24, v63;
	v44 =	vld [tilespmem:s24+$0x270];
	v10 =	vtrunc.f32 v40;
	v62 =	vmul.f32 v58, v11  }
0x1ac: {  	v53 =	vsub.f32 v39, v60;
	v47 =	vcvt.f32.s32 v10;
	v10 =	vcvt.s32.f32 v23;
	v23 =	vld [tilespmem:s24+$0xD0]  }
0x1ad: {  	v39 =	vsub.f32 v43, v46;
	v3 =	vadd.f32 v3, v42;
	v42 =	vld [tilespmem:s24+$0xE0]  }
0x1ae: {  	v14 =	vsub.f32 v26, v35;
	[tilespmem:s24+$0x8030] =	vst.add.f32.msk $0xffff, v62;
	v48 =	vadd.s32 $0x1, v47;
	v19 =	vsub.f32 v19, v10  }
0x1af: {  	v10 =	vld [tilespmem:s12+$0xFFFFFFC0];
	v24 =	vmul.f32 v24, v39;
	v3 =	vmul.f32 v3, v8  }
0x1b0: {  	v25 =	vadd.f32 v61, v16;
	v61 =	vsub.f32 v41, v36;
	v19 =	vmul.f32 v19, v14;
	v14 =	vld [tilespmem:s12+$0xFFFFFFD0]  }
0x1b1: {  	v24 =	vadd.f32 v24, v46;
	[tilespmem:s24+$0x80F0] =	vst.add.f32.msk $0xffff, v3  }
0x1b2: {  	v22 =	vmul.f32 v22, v61;
	v3 =	vsub.f32 v18, v21;
	v18 =	vadd.f32 v13, v15;
	v49 =	vld.idx.msk [tilespmem:v47+s21+$0x0], $0xffff  }
0x1b3: {  	v19 =	vadd.f32 v19, v35;
	v24 =	vmul.f32 v24, v1;
	v50 =	vld.idx.msk [tilespmem:v48+s21+$0x0], $0xffff  }
0x1b4: {  	v22 =	vadd.f32 v22, v36;
	v13 =	vtrunc.f32 v18;
	v55 =	vmul.f32 v3, v53;
	v3 =	vld [tilespmem:s12+$0x0]  }
0x1b5: {  	v37 =	vcvt.f32.s32 v13;
	v13 =	vld [tilespmem:s12+$0xFFFFFFE0];
	v19 =	vmul.f32 v19, v10  }
0x1b6: {  	v22 =	vmul.f32 v22, v2;
	[tilespmem:s24+$0x8060] =	vst.add.f32.msk $0xffff, v24  }
0x1b7: {  	v17 =	vadd.f32 v17, v6;
	v56 =	vcvt.s32.f32 v47;
	v23 =	vadd.f32 v23, v5;
	[tilespmem:s24+$0x8000] =	vst.add.f32.msk $0xffff, v19  }
0x1b8: {  	v32 =	vmul.f32 v54, v14;
	v20 =	vadd.f32 v55, v60;
	v60 =	vtrunc.f32 v25;
	[tilespmem:s24+$0x8050] =	vst.add.f32.msk $0xffff, v22  }
0x1b9: {  	v34 =	vsub.f32 v40, v56;
	v63 =	vcvt.f32.s32 v60;
	v60 =	vld [tilespmem:s24+$0x2F0]  }
0x1ba: {  	v52 =	vtrunc.f32 v23;
	[tilespmem:s24+$0x8010] =	vst.add.f32.msk $0xffff, v32;
	v28 =	vsub.f32 v50, v49;
	v50 =	vtrunc.f32 v17  }
0x1bb: {  	v42 =	vadd.f32 v42, v4;
	v20 =	vmul.f32 v20, v3;
	v24 =	vcvt.f32.s32 v50;
	v50 =	vld [tilespmem:s24+$0x100]  }
0x1bc: {  	v36 =	vcvt.f32.s32 v52;
	v45 =	vadd.s32 $0x1, v37;
	v59 =	vmul.f32 v57, v13;
	v33 =	vld.idx.msk [tilespmem:v37+s21+$0x0], $0xffff  }
0x1bd: {  	v57 =	vtrunc.f32 v42;
	v28 =	vmul.f32 v34, v28;
	[tilespmem:s24+$0x8040] =	vst.add.f32.msk $0xffff, v20  }
0x1be: {  	v32 =	vcvt.f32.s32 v57;
	v57 =	vld [tilespmem:s24+$0x130]  }
0x1bf: {  	v27 =	vadd.f32 v27, v12;
	[tilespmem:s24+$0x8020] =	vst.add.f32.msk $0xffff, v59;
	v21 =	vadd.f32 v28, v49  }
0x1c0: {  	v59 =	vadd.s32 $0x1, v36;
	v52 =	vadd.f32 v60, v16;
	v60 =	vld [tilespmem:s24+$0x150];
	v28 =	vadd.f32 v29, v9  }
0x1c1: {  	v43 =	vtrunc.f32 v27;
	v41 =	vmul.f32 v21, v8;
	v21 =	vadd.f32 v31, v7;
	v31 =	vld.idx.msk [tilespmem:v45+s21+$0x0], $0xffff  }
0x1c2: {  	v40 =	vadd.s32 $0x1, v63;
	v29 =	vcvt.f32.s32 v43;
	v46 =	vtrunc.f32 v28;
	v43 =	vld.idx.msk [tilespmem:v24+s21+$0x0], $0xffff  }
0x1c3: {  	v54 =	vadd.s32 $0x1, v24;
	v20 =	vcvt.f32.s32 v46;
	v46 =	vld.idx.msk [tilespmem:v36+s21+$0x0], $0xffff  }
0x1c4: {  	[tilespmem:s24+$0x8170] =	vst.add.f32.msk $0xffff, v41  }
0x1c5: {  	v30 =	vadd.f32 v44, v16;
	v48 =	vadd.s32 $0x1, v29;
	v44 =	vld.idx.msk [tilespmem:v59+s21+$0x0], $0xffff  }
0x1c6: {  	v61 =	vadd.s32 $0x1, v32;
	v47 =	vld.idx.msk [tilespmem:v63+s21+$0x0], $0xffff  }
0x1c7: {  	v49 =	vtrunc.f32 v21;
	v19 =	vld.idx.msk [tilespmem:v40+s21+$0x0], $0xffff  }
0x1c8: {  	v22 =	vcvt.f32.s32 v49;
	v51 =	vadd.s32 $0x1, v20;
	v40 =	vld.idx.msk [tilespmem:v54+s21+$0x0], $0xffff  }
0x1c9: {  	v26 =	vcvt.s32.f32 v63;
	v37 =	vcvt.s32.f32 v37;
	v39 =	vld.idx.msk [tilespmem:v29+s21+$0x0], $0xffff  }
0x1ca: {  	v53 =	vadd.s32 $0x1, v22;
	v34 =	vld.idx.msk [tilespmem:v48+s21+$0x0], $0xffff  }
0x1cb: {  	v56 =	vtrunc.f32 v30;
	v25 =	vsub.f32 v25, v26;
	v18 =	vsub.f32 v18, v37;
	v48 =	vld.idx.msk [tilespmem:v61+s21+$0x0], $0xffff  }
0x1cc: {  	v62 =	vcvt.s32.f32 v29;
	v45 =	vcvt.s32.f32 v36;
	v41 =	vld.idx.msk [tilespmem:v20+s21+$0x0], $0xffff;
	v19 =	vsub.f32 v19, v47  }
0x1cd: {  	v24 =	vcvt.s32.f32 v24;
	v59 =	vtrunc.f32 v52;
	v31 =	vsub.f32 v31, v33;
	v55 =	vld.idx.msk [tilespmem:v51+s21+$0x0], $0xffff  }
0x1ce: {  	v23 =	vsub.f32 v23, v45;
	v20 =	vcvt.s32.f32 v20;
	v35 =	vld.idx.msk [tilespmem:v22+s21+$0x0], $0xffff;
	v19 =	vmul.f32 v25, v19  }
0x1cf: {  	v17 =	vsub.f32 v17, v24;
	v18 =	vmul.f32 v18, v31;
	v38 =	vld.idx.msk [tilespmem:v53+s21+$0x0], $0xffff;
	v25 =	vcvt.f32.s32 v56  }
0x1d0: {  	v22 =	vcvt.s32.f32 v22;
	v20 =	vsub.f32 v28, v20;
	v53 =	vld.idx.msk [tilespmem:v32+s21+$0x0], $0xffff;
	v19 =	vadd.f32 v19, v47  }
0x1d1: {  	v54 =	vld [tilespmem:s24+$0x120];
	v18 =	vadd.f32 v18, v33;
	v33 =	vadd.f32 v57, v7;
	v58 =	vadd.s32 $0x1, v25  }
0x1d2: {  	v51 =	vld [tilespmem:s24+$0x110];
	v32 =	vcvt.s32.f32 v32;
	v26 =	vsub.f32 v55, v41;
	v19 =	vmul.f32 v19, v8  }
0x1d3: {  	v28 =	vld [tilespmem:s24+$0x180];
	v49 =	vsub.f32 v34, v39;
	v21 =	vsub.f32 v21, v22;
	v18 =	vmul.f32 v18, v10  }
0x1d4: {  	v42 =	vsub.f32 v42, v32;
	v20 =	vmul.f32 v20, v26;
	v56 =	vsub.f32 v38, v35;
	[tilespmem:s24+$0x81F0] =	vst.add.f32.msk $0xffff, v19  }
0x1d5: {  	v57 =	vtrunc.f32 v33;
	v22 =	vsub.f32 v48, v53;
	v19 =	vsub.f32 v27, v62;
	v29 =	vld.idx.msk [tilespmem:v25+s21+$0x0], $0xffff  }
0x1d6: {  	v62 =	vsub.f32 v40, v43;
	v63 =	vld.idx.msk [tilespmem:v58+s21+$0x0], $0xffff;
	v21 =	vmul.f32 v21, v56;
	v20 =	vadd.f32 v20, v41  }
0x1d7: {  	[tilespmem:s24+$0x8080] =	vst.add.f32.msk $0xffff, v18;
	v40 =	vsub.f32 v44, v46;
	v25 =	vcvt.s32.f32 v25;
	v22 =	vmul.f32 v42, v22  }
0x1d8: {  	v44 =	vld [tilespmem:s24+$0x370];
	v19 =	vmul.f32 v19, v49;
	v21 =	vadd.f32 v21, v35;
	v20 =	vmul.f32 v20, v13  }
0x1d9: {  	v58 =	vld [tilespmem:s24+$0x140];
	v17 =	vmul.f32 v17, v62;
	v23 =	vmul.f32 v23, v40;
	v22 =	vadd.f32 v22, v53  }
0x1da: {  	v25 =	vsub.f32 v30, v25;
	v19 =	vadd.f32 v19, v39;
	v21 =	vmul.f32 v21, v11;
	[tilespmem:s24+$0x80A0] =	vst.add.f32.msk $0xffff, v20  }
0x1db: {  	v17 =	vadd.f32 v17, v43;
	v22 =	vmul.f32 v22, v1;
	v55 =	vsub.f32 v63, v29;
	v63 =	vld [tilespmem:s24+$0x160]  }
0x1dc: {  	v26 =	vcvt.f32.s32 v57;
	v23 =	vadd.f32 v23, v46;
	v19 =	vmul.f32 v19, v14;
	[tilespmem:s24+$0x80B0] =	vst.add.f32.msk $0xffff, v21  }
0x1dd: {  	v24 =	vadd.f32 v54, v9;
	v17 =	vmul.f32 v17, v3;
	[tilespmem:s24+$0x80E0] =	vst.add.f32.msk $0xffff, v22;
	v25 =	vmul.f32 v25, v55  }
0x1de: {  	v61 =	vcvt.f32.s32 v59;
	v48 =	vmul.f32 v23, v2;
	[tilespmem:s24+$0x8090] =	vst.add.f32.msk $0xffff, v19;
	v19 =	vadd.f32 v50, v15  }
0x1df: {  	v57 =	vcvt.s32.f32 v26;
	v50 =	vtrunc.f32 v24;
	[tilespmem:s24+$0x80C0] =	vst.add.f32.msk $0xffff, v17;
	v25 =	vadd.f32 v25, v29  }
0x1e0: {  	v39 =	vadd.s32 $0x1, v61;
	[tilespmem:s24+$0x80D0] =	vst.add.f32.msk $0xffff, v48;
	v21 =	vcvt.f32.s32 v50;
	v31 =	vtrunc.f32 v19  }
0x1e1: {  	v49 =	vcvt.f32.s32 v31;
	v31 =	vld [tilespmem:s24+$0x190];
	v41 =	vmul.f32 v25, v8  }
0x1e2: {  	v29 =	vadd.f32 v51, v12;
	v38 =	vadd.f32 v63, v4;
	v63 =	vadd.s32 $0x1, v26;
	v26 =	vld.idx.msk [tilespmem:v26+s21+$0x0], $0xffff  }
0x1e3: {  	v59 =	vadd.s32 $0x1, v21;
	[tilespmem:s24+$0x8270] =	vst.add.f32.msk $0xffff, v41  }
0x1e4: {  	v47 =	vtrunc.f32 v29;
	v45 =	vld.idx.msk [tilespmem:v61+s21+$0x0], $0xffff  }
0x1e5: {  	v34 =	vadd.f32 v58, v6;
	v51 =	vcvt.f32.s32 v47;
	v18 =	vld.idx.msk [tilespmem:v39+s21+$0x0], $0xffff  }
0x1e6: {  	v54 =	vcvt.s32.f32 v61;
	v53 =	vadd.s32 $0x1, v49;
	v36 =	vld.idx.msk [tilespmem:v21+s21+$0x0], $0xffff  }
0x1e7: {  	v25 =	vadd.f32 v60, v5;
	v60 =	vtrunc.f32 v34;
	v55 =	vadd.s32 $0x1, v51;
	v61 =	vld [tilespmem:s24+$0x3F0]  }
0x1e8: {  	v40 =	vcvt.f32.s32 v60;
	v39 =	vld.idx.msk [tilespmem:v59+s21+$0x0], $0xffff  }
0x1e9: {  	v20 =	vsub.f32 v52, v54;
	v22 =	vadd.f32 v44, v16;
	v62 =	vtrunc.f32 v25;
	v59 =	vld.idx.msk [tilespmem:v63+s21+$0x0], $0xffff  }
0x1ea: {  	v42 =	vcvt.f32.s32 v62;
	v54 =	vadd.s32 $0x1, v40;
	v32 =	vld.idx.msk [tilespmem:v49+s21+$0x0], $0xffff;
	v18 =	vsub.f32 v18, v45  }
0x1eb: {  	v21 =	vcvt.s32.f32 v21;
	v27 =	vld.idx.msk [tilespmem:v53+s21+$0x0], $0xffff  }
0x1ec: {  	v56 =	vtrunc.f32 v22;
	v30 =	vld.idx.msk [tilespmem:v55+s21+$0x0], $0xffff;
	v55 =	vadd.s32 $0x1, v42;
	v18 =	vmul.f32 v20, v18  }
0x1ed: {  	v21 =	vsub.f32 v24, v21;
	v24 =	vsub.f32 v33, v57;
	v35 =	vld.idx.msk [tilespmem:v51+s21+$0x0], $0xffff;
	v20 =	vcvt.f32.s32 v56  }
0x1ee: {  	v60 =	vcvt.s32.f32 v42;
	v33 =	vld.idx.msk [tilespmem:v40+s21+$0x0], $0xffff;
	v39 =	vsub.f32 v39, v36;
	v18 =	vadd.f32 v18, v45  }
0x1ef: {  	v23 =	vcvt.s32.f32 v49;
	v17 =	vcvt.s32.f32 v51;
	v43 =	vld.idx.msk [tilespmem:v54+s21+$0x0], $0xffff;
	v58 =	vadd.s32 $0x1, v20  }
0x1f0: {  	v25 =	vsub.f32 v25, v60;
	v42 =	vld.idx.msk [tilespmem:v42+s21+$0x0], $0xffff;
	v60 =	vmul.f32 v21, v39;
	v18 =	vmul.f32 v18, v8  }
0x1f1: {  	v52 =	vtrunc.f32 v38;
	v17 =	vsub.f32 v29, v17;
	v29 =	vsub.f32 v59, v26;
	v63 =	vld.idx.msk [tilespmem:v55+s21+$0x0], $0xffff  }
0x1f2: {  	v19 =	vsub.f32 v19, v23;
	v36 =	vadd.f32 v60, v36;
	[tilespmem:s24+$0x82F0] =	vst.add.f32.msk $0xffff, v18;
	v18 =	vcvt.f32.s32 v52  }
0x1f3: {  	v16 =	vadd.f32 v61, v16;
	v27 =	vsub.f32 v27, v32;
	v24 =	vmul.f32 v24, v29;
	v53 =	vld.idx.msk [tilespmem:v20+s21+$0x0], $0xffff  }
0x1f4: {  	v47 =	vmul.f32 v36, v13;
	v37 =	vld.idx.msk [tilespmem:v58+s21+$0x0], $0xffff;
	v58 =	vcvt.s32.f32 v40;
	v56 =	vadd.s32 $0x1, v18  }
0x1f5: {  	v50 =	vtrunc.f32 v16;
	v30 =	vsub.f32 v30, v35;
	v52 =	vld [tilespmem:s24+$0x1A0];
	v61 =	vcvt.s32.f32 v18  }
0x1f6: {  	v19 =	vmul.f32 v19, v27;
	v24 =	vadd.f32 v24, v26;
	[tilespmem:s24+$0x8120] =	vst.add.f32.msk $0xffff, v47;
	v23 =	vsub.f32 v34, v58  }
0x1f7: {  	v20 =	vcvt.s32.f32 v20;
	v48 =	vsub.f32 v38, v61;
	v61 =	vsub.f32 v43, v33;
	v43 =	vld [tilespmem:s24+$0x1E0]  }
0x1f8: {  	v19 =	vadd.f32 v19, v32;
	v24 =	vmul.f32 v24, v11;
	v63 =	vsub.f32 v63, v42;
	v49 =	vld.idx.msk [tilespmem:v18+s21+$0x0], $0xffff  }
0x1f9: {  	v20 =	vsub.f32 v22, v20;
	v62 =	vsub.f32 v37, v53;
	v21 =	vmul.f32 v23, v61;
	v51 =	vld.idx.msk [tilespmem:v56+s21+$0x0], $0xffff  }
0x1fa: {  	v17 =	vmul.f32 v17, v30;
	v59 =	vmul.f32 v19, v10;
	v22 =	vadd.f32 v28, v15;
	v58 =	vld [tilespmem:s24+$0x1D0]  }
0x1fb: {  	[tilespmem:s24+$0x8130] =	vst.add.f32.msk $0xffff, v24;
	v25 =	vmul.f32 v25, v63;
	v20 =	vmul.f32 v20, v62;
	v21 =	vadd.f32 v21, v33  }
0x1fc: {  	[tilespmem:s24+$0x8100] =	vst.add.f32.msk $0xffff, v59;
	v55 =	vtrunc.f32 v22;
	v18 =	vcvt.f32.s32 v50;
	v26 =	vadd.f32 v43, v4  }
0x1fd: {  	v25 =	vadd.f32 v25, v42;
	v56 =	vld [tilespmem:s24+$0x1C0];
	v20 =	vadd.f32 v20, v53;
	v21 =	vmul.f32 v21, v3  }
0x1fe: {  	v54 =	vadd.s32 $0x1, v18;
	v53 =	vld [tilespmem:s24+$0x1B0];
	v61 =	vtrunc.f32 v26;
	v39 =	vsub.f32 v51, v49  }
0x1ff: {  	v30 =	vadd.f32 v58, v5;
	v20 =	vmul.f32 v20, v8;
	v51 =	vmul.f32 v25, v2;
	[tilespmem:s24+$0x8140] =	vst.add.f32.msk $0xffff, v21  }
0x200: {  	v41 =	vcvt.f32.s32 v61;
	v61 =	vld [tilespmem:s24+$0x230];
	v23 =	vmul.f32 v48, v39  }
0x201: {  	v62 =	vadd.f32 v17, v35;
	v59 =	vtrunc.f32 v30;
	[tilespmem:s24+$0x8370] =	vst.add.f32.msk $0xffff, v20;
	v48 =	vcvt.f32.s32 v55  }
0x202: {  	v38 =	vcvt.f32.s32 v59;
	[tilespmem:s24+$0x8150] =	vst.add.f32.msk $0xffff, v51;
	v23 =	vadd.f32 v23, v49  }
0x203: {  	v20 =	vmul.f32 v62, v14;
	v17 =	vld.idx.msk [tilespmem:v18+s21+$0x0], $0xffff  }
0x204: {  	v28 =	vadd.f32 v31, v12;
	v19 =	vld.idx.msk [tilespmem:v54+s21+$0x0], $0xffff;
	v50 =	vadd.s32 $0x1, v48;
	v23 =	vmul.f32 v23, v1  }
0x205: {  	[tilespmem:s24+$0x8110] =	vst.add.f32.msk $0xffff, v20  }
0x206: {  	v57 =	vtrunc.f32 v28;
	v63 =	vadd.s32 $0x1, v41;
	[tilespmem:s24+$0x8160] =	vst.add.f32.msk $0xffff, v23  }
0x207: {  	v24 =	vadd.f32 v56, v6;
	v49 =	vcvt.f32.s32 v57;
	v34 =	vld.idx.msk [tilespmem:v48+s21+$0x0], $0xffff  }
0x208: {  	v25 =	vadd.f32 v53, v7;
	v29 =	vcvt.s32.f32 v48;
	v48 =	vld.idx.msk [tilespmem:v38+s21+$0x0], $0xffff  }
0x209: {  	v62 =	vadd.s32 $0x1, v38;
	v57 =	vtrunc.f32 v24;
	v31 =	vld.idx.msk [tilespmem:v50+s21+$0x0], $0xffff  }
0x20a: {  	v54 =	vtrunc.f32 v25;
	v35 =	vcvt.f32.s32 v57;
	v53 =	vadd.s32 $0x1, v49;
	v51 =	vld.idx.msk [tilespmem:v41+s21+$0x0], $0xffff  }
0x20b: {  	v20 =	vadd.f32 v52, v9;
	v55 =	vcvt.f32.s32 v54;
	v54 =	vld.idx.msk [tilespmem:v63+s21+$0x0], $0xffff  }
0x20c: {  	v63 =	vld [tilespmem:s24+$0x240]  }
0x20d: {  	v52 =	vtrunc.f32 v20;
	v60 =	vadd.s32 $0x1, v35;
	v37 =	vld.idx.msk [tilespmem:v49+s21+$0x0], $0xffff  }
0x20e: {  	v27 =	vcvt.s32.f32 v49;
	v32 =	vcvt.f32.s32 v52;
	v58 =	vadd.s32 $0x1, v55;
	v49 =	vld.idx.msk [tilespmem:v62+s21+$0x0], $0xffff  }
0x20f: {  	v21 =	vld.idx.msk [tilespmem:v53+s21+$0x0], $0xffff  }
0x210: {  	v56 =	vadd.s32 $0x1, v32;
	v45 =	vld.idx.msk [tilespmem:v35+s21+$0x0], $0xffff  }
0x211: {  	v43 =	vld.idx.msk [tilespmem:v55+s21+$0x0], $0xffff  }
0x212: {  	v23 =	vcvt.s32.f32 v55;
	v39 =	vld.idx.msk [tilespmem:v60+s21+$0x0], $0xffff  }
0x213: {  	v22 =	vsub.f32 v22, v29;
	v50 =	vcvt.s32.f32 v35;
	v36 =	vld.idx.msk [tilespmem:v58+s21+$0x0], $0xffff  }
0x214: {  	v52 =	vcvt.s32.f32 v38;
	v27 =	vsub.f32 v28, v27;
	v23 =	vsub.f32 v25, v23;
	v40 =	vld.idx.msk [tilespmem:v32+s21+$0x0], $0xffff  }
0x215: {  	v24 =	vsub.f32 v24, v50;
	v32 =	vcvt.s32.f32 v32;
	v33 =	vld.idx.msk [tilespmem:v56+s21+$0x0], $0xffff;
	v31 =	vsub.f32 v31, v34  }
0x216: {  	v53 =	vcvt.s32.f32 v41;
	v55 =	vld [tilespmem:s24+$0x200];
	v56 =	vsub.f32 v30, v52;
	v28 =	vsub.f32 v49, v48  }
0x217: {  	v58 =	vld [tilespmem:s24+$0x210];
	v20 =	vsub.f32 v20, v32;
	v21 =	vsub.f32 v21, v37;
	v22 =	vmul.f32 v22, v31  }
0x218: {  	v60 =	vld [tilespmem:s24+$0x220];
	v31 =	vadd.f32 v63, v6;
	v28 =	vmul.f32 v56, v28;
	v59 =	vsub.f32 v36, v43  }
0x219: {  	v30 =	vld [tilespmem:s24+$0x2A0];
	v62 =	vsub.f32 v39, v45;
	v21 =	vmul.f32 v27, v21;
	v22 =	vadd.f32 v22, v34  }
0x21a: {  	v57 =	vsub.f32 v33, v40;
	v48 =	vadd.f32 v28, v48;
	v28 =	vld [tilespmem:s24+$0x290];
	v23 =	vmul.f32 v23, v59  }
0x21b: {  	v24 =	vmul.f32 v24, v62;
	v33 =	vld [tilespmem:s24+$0x2B0];
	v21 =	vadd.f32 v21, v37;
	v22 =	vmul.f32 v22, v10  }
0x21c: {  	v25 =	vadd.f32 v58, v12;
	v20 =	vmul.f32 v20, v57;
	v23 =	vadd.f32 v23, v43;
	v43 =	vld [tilespmem:s24+$0x260]  }
0x21d: {  	v58 =	vtrunc.f32 v31;
	v45 =	vadd.f32 v24, v45;
	v21 =	vmul.f32 v21, v14;
	[tilespmem:s24+$0x8180] =	vst.add.f32.msk $0xffff, v22  }
0x21e: {  	v38 =	vcvt.f32.s32 v58;
	v20 =	vadd.f32 v20, v40;
	v40 =	vld [tilespmem:s24+$0x250]  }
0x21f: {  	v26 =	vsub.f32 v26, v53;
	v53 =	vtrunc.f32 v25;
	v49 =	vmul.f32 v45, v3;
	[tilespmem:s24+$0x8190] =	vst.add.f32.msk $0xffff, v21  }
0x220: {  	v27 =	vadd.f32 v61, v7;
	v44 =	vmul.f32 v23, v11;
	v23 =	vld [tilespmem:s24+$0x280];
	v21 =	vmul.f32 v48, v2  }
0x221: {  	v63 =	vadd.s32 $0x1, v38;
	v22 =	vcvt.f32.s32 v53;
	[tilespmem:s24+$0x81C0] =	vst.add.f32.msk $0xffff, v49  }
0x222: {  	v57 =	vtrunc.f32 v27;
	v20 =	vmul.f32 v20, v13;
	[tilespmem:s24+$0x81D0] =	vst.add.f32.msk $0xffff, v21;
	v21 =	vadd.f32 v60, v9  }
0x223: {  	v34 =	vcvt.f32.s32 v57;
	v56 =	vadd.s32 $0x1, v22;
	[tilespmem:s24+$0x81B0] =	vst.add.f32.msk $0xffff, v44  }
0x224: {  	v42 =	vsub.f32 v54, v51;
	[tilespmem:s24+$0x81A0] =	vst.add.f32.msk $0xffff, v20;
	v20 =	vadd.f32 v55, v15;
	v55 =	vtrunc.f32 v21  }
0x225: {  	v62 =	vadd.s32 $0x1, v34;
	v49 =	vcvt.s32.f32 v38;
	v38 =	vld.idx.msk [tilespmem:v38+s21+$0x0], $0xffff;
	v29 =	vcvt.f32.s32 v55  }
0x226: {  	v47 =	vmul.f32 v26, v42;
	v45 =	vld.idx.msk [tilespmem:v63+s21+$0x0], $0xffff;
	v50 =	vtrunc.f32 v20  }
0x227: {  	v44 =	vld.idx.msk [tilespmem:v22+s21+$0x0], $0xffff;
	v52 =	vcvt.f32.s32 v50;
	v59 =	vadd.s32 $0x1, v29  }
0x228: {  	v24 =	vadd.f32 v47, v51;
	v35 =	vadd.f32 v40, v5;
	v32 =	vld.idx.msk [tilespmem:v56+s21+$0x0], $0xffff  }
0x229: {  	v30 =	vadd.f32 v30, v9;
	v55 =	vcvt.s32.f32 v34;
	v34 =	vld.idx.msk [tilespmem:v34+s21+$0x0], $0xffff;
	v54 =	vadd.s32 $0x1, v52  }
0x22a: {  	v51 =	vmul.f32 v24, v1;
	v36 =	vadd.f32 v43, v4;
	v43 =	vld.idx.msk [tilespmem:v62+s21+$0x0], $0xffff;
	v60 =	vtrunc.f32 v35  }
0x22b: {  	v28 =	vadd.f32 v28, v12;
	v22 =	vcvt.s32.f32 v22;
	v41 =	vcvt.f32.s32 v60;
	v53 =	vld.idx.msk [tilespmem:v29+s21+$0x0], $0xffff  }
0x22c: {  	v31 =	vsub.f32 v31, v49;
	v61 =	vtrunc.f32 v36;
	v24 =	vcvt.s32.f32 v52;
	v39 =	vld.idx.msk [tilespmem:v59+s21+$0x0], $0xffff  }
0x22d: {  	v23 =	vadd.f32 v23, v15;
	v42 =	vcvt.f32.s32 v61;
	v40 =	vld.idx.msk [tilespmem:v52+s21+$0x0], $0xffff;
	v52 =	vadd.s32 $0x1, v41  }
0x22e: {  	v46 =	vtrunc.f32 v28;
	v22 =	vsub.f32 v25, v22;
	v20 =	vsub.f32 v20, v24;
	v26 =	vld.idx.msk [tilespmem:v54+s21+$0x0], $0xffff  }
0x22f: {  	v37 =	vld [tilespmem:s24+$0x2C0];
	v24 =	vsub.f32 v27, v55;
	v49 =	vsub.f32 v43, v34;
	v29 =	vcvt.s32.f32 v29  }
0x230: {  	[tilespmem:s24+$0x81E0] =	vst.add.f32.msk $0xffff, v51;
	v58 =	vtrunc.f32 v23;
	v59 =	vsub.f32 v32, v44;
	v54 =	vadd.s32 $0x1, v42  }
0x231: {  	v51 =	vld [tilespmem:s24+$0x2E0];
	v24 =	vmul.f32 v24, v49;
	v21 =	vsub.f32 v21, v29;
	v60 =	vsub.f32 v39, v53  }
0x232: {  	v57 =	vcvt.s32.f32 v42;
	v22 =	vmul.f32 v22, v59;
	v61 =	vld.idx.msk [tilespmem:v52+s21+$0x0], $0xffff;
	v52 =	vsub.f32 v45, v38  }
0x233: {  	v62 =	vld.idx.msk [tilespmem:v42+s21+$0x0], $0xffff;
	v24 =	vadd.f32 v24, v34;
	v26 =	vsub.f32 v26, v40;
	v21 =	vmul.f32 v21, v60  }
0x234: {  	v32 =	vld.idx.msk [tilespmem:v41+s21+$0x0], $0xffff;
	v29 =	vsub.f32 v36, v57;
	v22 =	vadd.f32 v22, v44;
	v31 =	vmul.f32 v31, v52  }
0x235: {  	v57 =	vmul.f32 v24, v11;
	v48 =	vld.idx.msk [tilespmem:v54+s21+$0x0], $0xffff;
	v20 =	vmul.f32 v20, v26;
	v21 =	vadd.f32 v21, v53  }
0x236: {  	v50 =	vld [tilespmem:s24+$0x2D0];
	v27 =	vcvt.f32.s32 v58;
	v53 =	vmul.f32 v22, v14;
	v58 =	vadd.f32 v31, v38  }
0x237: {  	v56 =	vcvt.s32.f32 v41;
	[tilespmem:s24+$0x8230] =	vst.add.f32.msk $0xffff, v57;
	v20 =	vadd.f32 v20, v40;
	v55 =	vmul.f32 v21, v13  }
0x238: {  	v63 =	vadd.s32 $0x1, v27;
	v40 =	vcvt.f32.s32 v46;
	[tilespmem:s24+$0x8210] =	vst.add.f32.msk $0xffff, v53;
	v60 =	vmul.f32 v58, v3  }
0x239: {  	v25 =	vsub.f32 v35, v56;
	v22 =	vadd.f32 v33, v7;
	v20 =	vmul.f32 v20, v10;
	[tilespmem:s24+$0x8220] =	vst.add.f32.msk $0xffff, v55  }
0x23a: {  	v56 =	vtrunc.f32 v30;
	v39 =	vsub.f32 v61, v32;
	v35 =	vsub.f32 v48, v62;
	[tilespmem:s24+$0x8240] =	vst.add.f32.msk $0xffff, v60  }
0x23b: {  	v21 =	vcvt.f32.s32 v56;
	v59 =	vtrunc.f32 v22;
	v54 =	vadd.s32 $0x1, v40;
	[tilespmem:s24+$0x8200] =	vst.add.f32.msk $0xffff, v20  }
0x23c: {  	v25 =	vmul.f32 v25, v39;
	v29 =	vmul.f32 v29, v35;
	v35 =	vadd.f32 v50, v5;
	v44 =	vld.idx.msk [tilespmem:v27+s21+$0x0], $0xffff  }
0x23d: {  	v31 =	vcvt.f32.s32 v59;
	v34 =	vld.idx.msk [tilespmem:v63+s21+$0x0], $0xffff  }
0x23e: {  	v61 =	vadd.s32 $0x1, v21;
	v25 =	vadd.f32 v25, v32;
	v49 =	vtrunc.f32 v35;
	v36 =	vld.idx.msk [tilespmem:v40+s21+$0x0], $0xffff  }
0x23f: {  	v32 =	vadd.f32 v37, v6;
	v37 =	vcvt.f32.s32 v49;
	v49 =	vld [tilespmem:s24+$0x340]  }
0x240: {  	v25 =	vmul.f32 v25, v2;
	v33 =	vld.idx.msk [tilespmem:v54+s21+$0x0], $0xffff  }
0x241: {  	v46 =	vadd.s32 $0x1, v31;
	v26 =	vadd.f32 v29, v62;
	v50 =	vld.idx.msk [tilespmem:v21+s21+$0x0], $0xffff  }
0x242: {  	v62 =	vtrunc.f32 v32;
	[tilespmem:s24+$0x8250] =	vst.add.f32.msk $0xffff, v25  }
0x243: {  	v48 =	vadd.f32 v51, v4;
	v63 =	vcvt.f32.s32 v62;
	v47 =	vmul.f32 v26, v1;
	v24 =	vld.idx.msk [tilespmem:v61+s21+$0x0], $0xffff  }
0x244: {  	v54 =	vld.idx.msk [tilespmem:v31+s21+$0x0], $0xffff  }
0x245: {  	v18 =	vcvt.s32.f32 v18;
	v52 =	vtrunc.f32 v48;
	v53 =	vadd.s32 $0x1, v37;
	[tilespmem:s24+$0x8260] =	vst.add.f32.msk $0xffff, v47  }
0x246: {  	v27 =	vcvt.s32.f32 v27;
	v25 =	vcvt.f32.s32 v52;
	v51 =	vadd.s32 $0x1, v63;
	v29 =	vld.idx.msk [tilespmem:v46+s21+$0x0], $0xffff  }
0x247: {  	v16 =	vsub.f32 v16, v18;
	v40 =	vcvt.s32.f32 v40;
	v47 =	vld [tilespmem:s24+$0x330]  }
0x248: {  	v23 =	vsub.f32 v23, v27;
	v21 =	vcvt.s32.f32 v21;
	v31 =	vcvt.s32.f32 v31;
	v57 =	vld.idx.msk [tilespmem:v37+s21+$0x0], $0xffff  }
0x249: {  	v28 =	vsub.f32 v28, v40;
	v20 =	vcvt.s32.f32 v63;
	v34 =	vsub.f32 v34, v44;
	v56 =	vld.idx.msk [tilespmem:v63+s21+$0x0], $0xffff  }
0x24a: {  	v21 =	vsub.f32 v30, v21;
	v55 =	vadd.s32 $0x1, v25;
	v22 =	vsub.f32 v22, v31;
	v58 =	vld.idx.msk [tilespmem:v53+s21+$0x0], $0xffff  }
0x24b: {  	v37 =	vcvt.s32.f32 v37;
	v60 =	vsub.f32 v33, v36;
	v23 =	vmul.f32 v23, v34;
	v39 =	vld.idx.msk [tilespmem:v51+s21+$0x0], $0xffff  }
0x24c: {  	v20 =	vsub.f32 v32, v20;
	v24 =	vsub.f32 v24, v50;
	v59 =	vld.idx.msk [tilespmem:v25+s21+$0x0], $0xffff;
	v25 =	vcvt.s32.f32 v25  }
0x24d: {  	v63 =	vsub.f32 v35, v37;
	v28 =	vmul.f32 v28, v60;
	v23 =	vadd.f32 v23, v44;
	v44 =	vld [tilespmem:s24+$0x320]  }
0x24e: {  	v29 =	vsub.f32 v29, v54;
	v51 =	vld [tilespmem:s24+$0x350];
	v21 =	vmul.f32 v21, v24;
	v24 =	vadd.f32 v47, v7  }
0x24f: {  	v61 =	vld.idx.msk [tilespmem:v55+s21+$0x0], $0xffff;
	v25 =	vsub.f32 v48, v25;
	v46 =	vadd.f32 v28, v36  }
0x250: {  	v62 =	vld [tilespmem:s24+$0x300];
	v23 =	vmul.f32 v23, v10;
	v22 =	vmul.f32 v22, v29;
	v21 =	vadd.f32 v21, v50  }
0x251: {  	v43 =	vld [tilespmem:s24+$0x310];
	v29 =	vadd.f32 v49, v6;
	v26 =	vmul.f32 v46, v14;
	v50 =	vsub.f32 v58, v57  }
0x252: {  	v27 =	vld [tilespmem:s24+$0x390];
	v22 =	vadd.f32 v22, v54;
	v48 =	vsub.f32 v39, v56;
	v21 =	vmul.f32 v21, v13  }
0x253: {  	v53 =	vld [tilespmem:s24+$0x360];
	v18 =	vadd.f32 v44, v9;
	v34 =	vadd.f32 v51, v5;
	v32 =	vmul.f32 v63, v50  }
0x254: {  	v35 =	vld [tilespmem:s24+$0x3C0];
	v52 =	vsub.f32 v61, v59;
	v22 =	vmul.f32 v22, v11;
	v50 =	vtrunc.f32 v29  }
0x255: {  	v20 =	vmul.f32 v20, v48;
	[tilespmem:s24+$0x82A0] =	vst.add.f32.msk $0xffff, v21;
	v21 =	vadd.f32 v62, v15;
	v62 =	vtrunc.f32 v18  }
0x256: {  	[tilespmem:s24+$0x8280] =	vst.add.f32.msk $0xffff, v23;
	v48 =	vtrunc.f32 v24;
	v54 =	vmul.f32 v25, v52;
	v55 =	vadd.f32 v32, v57  }
0x257: {  	[tilespmem:s24+$0x8290] =	vst.add.f32.msk $0xffff, v26;
	v51 =	vtrunc.f32 v34;
	v63 =	vcvt.f32.s32 v62;
	v20 =	vadd.f32 v20, v56  }
0x258: {  	[tilespmem:s24+$0x82B0] =	vst.add.f32.msk $0xffff, v22;
	v32 =	vcvt.f32.s32 v48;
	v23 =	vadd.f32 v54, v59;
	v25 =	vmul.f32 v55, v2  }
0x259: {  	v38 =	vcvt.f32.s32 v50;
	v22 =	vld [tilespmem:s24+$0x380];
	v20 =	vmul.f32 v20, v3  }
0x25a: {  	v39 =	vcvt.f32.s32 v51;
	v57 =	vmul.f32 v23, v1;
	[tilespmem:s24+$0x82D0] =	vst.add.f32.msk $0xffff, v25  }
0x25b: {  	[tilespmem:s24+$0x82C0] =	vst.add.f32.msk $0xffff, v20  }
0x25c: {  	v19 =	vsub.f32 v19, v17;
	v49 =	vadd.s32 $0x1, v63;
	[tilespmem:s24+$0x82E0] =	vst.add.f32.msk $0xffff, v57  }
0x25d: {  	v26 =	vadd.f32 v43, v12;
	v56 =	vtrunc.f32 v21;
	v54 =	vadd.s32 $0x1, v38;
	v43 =	vld.idx.msk [tilespmem:v63+s21+$0x0], $0xffff  }
0x25e: {  	v58 =	vcvt.f32.s32 v56;
	v55 =	vadd.s32 $0x1, v39;
	v15 =	vadd.f32 v22, v15;
	v22 =	vld.idx.msk [tilespmem:v32+s21+$0x0], $0xffff  }
0x25f: {  	v16 =	vmul.f32 v16, v19;
	v57 =	vcvt.s32.f32 v38;
	v38 =	vld.idx.msk [tilespmem:v38+s21+$0x0], $0xffff  }
0x260: {  	v33 =	vadd.f32 v53, v4;
	v59 =	vtrunc.f32 v26;
	v53 =	vadd.s32 $0x1, v32;
	v48 =	vld.idx.msk [tilespmem:v39+s21+$0x0], $0xffff  }
0x261: {  	v60 =	vcvt.f32.s32 v59;
	v61 =	vadd.s32 $0x1, v58;
	v36 =	vld.idx.msk [tilespmem:v49+s21+$0x0], $0xffff  }
0x262: {  	v16 =	vadd.f32 v16, v17;
	v17 =	vld.idx.msk [tilespmem:v54+s21+$0x0], $0xffff  }
0x263: {  	v52 =	vtrunc.f32 v33;
	v19 =	vcvt.s32.f32 v63;
	v47 =	vadd.s32 $0x1, v60;
	v51 =	vld.idx.msk [tilespmem:v55+s21+$0x0], $0xffff  }
0x264: {  	v6 =	vadd.f32 v35, v6;
	v59 =	vcvt.s32.f32 v39;
	v23 =	vcvt.s32.f32 v58;
	v37 =	vld.idx.msk [tilespmem:v58+s21+$0x0], $0xffff  }
0x265: {  	v40 =	vcvt.f32.s32 v52;
	v18 =	vsub.f32 v18, v19;
	v20 =	vcvt.s32.f32 v60;
	v58 =	vld.idx.msk [tilespmem:v53+s21+$0x0], $0xffff  }
0x266: {  	v56 =	vcvt.s32.f32 v32;
	v52 =	vsub.f32 v34, v59;
	v21 =	vsub.f32 v21, v23;
	v25 =	vld.idx.msk [tilespmem:v61+s21+$0x0], $0xffff  }
0x267: {  	v45 =	vadd.s32 $0x1, v40;
	v20 =	vsub.f32 v26, v20;
	v42 =	vld.idx.msk [tilespmem:v60+s21+$0x0], $0xffff;
	v50 =	vsub.f32 v36, v43  }
0x268: {  	v39 =	vtrunc.f32 v6;
	v62 =	vsub.f32 v29, v57;
	v28 =	vld.idx.msk [tilespmem:v47+s21+$0x0], $0xffff;
	v17 =	vsub.f32 v17, v38  }
0x269: {  	v30 =	vld [tilespmem:s24+$0x3A0];
	v60 =	vtrunc.f32 v15;
	v29 =	vsub.f32 v51, v48;
	v18 =	vmul.f32 v18, v50  }
0x26a: {  	v31 =	vld [tilespmem:s24+$0x3B0];
	v61 =	vsub.f32 v24, v56;
	v26 =	vsub.f32 v58, v22;
	v17 =	vmul.f32 v62, v17  }
0x26b: {  	v59 =	vld [tilespmem:s24+$0x3E0];
	v25 =	vsub.f32 v25, v37;
	v34 =	vmul.f32 v52, v29;
	v18 =	vadd.f32 v18, v43  }
0x26c: {  	v53 =	vld.idx.msk [tilespmem:v40+s21+$0x0], $0xffff;
	v29 =	vcvt.f32.s32 v39;
	v19 =	vmul.f32 v61, v26;
	v17 =	vadd.f32 v17, v38  }
0x26d: {  	v57 =	vld [tilespmem:s24+$0x3D0];
	v63 =	vsub.f32 v28, v42;
	v23 =	vadd.f32 v34, v48;
	v18 =	vmul.f32 v18, v13  }
0x26e: {  	v56 =	vld.idx.msk [tilespmem:v45+s21+$0x0], $0xffff;
	v21 =	vmul.f32 v21, v25;
	v19 =	vadd.f32 v19, v22;
	v17 =	vmul.f32 v17, v3  }
0x26f: {  	v12 =	vadd.f32 v27, v12;
	v20 =	vmul.f32 v20, v63;
	v23 =	vmul.f32 v23, v2;
	[tilespmem:s24+$0x8320] =	vst.add.f32.msk $0xffff, v18  }
0x270: {  	v49 =	vcvt.f32.s32 v60;
	v21 =	vadd.f32 v21, v37;
	v35 =	vmul.f32 v19, v11;
	[tilespmem:s24+$0x8340] =	vst.add.f32.msk $0xffff, v17  }
0x271: {  	v16 =	vmul.f32 v16, v8;
	v9 =	vadd.f32 v30, v9;
	v20 =	vadd.f32 v20, v42;
	[tilespmem:s24+$0x8350] =	vst.add.f32.msk $0xffff, v23  }
0x272: {  	v55 =	vtrunc.f32 v12;
	v54 =	vadd.s32 $0x1, v49;
	v21 =	vmul.f32 v21, v10;
	[tilespmem:s24+$0x8330] =	vst.add.f32.msk $0xffff, v35  }
0x273: {  	v58 =	vcvt.f32.s32 v55;
	v8 =	vadd.s32 $0x1, v29;
	v20 =	vmul.f32 v20, v14;
	v52 =	vld.idx.msk [tilespmem:v29+s21+$0x0], $0xffff  }
0x274: {  	v7 =	vadd.f32 v31, v7;
	v62 =	vtrunc.f32 v9;
	[tilespmem:s24+$0x8300] =	vst.add.f32.msk $0xffff, v21  }
0x275: {  	v60 =	vadd.s32 $0x1, v58;
	[tilespmem:s24+$0x8310] =	vst.add.f32.msk $0xffff, v20;
	v20 =	vcvt.f32.s32 v62  }
0x276: {  	v46 =	vcvt.s32.f32 v40;
	v5 =	vadd.f32 v57, v5;
	v38 =	vtrunc.f32 v7;
	v61 =	vld.idx.msk [tilespmem:v49+s21+$0x0], $0xffff  }
0x277: {  	v4 =	vadd.f32 v59, v4;
	v19 =	vcvt.f32.s32 v38;
	v63 =	vld.idx.msk [tilespmem:v54+s21+$0x0], $0xffff;
	v41 =	vadd.s32 $0x1, v20  }
0x278: {  	v27 =	vsub.f32 v56, v53;
	v44 =	vtrunc.f32 v5;
	v42 =	vsub.f32 v33, v46;
	v54 =	vld.idx.msk [tilespmem:v8+s21+$0x0], $0xffff  }
0x279: {  	v17 =	vcvt.f32.s32 v44;
	v43 =	vadd.s32 $0x1, v19;
	v40 =	vld.idx.msk [tilespmem:v58+s21+$0x0], $0xffff  }
0x27a: {  	v48 =	vtrunc.f32 v4;
	v18 =	vmul.f32 v42, v27;
	v21 =	vld.idx.msk [tilespmem:v60+s21+$0x0], $0xffff  }
0x27b: {  	v50 =	vcvt.f32.s32 v48;
	v46 =	vcvt.s32.f32 v49;
	v45 =	vld.idx.msk [tilespmem:v20+s21+$0x0], $0xffff  }
0x27c: {  	v51 =	vadd.s32 $0x1, v17;
	v18 =	vadd.f32 v18, v53;
	v25 =	vld.idx.msk [tilespmem:v41+s21+$0x0], $0xffff  }
0x27d: {  	v47 =	vcvt.s32.f32 v58;
	v15 =	vsub.f32 v15, v46;
	v53 =	vadd.s32 $0x1, v50;
	v49 =	vld.idx.msk [tilespmem:v19+s21+$0x0], $0xffff  }
0x27e: {  	v18 =	vmul.f32 v18, v1;
	v32 =	vld.idx.msk [tilespmem:v43+s21+$0x0], $0xffff;
	v22 =	vsub.f32 v63, v61;
	v20 =	vcvt.s32.f32 v20  }
0x27f: {  	v12 =	vsub.f32 v12, v47;
	v29 =	vcvt.s32.f32 v29;
	v19 =	vcvt.s32.f32 v19;
	v8 =	vld.idx.msk [tilespmem:v17+s21+$0x0], $0xffff  }
0x280: {  	[tilespmem:s24+$0x8360] =	vst.add.f32.msk $0xffff, v18;
	v56 =	vsub.f32 v21, v40;
	v20 =	vsub.f32 v9, v20;
	v9 =	vmul.f32 v15, v22  }
0x281: {  	v55 =	vcvt.s32.f32 v17;
	v6 =	vsub.f32 v6, v29;
	v57 =	vld.idx.msk [tilespmem:v51+s21+$0x0], $0xffff;
	v15 =	vsub.f32 v25, v45  }
0x282: {  	v7 =	vsub.f32 v7, v19;
	v12 =	vmul.f32 v12, v56;
	v58 =	vadd.f32 v9, v61;
	v9 =	vld.idx.msk [tilespmem:v50+s21+$0x0], $0xffff  }
0x283: {  	v62 =	vsub.f32 v54, v52;
	v59 =	vsub.f32 v32, v49;
	v61 =	vld.idx.msk [tilespmem:v53+s21+$0x0], $0xffff;
	v15 =	vmul.f32 v20, v15  }
0x284: {  	v60 =	vcvt.s32.f32 v50;
	v63 =	vsub.f32 v5, v55;
	v12 =	vadd.f32 v12, v40  }
0x285: {  	v7 =	vmul.f32 v7, v59;
	v10 =	vmul.f32 v58, v10;
	v15 =	vadd.f32 v15, v45  }
0x286: {  	[tilespmem:s24+$0x83F0] =	vst.add.f32.msk $0xffff, v16;
	v6 =	vmul.f32 v6, v62;
	v5 =	vmul.f32 v12, v14;
	v12 =	vsub.f32 v57, v8  }
0x287: {  	v7 =	vadd.f32 v7, v49;
	[tilespmem:s24+$0x8380] =	vst.add.f32.msk $0xffff, v10;
	v10 =	vsub.f32 v4, v60;
	v13 =	vmul.f32 v15, v13  }
0x288: {  	[tilespmem:s24+$0x8390] =	vst.add.f32.msk $0xffff, v5;
	v5 =	vadd.f32 v6, v52;
	v6 =	vmul.f32 v63, v12;
	v12 =	vsub.f32 v61, v9  }
0x289: {  	s26 =	simm.s32 $0x0;
	s28 =	simm.s32 $0x0;
	s29 =	simm.s32 $0x18340;
	v4 =	vmul.f32 v7, v11;
	[tilespmem:s24+$0x83A0] =	vst.add.f32.msk $0xffff, v13  }
.LBB2_44:
0x28a: {  	v11 =	vld [tilespmem:s29+$0x30];
	v5 =	vmul.f32 v5, v3;
	v3 =	vadd.f32 v6, v8;
	v7 =	vmul.f32 v10, v12;
	s26 =	sadd.s32 $0x1000, s26  }
0x28b: {  	s30 =	sshra.s32 s26, $0x2;
	v8 =	vld [tilespmem:s29+$0xFFFFFFD0]  }
0x28c: {  	v12 =	vld [tilespmem:s30+$0x70];
	v6 =	vmul.f32 v3, v2;
	v2 =	vadd.f32 v7, v9  }
0x28d: {  	v3 =	vld [tilespmem:s29+$0xFFFFFFE0]  }
0x28e: {  	v9 =	vld [tilespmem:s29+$0xFFFFFFF0];
	v7 =	vmul.f32 v2, v1  }
0x28f: {  	v1 =	vld [tilespmem:s29+$0x0];
	v20 =	vmul.f32 $1.024000000e+03, v11  }
0x290: {  	v10 =	vmul.f32 $1.024000000e+03, v8;
	v2 =	vld [tilespmem:s29+$0x10]  }
0x291: {  	s28 =	sadd.s32 $0x8, s28;
	v8 =	vld [tilespmem:s29+$0x20];
	v14 =	vadd.f32 v12, v20  }
0x292: {  	p1 =	slt.u32 s28, $0xF8;
	v15 =	vld [tilespmem:s29+$0xFFFFFFC0];
	v11 =	vmul.f32 $1.024000000e+03, v3  }
0x293: {  	v3 =	vld [tilespmem:s30+$0x0];
	v13 =	vmul.f32 $1.024000000e+03, v9;
	v9 =	vtrunc.f32 v14  }
0x294: {  	v16 =	vld [tilespmem:s30+$0x10];
	v12 =	vmul.f32 $1.024000000e+03, v1;
	v1 =	vcvt.f32.s32 v9  }
0x295: {  	v18 =	vld [tilespmem:s30+$0x20];
	v9 =	vmul.f32 $1.024000000e+03, v2  }
0x296: {  	v2 =	vld [tilespmem:s30+$0x30];
	v8 =	vmul.f32 $1.024000000e+03, v8;
	v19 =	vadd.s32 $0x1, v1  }
0x297: {  	v17 =	vmul.f32 $1.024000000e+03, v15;
	v15 =	vld [tilespmem:s30+$0x40]  }
0x298: {  	v21 =	vld [tilespmem:s30+$0x50]  }
0x299: {  	v3 =	vadd.f32 v3, v17;
	v16 =	vadd.f32 v16, v10;
	v22 =	vld [tilespmem:s30+$0xF0]  }
0x29a: {  	v18 =	vadd.f32 v18, v11;
	v23 =	vld.idx.msk [tilespmem:v1+s21+$0x0], $0xffff  }
0x29b: {  	v24 =	vtrunc.f32 v3;
	v25 =	vtrunc.f32 v16;
	v2 =	vadd.f32 v2, v13;
	v19 =	vld.idx.msk [tilespmem:v19+s21+$0x0], $0xffff  }
0x29c: {  	v24 =	vcvt.f32.s32 v24;
	v26 =	vtrunc.f32 v18;
	v15 =	vadd.f32 v15, v12;
	v27 =	vld [tilespmem:s30+$0x60]  }
0x29d: {  	v25 =	vcvt.f32.s32 v25;
	v28 =	vld [tilespmem:s30+$0x80];
	v29 =	vtrunc.f32 v2;
	v21 =	vadd.f32 v21, v9  }
0x29e: {  	v26 =	vcvt.f32.s32 v26;
	v30 =	vadd.s32 $0x1, v24;
	v31 =	vld [tilespmem:s30+$0x90];
	v32 =	vtrunc.f32 v15  }
0x29f: {  	v1 =	vcvt.s32.f32 v1;
	v33 =	vadd.s32 $0x1, v25;
	v34 =	vld [tilespmem:s30+$0xA0];
	v35 =	vtrunc.f32 v21  }
0x2a0: {  	v29 =	vcvt.f32.s32 v29;
	v37 =	vadd.f32 v22, v20;
	v32 =	vcvt.f32.s32 v32;
	v36 =	vld [tilespmem:s30+$0xB0]  }
0x2a1: {  	s12 =	sadd.s32 $0x100, s12;
	v1 =	vsub.f32 v14, v1;
	v35 =	vcvt.f32.s32 v35;
	v14 =	vsub.f32 v19, v23;
	v38 =	vld [tilespmem:s30+$0xC0]  }
0x2a2: {  	v22 =	vadd.s32 $0x1, v26;
	v39 =	vadd.s32 $0x1, v29;
	v27 =	vadd.f32 v27, v8;
	v19 =	vld [tilespmem:s12+$0x30]  }
0x2a3: {  	v40 =	vadd.s32 $0x1, v32;
	v1 =	vmul.f32 v1, v14;
	v14 =	vtrunc.f32 v37;
	v30 =	vld.idx.msk [tilespmem:v30+s21+$0x0], $0xffff  }
0x2a4: {  	v41 =	vadd.s32 $0x1, v35;
	v42 =	vtrunc.f32 v27;
	v14 =	vcvt.f32.s32 v14;
	v33 =	vld.idx.msk [tilespmem:v33+s21+$0x0], $0xffff  }
0x2a5: {  	v43 =	vcvt.s32.f32 v24;
	v42 =	vcvt.f32.s32 v42;
	v1 =	vadd.f32 v1, v23;
	v44 =	vld.idx.msk [tilespmem:v24+s21+$0x0], $0xffff  }
0x2a6: {  	v23 =	vcvt.s32.f32 v25;
	v24 =	vcvt.s32.f32 v26;
	v45 =	vld.idx.msk [tilespmem:v25+s21+$0x0], $0xffff;
	v25 =	vadd.s32 $0x1, v14  }
0x2a7: {  	v47 =	vadd.s32 $0x1, v42;
	v46 =	vld.idx.msk [tilespmem:v22+s21+$0x0], $0xffff;
	v22 =	vcvt.s32.f32 v29;
	v1 =	vmul.f32 v1, v19  }
0x2a8: {  	v3 =	vsub.f32 v3, v43;
	v43 =	vcvt.s32.f32 v32;
	v48 =	vcvt.s32.f32 v35;
	v49 =	vld [tilespmem:s30+$0x170]  }
0x2a9: {  	v16 =	vsub.f32 v16, v23;
	v23 =	vcvt.s32.f32 v42;
	v18 =	vsub.f32 v18, v24;
	[tilespmem:s30+$0x8070] =	vst.add.f32.msk $0xffff, v1  }
0x2aa: {  	v1 =	vsub.f32 v2, v22;
	v2 =	vsub.f32 v15, v43;
	v15 =	vld.idx.msk [tilespmem:v14+s21+$0x0], $0xffff  }
0x2ab: {  	v22 =	vsub.f32 v30, v44;
	v30 =	vsub.f32 v21, v48;
	v43 =	vld.idx.msk [tilespmem:v25+s21+$0x0], $0xffff  }
0x2ac: {  	v27 =	vsub.f32 v27, v23;
	v21 =	vsub.f32 v33, v45;
	v33 =	vld.idx.msk [tilespmem:v39+s21+$0x0], $0xffff  }
0x2ad: {  	v24 =	vadd.f32 v31, v10;
	v25 =	vadd.f32 v28, v17;
	v3 =	vmul.f32 v3, v22;
	v28 =	vld.idx.msk [tilespmem:v40+s21+$0x0], $0xffff  }
0x2ae: {  	v22 =	vadd.f32 v36, v13;
	v16 =	vmul.f32 v16, v21;
	v21 =	vadd.f32 v34, v11;
	v31 =	vld.idx.msk [tilespmem:v41+s21+$0x0], $0xffff  }
0x2af: {  	v23 =	vadd.f32 v38, v12;
	v14 =	vcvt.s32.f32 v14;
	v3 =	vadd.f32 v3, v44;
	v34 =	vld.idx.msk [tilespmem:v47+s21+$0x0], $0xffff  }
0x2b0: {  	v36 =	vtrunc.f32 v25;
	v38 =	vadd.f32 v16, v45;
	v16 =	vld.idx.msk [tilespmem:v26+s21+$0x0], $0xffff;
	v26 =	vadd.f32 v49, v20  }
0x2b1: {  	v39 =	vtrunc.f32 v24;
	v14 =	vsub.f32 v37, v14;
	v37 =	vsub.f32 v43, v15;
	v29 =	vld.idx.msk [tilespmem:v29+s21+$0x0], $0xffff  }
0x2b2: {  	v41 =	vtrunc.f32 v22;
	v40 =	vtrunc.f32 v21;
	v32 =	vld.idx.msk [tilespmem:v32+s21+$0x0], $0xffff  }
0x2b3: {  	v14 =	vmul.f32 v14, v37;
	v37 =	vtrunc.f32 v26;
	v35 =	vld.idx.msk [tilespmem:v35+s21+$0x0], $0xffff  }
0x2b4: {  	v43 =	vtrunc.f32 v23;
	v37 =	vcvt.f32.s32 v37;
	v42 =	vld.idx.msk [tilespmem:v42+s21+$0x0], $0xffff  }
0x2b5: {  	v39 =	vcvt.f32.s32 v39;
	v36 =	vcvt.f32.s32 v36;
	v14 =	vadd.f32 v14, v15;
	v44 =	vld [tilespmem:s30+$0xD0]  }
0x2b6: {  	v40 =	vcvt.f32.s32 v40;
	v45 =	vsub.f32 v46, v16;
	v47 =	vadd.s32 $0x1, v37;
	v46 =	vld [tilespmem:s30+$0xE0]  }
0x2b7: {  	v41 =	vcvt.f32.s32 v41;
	v33 =	vsub.f32 v33, v29;
	v14 =	vmul.f32 v14, v19;
	v15 =	vld [tilespmem:s12+$0xFFFFFFC0]  }
0x2b8: {  	v43 =	vcvt.f32.s32 v43;
	v18 =	vmul.f32 v18, v45;
	v28 =	vsub.f32 v28, v32;
	v45 =	vld [tilespmem:s30+$0x1F0]  }
0x2b9: {  	v48 =	vadd.s32 $0x1, v36;
	v1 =	vmul.f32 v1, v33;
	v31 =	vsub.f32 v31, v35;
	[tilespmem:s30+$0x80F0] =	vst.add.f32.msk $0xffff, v14  }
0x2ba: {  	v2 =	vmul.f32 v2, v28;
	v14 =	vsub.f32 v34, v42;
	v28 =	vadd.f32 v44, v9;
	v33 =	vld.idx.msk [tilespmem:v37+s21+$0x0], $0xffff  }
0x2bb: {  	v34 =	vadd.f32 v18, v16;
	v30 =	vmul.f32 v30, v31;
	v31 =	vadd.f32 v46, v8;
	v44 =	vld.idx.msk [tilespmem:v47+s21+$0x0], $0xffff  }
0x2bc: {  	v29 =	vadd.f32 v1, v29;
	v32 =	vadd.f32 v2, v32;
	v1 =	vmul.f32 v27, v14;
	v18 =	vld [tilespmem:s12+$0xFFFFFFD0]  }
0x2bd: {  	v27 =	vadd.f32 v30, v35;
	v2 =	vtrunc.f32 v28;
	v16 =	vld [tilespmem:s12+$0xFFFFFFE0];
	v30 =	vtrunc.f32 v31  }
0x2be: {  	v35 =	vmul.f32 v3, v15;
	v46 =	vcvt.f32.s32 v2;
	v42 =	vadd.f32 v1, v42;
	v14 =	vld [tilespmem:s12+$0xFFFFFFF0]  }
0x2bf: {  	v37 =	vcvt.s32.f32 v37;
	v47 =	vadd.s32 $0x1, v39;
	v30 =	vcvt.f32.s32 v30;
	v3 =	vld [tilespmem:s12+$0x0]  }
0x2c0: {  	v50 =	vadd.s32 $0x1, v41;
	v49 =	vadd.s32 $0x1, v40;
	v45 =	vadd.f32 v45, v20;
	v2 =	vld [tilespmem:s12+$0x10]  }
0x2c1: {  	v26 =	vsub.f32 v26, v37;
	v37 =	vsub.f32 v44, v33;
	v38 =	vmul.f32 v38, v18;
	v1 =	vld [tilespmem:s12+$0x20]  }
0x2c2: {  	v44 =	vadd.s32 $0x1, v46;
	[tilespmem:s30+$0x8000] =	vst.add.f32.msk $0xffff, v35;
	v34 =	vmul.f32 v34, v16;
	v35 =	vadd.s32 $0x1, v43  }
0x2c3: {  	v26 =	vmul.f32 v26, v37;
	v37 =	vtrunc.f32 v45;
	[tilespmem:s30+$0x8010] =	vst.add.f32.msk $0xffff, v38;
	v38 =	vadd.s32 $0x1, v30  }
0x2c4: {  	v29 =	vmul.f32 v29, v14;
	[tilespmem:s30+$0x8020] =	vst.add.f32.msk $0xffff, v34;
	v34 =	vcvt.f32.s32 v37  }
0x2c5: {  	v32 =	vmul.f32 v32, v3;
	v26 =	vadd.f32 v26, v33;
	v37 =	vld.idx.msk [tilespmem:v36+s21+$0x0], $0xffff;
	v27 =	vmul.f32 v27, v2  }
0x2c6: {  	v33 =	vcvt.s32.f32 v36;
	[tilespmem:s30+$0x8030] =	vst.add.f32.msk $0xffff, v29;
	v29 =	vmul.f32 v42, v1;
	v36 =	vadd.s32 $0x1, v34  }
0x2c7: {  	v42 =	vcvt.s32.f32 v39;
	v26 =	vmul.f32 v26, v19;
	[tilespmem:s30+$0x8040] =	vst.add.f32.msk $0xffff, v32  }
0x2c8: {  	v25 =	vsub.f32 v25, v33;
	v33 =	vcvt.s32.f32 v41;
	v32 =	vcvt.s32.f32 v40;
	v51 =	vld [tilespmem:s30+$0x270]  }
0x2c9: {  	v52 =	vcvt.s32.f32 v46;
	v24 =	vsub.f32 v24, v42;
	v42 =	vcvt.s32.f32 v43;
	[tilespmem:s30+$0x8170] =	vst.add.f32.msk $0xffff, v26  }
0x2ca: {  	v22 =	vsub.f32 v22, v33;
	v21 =	vsub.f32 v21, v32;
	v26 =	vcvt.s32.f32 v30;
	v32 =	vld.idx.msk [tilespmem:v34+s21+$0x0], $0xffff  }
0x2cb: {  	v28 =	vsub.f32 v28, v52;
	v23 =	vsub.f32 v23, v42;
	v33 =	vld.idx.msk [tilespmem:v36+s21+$0x0], $0xffff  }
0x2cc: {  	v26 =	vsub.f32 v31, v26;
	[tilespmem:s30+$0x8050] =	vst.add.f32.msk $0xffff, v27  }
0x2cd: {  	[tilespmem:s30+$0x8060] =	vst.add.f32.msk $0xffff, v29  }
0x2ce: {  	v27 =	vld.idx.msk [tilespmem:v48+s21+$0x0], $0xffff  }
0x2cf: {  	v31 =	vcvt.s32.f32 v34;
	v29 =	vld.idx.msk [tilespmem:v39+s21+$0x0], $0xffff  }
0x2d0: {  	v36 =	vadd.f32 v51, v20;
	v34 =	vld.idx.msk [tilespmem:v47+s21+$0x0], $0xffff  }
0x2d1: {  	v31 =	vsub.f32 v45, v31;
	v33 =	vsub.f32 v33, v32;
	v39 =	vld.idx.msk [tilespmem:v40+s21+$0x0], $0xffff  }
0x2d2: {  	v40 =	vld.idx.msk [tilespmem:v49+s21+$0x0], $0xffff  }
0x2d3: {  	v31 =	vmul.f32 v31, v33;
	v33 =	vtrunc.f32 v36;
	v41 =	vld.idx.msk [tilespmem:v41+s21+$0x0], $0xffff  }
0x2d4: {  	v27 =	vsub.f32 v27, v37;
	v33 =	vcvt.f32.s32 v33;
	v42 =	vld.idx.msk [tilespmem:v50+s21+$0x0], $0xffff  }
0x2d5: {  	v31 =	vadd.f32 v31, v32;
	v43 =	vld.idx.msk [tilespmem:v43+s21+$0x0], $0xffff  }
0x2d6: {  	v25 =	vmul.f32 v25, v27;
	v27 =	vsub.f32 v34, v29;
	v34 =	vadd.s32 $0x1, v33;
	v32 =	vld.idx.msk [tilespmem:v35+s21+$0x0], $0xffff  }
0x2d7: {  	v31 =	vmul.f32 v31, v19;
	v35 =	vld.idx.msk [tilespmem:v46+s21+$0x0], $0xffff  }
0x2d8: {  	v25 =	vadd.f32 v25, v37;
	v24 =	vmul.f32 v24, v27;
	v27 =	vsub.f32 v40, v39;
	v37 =	vld [tilespmem:s30+$0x2F0]  }
0x2d9: {  	[tilespmem:s30+$0x81F0] =	vst.add.f32.msk $0xffff, v31  }
0x2da: {  	v24 =	vadd.f32 v24, v29;
	v21 =	vmul.f32 v21, v27;
	v27 =	vsub.f32 v42, v41;
	v29 =	vld.idx.msk [tilespmem:v33+s21+$0x0], $0xffff  }
0x2db: {  	v25 =	vmul.f32 v25, v15;
	v31 =	vld.idx.msk [tilespmem:v34+s21+$0x0], $0xffff  }
0x2dc: {  	v21 =	vadd.f32 v21, v39;
	v22 =	vmul.f32 v22, v27;
	v27 =	vsub.f32 v32, v43;
	v32 =	vld.idx.msk [tilespmem:v44+s21+$0x0], $0xffff  }
0x2dd: {  	v24 =	vmul.f32 v24, v18;
	v30 =	vld.idx.msk [tilespmem:v30+s21+$0x0], $0xffff  }
0x2de: {  	v21 =	vmul.f32 v21, v16;
	v22 =	vadd.f32 v22, v41;
	v23 =	vmul.f32 v23, v27;
	v27 =	vld.idx.msk [tilespmem:v38+s21+$0x0], $0xffff  }
0x2df: {  	v33 =	vcvt.s32.f32 v33;
	v34 =	vld [tilespmem:s30+$0x100]  }
0x2e0: {  	v37 =	vadd.f32 v37, v20;
	v22 =	vmul.f32 v22, v14;
	v23 =	vadd.f32 v23, v43;
	v38 =	vld [tilespmem:s30+$0x110]  }
0x2e1: {  	v33 =	vsub.f32 v36, v33;
	v31 =	vsub.f32 v31, v29;
	v39 =	vld [tilespmem:s30+$0x120]  }
0x2e2: {  	v23 =	vmul.f32 v23, v3;
	v32 =	vsub.f32 v32, v35;
	v36 =	vld [tilespmem:s30+$0x130]  }
0x2e3: {  	v31 =	vmul.f32 v33, v31;
	v33 =	vtrunc.f32 v37;
	v40 =	vld [tilespmem:s30+$0x140]  }
0x2e4: {  	v28 =	vmul.f32 v28, v32;
	v27 =	vsub.f32 v27, v30;
	v33 =	vcvt.f32.s32 v33;
	v32 =	vld [tilespmem:s30+$0x150]  }
0x2e5: {  	v34 =	vadd.f32 v34, v17;
	v29 =	vadd.f32 v31, v29;
	v41 =	vld [tilespmem:s30+$0x160]  }
0x2e6: {  	v26 =	vmul.f32 v26, v27;
	v27 =	vadd.s32 $0x1, v33;
	[tilespmem:s30+$0x8080] =	vst.add.f32.msk $0xffff, v25;
	v25 =	vadd.f32 v38, v10  }
0x2e7: {  	v29 =	vmul.f32 v29, v19;
	[tilespmem:s30+$0x8090] =	vst.add.f32.msk $0xffff, v24;
	v24 =	vadd.f32 v39, v11;
	v31 =	vadd.f32 v36, v13  }
0x2e8: {  	v28 =	vadd.f32 v28, v35;
	v36 =	vtrunc.f32 v34;
	v38 =	vadd.f32 v40, v12;
	v35 =	vld [tilespmem:s30+$0x370]  }
0x2e9: {  	v26 =	vadd.f32 v26, v30;
	v39 =	vtrunc.f32 v25;
	v32 =	vadd.f32 v32, v9;
	[tilespmem:s30+$0x8270] =	vst.add.f32.msk $0xffff, v29  }
0x2ea: {  	v29 =	vtrunc.f32 v24;
	v30 =	vtrunc.f32 v31;
	v40 =	vadd.f32 v41, v8;
	v41 =	vld.idx.msk [tilespmem:v33+s21+$0x0], $0xffff  }
0x2eb: {  	v42 =	vtrunc.f32 v38;
	v43 =	vtrunc.f32 v32;
	v27 =	vld.idx.msk [tilespmem:v27+s21+$0x0], $0xffff  }
0x2ec: {  	[tilespmem:s30+$0x80A0] =	vst.add.f32.msk $0xffff, v21;
	v21 =	vmul.f32 v28, v2;
	v28 =	vtrunc.f32 v40  }
0x2ed: {  	v36 =	vcvt.f32.s32 v36;
	[tilespmem:s30+$0x80B0] =	vst.add.f32.msk $0xffff, v22;
	v22 =	vmul.f32 v26, v1  }
0x2ee: {  	v29 =	vcvt.f32.s32 v29;
	v26 =	vcvt.f32.s32 v39;
	[tilespmem:s30+$0x80C0] =	vst.add.f32.msk $0xffff, v23  }
0x2ef: {  	v30 =	vcvt.f32.s32 v30;
	v23 =	vadd.s32 $0x1, v36;
	[tilespmem:s30+$0x80D0] =	vst.add.f32.msk $0xffff, v21;
	v21 =	vcvt.s32.f32 v33  }
0x2f0: {  	v39 =	vcvt.f32.s32 v43;
	v33 =	vcvt.f32.s32 v42;
	[tilespmem:s30+$0x80E0] =	vst.add.f32.msk $0xffff, v22;
	v22 =	vadd.f32 v35, v20  }
0x2f1: {  	v28 =	vcvt.f32.s32 v28;
	v27 =	vsub.f32 v27, v41;
	v35 =	vld [tilespmem:s30+$0x180];
	v21 =	vsub.f32 v37, v21  }
0x2f2: {  	v44 =	vadd.s32 $0x1, v30;
	v43 =	vadd.s32 $0x1, v29;
	v37 =	vadd.s32 $0x1, v26;
	v42 =	vld [tilespmem:s30+$0x190]  }
0x2f3: {  	v46 =	vadd.s32 $0x1, v33;
	v45 =	vld.idx.msk [tilespmem:v36+s21+$0x0], $0xffff;
	v21 =	vmul.f32 v21, v27;
	v27 =	vtrunc.f32 v22  }
0x2f4: {  	v47 =	vadd.s32 $0x1, v39;
	v48 =	vadd.s32 $0x1, v28;
	v23 =	vld.idx.msk [tilespmem:v23+s21+$0x0], $0xffff;
	v27 =	vcvt.f32.s32 v27  }
0x2f5: {  	v49 =	vcvt.s32.f32 v26;
	v36 =	vcvt.s32.f32 v36;
	v26 =	vld.idx.msk [tilespmem:v26+s21+$0x0], $0xffff;
	v21 =	vadd.f32 v21, v41  }
0x2f6: {  	v50 =	vcvt.s32.f32 v30;
	v41 =	vcvt.s32.f32 v29;
	v29 =	vld.idx.msk [tilespmem:v29+s21+$0x0], $0xffff;
	v51 =	vadd.s32 $0x1, v27  }
0x2f7: {  	v34 =	vsub.f32 v34, v36;
	v36 =	vld.idx.msk [tilespmem:v37+s21+$0x0], $0xffff;
	v37 =	vcvt.s32.f32 v33;
	v21 =	vmul.f32 v21, v19  }
0x2f8: {  	v52 =	vcvt.s32.f32 v28;
	v25 =	vsub.f32 v25, v49;
	v49 =	vcvt.s32.f32 v39;
	v53 =	vld [tilespmem:s30+$0x3F0]  }
0x2f9: {  	v31 =	vsub.f32 v31, v50;
	v24 =	vsub.f32 v24, v41;
	[tilespmem:s30+$0x82F0] =	vst.add.f32.msk $0xffff, v21  }
0x2fa: {  	v21 =	vsub.f32 v23, v45;
	v23 =	vsub.f32 v38, v37;
	v37 =	vld.idx.msk [tilespmem:v27+s21+$0x0], $0xffff  }
0x2fb: {  	v32 =	vsub.f32 v32, v49;
	v38 =	vsub.f32 v40, v52;
	v40 =	vld.idx.msk [tilespmem:v51+s21+$0x0], $0xffff  }
0x2fc: {  	v21 =	vmul.f32 v34, v21;
	v34 =	vadd.f32 v35, v17;
	v35 =	vadd.f32 v42, v10;
	v41 =	vld.idx.msk [tilespmem:v43+s21+$0x0], $0xffff  }
0x2fd: {  	v36 =	vsub.f32 v36, v26;
	v30 =	vld.idx.msk [tilespmem:v30+s21+$0x0], $0xffff  }
0x2fe: {  	v21 =	vadd.f32 v21, v45;
	v42 =	vtrunc.f32 v34;
	v43 =	vtrunc.f32 v35;
	v44 =	vld.idx.msk [tilespmem:v44+s21+$0x0], $0xffff  }
0x2ff: {  	v27 =	vcvt.s32.f32 v27;
	v25 =	vmul.f32 v25, v36;
	v33 =	vld.idx.msk [tilespmem:v33+s21+$0x0], $0xffff  }
0x300: {  	v20 =	vadd.f32 v53, v20;
	v36 =	vcvt.f32.s32 v42;
	v21 =	vmul.f32 v21, v15;
	v42 =	vld.idx.msk [tilespmem:v46+s21+$0x0], $0xffff  }
0x301: {  	v22 =	vsub.f32 v22, v27;
	v43 =	vcvt.f32.s32 v43;
	v27 =	vsub.f32 v40, v37;
	v39 =	vld.idx.msk [tilespmem:v39+s21+$0x0], $0xffff  }
0x302: {  	v40 =	vadd.s32 $0x1, v36;
	v25 =	vadd.f32 v25, v26;
	v26 =	vsub.f32 v41, v29;
	v41 =	vld.idx.msk [tilespmem:v47+s21+$0x0], $0xffff  }
0x303: {  	v45 =	vadd.s32 $0x1, v43;
	v22 =	vmul.f32 v22, v27;
	v27 =	vtrunc.f32 v20;
	v28 =	vld.idx.msk [tilespmem:v28+s21+$0x0], $0xffff  }
0x304: {  	v24 =	vmul.f32 v24, v26;
	v26 =	vsub.f32 v44, v30;
	v27 =	vcvt.f32.s32 v27;
	v44 =	vld.idx.msk [tilespmem:v48+s21+$0x0], $0xffff  }
0x305: {  	v46 =	vcvt.s32.f32 v36;
	v25 =	vmul.f32 v25, v18;
	v22 =	vadd.f32 v22, v37;
	v47 =	vld [tilespmem:s30+$0x1A0]  }
0x306: {  	v26 =	vmul.f32 v31, v26;
	v37 =	vsub.f32 v42, v33;
	v42 =	vadd.s32 $0x1, v27;
	v31 =	vld [tilespmem:s30+$0x1B0]  }
0x307: {  	v48 =	vcvt.s32.f32 v43;
	v24 =	vadd.f32 v24, v29;
	v22 =	vmul.f32 v22, v19;
	v29 =	vld [tilespmem:s30+$0x1C0]  }
0x308: {  	v26 =	vadd.f32 v26, v30;
	v23 =	vmul.f32 v23, v37;
	v30 =	vsub.f32 v41, v39;
	v37 =	vld [tilespmem:s30+$0x1D0]  }
0x309: {  	v34 =	vsub.f32 v34, v46;
	v35 =	vsub.f32 v35, v48;
	v24 =	vmul.f32 v24, v16;
	[tilespmem:s30+$0x8370] =	vst.add.f32.msk $0xffff, v22  }
0x30a: {  	v30 =	vmul.f32 v32, v30;
	v32 =	vsub.f32 v44, v28;
	v22 =	vadd.f32 v47, v11;
	v41 =	vld.idx.msk [tilespmem:v27+s21+$0x0], $0xffff  }
0x30b: {  	v26 =	vmul.f32 v26, v14;
	v23 =	vadd.f32 v23, v33;
	v31 =	vadd.f32 v31, v13;
	v33 =	vld.idx.msk [tilespmem:v42+s21+$0x0], $0xffff  }
0x30c: {  	v30 =	vadd.f32 v30, v39;
	v32 =	vmul.f32 v38, v32;
	v29 =	vadd.f32 v29, v12;
	v38 =	vld [tilespmem:s30+$0x1E0]  }
0x30d: {  	[tilespmem:s30+$0x8100] =	vst.add.f32.msk $0xffff, v21;
	v21 =	vtrunc.f32 v22;
	v39 =	vtrunc.f32 v31;
	v37 =	vadd.f32 v37, v9  }
0x30e: {  	v23 =	vmul.f32 v23, v3;
	v28 =	vadd.f32 v32, v28;
	[tilespmem:s30+$0x8110] =	vst.add.f32.msk $0xffff, v25;
	v25 =	vtrunc.f32 v29  }
0x30f: {  	v27 =	vcvt.s32.f32 v27;
	[tilespmem:s30+$0x8120] =	vst.add.f32.msk $0xffff, v24;
	v24 =	vtrunc.f32 v37  }
0x310: {  	v28 =	vmul.f32 v28, v1;
	[tilespmem:s30+$0x8130] =	vst.add.f32.msk $0xffff, v26;
	v26 =	vmul.f32 v30, v2  }
0x311: {  	v20 =	vsub.f32 v20, v27;
	v21 =	vcvt.f32.s32 v21;
	[tilespmem:s30+$0x8140] =	vst.add.f32.msk $0xffff, v23;
	v23 =	vsub.f32 v33, v41  }
0x312: {  	v27 =	vcvt.f32.s32 v39;
	v25 =	vcvt.f32.s32 v25;
	[tilespmem:s30+$0x8150] =	vst.add.f32.msk $0xffff, v26;
	v26 =	vadd.f32 v38, v8  }
0x313: {  	v30 =	vadd.s32 $0x1, v21;
	v24 =	vcvt.f32.s32 v24;
	[tilespmem:s30+$0x8160] =	vst.add.f32.msk $0xffff, v28;
	v20 =	vmul.f32 v20, v23  }
0x314: {  	v32 =	vadd.s32 $0x1, v25;
	v28 =	vadd.s32 $0x1, v27;
	v23 =	vld.idx.msk [tilespmem:v36+s21+$0x0], $0xffff;
	v33 =	vtrunc.f32 v26  }
0x315: {  	v38 =	vadd.s32 $0x1, v24;
	v36 =	vld.idx.msk [tilespmem:v40+s21+$0x0], $0xffff;
	v33 =	vcvt.f32.s32 v33;
	v20 =	vadd.f32 v20, v41  }
0x316: {  	v40 =	vcvt.s32.f32 v21;
	v41 =	vcvt.s32.f32 v27;
	v39 =	vld.idx.msk [tilespmem:v43+s21+$0x0], $0xffff  }
0x317: {  	v43 =	vcvt.s32.f32 v25;
	v42 =	vld.idx.msk [tilespmem:v45+s21+$0x0], $0xffff;
	v44 =	vadd.s32 $0x1, v33;
	v19 =	vmul.f32 v20, v19  }
0x318: {  	v20 =	vsub.f32 v22, v40;
	v22 =	vcvt.s32.f32 v24;
	v40 =	vcvt.s32.f32 v33;
	v21 =	vld.idx.msk [tilespmem:v21+s21+$0x0], $0xffff  }
0x319: {  	v31 =	vsub.f32 v31, v41;
	v29 =	vsub.f32 v29, v43;
	[tilespmem:s30+$0x83F0] =	vst.add.f32.msk $0xffff, v19  }
0x31a: {  	v22 =	vsub.f32 v37, v22;
	v26 =	vsub.f32 v26, v40;
	v19 =	vld.idx.msk [tilespmem:v30+s21+$0x0], $0xffff  }
0x31b: {  	v30 =	vsub.f32 v36, v23;
	v27 =	vld.idx.msk [tilespmem:v27+s21+$0x0], $0xffff  }
0x31c: {  	v28 =	vld.idx.msk [tilespmem:v28+s21+$0x0], $0xffff  }
0x31d: {  	v30 =	vmul.f32 v34, v30;
	v34 =	vsub.f32 v42, v39;
	v25 =	vld.idx.msk [tilespmem:v25+s21+$0x0], $0xffff  }
0x31e: {  	v32 =	vld.idx.msk [tilespmem:v32+s21+$0x0], $0xffff  }
0x31f: {  	v23 =	vadd.f32 v30, v23;
	v30 =	vmul.f32 v35, v34;
	v24 =	vld.idx.msk [tilespmem:v24+s21+$0x0], $0xffff  }
0x320: {  	v19 =	vsub.f32 v19, v21;
	v34 =	vld.idx.msk [tilespmem:v38+s21+$0x0], $0xffff  }
0x321: {  	v23 =	vmul.f32 v23, v15;
	v30 =	vadd.f32 v30, v39;
	v33 =	vld.idx.msk [tilespmem:v33+s21+$0x0], $0xffff  }
0x322: {  	v19 =	vmul.f32 v20, v19;
	v20 =	vsub.f32 v28, v27;
	v28 =	vld.idx.msk [tilespmem:v44+s21+$0x0], $0xffff  }
0x323: {  	v30 =	vmul.f32 v30, v18;
	v35 =	vld [tilespmem:s30+$0x200]  }
0x324: {  	v19 =	vadd.f32 v19, v21;
	v20 =	vmul.f32 v31, v20;
	v21 =	vsub.f32 v32, v25;
	v36 =	vld [tilespmem:s30+$0x210]  }
0x325: {  	v31 =	vld [tilespmem:s30+$0x220]  }
0x326: {  	v20 =	vadd.f32 v20, v27;
	v21 =	vmul.f32 v29, v21;
	v29 =	vsub.f32 v34, v24;
	v27 =	vld [tilespmem:s30+$0x230]  }
0x327: {  	v19 =	vmul.f32 v19, v16;
	v32 =	vld [tilespmem:s30+$0x240]  }
0x328: {  	v22 =	vmul.f32 v22, v29;
	v28 =	vsub.f32 v28, v33;
	v34 =	vadd.f32 v35, v17;
	v29 =	vld [tilespmem:s30+$0x250]  }
0x329: {  	v20 =	vmul.f32 v20, v14;
	v21 =	vadd.f32 v21, v25;
	v35 =	vadd.f32 v36, v10;
	v25 =	vld [tilespmem:s30+$0x260]  }
0x32a: {  	v22 =	vadd.f32 v22, v24;
	v24 =	vmul.f32 v26, v28;
	[tilespmem:s30+$0x8180] =	vst.add.f32.msk $0xffff, v23;
	v23 =	vadd.f32 v31, v11  }
0x32b: {  	v26 =	vtrunc.f32 v34;
	[tilespmem:s30+$0x8190] =	vst.add.f32.msk $0xffff, v30;
	v28 =	vtrunc.f32 v35;
	v27 =	vadd.f32 v27, v13  }
0x32c: {  	v24 =	vadd.f32 v24, v33;
	[tilespmem:s30+$0x81A0] =	vst.add.f32.msk $0xffff, v19;
	v19 =	vtrunc.f32 v23;
	v30 =	vadd.f32 v32, v12  }
0x32d: {  	v21 =	vmul.f32 v21, v3;
	[tilespmem:s30+$0x81B0] =	vst.add.f32.msk $0xffff, v20;
	v20 =	vtrunc.f32 v27;
	v29 =	vadd.f32 v29, v9  }
0x32e: {  	v22 =	vmul.f32 v22, v2;
	v31 =	vld [tilespmem:s30+$0x280];
	v32 =	vtrunc.f32 v30;
	v25 =	vadd.f32 v25, v8  }
0x32f: {  	v24 =	vmul.f32 v24, v1;
	[tilespmem:s30+$0x81C0] =	vst.add.f32.msk $0xffff, v21;
	v21 =	vtrunc.f32 v29  }
0x330: {  	v26 =	vcvt.f32.s32 v26;
	[tilespmem:s30+$0x81D0] =	vst.add.f32.msk $0xffff, v22;
	v22 =	vtrunc.f32 v25  }
0x331: {  	v28 =	vcvt.f32.s32 v28;
	v19 =	vcvt.f32.s32 v19;
	[tilespmem:s30+$0x81E0] =	vst.add.f32.msk $0xffff, v24  }
0x332: {  	v20 =	vcvt.f32.s32 v20;
	v32 =	vcvt.f32.s32 v32;
	v24 =	vadd.s32 $0x1, v26;
	v33 =	vld [tilespmem:s30+$0x290]  }
0x333: {  	v36 =	vadd.s32 $0x1, v28;
	v21 =	vcvt.f32.s32 v21;
	v22 =	vcvt.f32.s32 v22;
	v37 =	vld [tilespmem:s30+$0x2A0]  }
0x334: {  	v38 =	vadd.s32 $0x1, v19;
	v39 =	vadd.s32 $0x1, v20;
	v41 =	vadd.s32 $0x1, v32;
	v40 =	vld [tilespmem:s30+$0x2B0]  }
0x335: {  	v42 =	vcvt.s32.f32 v26;
	v44 =	vadd.s32 $0x1, v21;
	v45 =	vadd.s32 $0x1, v22;
	v43 =	vld [tilespmem:s30+$0x2C0]  }
0x336: {  	v46 =	vcvt.s32.f32 v28;
	v47 =	vcvt.s32.f32 v19;
	v31 =	vadd.f32 v31, v17;
	v26 =	vld.idx.msk [tilespmem:v26+s21+$0x0], $0xffff  }
0x337: {  	v34 =	vsub.f32 v34, v42;
	v42 =	vcvt.s32.f32 v20;
	v48 =	vcvt.s32.f32 v32;
	v24 =	vld.idx.msk [tilespmem:v24+s21+$0x0], $0xffff  }
0x338: {  	v35 =	vsub.f32 v35, v46;
	v46 =	vcvt.s32.f32 v21;
	v49 =	vcvt.s32.f32 v22;
	v28 =	vld.idx.msk [tilespmem:v28+s21+$0x0], $0xffff  }
0x339: {  	v23 =	vsub.f32 v23, v47;
	v27 =	vsub.f32 v27, v42;
	v50 =	vtrunc.f32 v31;
	v36 =	vld.idx.msk [tilespmem:v36+s21+$0x0], $0xffff  }
0x33a: {  	v30 =	vsub.f32 v30, v48;
	v29 =	vsub.f32 v29, v46;
	v42 =	vcvt.f32.s32 v50;
	v19 =	vld.idx.msk [tilespmem:v19+s21+$0x0], $0xffff  }
0x33b: {  	v25 =	vsub.f32 v25, v49;
	v33 =	vadd.f32 v33, v10;
	v38 =	vld.idx.msk [tilespmem:v38+s21+$0x0], $0xffff  }
0x33c: {  	v46 =	vadd.s32 $0x1, v42;
	v37 =	vadd.f32 v37, v11;
	v40 =	vadd.f32 v40, v13;
	v20 =	vld.idx.msk [tilespmem:v20+s21+$0x0], $0xffff  }
0x33d: {  	v47 =	vtrunc.f32 v33;
	v43 =	vadd.f32 v43, v12;
	v24 =	vsub.f32 v24, v26;
	v39 =	vld.idx.msk [tilespmem:v39+s21+$0x0], $0xffff  }
0x33e: {  	v48 =	vtrunc.f32 v37;
	v49 =	vtrunc.f32 v40;
	v32 =	vld.idx.msk [tilespmem:v32+s21+$0x0], $0xffff  }
0x33f: {  	v24 =	vmul.f32 v34, v24;
	v34 =	vsub.f32 v36, v28;
	v36 =	vld.idx.msk [tilespmem:v41+s21+$0x0], $0xffff;
	v41 =	vtrunc.f32 v43  }
0x340: {  	v47 =	vcvt.f32.s32 v47;
	v48 =	vcvt.f32.s32 v48;
	v21 =	vld.idx.msk [tilespmem:v21+s21+$0x0], $0xffff  }
0x341: {  	v24 =	vadd.f32 v24, v26;
	v26 =	vmul.f32 v35, v34;
	v34 =	vsub.f32 v38, v19;
	v35 =	vld.idx.msk [tilespmem:v44+s21+$0x0], $0xffff  }
0x342: {  	v38 =	vadd.s32 $0x1, v47;
	v41 =	vcvt.f32.s32 v41;
	v44 =	vcvt.f32.s32 v49;
	v22 =	vld.idx.msk [tilespmem:v22+s21+$0x0], $0xffff  }
0x343: {  	v26 =	vadd.f32 v26, v28;
	v23 =	vmul.f32 v23, v34;
	v28 =	vsub.f32 v39, v20;
	v34 =	vld.idx.msk [tilespmem:v45+s21+$0x0], $0xffff  }
0x344: {  	v24 =	vmul.f32 v24, v15;
	v39 =	vadd.s32 $0x1, v48;
	v45 =	vadd.s32 $0x1, v44;
	v49 =	vld [tilespmem:s30+$0x2D0]  }
0x345: {  	v19 =	vadd.f32 v23, v19;
	v23 =	vmul.f32 v27, v28;
	v27 =	vsub.f32 v36, v32;
	v28 =	vld [tilespmem:s30+$0x2E0]  }
0x346: {  	v26 =	vmul.f32 v26, v18;
	v36 =	vadd.s32 $0x1, v41;
	[tilespmem:s30+$0x8200] =	vst.add.f32.msk $0xffff, v24;
	v24 =	vcvt.s32.f32 v42  }
0x347: {  	v20 =	vadd.f32 v23, v20;
	v23 =	vmul.f32 v30, v27;
	v27 =	vsub.f32 v35, v21;
	v42 =	vld.idx.msk [tilespmem:v42+s21+$0x0], $0xffff  }
0x348: {  	v19 =	vmul.f32 v19, v16;
	v24 =	vsub.f32 v31, v24;
	[tilespmem:s30+$0x8210] =	vst.add.f32.msk $0xffff, v26;
	v26 =	vcvt.s32.f32 v47  }
0x349: {  	v27 =	vmul.f32 v29, v27;
	v31 =	vsub.f32 v34, v22;
	v30 =	vld.idx.msk [tilespmem:v46+s21+$0x0], $0xffff;
	v29 =	vadd.f32 v49, v9  }
0x34a: {  	[tilespmem:s30+$0x8220] =	vst.add.f32.msk $0xffff, v19;
	v19 =	vmul.f32 v20, v14;
	v20 =	vadd.f32 v23, v32;
	v23 =	vadd.f32 v28, v8  }
0x34b: {  	v21 =	vadd.f32 v27, v21;
	v25 =	vmul.f32 v25, v31;
	v28 =	vld.idx.msk [tilespmem:v47+s21+$0x0], $0xffff;
	v27 =	vtrunc.f32 v29  }
0x34c: {  	v26 =	vsub.f32 v33, v26;
	[tilespmem:s30+$0x8230] =	vst.add.f32.msk $0xffff, v19;
	v19 =	vmul.f32 v20, v3;
	v20 =	vtrunc.f32 v23  }
0x34d: {  	v21 =	vmul.f32 v21, v2;
	v27 =	vcvt.f32.s32 v27;
	v22 =	vadd.f32 v25, v22;
	v31 =	vld.idx.msk [tilespmem:v38+s21+$0x0], $0xffff  }
0x34e: {  	v25 =	vcvt.s32.f32 v48;
	[tilespmem:s30+$0x8240] =	vst.add.f32.msk $0xffff, v19;
	v19 =	vcvt.f32.s32 v20  }
0x34f: {  	v20 =	vcvt.s32.f32 v44;
	v22 =	vmul.f32 v22, v1;
	[tilespmem:s30+$0x8250] =	vst.add.f32.msk $0xffff, v21;
	v21 =	vadd.s32 $0x1, v27  }
0x350: {  	v33 =	vcvt.s32.f32 v41;
	v34 =	vcvt.s32.f32 v27;
	v32 =	vld.idx.msk [tilespmem:v48+s21+$0x0], $0xffff;
	v35 =	vadd.s32 $0x1, v19  }
0x351: {  	v30 =	vsub.f32 v30, v42;
	v25 =	vsub.f32 v37, v25;
	[tilespmem:s30+$0x8260] =	vst.add.f32.msk $0xffff, v22;
	v22 =	vcvt.s32.f32 v19  }
0x352: {  	v33 =	vsub.f32 v43, v33;
	v20 =	vsub.f32 v40, v20;
	v37 =	vld.idx.msk [tilespmem:v39+s21+$0x0], $0xffff  }
0x353: {  	v24 =	vmul.f32 v24, v30;
	v29 =	vsub.f32 v29, v34;
	v30 =	vsub.f32 v31, v28;
	v31 =	vld.idx.msk [tilespmem:v44+s21+$0x0], $0xffff  }
0x354: {  	v22 =	vsub.f32 v23, v22;
	v34 =	vld.idx.msk [tilespmem:v45+s21+$0x0], $0xffff  }
0x355: {  	v23 =	vadd.f32 v24, v42;
	v24 =	vmul.f32 v26, v30;
	v26 =	vld.idx.msk [tilespmem:v41+s21+$0x0], $0xffff  }
0x356: {  	v30 =	vld.idx.msk [tilespmem:v36+s21+$0x0], $0xffff  }
0x357: {  	v23 =	vmul.f32 v23, v15;
	v24 =	vadd.f32 v24, v28;
	v27 =	vld.idx.msk [tilespmem:v27+s21+$0x0], $0xffff  }
0x358: {  	v28 =	vsub.f32 v37, v32;
	v21 =	vld.idx.msk [tilespmem:v21+s21+$0x0], $0xffff  }
0x359: {  	v24 =	vmul.f32 v24, v18;
	v19 =	vld.idx.msk [tilespmem:v19+s21+$0x0], $0xffff  }
0x35a: {  	v25 =	vmul.f32 v25, v28;
	v28 =	vsub.f32 v34, v31;
	v34 =	vld.idx.msk [tilespmem:v35+s21+$0x0], $0xffff  }
0x35b: {  	v35 =	vld [tilespmem:s30+$0x300]  }
0x35c: {  	v25 =	vadd.f32 v25, v32;
	v20 =	vmul.f32 v20, v28;
	v28 =	vsub.f32 v30, v26;
	v36 =	vld [tilespmem:s30+$0x310]  }
0x35d: {  	v30 =	vld [tilespmem:s30+$0x320]  }
0x35e: {  	v20 =	vadd.f32 v20, v31;
	v28 =	vmul.f32 v33, v28;
	v21 =	vsub.f32 v21, v27;
	v31 =	vld [tilespmem:s30+$0x330]  }
0x35f: {  	v25 =	vmul.f32 v25, v16;
	v32 =	vld [tilespmem:s30+$0x340]  }
0x360: {  	v21 =	vmul.f32 v29, v21;
	v34 =	vsub.f32 v34, v19;
	v33 =	vadd.f32 v35, v17;
	v29 =	vld [tilespmem:s30+$0x350]  }
0x361: {  	v20 =	vmul.f32 v20, v14;
	v26 =	vadd.f32 v28, v26;
	v35 =	vadd.f32 v36, v10;
	v28 =	vld [tilespmem:s30+$0x360]  }
0x362: {  	v21 =	vadd.f32 v21, v27;
	v22 =	vmul.f32 v22, v34;
	[tilespmem:s30+$0x8280] =	vst.add.f32.msk $0xffff, v23;
	v23 =	vadd.f32 v30, v11  }
0x363: {  	v27 =	vtrunc.f32 v33;
	[tilespmem:s30+$0x8290] =	vst.add.f32.msk $0xffff, v24;
	v24 =	vtrunc.f32 v35;
	v30 =	vadd.f32 v31, v13  }
0x364: {  	v19 =	vadd.f32 v22, v19;
	[tilespmem:s30+$0x82A0] =	vst.add.f32.msk $0xffff, v25;
	v25 =	vtrunc.f32 v23;
	v31 =	vadd.f32 v32, v12  }
0x365: {  	v22 =	vmul.f32 v26, v3;
	[tilespmem:s30+$0x82B0] =	vst.add.f32.msk $0xffff, v20;
	v20 =	vtrunc.f32 v30;
	v26 =	vadd.f32 v29, v9  }
0x366: {  	v21 =	vmul.f32 v21, v2;
	v29 =	vld [tilespmem:s30+$0x380];
	v32 =	vtrunc.f32 v31;
	v28 =	vadd.f32 v28, v8  }
0x367: {  	v19 =	vmul.f32 v19, v1;
	[tilespmem:s30+$0x82C0] =	vst.add.f32.msk $0xffff, v22;
	v22 =	vtrunc.f32 v26  }
0x368: {  	v27 =	vcvt.f32.s32 v27;
	[tilespmem:s30+$0x82D0] =	vst.add.f32.msk $0xffff, v21;
	v21 =	vtrunc.f32 v28  }
0x369: {  	v24 =	vcvt.f32.s32 v24;
	v25 =	vcvt.f32.s32 v25;
	[tilespmem:s30+$0x82E0] =	vst.add.f32.msk $0xffff, v19  }
0x36a: {  	v20 =	vcvt.f32.s32 v20;
	v32 =	vcvt.f32.s32 v32;
	v19 =	vadd.s32 $0x1, v27;
	v34 =	vld [tilespmem:s30+$0x390]  }
0x36b: {  	v36 =	vadd.s32 $0x1, v24;
	v22 =	vcvt.f32.s32 v22;
	v21 =	vcvt.f32.s32 v21;
	v37 =	vld [tilespmem:s30+$0x3A0]  }
0x36c: {  	v38 =	vadd.s32 $0x1, v25;
	v39 =	vadd.s32 $0x1, v20;
	v41 =	vadd.s32 $0x1, v32;
	v40 =	vld [tilespmem:s30+$0x3B0]  }
0x36d: {  	v42 =	vcvt.s32.f32 v27;
	v44 =	vadd.s32 $0x1, v22;
	v45 =	vadd.s32 $0x1, v21;
	v43 =	vld [tilespmem:s30+$0x3C0]  }
0x36e: {  	v46 =	vcvt.s32.f32 v25;
	v17 =	vadd.f32 v29, v17;
	v29 =	vcvt.s32.f32 v24;
	v27 =	vld.idx.msk [tilespmem:v27+s21+$0x0], $0xffff  }
0x36f: {  	v33 =	vsub.f32 v33, v42;
	v42 =	vcvt.s32.f32 v20;
	v47 =	vcvt.s32.f32 v32;
	v19 =	vld.idx.msk [tilespmem:v19+s21+$0x0], $0xffff  }
0x370: {  	v48 =	vcvt.s32.f32 v21;
	v29 =	vsub.f32 v35, v29;
	v35 =	vcvt.s32.f32 v22;
	v24 =	vld.idx.msk [tilespmem:v24+s21+$0x0], $0xffff  }
0x371: {  	v23 =	vsub.f32 v23, v46;
	v30 =	vsub.f32 v30, v42;
	v49 =	vtrunc.f32 v17;
	v36 =	vld.idx.msk [tilespmem:v36+s21+$0x0], $0xffff  }
0x372: {  	v31 =	vsub.f32 v31, v47;
	v42 =	vcvt.f32.s32 v49;
	v26 =	vsub.f32 v26, v35;
	v25 =	vld.idx.msk [tilespmem:v25+s21+$0x0], $0xffff  }
0x373: {  	v28 =	vsub.f32 v28, v48;
	v10 =	vadd.f32 v34, v10;
	v34 =	vld.idx.msk [tilespmem:v38+s21+$0x0], $0xffff  }
0x374: {  	v35 =	vadd.s32 $0x1, v42;
	v11 =	vadd.f32 v37, v11;
	v13 =	vadd.f32 v40, v13;
	v20 =	vld.idx.msk [tilespmem:v20+s21+$0x0], $0xffff  }
0x375: {  	v37 =	vtrunc.f32 v10;
	v12 =	vadd.f32 v43, v12;
	v19 =	vsub.f32 v19, v27;
	v38 =	vld.idx.msk [tilespmem:v39+s21+$0x0], $0xffff  }
0x376: {  	v40 =	vtrunc.f32 v13;
	v39 =	vtrunc.f32 v11;
	v32 =	vld.idx.msk [tilespmem:v32+s21+$0x0], $0xffff  }
0x377: {  	v19 =	vmul.f32 v33, v19;
	v33 =	vsub.f32 v36, v24;
	v36 =	vld.idx.msk [tilespmem:v41+s21+$0x0], $0xffff;
	v41 =	vtrunc.f32 v12  }
0x378: {  	v37 =	vcvt.f32.s32 v37;
	v39 =	vcvt.f32.s32 v39;
	v22 =	vld.idx.msk [tilespmem:v22+s21+$0x0], $0xffff  }
0x379: {  	v19 =	vadd.f32 v19, v27;
	v27 =	vmul.f32 v29, v33;
	v29 =	vsub.f32 v34, v25;
	v33 =	vld.idx.msk [tilespmem:v44+s21+$0x0], $0xffff  }
0x37a: {  	v40 =	vcvt.f32.s32 v40;
	v34 =	vadd.s32 $0x1, v37;
	v41 =	vcvt.f32.s32 v41;
	v21 =	vld.idx.msk [tilespmem:v21+s21+$0x0], $0xffff  }
0x37b: {  	v24 =	vadd.f32 v27, v24;
	v23 =	vmul.f32 v23, v29;
	v27 =	vsub.f32 v38, v20;
	v29 =	vld.idx.msk [tilespmem:v45+s21+$0x0], $0xffff  }
0x37c: {  	v43 =	vadd.s32 $0x1, v40;
	v19 =	vmul.f32 v19, v15;
	v38 =	vadd.s32 $0x1, v39;
	v44 =	vld [tilespmem:s30+$0x3D0]  }
0x37d: {  	v23 =	vadd.f32 v23, v25;
	v25 =	vmul.f32 v30, v27;
	v27 =	vsub.f32 v36, v32;
	v30 =	vld [tilespmem:s30+$0x3E0]  }
0x37e: {  	v24 =	vmul.f32 v24, v18;
	v36 =	vadd.s32 $0x1, v41;
	[tilespmem:s30+$0x8300] =	vst.add.f32.msk $0xffff, v19;
	v19 =	vcvt.s32.f32 v42  }
0x37f: {  	v20 =	vadd.f32 v25, v20;
	v25 =	vmul.f32 v31, v27;
	v27 =	vsub.f32 v33, v22;
	v42 =	vld.idx.msk [tilespmem:v42+s21+$0x0], $0xffff  }
0x380: {  	v23 =	vmul.f32 v23, v16;
	v17 =	vsub.f32 v17, v19;
	[tilespmem:s30+$0x8310] =	vst.add.f32.msk $0xffff, v24;
	v19 =	vcvt.s32.f32 v37  }
0x381: {  	v26 =	vmul.f32 v26, v27;
	v27 =	vsub.f32 v29, v21;
	v24 =	vld.idx.msk [tilespmem:v35+s21+$0x0], $0xffff;
	v9 =	vadd.f32 v44, v9  }
0x382: {  	v20 =	vmul.f32 v20, v14;
	[tilespmem:s30+$0x8320] =	vst.add.f32.msk $0xffff, v23;
	v23 =	vadd.f32 v25, v32;
	v8 =	vadd.f32 v30, v8  }
0x383: {  	v22 =	vadd.f32 v26, v22;
	v27 =	vmul.f32 v28, v27;
	v25 =	vld.idx.msk [tilespmem:v37+s21+$0x0], $0xffff;
	v26 =	vtrunc.f32 v9  }
0x384: {  	v19 =	vsub.f32 v10, v19;
	[tilespmem:s30+$0x8330] =	vst.add.f32.msk $0xffff, v20;
	v10 =	vmul.f32 v23, v3;
	v20 =	vtrunc.f32 v8  }
0x385: {  	v22 =	vmul.f32 v22, v2;
	v26 =	vcvt.f32.s32 v26;
	v21 =	vadd.f32 v27, v21;
	v23 =	vld.idx.msk [tilespmem:v34+s21+$0x0], $0xffff  }
0x386: {  	v27 =	vcvt.s32.f32 v39;
	v20 =	vcvt.f32.s32 v20;
	[tilespmem:s30+$0x8340] =	vst.add.f32.msk $0xffff, v10  }
0x387: {  	v10 =	vcvt.s32.f32 v40;
	v21 =	vmul.f32 v21, v1;
	[tilespmem:s30+$0x8350] =	vst.add.f32.msk $0xffff, v22;
	v22 =	vadd.s32 $0x1, v26  }
0x388: {  	v29 =	vcvt.s32.f32 v41;
	v30 =	vcvt.s32.f32 v26;
	v31 =	vadd.s32 $0x1, v20;
	v28 =	vld.idx.msk [tilespmem:v39+s21+$0x0], $0xffff  }
0x389: {  	v24 =	vsub.f32 v24, v42;
	v11 =	vsub.f32 v11, v27;
	[tilespmem:s30+$0x8360] =	vst.add.f32.msk $0xffff, v21;
	v21 =	vcvt.s32.f32 v20  }
0x38a: {  	v12 =	vsub.f32 v12, v29;
	v13 =	vsub.f32 v13, v10;
	v27 =	vld.idx.msk [tilespmem:v38+s21+$0x0], $0xffff  }
0x38b: {  	v17 =	vmul.f32 v17, v24;
	v29 =	vsub.f32 v9, v30;
	v23 =	vsub.f32 v23, v25;
	v24 =	vld.idx.msk [tilespmem:v40+s21+$0x0], $0xffff  }
0x38c: {  	v10 =	vsub.f32 v8, v21;
	v30 =	vld.idx.msk [tilespmem:v43+s21+$0x0], $0xffff  }
0x38d: {  	v8 =	vadd.f32 v17, v42;
	v9 =	vmul.f32 v19, v23;
	v17 =	vld.idx.msk [tilespmem:v41+s21+$0x0], $0xffff  }
0x38e: {  	v19 =	vld.idx.msk [tilespmem:v36+s21+$0x0], $0xffff  }
0x38f: {  	v15 =	vmul.f32 v8, v15;
	v9 =	vadd.f32 v9, v25;
	v8 =	vld.idx.msk [tilespmem:v26+s21+$0x0], $0xffff  }
0x390: {  	v21 =	vsub.f32 v27, v28;
	v22 =	vld.idx.msk [tilespmem:v22+s21+$0x0], $0xffff  }
0x391: {  	v18 =	vmul.f32 v9, v18;
	v9 =	vld.idx.msk [tilespmem:v20+s21+$0x0], $0xffff  }
0x392: {  	v11 =	vmul.f32 v11, v21;
	v20 =	vsub.f32 v30, v24;
	v21 =	vld.idx.msk [tilespmem:v31+s21+$0x0], $0xffff  }
0x393: {  	[tilespmem:s30+$0x8380] =	vst.add.f32.msk $0xffff, v15  }
0x394: {  	v11 =	vadd.f32 v11, v28;
	v13 =	vmul.f32 v13, v20;
	v15 =	vsub.f32 v19, v17;
	[tilespmem:s30+$0x8390] =	vst.add.f32.msk $0xffff, v18  }
.Ltmp20:
0x395: {  	[tilespmem:s24+$0x83B0] =	vst.add.f32.msk $0xffff, v4;
	(pc) =	sbr.rel @p1 .LBB2_44-.Ltmp20, $4  }
0x396: {  	v4 =	vadd.f32 v13, v24;
	v12 =	vmul.f32 v12, v15;
	v13 =	vsub.f32 v22, v8;
	[tilespmem:s24+$0x83C0] =	vst.add.f32.msk $0xffff, v5  }
0x397: {  	v11 =	vmul.f32 v11, v16;
	[tilespmem:s24+$0x83D0] =	vst.add.f32.msk $0xffff, v6  }
0x398: {  	v5 =	vadd.f32 v12, v17;
	v6 =	vmul.f32 v29, v13;
	v12 =	vsub.f32 v21, v9;
	[tilespmem:s24+$0x83E0] =	vst.add.f32.msk $0xffff, v7;
	s24 =	smov.u32 s30  }
0x399: {  	s29 =	sadd.s32 $0x100, s29;
	v4 =	vmul.f32 v4, v14;
	[tilespmem:s24+$0x83A0] =	vst.add.f32.msk $0xffff, v11  }
0x39a: {  	v7 =	vmul.f32 v10, v12  }
0x39b: {  	v6 =	vadd.f32 v6, v8;
	p1 =	seq.s32 s15, $0x3F  }
.Ltmp21:
0x39c: {  	v3 =	vmul.f32 v5, v3;
	v63 =	vadd.f32 v7, v9;
	(pc) =	sbr.rel @p1 .LBB2_51-.Ltmp21, $4  }
0x39d: {  	[tilespmem:s24+$0x83B0] =	vst.add.f32.msk $0xffff, v4;
	v2 =	vmul.f32 v6, v2  }
0x39e: {  	[tilespmem:s24+$0x83C0] =	vst.add.f32.msk $0xffff, v3;
	v1 =	vmul.f32 v63, v1  }
0x39f: {  	[tilespmem:s24+$0x83D0] =	vst.add.f32.msk $0xffff, v2  }
0x3a0: {  	[tilespmem:s24+$0x83E0] =	vst.add.f32.msk $0xffff, v1;
	s24 =	sshll.u32 s15, $0x1  }
0x3a1: {  	s0 =	sadd.s32 $0x2, s24  }
0x3a2: {  	s1 =	sshrl.u32 s0, $0x3  }
0x3a3: {  	s3 =	smul.u32 $0x41000, s1  }
0x3a4: {  	s0 =	sshll.u32 s0, $0x7;
	s1 =	sshll.u32 s1, $0x14  }
0x3a5: {  	s0 =	sand.u32 $0x300, s0;
	s1 =	sor.u32 s7, s1;
	s3 =	sadd.s32 s2, s3  }
0x3a6: {  	s3 =	sor.u32 s0, s3;
	s0 =	sor.u32 s0, s1  }
0x3a7: {  	s3 =	sshrl.u32 s3, $0x3;
	s12 =	sshrl.u32 s0, $0x3  }
0x3a8: {  	s28 =	simm.s32 $0x18200;
	s3 =	sadd.s32 s8, s3;
	s26 =	sadd.s32 s5, s12  }
0x3a9: {  	[tilespmem:s21], [sflag:$0x1] =	stream.strided.gather [hbm4b:s3+s19], $0x4100, s20, s19, $0x38;
	[tilespmem:$0x1C280] =	vst v63  }
0x3aa: {  	s29 =	simm.s32 $0x80;
	s30 =	simm.s32 $0x18300;
	s31 =	sadd.s32 $0x0, s26  }
.LBB2_47:
0x3ab: {  	[tilespmem:s28], [sflag:$0x1] =	stream.linear.gather [hbm4b:s31+s4], $0x80, $0x38;
	[tilespmem:$0x1C280] =	vst v63  }
0x3ac: {  	s0 =	smov.u32 s29;
	s28 =	smov.u32 s30;
	p2 =	sne.s32 s29, $0xF80  }
.Ltmp22:
0x3ad: {  	s29 =	sadd.s32 $0x80, s29;
	(pc) =	sbr.rel @p2 .LBB2_47-.Ltmp22, $2  }
0x3ae: {  	_ =	sdelay $0x2  }
0x3af: {  	s30 =	sadd.s32 $0x100, s30;
	s31 =	sadd.s32 s0, s26  }
0x3b0: {  	[tilespmem:s28], [sflag:$0x1] =	stream.linear.gather [hbm4b:s31+s4], $0x80, $0x38;
	[tilespmem:$0x1C280] =	vst v63  }
0x3b1: {  	s12 =	sadd.s32 s6, s12;
	s26 =	simm.s32 $0x1A200  }
0x3b2: {  	s28 =	simm.s32 $0x80;
	s29 =	simm.s32 $0x1A300;
	s30 =	sadd.s32 $0x0, s12  }
.LBB2_49:
0x3b3: {  	[tilespmem:s26], [sflag:$0x1] =	stream.linear.gather [hbm4b:s30+s4], $0x80, $0x38;
	[tilespmem:$0x1C280] =	vst v63  }
0x3b4: {  	s0 =	smov.u32 s28;
	s26 =	smov.u32 s29;
	p2 =	sne.s32 s28, $0xF80  }
.Ltmp23:
0x3b5: {  	s28 =	sadd.s32 $0x80, s28;
	(pc) =	sbr.rel @p2 .LBB2_49-.Ltmp23, $2  }
0x3b6: {  	_ =	sdelay $0x2  }
0x3b7: {  	s29 =	sadd.s32 $0x100, s29;
	s30 =	sadd.s32 s0, s12  }
0x3b8: {  	[tilespmem:s26], [sflag:$0x1] =	stream.linear.gather [hbm4b:s30+s4], $0x80, $0x38;
	[tilespmem:$0x1C280] =	vst v63  }
.LBB2_51:
0x3b9: {  	_ =	swait.ge [sflag:s23], $0x4100  }
0x3ba: {  	[sflag:s23] =	ssyncset.done $0x0  }
0x3bb: {  	[sflag:s23] =	ssyncadd.s32 $0xFFFFBF00  }
0x3bc: {  	_ =	swait.ge [sflag:s23], $0x1000  }
0x3bd: {  	[sflag:s23] =	ssyncset.done $0x0  }
0x3be: {  	[sflag:s23] =	ssyncadd.s32 $0xFFFFF000  }
0x3bf: {  	_ =	swait.ge [sflag:s23], $0x1000  }
0x3c0: {  	[sflag:s23] =	ssyncset.done $0x0  }
0x3c1: {  	s0 =	simm.s32 $0x182F0;
	[sflag:s23] =	ssyncadd.s32 $0xFFFFF000  }
0x3c2: {  	v1 =	vld [tilespmem:s0+$0x0]  }
0x3c3: {  	s12 =	simm.s32 $0x0;
	v2 =	vld [tilespmem:s0+$0xFFFFFFA0]  }
0x3c4: {  	v3 =	vld [tilespmem:s12+$0x70]  }
0x3c5: {  	v4 =	vld [tilespmem:s0+$0xFFFFFFB0]  }
0x3c6: {  	v5 =	vld [tilespmem:s0+$0xFFFFFFC0]  }
0x3c7: {  	v6 =	vld [tilespmem:s0+$0xFFFFFFD0]  }
0x3c8: {  	v8 =	vld [tilespmem:s0+$0xFFFFFFF0]  }
0x3c9: {  	v7 =	vld [tilespmem:s0+$0xFFFFFF90]  }
0x3ca: {  	v9 =	vld [tilespmem:s12+$0x0]  }
0x3cb: {  	v11 =	vld [tilespmem:s12+$0x10]  }
0x3cc: {  	v13 =	vld [tilespmem:s12+$0x20]  }
0x3cd: {  	v14 =	vld [tilespmem:s12+$0x30]  }
0x3ce: {  	v18 =	vld [tilespmem:s12+$0x40];
	v16 =	vmul.f32 $1.024000000e+03, v1  }
0x3cf: {  	v20 =	vld [tilespmem:s12+$0xF0]  }
0x3d0: {  	v24 =	vld [tilespmem:s12+$0x60];
	v15 =	vmul.f32 $1.024000000e+03, v7;
	v3 =	vadd.f32 v3, v16  }
0x3d1: {  	v27 =	vld [tilespmem:s12+$0x90];
	v12 =	vmul.f32 $1.024000000e+03, v2;
	v7 =	vmul.f32 $1.024000000e+03, v5  }
0x3d2: {  	v29 =	vld [tilespmem:s12+$0xA0];
	v6 =	vmul.f32 $1.024000000e+03, v6;
	v10 =	vtrunc.f32 v3  }
0x3d3: {  	v1 =	vld [tilespmem:s0+$0xFFFFFFE0];
	v19 =	vadd.f32 v9, v15;
	v11 =	vadd.f32 v11, v12;
	v10 =	vcvt.f32.s32 v10  }
0x3d4: {  	v31 =	vld [tilespmem:s12+$0xB0];
	v9 =	vmul.f32 $1.024000000e+03, v4;
	v14 =	vadd.f32 v14, v7;
	v18 =	vadd.f32 v18, v6  }
0x3d5: {  	v40 =	vld [tilespmem:s12+$0x170];
	v4 =	vtrunc.f32 v19;
	v55 =	vtrunc.f32 v11;
	v17 =	vadd.s32 $0x1, v10  }
0x3d6: {  	v61 =	vld [tilespmem:s12+$0x1F0];
	v32 =	vtrunc.f32 v14;
	v23 =	vcvt.f32.s32 v4  }
0x3d7: {  	v2 =	vld [tilespmem:s12+$0x50];
	v56 =	vtrunc.f32 v18;
	v25 =	vcvt.f32.s32 v55  }
0x3d8: {  	v5 =	vmul.f32 $1.024000000e+03, v1;
	v1 =	vadd.f32 v13, v9;
	v13 =	vld [tilespmem:s12+$0x80];
	v32 =	vcvt.f32.s32 v32  }
0x3d9: {  	v57 =	vcvt.f32.s32 v56;
	v21 =	vld.idx.msk [tilespmem:v10+s22+$0x0], $0xffff  }
0x3da: {  	s26 =	simm.s32 $0x1A2F0;
	v4 =	vmul.f32 $1.024000000e+03, v8;
	v8 =	vtrunc.f32 v1;
	v22 =	vld.idx.msk [tilespmem:v17+s22+$0x0], $0xffff  }
0x3db: {  	v30 =	vcvt.f32.s32 v8;
	v8 =	vld [tilespmem:s26+$0x0]  }
0x3dc: {  	v26 =	vadd.s32 $0x1, v23;
	v35 =	vld.idx.msk [tilespmem:v23+s22+$0x0], $0xffff  }
0x3dd: {  	v28 =	vadd.s32 $0x1, v25;
	v10 =	vcvt.s32.f32 v10;
	v59 =	vld.idx.msk [tilespmem:v25+s22+$0x0], $0xffff  }
0x3de: {  	v20 =	vadd.f32 v20, v16;
	v37 =	vadd.s32 $0x1, v32;
	v45 =	vld.idx.msk [tilespmem:v32+s22+$0x0], $0xffff  }
0x3df: {  	v39 =	vadd.s32 $0x1, v57;
	v60 =	vld.idx.msk [tilespmem:v57+s22+$0x0], $0xffff;
	v3 =	vsub.f32 v3, v10;
	v10 =	vsub.f32 v22, v21  }
0x3e0: {  	v24 =	vadd.f32 v24, v4;
	v17 =	vld [tilespmem:s12+$0xC0]  }
0x3e1: {  	v33 =	vadd.s32 $0x1, v30;
	v26 =	vld.idx.msk [tilespmem:v26+s22+$0x0], $0xffff;
	v3 =	vmul.f32 v3, v10;
	v10 =	vtrunc.f32 v20  }
0x3e2: {  	v2 =	vadd.f32 v2, v5;
	v28 =	vld.idx.msk [tilespmem:v28+s22+$0x0], $0xffff;
	v10 =	vcvt.f32.s32 v10  }
0x3e3: {  	v38 =	vtrunc.f32 v24;
	v37 =	vld.idx.msk [tilespmem:v37+s22+$0x0], $0xffff;
	v3 =	vadd.f32 v3, v21  }
0x3e4: {  	v34 =	vtrunc.f32 v2;
	v38 =	vcvt.f32.s32 v38;
	v39 =	vld.idx.msk [tilespmem:v39+s22+$0x0], $0xffff;
	v36 =	vadd.s32 $0x1, v10  }
0x3e5: {  	v58 =	vcvt.f32.s32 v34;
	v44 =	vld.idx.msk [tilespmem:v30+s22+$0x0], $0xffff;
	v3 =	vmul.f32 v3, v8  }
0x3e6: {  	v25 =	vcvt.s32.f32 v25;
	v33 =	vld.idx.msk [tilespmem:v33+s22+$0x0], $0xffff  }
0x3e7: {  	v22 =	vcvt.s32.f32 v58;
	[tilespmem:s12+$0x8070] =	vst.add.f32.msk $0xffff, v3;
	v3 =	vadd.s32 $0x1, v38  }
0x3e8: {  	v41 =	vadd.s32 $0x1, v58;
	v11 =	vsub.f32 v11, v25;
	v42 =	vld.idx.msk [tilespmem:v10+s22+$0x0], $0xffff  }
0x3e9: {  	v32 =	vcvt.s32.f32 v32;
	v22 =	vsub.f32 v2, v22;
	v2 =	vsub.f32 v28, v59;
	v36 =	vld.idx.msk [tilespmem:v36+s22+$0x0], $0xffff  }
0x3ea: {  	v30 =	vcvt.s32.f32 v30;
	v46 =	vld.idx.msk [tilespmem:v38+s22+$0x0], $0xffff  }
0x3eb: {  	v62 =	vsub.f32 v14, v32;
	v52 =	vsub.f32 v37, v45;
	v2 =	vmul.f32 v11, v2;
	v11 =	vld [tilespmem:s26+$0xFFFFFFC0]  }
0x3ec: {  	v1 =	vsub.f32 v1, v30;
	v51 =	vsub.f32 v33, v44;
	v43 =	vld.idx.msk [tilespmem:v3+s22+$0x0], $0xffff;
	v3 =	vcvt.s32.f32 v10  }
0x3ed: {  	v41 =	vld.idx.msk [tilespmem:v41+s22+$0x0], $0xffff;
	v30 =	vmul.f32 v62, v52;
	v54 =	vadd.f32 v2, v59  }
0x3ee: {  	v1 =	vmul.f32 v1, v51;
	v2 =	vld [tilespmem:s26+$0xFFFFFFE0];
	v3 =	vsub.f32 v20, v3;
	v10 =	vsub.f32 v36, v42  }
0x3ef: {  	v40 =	vadd.f32 v40, v16;
	v63 =	vcvt.s32.f32 v38;
	v36 =	vld.idx.msk [tilespmem:v58+s22+$0x0], $0xffff;
	v58 =	vadd.f32 v30, v45  }
0x3f0: {  	v21 =	vcvt.s32.f32 v57;
	v57 =	vadd.f32 v1, v44;
	v1 =	vld [tilespmem:s26+$0xFFFFFFF0];
	v3 =	vmul.f32 v3, v10  }
0x3f1: {  	v24 =	vsub.f32 v24, v63;
	v44 =	vld [tilespmem:s12+$0x270];
	v10 =	vtrunc.f32 v40;
	v62 =	vmul.f32 v58, v11  }
0x3f2: {  	v53 =	vsub.f32 v39, v60;
	v47 =	vcvt.f32.s32 v10;
	v10 =	vcvt.s32.f32 v23;
	v23 =	vld [tilespmem:s12+$0xD0]  }
0x3f3: {  	v39 =	vsub.f32 v43, v46;
	v3 =	vadd.f32 v3, v42;
	v42 =	vld [tilespmem:s12+$0xE0]  }
0x3f4: {  	v14 =	vsub.f32 v26, v35;
	[tilespmem:s12+$0x8030] =	vst.add.f32.msk $0xffff, v62;
	v48 =	vadd.s32 $0x1, v47;
	v19 =	vsub.f32 v19, v10  }
0x3f5: {  	v10 =	vld [tilespmem:s26+$0xFFFFFF90];
	v24 =	vmul.f32 v24, v39;
	v3 =	vmul.f32 v3, v8  }
0x3f6: {  	v25 =	vadd.f32 v61, v16;
	v61 =	vsub.f32 v41, v36;
	v19 =	vmul.f32 v19, v14;
	v14 =	vld [tilespmem:s26+$0xFFFFFFA0]  }
0x3f7: {  	v24 =	vadd.f32 v24, v46;
	[tilespmem:s12+$0x80F0] =	vst.add.f32.msk $0xffff, v3  }
0x3f8: {  	v22 =	vmul.f32 v22, v61;
	v3 =	vsub.f32 v18, v21;
	v18 =	vadd.f32 v13, v15;
	v49 =	vld.idx.msk [tilespmem:v47+s22+$0x0], $0xffff  }
0x3f9: {  	v19 =	vadd.f32 v19, v35;
	v24 =	vmul.f32 v24, v1;
	v50 =	vld.idx.msk [tilespmem:v48+s22+$0x0], $0xffff  }
0x3fa: {  	v22 =	vadd.f32 v22, v36;
	v13 =	vtrunc.f32 v18;
	v55 =	vmul.f32 v3, v53;
	v3 =	vld [tilespmem:s26+$0xFFFFFFD0]  }
0x3fb: {  	v37 =	vcvt.f32.s32 v13;
	v13 =	vld [tilespmem:s26+$0xFFFFFFB0];
	v19 =	vmul.f32 v19, v10  }
0x3fc: {  	v22 =	vmul.f32 v22, v2;
	[tilespmem:s12+$0x8060] =	vst.add.f32.msk $0xffff, v24  }
0x3fd: {  	v17 =	vadd.f32 v17, v6;
	v56 =	vcvt.s32.f32 v47;
	v23 =	vadd.f32 v23, v5;
	[tilespmem:s12+$0x8000] =	vst.add.f32.msk $0xffff, v19  }
0x3fe: {  	v32 =	vmul.f32 v54, v14;
	v20 =	vadd.f32 v55, v60;
	v60 =	vtrunc.f32 v25;
	[tilespmem:s12+$0x8050] =	vst.add.f32.msk $0xffff, v22  }
0x3ff: {  	v34 =	vsub.f32 v40, v56;
	v63 =	vcvt.f32.s32 v60;
	v60 =	vld [tilespmem:s12+$0x2F0]  }
0x400: {  	v52 =	vtrunc.f32 v23;
	[tilespmem:s12+$0x8010] =	vst.add.f32.msk $0xffff, v32;
	v28 =	vsub.f32 v50, v49;
	v50 =	vtrunc.f32 v17  }
0x401: {  	v42 =	vadd.f32 v42, v4;
	v20 =	vmul.f32 v20, v3;
	v24 =	vcvt.f32.s32 v50;
	v50 =	vld [tilespmem:s12+$0x100]  }
0x402: {  	v36 =	vcvt.f32.s32 v52;
	v45 =	vadd.s32 $0x1, v37;
	v59 =	vmul.f32 v57, v13;
	v33 =	vld.idx.msk [tilespmem:v37+s22+$0x0], $0xffff  }
0x403: {  	v57 =	vtrunc.f32 v42;
	v28 =	vmul.f32 v34, v28;
	[tilespmem:s12+$0x8040] =	vst.add.f32.msk $0xffff, v20  }
0x404: {  	v32 =	vcvt.f32.s32 v57;
	v57 =	vld [tilespmem:s12+$0x130]  }
0x405: {  	v27 =	vadd.f32 v27, v12;
	[tilespmem:s12+$0x8020] =	vst.add.f32.msk $0xffff, v59;
	v21 =	vadd.f32 v28, v49  }
0x406: {  	v59 =	vadd.s32 $0x1, v36;
	v52 =	vadd.f32 v60, v16;
	v60 =	vld [tilespmem:s12+$0x150];
	v28 =	vadd.f32 v29, v9  }
0x407: {  	v43 =	vtrunc.f32 v27;
	v41 =	vmul.f32 v21, v8;
	v21 =	vadd.f32 v31, v7;
	v31 =	vld.idx.msk [tilespmem:v45+s22+$0x0], $0xffff  }
0x408: {  	v40 =	vadd.s32 $0x1, v63;
	v29 =	vcvt.f32.s32 v43;
	v46 =	vtrunc.f32 v28;
	v43 =	vld.idx.msk [tilespmem:v24+s22+$0x0], $0xffff  }
0x409: {  	v54 =	vadd.s32 $0x1, v24;
	v20 =	vcvt.f32.s32 v46;
	v46 =	vld.idx.msk [tilespmem:v36+s22+$0x0], $0xffff  }
0x40a: {  	[tilespmem:s12+$0x8170] =	vst.add.f32.msk $0xffff, v41  }
0x40b: {  	v30 =	vadd.f32 v44, v16;
	v48 =	vadd.s32 $0x1, v29;
	v44 =	vld.idx.msk [tilespmem:v59+s22+$0x0], $0xffff  }
0x40c: {  	v61 =	vadd.s32 $0x1, v32;
	v47 =	vld.idx.msk [tilespmem:v63+s22+$0x0], $0xffff  }
0x40d: {  	v49 =	vtrunc.f32 v21;
	v19 =	vld.idx.msk [tilespmem:v40+s22+$0x0], $0xffff  }
0x40e: {  	v22 =	vcvt.f32.s32 v49;
	v51 =	vadd.s32 $0x1, v20;
	v40 =	vld.idx.msk [tilespmem:v54+s22+$0x0], $0xffff  }
0x40f: {  	v26 =	vcvt.s32.f32 v63;
	v37 =	vcvt.s32.f32 v37;
	v39 =	vld.idx.msk [tilespmem:v29+s22+$0x0], $0xffff  }
0x410: {  	v53 =	vadd.s32 $0x1, v22;
	v34 =	vld.idx.msk [tilespmem:v48+s22+$0x0], $0xffff  }
0x411: {  	v56 =	vtrunc.f32 v30;
	v25 =	vsub.f32 v25, v26;
	v18 =	vsub.f32 v18, v37;
	v48 =	vld.idx.msk [tilespmem:v61+s22+$0x0], $0xffff  }
0x412: {  	v62 =	vcvt.s32.f32 v29;
	v45 =	vcvt.s32.f32 v36;
	v41 =	vld.idx.msk [tilespmem:v20+s22+$0x0], $0xffff;
	v19 =	vsub.f32 v19, v47  }
0x413: {  	v24 =	vcvt.s32.f32 v24;
	v59 =	vtrunc.f32 v52;
	v31 =	vsub.f32 v31, v33;
	v55 =	vld.idx.msk [tilespmem:v51+s22+$0x0], $0xffff  }
0x414: {  	v23 =	vsub.f32 v23, v45;
	v20 =	vcvt.s32.f32 v20;
	v35 =	vld.idx.msk [tilespmem:v22+s22+$0x0], $0xffff;
	v19 =	vmul.f32 v25, v19  }
0x415: {  	v17 =	vsub.f32 v17, v24;
	v18 =	vmul.f32 v18, v31;
	v38 =	vld.idx.msk [tilespmem:v53+s22+$0x0], $0xffff;
	v25 =	vcvt.f32.s32 v56  }
0x416: {  	v22 =	vcvt.s32.f32 v22;
	v20 =	vsub.f32 v28, v20;
	v53 =	vld.idx.msk [tilespmem:v32+s22+$0x0], $0xffff;
	v19 =	vadd.f32 v19, v47  }
0x417: {  	v54 =	vld [tilespmem:s12+$0x120];
	v18 =	vadd.f32 v18, v33;
	v33 =	vadd.f32 v57, v7;
	v58 =	vadd.s32 $0x1, v25  }
0x418: {  	v51 =	vld [tilespmem:s12+$0x110];
	v32 =	vcvt.s32.f32 v32;
	v26 =	vsub.f32 v55, v41;
	v19 =	vmul.f32 v19, v8  }
0x419: {  	v28 =	vld [tilespmem:s12+$0x180];
	v49 =	vsub.f32 v34, v39;
	v21 =	vsub.f32 v21, v22;
	v18 =	vmul.f32 v18, v10  }
0x41a: {  	v42 =	vsub.f32 v42, v32;
	v20 =	vmul.f32 v20, v26;
	v56 =	vsub.f32 v38, v35;
	[tilespmem:s12+$0x81F0] =	vst.add.f32.msk $0xffff, v19  }
0x41b: {  	v57 =	vtrunc.f32 v33;
	v22 =	vsub.f32 v48, v53;
	v19 =	vsub.f32 v27, v62;
	v29 =	vld.idx.msk [tilespmem:v25+s22+$0x0], $0xffff  }
0x41c: {  	v62 =	vsub.f32 v40, v43;
	v63 =	vld.idx.msk [tilespmem:v58+s22+$0x0], $0xffff;
	v21 =	vmul.f32 v21, v56;
	v20 =	vadd.f32 v20, v41  }
0x41d: {  	[tilespmem:s12+$0x8080] =	vst.add.f32.msk $0xffff, v18;
	v40 =	vsub.f32 v44, v46;
	v25 =	vcvt.s32.f32 v25;
	v22 =	vmul.f32 v42, v22  }
0x41e: {  	v44 =	vld [tilespmem:s12+$0x370];
	v19 =	vmul.f32 v19, v49;
	v21 =	vadd.f32 v21, v35;
	v20 =	vmul.f32 v20, v13  }
0x41f: {  	v58 =	vld [tilespmem:s12+$0x140];
	v17 =	vmul.f32 v17, v62;
	v23 =	vmul.f32 v23, v40;
	v22 =	vadd.f32 v22, v53  }
0x420: {  	v25 =	vsub.f32 v30, v25;
	v19 =	vadd.f32 v19, v39;
	v21 =	vmul.f32 v21, v11;
	[tilespmem:s12+$0x80A0] =	vst.add.f32.msk $0xffff, v20  }
0x421: {  	v17 =	vadd.f32 v17, v43;
	v22 =	vmul.f32 v22, v1;
	v55 =	vsub.f32 v63, v29;
	v63 =	vld [tilespmem:s12+$0x160]  }
0x422: {  	v26 =	vcvt.f32.s32 v57;
	v23 =	vadd.f32 v23, v46;
	v19 =	vmul.f32 v19, v14;
	[tilespmem:s12+$0x80B0] =	vst.add.f32.msk $0xffff, v21  }
0x423: {  	v24 =	vadd.f32 v54, v9;
	v17 =	vmul.f32 v17, v3;
	[tilespmem:s12+$0x80E0] =	vst.add.f32.msk $0xffff, v22;
	v25 =	vmul.f32 v25, v55  }
0x424: {  	v61 =	vcvt.f32.s32 v59;
	v48 =	vmul.f32 v23, v2;
	[tilespmem:s12+$0x8090] =	vst.add.f32.msk $0xffff, v19;
	v19 =	vadd.f32 v50, v15  }
0x425: {  	v57 =	vcvt.s32.f32 v26;
	v50 =	vtrunc.f32 v24;
	[tilespmem:s12+$0x80C0] =	vst.add.f32.msk $0xffff, v17;
	v25 =	vadd.f32 v25, v29  }
0x426: {  	v39 =	vadd.s32 $0x1, v61;
	[tilespmem:s12+$0x80D0] =	vst.add.f32.msk $0xffff, v48;
	v21 =	vcvt.f32.s32 v50;
	v31 =	vtrunc.f32 v19  }
0x427: {  	v49 =	vcvt.f32.s32 v31;
	v31 =	vld [tilespmem:s12+$0x190];
	v41 =	vmul.f32 v25, v8  }
0x428: {  	v29 =	vadd.f32 v51, v12;
	v38 =	vadd.f32 v63, v4;
	v63 =	vadd.s32 $0x1, v26;
	v26 =	vld.idx.msk [tilespmem:v26+s22+$0x0], $0xffff  }
0x429: {  	v59 =	vadd.s32 $0x1, v21;
	[tilespmem:s12+$0x8270] =	vst.add.f32.msk $0xffff, v41  }
0x42a: {  	v47 =	vtrunc.f32 v29;
	v45 =	vld.idx.msk [tilespmem:v61+s22+$0x0], $0xffff  }
0x42b: {  	v34 =	vadd.f32 v58, v6;
	v51 =	vcvt.f32.s32 v47;
	v18 =	vld.idx.msk [tilespmem:v39+s22+$0x0], $0xffff  }
0x42c: {  	v54 =	vcvt.s32.f32 v61;
	v53 =	vadd.s32 $0x1, v49;
	v36 =	vld.idx.msk [tilespmem:v21+s22+$0x0], $0xffff  }
0x42d: {  	v25 =	vadd.f32 v60, v5;
	v60 =	vtrunc.f32 v34;
	v55 =	vadd.s32 $0x1, v51;
	v61 =	vld [tilespmem:s12+$0x3F0]  }
0x42e: {  	v40 =	vcvt.f32.s32 v60;
	v39 =	vld.idx.msk [tilespmem:v59+s22+$0x0], $0xffff  }
0x42f: {  	v20 =	vsub.f32 v52, v54;
	v22 =	vadd.f32 v44, v16;
	v62 =	vtrunc.f32 v25;
	v59 =	vld.idx.msk [tilespmem:v63+s22+$0x0], $0xffff  }
0x430: {  	v42 =	vcvt.f32.s32 v62;
	v54 =	vadd.s32 $0x1, v40;
	v32 =	vld.idx.msk [tilespmem:v49+s22+$0x0], $0xffff;
	v18 =	vsub.f32 v18, v45  }
0x431: {  	v21 =	vcvt.s32.f32 v21;
	v27 =	vld.idx.msk [tilespmem:v53+s22+$0x0], $0xffff  }
0x432: {  	v56 =	vtrunc.f32 v22;
	v30 =	vld.idx.msk [tilespmem:v55+s22+$0x0], $0xffff;
	v55 =	vadd.s32 $0x1, v42;
	v18 =	vmul.f32 v20, v18  }
0x433: {  	v21 =	vsub.f32 v24, v21;
	v24 =	vsub.f32 v33, v57;
	v35 =	vld.idx.msk [tilespmem:v51+s22+$0x0], $0xffff;
	v20 =	vcvt.f32.s32 v56  }
0x434: {  	v60 =	vcvt.s32.f32 v42;
	v33 =	vld.idx.msk [tilespmem:v40+s22+$0x0], $0xffff;
	v39 =	vsub.f32 v39, v36;
	v18 =	vadd.f32 v18, v45  }
0x435: {  	v23 =	vcvt.s32.f32 v49;
	v17 =	vcvt.s32.f32 v51;
	v43 =	vld.idx.msk [tilespmem:v54+s22+$0x0], $0xffff;
	v58 =	vadd.s32 $0x1, v20  }
0x436: {  	v25 =	vsub.f32 v25, v60;
	v42 =	vld.idx.msk [tilespmem:v42+s22+$0x0], $0xffff;
	v60 =	vmul.f32 v21, v39;
	v18 =	vmul.f32 v18, v8  }
0x437: {  	v52 =	vtrunc.f32 v38;
	v17 =	vsub.f32 v29, v17;
	v29 =	vsub.f32 v59, v26;
	v63 =	vld.idx.msk [tilespmem:v55+s22+$0x0], $0xffff  }
0x438: {  	v19 =	vsub.f32 v19, v23;
	v36 =	vadd.f32 v60, v36;
	[tilespmem:s12+$0x82F0] =	vst.add.f32.msk $0xffff, v18;
	v18 =	vcvt.f32.s32 v52  }
0x439: {  	v16 =	vadd.f32 v61, v16;
	v27 =	vsub.f32 v27, v32;
	v24 =	vmul.f32 v24, v29;
	v53 =	vld.idx.msk [tilespmem:v20+s22+$0x0], $0xffff  }
0x43a: {  	v47 =	vmul.f32 v36, v13;
	v37 =	vld.idx.msk [tilespmem:v58+s22+$0x0], $0xffff;
	v58 =	vcvt.s32.f32 v40;
	v56 =	vadd.s32 $0x1, v18  }
0x43b: {  	v50 =	vtrunc.f32 v16;
	v30 =	vsub.f32 v30, v35;
	v52 =	vld [tilespmem:s12+$0x1A0];
	v61 =	vcvt.s32.f32 v18  }
0x43c: {  	v19 =	vmul.f32 v19, v27;
	v24 =	vadd.f32 v24, v26;
	[tilespmem:s12+$0x8120] =	vst.add.f32.msk $0xffff, v47;
	v23 =	vsub.f32 v34, v58  }
0x43d: {  	v20 =	vcvt.s32.f32 v20;
	v48 =	vsub.f32 v38, v61;
	v61 =	vsub.f32 v43, v33;
	v43 =	vld [tilespmem:s12+$0x1E0]  }
0x43e: {  	v19 =	vadd.f32 v19, v32;
	v24 =	vmul.f32 v24, v11;
	v63 =	vsub.f32 v63, v42;
	v49 =	vld.idx.msk [tilespmem:v18+s22+$0x0], $0xffff  }
0x43f: {  	v20 =	vsub.f32 v22, v20;
	v62 =	vsub.f32 v37, v53;
	v21 =	vmul.f32 v23, v61;
	v51 =	vld.idx.msk [tilespmem:v56+s22+$0x0], $0xffff  }
0x440: {  	v17 =	vmul.f32 v17, v30;
	v59 =	vmul.f32 v19, v10;
	v22 =	vadd.f32 v28, v15;
	v58 =	vld [tilespmem:s12+$0x1D0]  }
0x441: {  	[tilespmem:s12+$0x8130] =	vst.add.f32.msk $0xffff, v24;
	v25 =	vmul.f32 v25, v63;
	v20 =	vmul.f32 v20, v62;
	v21 =	vadd.f32 v21, v33  }
0x442: {  	[tilespmem:s12+$0x8100] =	vst.add.f32.msk $0xffff, v59;
	v55 =	vtrunc.f32 v22;
	v18 =	vcvt.f32.s32 v50;
	v26 =	vadd.f32 v43, v4  }
0x443: {  	v25 =	vadd.f32 v25, v42;
	v56 =	vld [tilespmem:s12+$0x1C0];
	v20 =	vadd.f32 v20, v53;
	v21 =	vmul.f32 v21, v3  }
0x444: {  	v54 =	vadd.s32 $0x1, v18;
	v53 =	vld [tilespmem:s12+$0x1B0];
	v61 =	vtrunc.f32 v26;
	v39 =	vsub.f32 v51, v49  }
0x445: {  	v30 =	vadd.f32 v58, v5;
	v20 =	vmul.f32 v20, v8;
	v51 =	vmul.f32 v25, v2;
	[tilespmem:s12+$0x8140] =	vst.add.f32.msk $0xffff, v21  }
0x446: {  	v41 =	vcvt.f32.s32 v61;
	v61 =	vld [tilespmem:s12+$0x230];
	v23 =	vmul.f32 v48, v39  }
0x447: {  	v62 =	vadd.f32 v17, v35;
	v59 =	vtrunc.f32 v30;
	[tilespmem:s12+$0x8370] =	vst.add.f32.msk $0xffff, v20;
	v48 =	vcvt.f32.s32 v55  }
0x448: {  	v38 =	vcvt.f32.s32 v59;
	[tilespmem:s12+$0x8150] =	vst.add.f32.msk $0xffff, v51;
	v23 =	vadd.f32 v23, v49  }
0x449: {  	v20 =	vmul.f32 v62, v14;
	v17 =	vld.idx.msk [tilespmem:v18+s22+$0x0], $0xffff  }
0x44a: {  	v28 =	vadd.f32 v31, v12;
	v19 =	vld.idx.msk [tilespmem:v54+s22+$0x0], $0xffff;
	v50 =	vadd.s32 $0x1, v48;
	v23 =	vmul.f32 v23, v1  }
0x44b: {  	[tilespmem:s12+$0x8110] =	vst.add.f32.msk $0xffff, v20  }
0x44c: {  	v57 =	vtrunc.f32 v28;
	v63 =	vadd.s32 $0x1, v41;
	[tilespmem:s12+$0x8160] =	vst.add.f32.msk $0xffff, v23  }
0x44d: {  	v24 =	vadd.f32 v56, v6;
	v49 =	vcvt.f32.s32 v57;
	v34 =	vld.idx.msk [tilespmem:v48+s22+$0x0], $0xffff  }
0x44e: {  	v25 =	vadd.f32 v53, v7;
	v29 =	vcvt.s32.f32 v48;
	v48 =	vld.idx.msk [tilespmem:v38+s22+$0x0], $0xffff  }
0x44f: {  	v62 =	vadd.s32 $0x1, v38;
	v57 =	vtrunc.f32 v24;
	v31 =	vld.idx.msk [tilespmem:v50+s22+$0x0], $0xffff  }
0x450: {  	v54 =	vtrunc.f32 v25;
	v35 =	vcvt.f32.s32 v57;
	v53 =	vadd.s32 $0x1, v49;
	v51 =	vld.idx.msk [tilespmem:v41+s22+$0x0], $0xffff  }
0x451: {  	v20 =	vadd.f32 v52, v9;
	v55 =	vcvt.f32.s32 v54;
	v54 =	vld.idx.msk [tilespmem:v63+s22+$0x0], $0xffff  }
0x452: {  	v63 =	vld [tilespmem:s12+$0x240]  }
0x453: {  	v52 =	vtrunc.f32 v20;
	v60 =	vadd.s32 $0x1, v35;
	v37 =	vld.idx.msk [tilespmem:v49+s22+$0x0], $0xffff  }
0x454: {  	v27 =	vcvt.s32.f32 v49;
	v32 =	vcvt.f32.s32 v52;
	v58 =	vadd.s32 $0x1, v55;
	v49 =	vld.idx.msk [tilespmem:v62+s22+$0x0], $0xffff  }
0x455: {  	v21 =	vld.idx.msk [tilespmem:v53+s22+$0x0], $0xffff  }
0x456: {  	v56 =	vadd.s32 $0x1, v32;
	v45 =	vld.idx.msk [tilespmem:v35+s22+$0x0], $0xffff  }
0x457: {  	v43 =	vld.idx.msk [tilespmem:v55+s22+$0x0], $0xffff  }
0x458: {  	v23 =	vcvt.s32.f32 v55;
	v39 =	vld.idx.msk [tilespmem:v60+s22+$0x0], $0xffff  }
0x459: {  	v22 =	vsub.f32 v22, v29;
	v50 =	vcvt.s32.f32 v35;
	v36 =	vld.idx.msk [tilespmem:v58+s22+$0x0], $0xffff  }
0x45a: {  	v52 =	vcvt.s32.f32 v38;
	v27 =	vsub.f32 v28, v27;
	v23 =	vsub.f32 v25, v23;
	v40 =	vld.idx.msk [tilespmem:v32+s22+$0x0], $0xffff  }
0x45b: {  	v24 =	vsub.f32 v24, v50;
	v32 =	vcvt.s32.f32 v32;
	v33 =	vld.idx.msk [tilespmem:v56+s22+$0x0], $0xffff;
	v31 =	vsub.f32 v31, v34  }
0x45c: {  	v53 =	vcvt.s32.f32 v41;
	v55 =	vld [tilespmem:s12+$0x200];
	v56 =	vsub.f32 v30, v52;
	v28 =	vsub.f32 v49, v48  }
0x45d: {  	v58 =	vld [tilespmem:s12+$0x210];
	v20 =	vsub.f32 v20, v32;
	v21 =	vsub.f32 v21, v37;
	v22 =	vmul.f32 v22, v31  }
0x45e: {  	v60 =	vld [tilespmem:s12+$0x220];
	v31 =	vadd.f32 v63, v6;
	v28 =	vmul.f32 v56, v28;
	v59 =	vsub.f32 v36, v43  }
0x45f: {  	v30 =	vld [tilespmem:s12+$0x2A0];
	v62 =	vsub.f32 v39, v45;
	v21 =	vmul.f32 v27, v21;
	v22 =	vadd.f32 v22, v34  }
0x460: {  	v57 =	vsub.f32 v33, v40;
	v48 =	vadd.f32 v28, v48;
	v28 =	vld [tilespmem:s12+$0x290];
	v23 =	vmul.f32 v23, v59  }
0x461: {  	v24 =	vmul.f32 v24, v62;
	v33 =	vld [tilespmem:s12+$0x2B0];
	v21 =	vadd.f32 v21, v37;
	v22 =	vmul.f32 v22, v10  }
0x462: {  	v25 =	vadd.f32 v58, v12;
	v20 =	vmul.f32 v20, v57;
	v23 =	vadd.f32 v23, v43;
	v43 =	vld [tilespmem:s12+$0x260]  }
0x463: {  	v58 =	vtrunc.f32 v31;
	v45 =	vadd.f32 v24, v45;
	v21 =	vmul.f32 v21, v14;
	[tilespmem:s12+$0x8180] =	vst.add.f32.msk $0xffff, v22  }
0x464: {  	v38 =	vcvt.f32.s32 v58;
	v20 =	vadd.f32 v20, v40;
	v40 =	vld [tilespmem:s12+$0x250]  }
0x465: {  	v26 =	vsub.f32 v26, v53;
	v53 =	vtrunc.f32 v25;
	v49 =	vmul.f32 v45, v3;
	[tilespmem:s12+$0x8190] =	vst.add.f32.msk $0xffff, v21  }
0x466: {  	v27 =	vadd.f32 v61, v7;
	v44 =	vmul.f32 v23, v11;
	v23 =	vld [tilespmem:s12+$0x280];
	v21 =	vmul.f32 v48, v2  }
0x467: {  	v63 =	vadd.s32 $0x1, v38;
	v22 =	vcvt.f32.s32 v53;
	[tilespmem:s12+$0x81C0] =	vst.add.f32.msk $0xffff, v49  }
0x468: {  	v57 =	vtrunc.f32 v27;
	v20 =	vmul.f32 v20, v13;
	[tilespmem:s12+$0x81D0] =	vst.add.f32.msk $0xffff, v21;
	v21 =	vadd.f32 v60, v9  }
0x469: {  	v34 =	vcvt.f32.s32 v57;
	v56 =	vadd.s32 $0x1, v22;
	[tilespmem:s12+$0x81B0] =	vst.add.f32.msk $0xffff, v44  }
0x46a: {  	v42 =	vsub.f32 v54, v51;
	[tilespmem:s12+$0x81A0] =	vst.add.f32.msk $0xffff, v20;
	v20 =	vadd.f32 v55, v15;
	v55 =	vtrunc.f32 v21  }
0x46b: {  	v62 =	vadd.s32 $0x1, v34;
	v49 =	vcvt.s32.f32 v38;
	v38 =	vld.idx.msk [tilespmem:v38+s22+$0x0], $0xffff;
	v29 =	vcvt.f32.s32 v55  }
0x46c: {  	v47 =	vmul.f32 v26, v42;
	v45 =	vld.idx.msk [tilespmem:v63+s22+$0x0], $0xffff;
	v50 =	vtrunc.f32 v20  }
0x46d: {  	v44 =	vld.idx.msk [tilespmem:v22+s22+$0x0], $0xffff;
	v52 =	vcvt.f32.s32 v50;
	v59 =	vadd.s32 $0x1, v29  }
0x46e: {  	v24 =	vadd.f32 v47, v51;
	v35 =	vadd.f32 v40, v5;
	v32 =	vld.idx.msk [tilespmem:v56+s22+$0x0], $0xffff  }
0x46f: {  	v30 =	vadd.f32 v30, v9;
	v55 =	vcvt.s32.f32 v34;
	v34 =	vld.idx.msk [tilespmem:v34+s22+$0x0], $0xffff;
	v54 =	vadd.s32 $0x1, v52  }
0x470: {  	v51 =	vmul.f32 v24, v1;
	v36 =	vadd.f32 v43, v4;
	v43 =	vld.idx.msk [tilespmem:v62+s22+$0x0], $0xffff;
	v60 =	vtrunc.f32 v35  }
0x471: {  	v28 =	vadd.f32 v28, v12;
	v22 =	vcvt.s32.f32 v22;
	v41 =	vcvt.f32.s32 v60;
	v53 =	vld.idx.msk [tilespmem:v29+s22+$0x0], $0xffff  }
0x472: {  	v31 =	vsub.f32 v31, v49;
	v61 =	vtrunc.f32 v36;
	v24 =	vcvt.s32.f32 v52;
	v39 =	vld.idx.msk [tilespmem:v59+s22+$0x0], $0xffff  }
0x473: {  	v23 =	vadd.f32 v23, v15;
	v42 =	vcvt.f32.s32 v61;
	v40 =	vld.idx.msk [tilespmem:v52+s22+$0x0], $0xffff;
	v52 =	vadd.s32 $0x1, v41  }
0x474: {  	v46 =	vtrunc.f32 v28;
	v22 =	vsub.f32 v25, v22;
	v20 =	vsub.f32 v20, v24;
	v26 =	vld.idx.msk [tilespmem:v54+s22+$0x0], $0xffff  }
0x475: {  	v37 =	vld [tilespmem:s12+$0x2C0];
	v24 =	vsub.f32 v27, v55;
	v49 =	vsub.f32 v43, v34;
	v29 =	vcvt.s32.f32 v29  }
0x476: {  	[tilespmem:s12+$0x81E0] =	vst.add.f32.msk $0xffff, v51;
	v58 =	vtrunc.f32 v23;
	v59 =	vsub.f32 v32, v44;
	v54 =	vadd.s32 $0x1, v42  }
0x477: {  	v51 =	vld [tilespmem:s12+$0x2E0];
	v24 =	vmul.f32 v24, v49;
	v21 =	vsub.f32 v21, v29;
	v60 =	vsub.f32 v39, v53  }
0x478: {  	v57 =	vcvt.s32.f32 v42;
	v22 =	vmul.f32 v22, v59;
	v61 =	vld.idx.msk [tilespmem:v52+s22+$0x0], $0xffff;
	v52 =	vsub.f32 v45, v38  }
0x479: {  	v62 =	vld.idx.msk [tilespmem:v42+s22+$0x0], $0xffff;
	v24 =	vadd.f32 v24, v34;
	v26 =	vsub.f32 v26, v40;
	v21 =	vmul.f32 v21, v60  }
0x47a: {  	v32 =	vld.idx.msk [tilespmem:v41+s22+$0x0], $0xffff;
	v29 =	vsub.f32 v36, v57;
	v22 =	vadd.f32 v22, v44;
	v31 =	vmul.f32 v31, v52  }
0x47b: {  	v57 =	vmul.f32 v24, v11;
	v48 =	vld.idx.msk [tilespmem:v54+s22+$0x0], $0xffff;
	v20 =	vmul.f32 v20, v26;
	v21 =	vadd.f32 v21, v53  }
0x47c: {  	v50 =	vld [tilespmem:s12+$0x2D0];
	v27 =	vcvt.f32.s32 v58;
	v53 =	vmul.f32 v22, v14;
	v58 =	vadd.f32 v31, v38  }
0x47d: {  	v56 =	vcvt.s32.f32 v41;
	[tilespmem:s12+$0x8230] =	vst.add.f32.msk $0xffff, v57;
	v20 =	vadd.f32 v20, v40;
	v55 =	vmul.f32 v21, v13  }
0x47e: {  	v63 =	vadd.s32 $0x1, v27;
	v40 =	vcvt.f32.s32 v46;
	[tilespmem:s12+$0x8210] =	vst.add.f32.msk $0xffff, v53;
	v60 =	vmul.f32 v58, v3  }
0x47f: {  	v25 =	vsub.f32 v35, v56;
	v22 =	vadd.f32 v33, v7;
	v20 =	vmul.f32 v20, v10;
	[tilespmem:s12+$0x8220] =	vst.add.f32.msk $0xffff, v55  }
0x480: {  	v56 =	vtrunc.f32 v30;
	v39 =	vsub.f32 v61, v32;
	v35 =	vsub.f32 v48, v62;
	[tilespmem:s12+$0x8240] =	vst.add.f32.msk $0xffff, v60  }
0x481: {  	v21 =	vcvt.f32.s32 v56;
	v59 =	vtrunc.f32 v22;
	v54 =	vadd.s32 $0x1, v40;
	[tilespmem:s12+$0x8200] =	vst.add.f32.msk $0xffff, v20  }
0x482: {  	v25 =	vmul.f32 v25, v39;
	v29 =	vmul.f32 v29, v35;
	v35 =	vadd.f32 v50, v5;
	v44 =	vld.idx.msk [tilespmem:v27+s22+$0x0], $0xffff  }
0x483: {  	v31 =	vcvt.f32.s32 v59;
	v34 =	vld.idx.msk [tilespmem:v63+s22+$0x0], $0xffff  }
0x484: {  	v61 =	vadd.s32 $0x1, v21;
	v25 =	vadd.f32 v25, v32;
	v49 =	vtrunc.f32 v35;
	v36 =	vld.idx.msk [tilespmem:v40+s22+$0x0], $0xffff  }
0x485: {  	v32 =	vadd.f32 v37, v6;
	v37 =	vcvt.f32.s32 v49;
	v49 =	vld [tilespmem:s12+$0x340]  }
0x486: {  	v25 =	vmul.f32 v25, v2;
	v33 =	vld.idx.msk [tilespmem:v54+s22+$0x0], $0xffff  }
0x487: {  	v46 =	vadd.s32 $0x1, v31;
	v26 =	vadd.f32 v29, v62;
	v50 =	vld.idx.msk [tilespmem:v21+s22+$0x0], $0xffff  }
0x488: {  	v62 =	vtrunc.f32 v32;
	[tilespmem:s12+$0x8250] =	vst.add.f32.msk $0xffff, v25  }
0x489: {  	v48 =	vadd.f32 v51, v4;
	v63 =	vcvt.f32.s32 v62;
	v47 =	vmul.f32 v26, v1;
	v24 =	vld.idx.msk [tilespmem:v61+s22+$0x0], $0xffff  }
0x48a: {  	v54 =	vld.idx.msk [tilespmem:v31+s22+$0x0], $0xffff  }
0x48b: {  	v18 =	vcvt.s32.f32 v18;
	v52 =	vtrunc.f32 v48;
	v53 =	vadd.s32 $0x1, v37;
	[tilespmem:s12+$0x8260] =	vst.add.f32.msk $0xffff, v47  }
0x48c: {  	v27 =	vcvt.s32.f32 v27;
	v25 =	vcvt.f32.s32 v52;
	v51 =	vadd.s32 $0x1, v63;
	v29 =	vld.idx.msk [tilespmem:v46+s22+$0x0], $0xffff  }
0x48d: {  	v16 =	vsub.f32 v16, v18;
	v40 =	vcvt.s32.f32 v40;
	v47 =	vld [tilespmem:s12+$0x330]  }
0x48e: {  	v23 =	vsub.f32 v23, v27;
	v21 =	vcvt.s32.f32 v21;
	v31 =	vcvt.s32.f32 v31;
	v57 =	vld.idx.msk [tilespmem:v37+s22+$0x0], $0xffff  }
0x48f: {  	v28 =	vsub.f32 v28, v40;
	v20 =	vcvt.s32.f32 v63;
	v34 =	vsub.f32 v34, v44;
	v56 =	vld.idx.msk [tilespmem:v63+s22+$0x0], $0xffff  }
0x490: {  	v21 =	vsub.f32 v30, v21;
	v55 =	vadd.s32 $0x1, v25;
	v22 =	vsub.f32 v22, v31;
	v58 =	vld.idx.msk [tilespmem:v53+s22+$0x0], $0xffff  }
0x491: {  	v37 =	vcvt.s32.f32 v37;
	v60 =	vsub.f32 v33, v36;
	v23 =	vmul.f32 v23, v34;
	v39 =	vld.idx.msk [tilespmem:v51+s22+$0x0], $0xffff  }
0x492: {  	v20 =	vsub.f32 v32, v20;
	v24 =	vsub.f32 v24, v50;
	v59 =	vld.idx.msk [tilespmem:v25+s22+$0x0], $0xffff;
	v25 =	vcvt.s32.f32 v25  }
0x493: {  	v63 =	vsub.f32 v35, v37;
	v28 =	vmul.f32 v28, v60;
	v23 =	vadd.f32 v23, v44;
	v44 =	vld [tilespmem:s12+$0x320]  }
0x494: {  	v29 =	vsub.f32 v29, v54;
	v51 =	vld [tilespmem:s12+$0x350];
	v21 =	vmul.f32 v21, v24;
	v24 =	vadd.f32 v47, v7  }
0x495: {  	v61 =	vld.idx.msk [tilespmem:v55+s22+$0x0], $0xffff;
	v25 =	vsub.f32 v48, v25;
	v46 =	vadd.f32 v28, v36  }
0x496: {  	v62 =	vld [tilespmem:s12+$0x300];
	v23 =	vmul.f32 v23, v10;
	v22 =	vmul.f32 v22, v29;
	v21 =	vadd.f32 v21, v50  }
0x497: {  	v43 =	vld [tilespmem:s12+$0x310];
	v29 =	vadd.f32 v49, v6;
	v26 =	vmul.f32 v46, v14;
	v50 =	vsub.f32 v58, v57  }
0x498: {  	v27 =	vld [tilespmem:s12+$0x390];
	v22 =	vadd.f32 v22, v54;
	v48 =	vsub.f32 v39, v56;
	v21 =	vmul.f32 v21, v13  }
0x499: {  	v53 =	vld [tilespmem:s12+$0x360];
	v18 =	vadd.f32 v44, v9;
	v34 =	vadd.f32 v51, v5;
	v32 =	vmul.f32 v63, v50  }
0x49a: {  	v35 =	vld [tilespmem:s12+$0x3C0];
	v52 =	vsub.f32 v61, v59;
	v22 =	vmul.f32 v22, v11;
	v50 =	vtrunc.f32 v29  }
0x49b: {  	v20 =	vmul.f32 v20, v48;
	[tilespmem:s12+$0x82A0] =	vst.add.f32.msk $0xffff, v21;
	v21 =	vadd.f32 v62, v15;
	v62 =	vtrunc.f32 v18  }
0x49c: {  	[tilespmem:s12+$0x8280] =	vst.add.f32.msk $0xffff, v23;
	v48 =	vtrunc.f32 v24;
	v54 =	vmul.f32 v25, v52;
	v55 =	vadd.f32 v32, v57  }
0x49d: {  	[tilespmem:s12+$0x8290] =	vst.add.f32.msk $0xffff, v26;
	v51 =	vtrunc.f32 v34;
	v63 =	vcvt.f32.s32 v62;
	v20 =	vadd.f32 v20, v56  }
0x49e: {  	[tilespmem:s12+$0x82B0] =	vst.add.f32.msk $0xffff, v22;
	v32 =	vcvt.f32.s32 v48;
	v23 =	vadd.f32 v54, v59;
	v25 =	vmul.f32 v55, v2  }
0x49f: {  	v38 =	vcvt.f32.s32 v50;
	v22 =	vld [tilespmem:s12+$0x380];
	v20 =	vmul.f32 v20, v3  }
0x4a0: {  	v39 =	vcvt.f32.s32 v51;
	v57 =	vmul.f32 v23, v1;
	[tilespmem:s12+$0x82D0] =	vst.add.f32.msk $0xffff, v25  }
0x4a1: {  	[tilespmem:s12+$0x82C0] =	vst.add.f32.msk $0xffff, v20  }
0x4a2: {  	v19 =	vsub.f32 v19, v17;
	v49 =	vadd.s32 $0x1, v63;
	[tilespmem:s12+$0x82E0] =	vst.add.f32.msk $0xffff, v57  }
0x4a3: {  	v26 =	vadd.f32 v43, v12;
	v56 =	vtrunc.f32 v21;
	v54 =	vadd.s32 $0x1, v38;
	v43 =	vld.idx.msk [tilespmem:v63+s22+$0x0], $0xffff  }
0x4a4: {  	v58 =	vcvt.f32.s32 v56;
	v55 =	vadd.s32 $0x1, v39;
	v15 =	vadd.f32 v22, v15;
	v22 =	vld.idx.msk [tilespmem:v32+s22+$0x0], $0xffff  }
0x4a5: {  	v16 =	vmul.f32 v16, v19;
	v57 =	vcvt.s32.f32 v38;
	v38 =	vld.idx.msk [tilespmem:v38+s22+$0x0], $0xffff  }
0x4a6: {  	v33 =	vadd.f32 v53, v4;
	v59 =	vtrunc.f32 v26;
	v53 =	vadd.s32 $0x1, v32;
	v48 =	vld.idx.msk [tilespmem:v39+s22+$0x0], $0xffff  }
0x4a7: {  	v60 =	vcvt.f32.s32 v59;
	v61 =	vadd.s32 $0x1, v58;
	v36 =	vld.idx.msk [tilespmem:v49+s22+$0x0], $0xffff  }
0x4a8: {  	v16 =	vadd.f32 v16, v17;
	v17 =	vld.idx.msk [tilespmem:v54+s22+$0x0], $0xffff  }
0x4a9: {  	v52 =	vtrunc.f32 v33;
	v19 =	vcvt.s32.f32 v63;
	v47 =	vadd.s32 $0x1, v60;
	v51 =	vld.idx.msk [tilespmem:v55+s22+$0x0], $0xffff  }
0x4aa: {  	v6 =	vadd.f32 v35, v6;
	v59 =	vcvt.s32.f32 v39;
	v23 =	vcvt.s32.f32 v58;
	v37 =	vld.idx.msk [tilespmem:v58+s22+$0x0], $0xffff  }
0x4ab: {  	v40 =	vcvt.f32.s32 v52;
	v18 =	vsub.f32 v18, v19;
	v20 =	vcvt.s32.f32 v60;
	v58 =	vld.idx.msk [tilespmem:v53+s22+$0x0], $0xffff  }
0x4ac: {  	v56 =	vcvt.s32.f32 v32;
	v52 =	vsub.f32 v34, v59;
	v21 =	vsub.f32 v21, v23;
	v25 =	vld.idx.msk [tilespmem:v61+s22+$0x0], $0xffff  }
0x4ad: {  	v45 =	vadd.s32 $0x1, v40;
	v20 =	vsub.f32 v26, v20;
	v42 =	vld.idx.msk [tilespmem:v60+s22+$0x0], $0xffff;
	v50 =	vsub.f32 v36, v43  }
0x4ae: {  	v39 =	vtrunc.f32 v6;
	v62 =	vsub.f32 v29, v57;
	v28 =	vld.idx.msk [tilespmem:v47+s22+$0x0], $0xffff;
	v17 =	vsub.f32 v17, v38  }
0x4af: {  	v30 =	vld [tilespmem:s12+$0x3A0];
	v60 =	vtrunc.f32 v15;
	v29 =	vsub.f32 v51, v48;
	v18 =	vmul.f32 v18, v50  }
0x4b0: {  	v31 =	vld [tilespmem:s12+$0x3B0];
	v61 =	vsub.f32 v24, v56;
	v26 =	vsub.f32 v58, v22;
	v17 =	vmul.f32 v62, v17  }
0x4b1: {  	v59 =	vld [tilespmem:s12+$0x3E0];
	v25 =	vsub.f32 v25, v37;
	v34 =	vmul.f32 v52, v29;
	v18 =	vadd.f32 v18, v43  }
0x4b2: {  	v53 =	vld.idx.msk [tilespmem:v40+s22+$0x0], $0xffff;
	v29 =	vcvt.f32.s32 v39;
	v19 =	vmul.f32 v61, v26;
	v17 =	vadd.f32 v17, v38  }
0x4b3: {  	v57 =	vld [tilespmem:s12+$0x3D0];
	v63 =	vsub.f32 v28, v42;
	v23 =	vadd.f32 v34, v48;
	v18 =	vmul.f32 v18, v13  }
0x4b4: {  	v56 =	vld.idx.msk [tilespmem:v45+s22+$0x0], $0xffff;
	v21 =	vmul.f32 v21, v25;
	v19 =	vadd.f32 v19, v22;
	v17 =	vmul.f32 v17, v3  }
0x4b5: {  	v12 =	vadd.f32 v27, v12;
	v20 =	vmul.f32 v20, v63;
	v23 =	vmul.f32 v23, v2;
	[tilespmem:s12+$0x8320] =	vst.add.f32.msk $0xffff, v18  }
0x4b6: {  	v49 =	vcvt.f32.s32 v60;
	v21 =	vadd.f32 v21, v37;
	v35 =	vmul.f32 v19, v11;
	[tilespmem:s12+$0x8340] =	vst.add.f32.msk $0xffff, v17  }
0x4b7: {  	v16 =	vmul.f32 v16, v8;
	v9 =	vadd.f32 v30, v9;
	v20 =	vadd.f32 v20, v42;
	[tilespmem:s12+$0x8350] =	vst.add.f32.msk $0xffff, v23  }
0x4b8: {  	v55 =	vtrunc.f32 v12;
	v54 =	vadd.s32 $0x1, v49;
	v21 =	vmul.f32 v21, v10;
	[tilespmem:s12+$0x8330] =	vst.add.f32.msk $0xffff, v35  }
0x4b9: {  	v58 =	vcvt.f32.s32 v55;
	v8 =	vadd.s32 $0x1, v29;
	v20 =	vmul.f32 v20, v14;
	v52 =	vld.idx.msk [tilespmem:v29+s22+$0x0], $0xffff  }
0x4ba: {  	v7 =	vadd.f32 v31, v7;
	v62 =	vtrunc.f32 v9;
	[tilespmem:s12+$0x8300] =	vst.add.f32.msk $0xffff, v21  }
0x4bb: {  	v60 =	vadd.s32 $0x1, v58;
	[tilespmem:s12+$0x8310] =	vst.add.f32.msk $0xffff, v20;
	v20 =	vcvt.f32.s32 v62  }
0x4bc: {  	v46 =	vcvt.s32.f32 v40;
	v5 =	vadd.f32 v57, v5;
	v38 =	vtrunc.f32 v7;
	v61 =	vld.idx.msk [tilespmem:v49+s22+$0x0], $0xffff  }
0x4bd: {  	v4 =	vadd.f32 v59, v4;
	v19 =	vcvt.f32.s32 v38;
	v63 =	vld.idx.msk [tilespmem:v54+s22+$0x0], $0xffff;
	v41 =	vadd.s32 $0x1, v20  }
0x4be: {  	v27 =	vsub.f32 v56, v53;
	v44 =	vtrunc.f32 v5;
	v42 =	vsub.f32 v33, v46;
	v54 =	vld.idx.msk [tilespmem:v8+s22+$0x0], $0xffff  }
0x4bf: {  	v17 =	vcvt.f32.s32 v44;
	v43 =	vadd.s32 $0x1, v19;
	v40 =	vld.idx.msk [tilespmem:v58+s22+$0x0], $0xffff  }
0x4c0: {  	v48 =	vtrunc.f32 v4;
	v18 =	vmul.f32 v42, v27;
	v21 =	vld.idx.msk [tilespmem:v60+s22+$0x0], $0xffff  }
0x4c1: {  	v50 =	vcvt.f32.s32 v48;
	v46 =	vcvt.s32.f32 v49;
	v45 =	vld.idx.msk [tilespmem:v20+s22+$0x0], $0xffff  }
0x4c2: {  	v51 =	vadd.s32 $0x1, v17;
	v18 =	vadd.f32 v18, v53;
	v25 =	vld.idx.msk [tilespmem:v41+s22+$0x0], $0xffff  }
0x4c3: {  	v47 =	vcvt.s32.f32 v58;
	v15 =	vsub.f32 v15, v46;
	v53 =	vadd.s32 $0x1, v50;
	v49 =	vld.idx.msk [tilespmem:v19+s22+$0x0], $0xffff  }
0x4c4: {  	v18 =	vmul.f32 v18, v1;
	v32 =	vld.idx.msk [tilespmem:v43+s22+$0x0], $0xffff;
	v22 =	vsub.f32 v63, v61;
	v20 =	vcvt.s32.f32 v20  }
0x4c5: {  	v12 =	vsub.f32 v12, v47;
	v29 =	vcvt.s32.f32 v29;
	v19 =	vcvt.s32.f32 v19;
	v8 =	vld.idx.msk [tilespmem:v17+s22+$0x0], $0xffff  }
0x4c6: {  	[tilespmem:s12+$0x8360] =	vst.add.f32.msk $0xffff, v18;
	v56 =	vsub.f32 v21, v40;
	v20 =	vsub.f32 v9, v20;
	v9 =	vmul.f32 v15, v22  }
0x4c7: {  	v55 =	vcvt.s32.f32 v17;
	v6 =	vsub.f32 v6, v29;
	v57 =	vld.idx.msk [tilespmem:v51+s22+$0x0], $0xffff;
	v15 =	vsub.f32 v25, v45  }
0x4c8: {  	v7 =	vsub.f32 v7, v19;
	v12 =	vmul.f32 v12, v56;
	v58 =	vadd.f32 v9, v61;
	v9 =	vld.idx.msk [tilespmem:v50+s22+$0x0], $0xffff  }
0x4c9: {  	v62 =	vsub.f32 v54, v52;
	v59 =	vsub.f32 v32, v49;
	v61 =	vld.idx.msk [tilespmem:v53+s22+$0x0], $0xffff;
	v15 =	vmul.f32 v20, v15  }
0x4ca: {  	v60 =	vcvt.s32.f32 v50;
	v63 =	vsub.f32 v5, v55;
	v12 =	vadd.f32 v12, v40  }
0x4cb: {  	v7 =	vmul.f32 v7, v59;
	v10 =	vmul.f32 v58, v10;
	v15 =	vadd.f32 v15, v45  }
0x4cc: {  	[tilespmem:s12+$0x83F0] =	vst.add.f32.msk $0xffff, v16;
	v6 =	vmul.f32 v6, v62;
	v5 =	vmul.f32 v12, v14;
	v12 =	vsub.f32 v57, v8  }
0x4cd: {  	v7 =	vadd.f32 v7, v49;
	[tilespmem:s12+$0x8380] =	vst.add.f32.msk $0xffff, v10;
	v10 =	vsub.f32 v4, v60;
	v13 =	vmul.f32 v15, v13  }
0x4ce: {  	[tilespmem:s12+$0x8390] =	vst.add.f32.msk $0xffff, v5;
	v5 =	vadd.f32 v6, v52;
	v6 =	vmul.f32 v63, v12;
	v12 =	vsub.f32 v61, v9  }
0x4cf: {  	s28 =	simm.s32 $0x0;
	s29 =	simm.s32 $0x0;
	s30 =	simm.s32 $0x183F0;
	v4 =	vmul.f32 v7, v11;
	[tilespmem:s12+$0x83A0] =	vst.add.f32.msk $0xffff, v13  }
.LBB2_52:
0x4d0: {  	v11 =	vld [tilespmem:s30+$0x0];
	v5 =	vmul.f32 v5, v3;
	v3 =	vadd.f32 v6, v8;
	v7 =	vmul.f32 v10, v12;
	s28 =	sadd.s32 $0x1000, s28  }
0x4d1: {  	s31 =	sshra.s32 s28, $0x2;
	v8 =	vld [tilespmem:s30+$0xFFFFFFA0]  }
0x4d2: {  	v12 =	vld [tilespmem:s31+$0x70];
	v6 =	vmul.f32 v3, v2;
	v2 =	vadd.f32 v7, v9  }
0x4d3: {  	v3 =	vld [tilespmem:s30+$0xFFFFFFB0]  }
0x4d4: {  	v9 =	vld [tilespmem:s30+$0xFFFFFFC0];
	v7 =	vmul.f32 v2, v1  }
0x4d5: {  	v1 =	vld [tilespmem:s30+$0xFFFFFFD0];
	v20 =	vmul.f32 $1.024000000e+03, v11  }
0x4d6: {  	v10 =	vmul.f32 $1.024000000e+03, v8;
	v2 =	vld [tilespmem:s30+$0xFFFFFFE0]  }
0x4d7: {  	s29 =	sadd.s32 $0x8, s29;
	v8 =	vld [tilespmem:s30+$0xFFFFFFF0];
	v14 =	vadd.f32 v12, v20  }
0x4d8: {  	p2 =	slt.u32 s29, $0xF8;
	v15 =	vld [tilespmem:s30+$0xFFFFFF90];
	v11 =	vmul.f32 $1.024000000e+03, v3  }
0x4d9: {  	v3 =	vld [tilespmem:s31+$0x0];
	v13 =	vmul.f32 $1.024000000e+03, v9;
	v9 =	vtrunc.f32 v14  }
0x4da: {  	v16 =	vld [tilespmem:s31+$0x10];
	v12 =	vmul.f32 $1.024000000e+03, v1;
	v1 =	vcvt.f32.s32 v9  }
0x4db: {  	v18 =	vld [tilespmem:s31+$0x20];
	v9 =	vmul.f32 $1.024000000e+03, v2  }
0x4dc: {  	v2 =	vld [tilespmem:s31+$0x30];
	v8 =	vmul.f32 $1.024000000e+03, v8;
	v19 =	vadd.s32 $0x1, v1  }
0x4dd: {  	v17 =	vmul.f32 $1.024000000e+03, v15;
	v15 =	vld [tilespmem:s31+$0x40]  }
0x4de: {  	v21 =	vld [tilespmem:s31+$0x50]  }
0x4df: {  	v3 =	vadd.f32 v3, v17;
	v16 =	vadd.f32 v16, v10;
	v22 =	vld [tilespmem:s31+$0xF0]  }
0x4e0: {  	v18 =	vadd.f32 v18, v11;
	v23 =	vld.idx.msk [tilespmem:v1+s22+$0x0], $0xffff  }
0x4e1: {  	v24 =	vtrunc.f32 v3;
	v25 =	vtrunc.f32 v16;
	v2 =	vadd.f32 v2, v13;
	v19 =	vld.idx.msk [tilespmem:v19+s22+$0x0], $0xffff  }
0x4e2: {  	v24 =	vcvt.f32.s32 v24;
	v26 =	vtrunc.f32 v18;
	v15 =	vadd.f32 v15, v12;
	v27 =	vld [tilespmem:s31+$0x60]  }
0x4e3: {  	v25 =	vcvt.f32.s32 v25;
	v28 =	vld [tilespmem:s31+$0x80];
	v29 =	vtrunc.f32 v2;
	v21 =	vadd.f32 v21, v9  }
0x4e4: {  	v26 =	vcvt.f32.s32 v26;
	v30 =	vadd.s32 $0x1, v24;
	v31 =	vld [tilespmem:s31+$0x90];
	v32 =	vtrunc.f32 v15  }
0x4e5: {  	v1 =	vcvt.s32.f32 v1;
	v33 =	vadd.s32 $0x1, v25;
	v34 =	vld [tilespmem:s31+$0xA0];
	v35 =	vtrunc.f32 v21  }
0x4e6: {  	v29 =	vcvt.f32.s32 v29;
	v37 =	vadd.f32 v22, v20;
	v32 =	vcvt.f32.s32 v32;
	v36 =	vld [tilespmem:s31+$0xB0]  }
0x4e7: {  	s26 =	sadd.s32 $0x100, s26;
	v1 =	vsub.f32 v14, v1;
	v35 =	vcvt.f32.s32 v35;
	v14 =	vsub.f32 v19, v23;
	v38 =	vld [tilespmem:s31+$0xC0]  }
0x4e8: {  	v22 =	vadd.s32 $0x1, v26;
	v39 =	vadd.s32 $0x1, v29;
	v27 =	vadd.f32 v27, v8;
	v19 =	vld [tilespmem:s26+$0x0]  }
0x4e9: {  	v40 =	vadd.s32 $0x1, v32;
	v1 =	vmul.f32 v1, v14;
	v14 =	vtrunc.f32 v37;
	v30 =	vld.idx.msk [tilespmem:v30+s22+$0x0], $0xffff  }
0x4ea: {  	v41 =	vadd.s32 $0x1, v35;
	v42 =	vtrunc.f32 v27;
	v14 =	vcvt.f32.s32 v14;
	v33 =	vld.idx.msk [tilespmem:v33+s22+$0x0], $0xffff  }
0x4eb: {  	v43 =	vcvt.s32.f32 v24;
	v42 =	vcvt.f32.s32 v42;
	v1 =	vadd.f32 v1, v23;
	v44 =	vld.idx.msk [tilespmem:v24+s22+$0x0], $0xffff  }
0x4ec: {  	v23 =	vcvt.s32.f32 v25;
	v24 =	vcvt.s32.f32 v26;
	v45 =	vld.idx.msk [tilespmem:v25+s22+$0x0], $0xffff;
	v25 =	vadd.s32 $0x1, v14  }
0x4ed: {  	v47 =	vadd.s32 $0x1, v42;
	v46 =	vld.idx.msk [tilespmem:v22+s22+$0x0], $0xffff;
	v22 =	vcvt.s32.f32 v29;
	v1 =	vmul.f32 v1, v19  }
0x4ee: {  	v3 =	vsub.f32 v3, v43;
	v43 =	vcvt.s32.f32 v32;
	v48 =	vcvt.s32.f32 v35;
	v49 =	vld [tilespmem:s31+$0x170]  }
0x4ef: {  	v16 =	vsub.f32 v16, v23;
	v23 =	vcvt.s32.f32 v42;
	v18 =	vsub.f32 v18, v24;
	[tilespmem:s31+$0x8070] =	vst.add.f32.msk $0xffff, v1  }
0x4f0: {  	v1 =	vsub.f32 v2, v22;
	v2 =	vsub.f32 v15, v43;
	v15 =	vld.idx.msk [tilespmem:v14+s22+$0x0], $0xffff  }
0x4f1: {  	v22 =	vsub.f32 v30, v44;
	v30 =	vsub.f32 v21, v48;
	v43 =	vld.idx.msk [tilespmem:v25+s22+$0x0], $0xffff  }
0x4f2: {  	v27 =	vsub.f32 v27, v23;
	v21 =	vsub.f32 v33, v45;
	v33 =	vld.idx.msk [tilespmem:v39+s22+$0x0], $0xffff  }
0x4f3: {  	v24 =	vadd.f32 v31, v10;
	v25 =	vadd.f32 v28, v17;
	v3 =	vmul.f32 v3, v22;
	v28 =	vld.idx.msk [tilespmem:v40+s22+$0x0], $0xffff  }
0x4f4: {  	v22 =	vadd.f32 v36, v13;
	v16 =	vmul.f32 v16, v21;
	v21 =	vadd.f32 v34, v11;
	v31 =	vld.idx.msk [tilespmem:v41+s22+$0x0], $0xffff  }
0x4f5: {  	v23 =	vadd.f32 v38, v12;
	v14 =	vcvt.s32.f32 v14;
	v3 =	vadd.f32 v3, v44;
	v34 =	vld.idx.msk [tilespmem:v47+s22+$0x0], $0xffff  }
0x4f6: {  	v36 =	vtrunc.f32 v25;
	v38 =	vadd.f32 v16, v45;
	v16 =	vld.idx.msk [tilespmem:v26+s22+$0x0], $0xffff;
	v26 =	vadd.f32 v49, v20  }
0x4f7: {  	v39 =	vtrunc.f32 v24;
	v14 =	vsub.f32 v37, v14;
	v37 =	vsub.f32 v43, v15;
	v29 =	vld.idx.msk [tilespmem:v29+s22+$0x0], $0xffff  }
0x4f8: {  	v41 =	vtrunc.f32 v22;
	v40 =	vtrunc.f32 v21;
	v32 =	vld.idx.msk [tilespmem:v32+s22+$0x0], $0xffff  }
0x4f9: {  	v14 =	vmul.f32 v14, v37;
	v37 =	vtrunc.f32 v26;
	v35 =	vld.idx.msk [tilespmem:v35+s22+$0x0], $0xffff  }
0x4fa: {  	v43 =	vtrunc.f32 v23;
	v37 =	vcvt.f32.s32 v37;
	v42 =	vld.idx.msk [tilespmem:v42+s22+$0x0], $0xffff  }
0x4fb: {  	v39 =	vcvt.f32.s32 v39;
	v36 =	vcvt.f32.s32 v36;
	v14 =	vadd.f32 v14, v15;
	v44 =	vld [tilespmem:s31+$0xD0]  }
0x4fc: {  	v40 =	vcvt.f32.s32 v40;
	v45 =	vsub.f32 v46, v16;
	v47 =	vadd.s32 $0x1, v37;
	v46 =	vld [tilespmem:s31+$0xE0]  }
0x4fd: {  	v41 =	vcvt.f32.s32 v41;
	v33 =	vsub.f32 v33, v29;
	v14 =	vmul.f32 v14, v19;
	v15 =	vld [tilespmem:s26+$0xFFFFFF90]  }
0x4fe: {  	v43 =	vcvt.f32.s32 v43;
	v18 =	vmul.f32 v18, v45;
	v28 =	vsub.f32 v28, v32;
	v45 =	vld [tilespmem:s31+$0x1F0]  }
0x4ff: {  	v48 =	vadd.s32 $0x1, v36;
	v1 =	vmul.f32 v1, v33;
	v31 =	vsub.f32 v31, v35;
	[tilespmem:s31+$0x80F0] =	vst.add.f32.msk $0xffff, v14  }
0x500: {  	v2 =	vmul.f32 v2, v28;
	v14 =	vsub.f32 v34, v42;
	v28 =	vadd.f32 v44, v9;
	v33 =	vld.idx.msk [tilespmem:v37+s22+$0x0], $0xffff  }
0x501: {  	v34 =	vadd.f32 v18, v16;
	v30 =	vmul.f32 v30, v31;
	v31 =	vadd.f32 v46, v8;
	v44 =	vld.idx.msk [tilespmem:v47+s22+$0x0], $0xffff  }
0x502: {  	v29 =	vadd.f32 v1, v29;
	v32 =	vadd.f32 v2, v32;
	v1 =	vmul.f32 v27, v14;
	v18 =	vld [tilespmem:s26+$0xFFFFFFA0]  }
0x503: {  	v27 =	vadd.f32 v30, v35;
	v2 =	vtrunc.f32 v28;
	v16 =	vld [tilespmem:s26+$0xFFFFFFB0];
	v30 =	vtrunc.f32 v31  }
0x504: {  	v35 =	vmul.f32 v3, v15;
	v46 =	vcvt.f32.s32 v2;
	v42 =	vadd.f32 v1, v42;
	v14 =	vld [tilespmem:s26+$0xFFFFFFC0]  }
0x505: {  	v37 =	vcvt.s32.f32 v37;
	v47 =	vadd.s32 $0x1, v39;
	v30 =	vcvt.f32.s32 v30;
	v3 =	vld [tilespmem:s26+$0xFFFFFFD0]  }
0x506: {  	v50 =	vadd.s32 $0x1, v41;
	v49 =	vadd.s32 $0x1, v40;
	v45 =	vadd.f32 v45, v20;
	v2 =	vld [tilespmem:s26+$0xFFFFFFE0]  }
0x507: {  	v26 =	vsub.f32 v26, v37;
	v37 =	vsub.f32 v44, v33;
	v38 =	vmul.f32 v38, v18;
	v1 =	vld [tilespmem:s26+$0xFFFFFFF0]  }
0x508: {  	v44 =	vadd.s32 $0x1, v46;
	[tilespmem:s31+$0x8000] =	vst.add.f32.msk $0xffff, v35;
	v34 =	vmul.f32 v34, v16;
	v35 =	vadd.s32 $0x1, v43  }
0x509: {  	v26 =	vmul.f32 v26, v37;
	v37 =	vtrunc.f32 v45;
	[tilespmem:s31+$0x8010] =	vst.add.f32.msk $0xffff, v38;
	v38 =	vadd.s32 $0x1, v30  }
0x50a: {  	v29 =	vmul.f32 v29, v14;
	[tilespmem:s31+$0x8020] =	vst.add.f32.msk $0xffff, v34;
	v34 =	vcvt.f32.s32 v37  }
0x50b: {  	v32 =	vmul.f32 v32, v3;
	v26 =	vadd.f32 v26, v33;
	v37 =	vld.idx.msk [tilespmem:v36+s22+$0x0], $0xffff;
	v27 =	vmul.f32 v27, v2  }
0x50c: {  	v33 =	vcvt.s32.f32 v36;
	[tilespmem:s31+$0x8030] =	vst.add.f32.msk $0xffff, v29;
	v29 =	vmul.f32 v42, v1;
	v36 =	vadd.s32 $0x1, v34  }
0x50d: {  	v42 =	vcvt.s32.f32 v39;
	v26 =	vmul.f32 v26, v19;
	[tilespmem:s31+$0x8040] =	vst.add.f32.msk $0xffff, v32  }
0x50e: {  	v25 =	vsub.f32 v25, v33;
	v33 =	vcvt.s32.f32 v41;
	v32 =	vcvt.s32.f32 v40;
	v51 =	vld [tilespmem:s31+$0x270]  }
0x50f: {  	v52 =	vcvt.s32.f32 v46;
	v24 =	vsub.f32 v24, v42;
	v42 =	vcvt.s32.f32 v43;
	[tilespmem:s31+$0x8170] =	vst.add.f32.msk $0xffff, v26  }
0x510: {  	v22 =	vsub.f32 v22, v33;
	v21 =	vsub.f32 v21, v32;
	v26 =	vcvt.s32.f32 v30;
	v32 =	vld.idx.msk [tilespmem:v34+s22+$0x0], $0xffff  }
0x511: {  	v28 =	vsub.f32 v28, v52;
	v23 =	vsub.f32 v23, v42;
	v33 =	vld.idx.msk [tilespmem:v36+s22+$0x0], $0xffff  }
0x512: {  	v26 =	vsub.f32 v31, v26;
	[tilespmem:s31+$0x8050] =	vst.add.f32.msk $0xffff, v27  }
0x513: {  	[tilespmem:s31+$0x8060] =	vst.add.f32.msk $0xffff, v29  }
0x514: {  	v27 =	vld.idx.msk [tilespmem:v48+s22+$0x0], $0xffff  }
0x515: {  	v31 =	vcvt.s32.f32 v34;
	v29 =	vld.idx.msk [tilespmem:v39+s22+$0x0], $0xffff  }
0x516: {  	v36 =	vadd.f32 v51, v20;
	v34 =	vld.idx.msk [tilespmem:v47+s22+$0x0], $0xffff  }
0x517: {  	v31 =	vsub.f32 v45, v31;
	v33 =	vsub.f32 v33, v32;
	v39 =	vld.idx.msk [tilespmem:v40+s22+$0x0], $0xffff  }
0x518: {  	v40 =	vld.idx.msk [tilespmem:v49+s22+$0x0], $0xffff  }
0x519: {  	v31 =	vmul.f32 v31, v33;
	v33 =	vtrunc.f32 v36;
	v41 =	vld.idx.msk [tilespmem:v41+s22+$0x0], $0xffff  }
0x51a: {  	v27 =	vsub.f32 v27, v37;
	v33 =	vcvt.f32.s32 v33;
	v42 =	vld.idx.msk [tilespmem:v50+s22+$0x0], $0xffff  }
0x51b: {  	v31 =	vadd.f32 v31, v32;
	v43 =	vld.idx.msk [tilespmem:v43+s22+$0x0], $0xffff  }
0x51c: {  	v25 =	vmul.f32 v25, v27;
	v27 =	vsub.f32 v34, v29;
	v34 =	vadd.s32 $0x1, v33;
	v32 =	vld.idx.msk [tilespmem:v35+s22+$0x0], $0xffff  }
0x51d: {  	v31 =	vmul.f32 v31, v19;
	v35 =	vld.idx.msk [tilespmem:v46+s22+$0x0], $0xffff  }
0x51e: {  	v25 =	vadd.f32 v25, v37;
	v24 =	vmul.f32 v24, v27;
	v27 =	vsub.f32 v40, v39;
	v37 =	vld [tilespmem:s31+$0x2F0]  }
0x51f: {  	[tilespmem:s31+$0x81F0] =	vst.add.f32.msk $0xffff, v31  }
0x520: {  	v24 =	vadd.f32 v24, v29;
	v21 =	vmul.f32 v21, v27;
	v27 =	vsub.f32 v42, v41;
	v29 =	vld.idx.msk [tilespmem:v33+s22+$0x0], $0xffff  }
0x521: {  	v25 =	vmul.f32 v25, v15;
	v31 =	vld.idx.msk [tilespmem:v34+s22+$0x0], $0xffff  }
0x522: {  	v21 =	vadd.f32 v21, v39;
	v22 =	vmul.f32 v22, v27;
	v27 =	vsub.f32 v32, v43;
	v32 =	vld.idx.msk [tilespmem:v44+s22+$0x0], $0xffff  }
0x523: {  	v24 =	vmul.f32 v24, v18;
	v30 =	vld.idx.msk [tilespmem:v30+s22+$0x0], $0xffff  }
0x524: {  	v21 =	vmul.f32 v21, v16;
	v22 =	vadd.f32 v22, v41;
	v23 =	vmul.f32 v23, v27;
	v27 =	vld.idx.msk [tilespmem:v38+s22+$0x0], $0xffff  }
0x525: {  	v33 =	vcvt.s32.f32 v33;
	v34 =	vld [tilespmem:s31+$0x100]  }
0x526: {  	v37 =	vadd.f32 v37, v20;
	v22 =	vmul.f32 v22, v14;
	v23 =	vadd.f32 v23, v43;
	v38 =	vld [tilespmem:s31+$0x110]  }
0x527: {  	v33 =	vsub.f32 v36, v33;
	v31 =	vsub.f32 v31, v29;
	v39 =	vld [tilespmem:s31+$0x120]  }
0x528: {  	v23 =	vmul.f32 v23, v3;
	v32 =	vsub.f32 v32, v35;
	v36 =	vld [tilespmem:s31+$0x130]  }
0x529: {  	v31 =	vmul.f32 v33, v31;
	v33 =	vtrunc.f32 v37;
	v40 =	vld [tilespmem:s31+$0x140]  }
0x52a: {  	v28 =	vmul.f32 v28, v32;
	v27 =	vsub.f32 v27, v30;
	v33 =	vcvt.f32.s32 v33;
	v32 =	vld [tilespmem:s31+$0x150]  }
0x52b: {  	v34 =	vadd.f32 v34, v17;
	v29 =	vadd.f32 v31, v29;
	v41 =	vld [tilespmem:s31+$0x160]  }
0x52c: {  	v26 =	vmul.f32 v26, v27;
	v27 =	vadd.s32 $0x1, v33;
	[tilespmem:s31+$0x8080] =	vst.add.f32.msk $0xffff, v25;
	v25 =	vadd.f32 v38, v10  }
0x52d: {  	v29 =	vmul.f32 v29, v19;
	[tilespmem:s31+$0x8090] =	vst.add.f32.msk $0xffff, v24;
	v24 =	vadd.f32 v39, v11;
	v31 =	vadd.f32 v36, v13  }
0x52e: {  	v28 =	vadd.f32 v28, v35;
	v36 =	vtrunc.f32 v34;
	v38 =	vadd.f32 v40, v12;
	v35 =	vld [tilespmem:s31+$0x370]  }
0x52f: {  	v26 =	vadd.f32 v26, v30;
	v39 =	vtrunc.f32 v25;
	v32 =	vadd.f32 v32, v9;
	[tilespmem:s31+$0x8270] =	vst.add.f32.msk $0xffff, v29  }
0x530: {  	v29 =	vtrunc.f32 v24;
	v30 =	vtrunc.f32 v31;
	v40 =	vadd.f32 v41, v8;
	v41 =	vld.idx.msk [tilespmem:v33+s22+$0x0], $0xffff  }
0x531: {  	v42 =	vtrunc.f32 v38;
	v43 =	vtrunc.f32 v32;
	v27 =	vld.idx.msk [tilespmem:v27+s22+$0x0], $0xffff  }
0x532: {  	[tilespmem:s31+$0x80A0] =	vst.add.f32.msk $0xffff, v21;
	v21 =	vmul.f32 v28, v2;
	v28 =	vtrunc.f32 v40  }
0x533: {  	v36 =	vcvt.f32.s32 v36;
	[tilespmem:s31+$0x80B0] =	vst.add.f32.msk $0xffff, v22;
	v22 =	vmul.f32 v26, v1  }
0x534: {  	v29 =	vcvt.f32.s32 v29;
	v26 =	vcvt.f32.s32 v39;
	[tilespmem:s31+$0x80C0] =	vst.add.f32.msk $0xffff, v23  }
0x535: {  	v30 =	vcvt.f32.s32 v30;
	v23 =	vadd.s32 $0x1, v36;
	[tilespmem:s31+$0x80D0] =	vst.add.f32.msk $0xffff, v21;
	v21 =	vcvt.s32.f32 v33  }
0x536: {  	v39 =	vcvt.f32.s32 v43;
	v33 =	vcvt.f32.s32 v42;
	[tilespmem:s31+$0x80E0] =	vst.add.f32.msk $0xffff, v22;
	v22 =	vadd.f32 v35, v20  }
0x537: {  	v28 =	vcvt.f32.s32 v28;
	v27 =	vsub.f32 v27, v41;
	v35 =	vld [tilespmem:s31+$0x180];
	v21 =	vsub.f32 v37, v21  }
0x538: {  	v44 =	vadd.s32 $0x1, v30;
	v43 =	vadd.s32 $0x1, v29;
	v37 =	vadd.s32 $0x1, v26;
	v42 =	vld [tilespmem:s31+$0x190]  }
0x539: {  	v46 =	vadd.s32 $0x1, v33;
	v45 =	vld.idx.msk [tilespmem:v36+s22+$0x0], $0xffff;
	v21 =	vmul.f32 v21, v27;
	v27 =	vtrunc.f32 v22  }
0x53a: {  	v47 =	vadd.s32 $0x1, v39;
	v48 =	vadd.s32 $0x1, v28;
	v23 =	vld.idx.msk [tilespmem:v23+s22+$0x0], $0xffff;
	v27 =	vcvt.f32.s32 v27  }
0x53b: {  	v49 =	vcvt.s32.f32 v26;
	v36 =	vcvt.s32.f32 v36;
	v26 =	vld.idx.msk [tilespmem:v26+s22+$0x0], $0xffff;
	v21 =	vadd.f32 v21, v41  }
0x53c: {  	v50 =	vcvt.s32.f32 v30;
	v41 =	vcvt.s32.f32 v29;
	v29 =	vld.idx.msk [tilespmem:v29+s22+$0x0], $0xffff;
	v51 =	vadd.s32 $0x1, v27  }
0x53d: {  	v34 =	vsub.f32 v34, v36;
	v36 =	vld.idx.msk [tilespmem:v37+s22+$0x0], $0xffff;
	v37 =	vcvt.s32.f32 v33;
	v21 =	vmul.f32 v21, v19  }
0x53e: {  	v52 =	vcvt.s32.f32 v28;
	v25 =	vsub.f32 v25, v49;
	v49 =	vcvt.s32.f32 v39;
	v53 =	vld [tilespmem:s31+$0x3F0]  }
0x53f: {  	v31 =	vsub.f32 v31, v50;
	v24 =	vsub.f32 v24, v41;
	[tilespmem:s31+$0x82F0] =	vst.add.f32.msk $0xffff, v21  }
0x540: {  	v21 =	vsub.f32 v23, v45;
	v23 =	vsub.f32 v38, v37;
	v37 =	vld.idx.msk [tilespmem:v27+s22+$0x0], $0xffff  }
0x541: {  	v32 =	vsub.f32 v32, v49;
	v38 =	vsub.f32 v40, v52;
	v40 =	vld.idx.msk [tilespmem:v51+s22+$0x0], $0xffff  }
0x542: {  	v21 =	vmul.f32 v34, v21;
	v34 =	vadd.f32 v35, v17;
	v35 =	vadd.f32 v42, v10;
	v41 =	vld.idx.msk [tilespmem:v43+s22+$0x0], $0xffff  }
0x543: {  	v36 =	vsub.f32 v36, v26;
	v30 =	vld.idx.msk [tilespmem:v30+s22+$0x0], $0xffff  }
0x544: {  	v21 =	vadd.f32 v21, v45;
	v42 =	vtrunc.f32 v34;
	v43 =	vtrunc.f32 v35;
	v44 =	vld.idx.msk [tilespmem:v44+s22+$0x0], $0xffff  }
0x545: {  	v27 =	vcvt.s32.f32 v27;
	v25 =	vmul.f32 v25, v36;
	v33 =	vld.idx.msk [tilespmem:v33+s22+$0x0], $0xffff  }
0x546: {  	v20 =	vadd.f32 v53, v20;
	v36 =	vcvt.f32.s32 v42;
	v21 =	vmul.f32 v21, v15;
	v42 =	vld.idx.msk [tilespmem:v46+s22+$0x0], $0xffff  }
0x547: {  	v22 =	vsub.f32 v22, v27;
	v43 =	vcvt.f32.s32 v43;
	v27 =	vsub.f32 v40, v37;
	v39 =	vld.idx.msk [tilespmem:v39+s22+$0x0], $0xffff  }
0x548: {  	v40 =	vadd.s32 $0x1, v36;
	v25 =	vadd.f32 v25, v26;
	v26 =	vsub.f32 v41, v29;
	v41 =	vld.idx.msk [tilespmem:v47+s22+$0x0], $0xffff  }
0x549: {  	v45 =	vadd.s32 $0x1, v43;
	v22 =	vmul.f32 v22, v27;
	v27 =	vtrunc.f32 v20;
	v28 =	vld.idx.msk [tilespmem:v28+s22+$0x0], $0xffff  }
0x54a: {  	v24 =	vmul.f32 v24, v26;
	v26 =	vsub.f32 v44, v30;
	v27 =	vcvt.f32.s32 v27;
	v44 =	vld.idx.msk [tilespmem:v48+s22+$0x0], $0xffff  }
0x54b: {  	v46 =	vcvt.s32.f32 v36;
	v25 =	vmul.f32 v25, v18;
	v22 =	vadd.f32 v22, v37;
	v47 =	vld [tilespmem:s31+$0x1A0]  }
0x54c: {  	v26 =	vmul.f32 v31, v26;
	v37 =	vsub.f32 v42, v33;
	v42 =	vadd.s32 $0x1, v27;
	v31 =	vld [tilespmem:s31+$0x1B0]  }
0x54d: {  	v48 =	vcvt.s32.f32 v43;
	v24 =	vadd.f32 v24, v29;
	v22 =	vmul.f32 v22, v19;
	v29 =	vld [tilespmem:s31+$0x1C0]  }
0x54e: {  	v26 =	vadd.f32 v26, v30;
	v23 =	vmul.f32 v23, v37;
	v30 =	vsub.f32 v41, v39;
	v37 =	vld [tilespmem:s31+$0x1D0]  }
0x54f: {  	v34 =	vsub.f32 v34, v46;
	v35 =	vsub.f32 v35, v48;
	v24 =	vmul.f32 v24, v16;
	[tilespmem:s31+$0x8370] =	vst.add.f32.msk $0xffff, v22  }
0x550: {  	v30 =	vmul.f32 v32, v30;
	v32 =	vsub.f32 v44, v28;
	v22 =	vadd.f32 v47, v11;
	v41 =	vld.idx.msk [tilespmem:v27+s22+$0x0], $0xffff  }
0x551: {  	v26 =	vmul.f32 v26, v14;
	v23 =	vadd.f32 v23, v33;
	v31 =	vadd.f32 v31, v13;
	v33 =	vld.idx.msk [tilespmem:v42+s22+$0x0], $0xffff  }
0x552: {  	v30 =	vadd.f32 v30, v39;
	v32 =	vmul.f32 v38, v32;
	v29 =	vadd.f32 v29, v12;
	v38 =	vld [tilespmem:s31+$0x1E0]  }
0x553: {  	[tilespmem:s31+$0x8100] =	vst.add.f32.msk $0xffff, v21;
	v21 =	vtrunc.f32 v22;
	v39 =	vtrunc.f32 v31;
	v37 =	vadd.f32 v37, v9  }
0x554: {  	v23 =	vmul.f32 v23, v3;
	v28 =	vadd.f32 v32, v28;
	[tilespmem:s31+$0x8110] =	vst.add.f32.msk $0xffff, v25;
	v25 =	vtrunc.f32 v29  }
0x555: {  	v27 =	vcvt.s32.f32 v27;
	[tilespmem:s31+$0x8120] =	vst.add.f32.msk $0xffff, v24;
	v24 =	vtrunc.f32 v37  }
0x556: {  	v28 =	vmul.f32 v28, v1;
	[tilespmem:s31+$0x8130] =	vst.add.f32.msk $0xffff, v26;
	v26 =	vmul.f32 v30, v2  }
0x557: {  	v20 =	vsub.f32 v20, v27;
	v21 =	vcvt.f32.s32 v21;
	[tilespmem:s31+$0x8140] =	vst.add.f32.msk $0xffff, v23;
	v23 =	vsub.f32 v33, v41  }
0x558: {  	v27 =	vcvt.f32.s32 v39;
	v25 =	vcvt.f32.s32 v25;
	[tilespmem:s31+$0x8150] =	vst.add.f32.msk $0xffff, v26;
	v26 =	vadd.f32 v38, v8  }
0x559: {  	v30 =	vadd.s32 $0x1, v21;
	v24 =	vcvt.f32.s32 v24;
	[tilespmem:s31+$0x8160] =	vst.add.f32.msk $0xffff, v28;
	v20 =	vmul.f32 v20, v23  }
0x55a: {  	v32 =	vadd.s32 $0x1, v25;
	v28 =	vadd.s32 $0x1, v27;
	v23 =	vld.idx.msk [tilespmem:v36+s22+$0x0], $0xffff;
	v33 =	vtrunc.f32 v26  }
0x55b: {  	v38 =	vadd.s32 $0x1, v24;
	v36 =	vld.idx.msk [tilespmem:v40+s22+$0x0], $0xffff;
	v33 =	vcvt.f32.s32 v33;
	v20 =	vadd.f32 v20, v41  }
0x55c: {  	v40 =	vcvt.s32.f32 v21;
	v41 =	vcvt.s32.f32 v27;
	v39 =	vld.idx.msk [tilespmem:v43+s22+$0x0], $0xffff  }
0x55d: {  	v43 =	vcvt.s32.f32 v25;
	v42 =	vld.idx.msk [tilespmem:v45+s22+$0x0], $0xffff;
	v44 =	vadd.s32 $0x1, v33;
	v19 =	vmul.f32 v20, v19  }
0x55e: {  	v20 =	vsub.f32 v22, v40;
	v22 =	vcvt.s32.f32 v24;
	v40 =	vcvt.s32.f32 v33;
	v21 =	vld.idx.msk [tilespmem:v21+s22+$0x0], $0xffff  }
0x55f: {  	v31 =	vsub.f32 v31, v41;
	v29 =	vsub.f32 v29, v43;
	[tilespmem:s31+$0x83F0] =	vst.add.f32.msk $0xffff, v19  }
0x560: {  	v22 =	vsub.f32 v37, v22;
	v26 =	vsub.f32 v26, v40;
	v19 =	vld.idx.msk [tilespmem:v30+s22+$0x0], $0xffff  }
0x561: {  	v30 =	vsub.f32 v36, v23;
	v27 =	vld.idx.msk [tilespmem:v27+s22+$0x0], $0xffff  }
0x562: {  	v28 =	vld.idx.msk [tilespmem:v28+s22+$0x0], $0xffff  }
0x563: {  	v30 =	vmul.f32 v34, v30;
	v34 =	vsub.f32 v42, v39;
	v25 =	vld.idx.msk [tilespmem:v25+s22+$0x0], $0xffff  }
0x564: {  	v32 =	vld.idx.msk [tilespmem:v32+s22+$0x0], $0xffff  }
0x565: {  	v23 =	vadd.f32 v30, v23;
	v30 =	vmul.f32 v35, v34;
	v24 =	vld.idx.msk [tilespmem:v24+s22+$0x0], $0xffff  }
0x566: {  	v19 =	vsub.f32 v19, v21;
	v34 =	vld.idx.msk [tilespmem:v38+s22+$0x0], $0xffff  }
0x567: {  	v23 =	vmul.f32 v23, v15;
	v30 =	vadd.f32 v30, v39;
	v33 =	vld.idx.msk [tilespmem:v33+s22+$0x0], $0xffff  }
0x568: {  	v19 =	vmul.f32 v20, v19;
	v20 =	vsub.f32 v28, v27;
	v28 =	vld.idx.msk [tilespmem:v44+s22+$0x0], $0xffff  }
0x569: {  	v30 =	vmul.f32 v30, v18;
	v35 =	vld [tilespmem:s31+$0x200]  }
0x56a: {  	v19 =	vadd.f32 v19, v21;
	v20 =	vmul.f32 v31, v20;
	v21 =	vsub.f32 v32, v25;
	v36 =	vld [tilespmem:s31+$0x210]  }
0x56b: {  	v31 =	vld [tilespmem:s31+$0x220]  }
0x56c: {  	v20 =	vadd.f32 v20, v27;
	v21 =	vmul.f32 v29, v21;
	v29 =	vsub.f32 v34, v24;
	v27 =	vld [tilespmem:s31+$0x230]  }
0x56d: {  	v19 =	vmul.f32 v19, v16;
	v32 =	vld [tilespmem:s31+$0x240]  }
0x56e: {  	v22 =	vmul.f32 v22, v29;
	v28 =	vsub.f32 v28, v33;
	v34 =	vadd.f32 v35, v17;
	v29 =	vld [tilespmem:s31+$0x250]  }
0x56f: {  	v20 =	vmul.f32 v20, v14;
	v21 =	vadd.f32 v21, v25;
	v35 =	vadd.f32 v36, v10;
	v25 =	vld [tilespmem:s31+$0x260]  }
0x570: {  	v22 =	vadd.f32 v22, v24;
	v24 =	vmul.f32 v26, v28;
	[tilespmem:s31+$0x8180] =	vst.add.f32.msk $0xffff, v23;
	v23 =	vadd.f32 v31, v11  }
0x571: {  	v26 =	vtrunc.f32 v34;
	[tilespmem:s31+$0x8190] =	vst.add.f32.msk $0xffff, v30;
	v28 =	vtrunc.f32 v35;
	v27 =	vadd.f32 v27, v13  }
0x572: {  	v24 =	vadd.f32 v24, v33;
	[tilespmem:s31+$0x81A0] =	vst.add.f32.msk $0xffff, v19;
	v19 =	vtrunc.f32 v23;
	v30 =	vadd.f32 v32, v12  }
0x573: {  	v21 =	vmul.f32 v21, v3;
	[tilespmem:s31+$0x81B0] =	vst.add.f32.msk $0xffff, v20;
	v20 =	vtrunc.f32 v27;
	v29 =	vadd.f32 v29, v9  }
0x574: {  	v22 =	vmul.f32 v22, v2;
	v31 =	vld [tilespmem:s31+$0x280];
	v32 =	vtrunc.f32 v30;
	v25 =	vadd.f32 v25, v8  }
0x575: {  	v24 =	vmul.f32 v24, v1;
	[tilespmem:s31+$0x81C0] =	vst.add.f32.msk $0xffff, v21;
	v21 =	vtrunc.f32 v29  }
0x576: {  	v26 =	vcvt.f32.s32 v26;
	[tilespmem:s31+$0x81D0] =	vst.add.f32.msk $0xffff, v22;
	v22 =	vtrunc.f32 v25  }
0x577: {  	v28 =	vcvt.f32.s32 v28;
	v19 =	vcvt.f32.s32 v19;
	[tilespmem:s31+$0x81E0] =	vst.add.f32.msk $0xffff, v24  }
0x578: {  	v20 =	vcvt.f32.s32 v20;
	v32 =	vcvt.f32.s32 v32;
	v24 =	vadd.s32 $0x1, v26;
	v33 =	vld [tilespmem:s31+$0x290]  }
0x579: {  	v36 =	vadd.s32 $0x1, v28;
	v21 =	vcvt.f32.s32 v21;
	v22 =	vcvt.f32.s32 v22;
	v37 =	vld [tilespmem:s31+$0x2A0]  }
0x57a: {  	v38 =	vadd.s32 $0x1, v19;
	v39 =	vadd.s32 $0x1, v20;
	v41 =	vadd.s32 $0x1, v32;
	v40 =	vld [tilespmem:s31+$0x2B0]  }
0x57b: {  	v42 =	vcvt.s32.f32 v26;
	v44 =	vadd.s32 $0x1, v21;
	v45 =	vadd.s32 $0x1, v22;
	v43 =	vld [tilespmem:s31+$0x2C0]  }
0x57c: {  	v46 =	vcvt.s32.f32 v28;
	v47 =	vcvt.s32.f32 v19;
	v31 =	vadd.f32 v31, v17;
	v26 =	vld.idx.msk [tilespmem:v26+s22+$0x0], $0xffff  }
0x57d: {  	v34 =	vsub.f32 v34, v42;
	v42 =	vcvt.s32.f32 v20;
	v48 =	vcvt.s32.f32 v32;
	v24 =	vld.idx.msk [tilespmem:v24+s22+$0x0], $0xffff  }
0x57e: {  	v35 =	vsub.f32 v35, v46;
	v46 =	vcvt.s32.f32 v21;
	v49 =	vcvt.s32.f32 v22;
	v28 =	vld.idx.msk [tilespmem:v28+s22+$0x0], $0xffff  }
0x57f: {  	v23 =	vsub.f32 v23, v47;
	v27 =	vsub.f32 v27, v42;
	v50 =	vtrunc.f32 v31;
	v36 =	vld.idx.msk [tilespmem:v36+s22+$0x0], $0xffff  }
0x580: {  	v30 =	vsub.f32 v30, v48;
	v29 =	vsub.f32 v29, v46;
	v42 =	vcvt.f32.s32 v50;
	v19 =	vld.idx.msk [tilespmem:v19+s22+$0x0], $0xffff  }
0x581: {  	v25 =	vsub.f32 v25, v49;
	v33 =	vadd.f32 v33, v10;
	v38 =	vld.idx.msk [tilespmem:v38+s22+$0x0], $0xffff  }
0x582: {  	v46 =	vadd.s32 $0x1, v42;
	v37 =	vadd.f32 v37, v11;
	v40 =	vadd.f32 v40, v13;
	v20 =	vld.idx.msk [tilespmem:v20+s22+$0x0], $0xffff  }
0x583: {  	v47 =	vtrunc.f32 v33;
	v43 =	vadd.f32 v43, v12;
	v24 =	vsub.f32 v24, v26;
	v39 =	vld.idx.msk [tilespmem:v39+s22+$0x0], $0xffff  }
0x584: {  	v48 =	vtrunc.f32 v37;
	v49 =	vtrunc.f32 v40;
	v32 =	vld.idx.msk [tilespmem:v32+s22+$0x0], $0xffff  }
0x585: {  	v24 =	vmul.f32 v34, v24;
	v34 =	vsub.f32 v36, v28;
	v36 =	vld.idx.msk [tilespmem:v41+s22+$0x0], $0xffff;
	v41 =	vtrunc.f32 v43  }
0x586: {  	v47 =	vcvt.f32.s32 v47;
	v48 =	vcvt.f32.s32 v48;
	v21 =	vld.idx.msk [tilespmem:v21+s22+$0x0], $0xffff  }
0x587: {  	v24 =	vadd.f32 v24, v26;
	v26 =	vmul.f32 v35, v34;
	v34 =	vsub.f32 v38, v19;
	v35 =	vld.idx.msk [tilespmem:v44+s22+$0x0], $0xffff  }
0x588: {  	v38 =	vadd.s32 $0x1, v47;
	v41 =	vcvt.f32.s32 v41;
	v44 =	vcvt.f32.s32 v49;
	v22 =	vld.idx.msk [tilespmem:v22+s22+$0x0], $0xffff  }
0x589: {  	v26 =	vadd.f32 v26, v28;
	v23 =	vmul.f32 v23, v34;
	v28 =	vsub.f32 v39, v20;
	v34 =	vld.idx.msk [tilespmem:v45+s22+$0x0], $0xffff  }
0x58a: {  	v24 =	vmul.f32 v24, v15;
	v39 =	vadd.s32 $0x1, v48;
	v45 =	vadd.s32 $0x1, v44;
	v49 =	vld [tilespmem:s31+$0x2D0]  }
0x58b: {  	v19 =	vadd.f32 v23, v19;
	v23 =	vmul.f32 v27, v28;
	v27 =	vsub.f32 v36, v32;
	v28 =	vld [tilespmem:s31+$0x2E0]  }
0x58c: {  	v26 =	vmul.f32 v26, v18;
	v36 =	vadd.s32 $0x1, v41;
	[tilespmem:s31+$0x8200] =	vst.add.f32.msk $0xffff, v24;
	v24 =	vcvt.s32.f32 v42  }
0x58d: {  	v20 =	vadd.f32 v23, v20;
	v23 =	vmul.f32 v30, v27;
	v27 =	vsub.f32 v35, v21;
	v42 =	vld.idx.msk [tilespmem:v42+s22+$0x0], $0xffff  }
0x58e: {  	v19 =	vmul.f32 v19, v16;
	v24 =	vsub.f32 v31, v24;
	[tilespmem:s31+$0x8210] =	vst.add.f32.msk $0xffff, v26;
	v26 =	vcvt.s32.f32 v47  }
0x58f: {  	v27 =	vmul.f32 v29, v27;
	v31 =	vsub.f32 v34, v22;
	v30 =	vld.idx.msk [tilespmem:v46+s22+$0x0], $0xffff;
	v29 =	vadd.f32 v49, v9  }
0x590: {  	[tilespmem:s31+$0x8220] =	vst.add.f32.msk $0xffff, v19;
	v19 =	vmul.f32 v20, v14;
	v20 =	vadd.f32 v23, v32;
	v23 =	vadd.f32 v28, v8  }
0x591: {  	v21 =	vadd.f32 v27, v21;
	v25 =	vmul.f32 v25, v31;
	v28 =	vld.idx.msk [tilespmem:v47+s22+$0x0], $0xffff;
	v27 =	vtrunc.f32 v29  }
0x592: {  	v26 =	vsub.f32 v33, v26;
	[tilespmem:s31+$0x8230] =	vst.add.f32.msk $0xffff, v19;
	v19 =	vmul.f32 v20, v3;
	v20 =	vtrunc.f32 v23  }
0x593: {  	v21 =	vmul.f32 v21, v2;
	v27 =	vcvt.f32.s32 v27;
	v22 =	vadd.f32 v25, v22;
	v31 =	vld.idx.msk [tilespmem:v38+s22+$0x0], $0xffff  }
0x594: {  	v25 =	vcvt.s32.f32 v48;
	[tilespmem:s31+$0x8240] =	vst.add.f32.msk $0xffff, v19;
	v19 =	vcvt.f32.s32 v20  }
0x595: {  	v20 =	vcvt.s32.f32 v44;
	v22 =	vmul.f32 v22, v1;
	[tilespmem:s31+$0x8250] =	vst.add.f32.msk $0xffff, v21;
	v21 =	vadd.s32 $0x1, v27  }
0x596: {  	v33 =	vcvt.s32.f32 v41;
	v34 =	vcvt.s32.f32 v27;
	v32 =	vld.idx.msk [tilespmem:v48+s22+$0x0], $0xffff;
	v35 =	vadd.s32 $0x1, v19  }
0x597: {  	v30 =	vsub.f32 v30, v42;
	v25 =	vsub.f32 v37, v25;
	[tilespmem:s31+$0x8260] =	vst.add.f32.msk $0xffff, v22;
	v22 =	vcvt.s32.f32 v19  }
0x598: {  	v33 =	vsub.f32 v43, v33;
	v20 =	vsub.f32 v40, v20;
	v37 =	vld.idx.msk [tilespmem:v39+s22+$0x0], $0xffff  }
0x599: {  	v24 =	vmul.f32 v24, v30;
	v29 =	vsub.f32 v29, v34;
	v30 =	vsub.f32 v31, v28;
	v31 =	vld.idx.msk [tilespmem:v44+s22+$0x0], $0xffff  }
0x59a: {  	v22 =	vsub.f32 v23, v22;
	v34 =	vld.idx.msk [tilespmem:v45+s22+$0x0], $0xffff  }
0x59b: {  	v23 =	vadd.f32 v24, v42;
	v24 =	vmul.f32 v26, v30;
	v26 =	vld.idx.msk [tilespmem:v41+s22+$0x0], $0xffff  }
0x59c: {  	v30 =	vld.idx.msk [tilespmem:v36+s22+$0x0], $0xffff  }
0x59d: {  	v23 =	vmul.f32 v23, v15;
	v24 =	vadd.f32 v24, v28;
	v27 =	vld.idx.msk [tilespmem:v27+s22+$0x0], $0xffff  }
0x59e: {  	v28 =	vsub.f32 v37, v32;
	v21 =	vld.idx.msk [tilespmem:v21+s22+$0x0], $0xffff  }
0x59f: {  	v24 =	vmul.f32 v24, v18;
	v19 =	vld.idx.msk [tilespmem:v19+s22+$0x0], $0xffff  }
0x5a0: {  	v25 =	vmul.f32 v25, v28;
	v28 =	vsub.f32 v34, v31;
	v34 =	vld.idx.msk [tilespmem:v35+s22+$0x0], $0xffff  }
0x5a1: {  	v35 =	vld [tilespmem:s31+$0x300]  }
0x5a2: {  	v25 =	vadd.f32 v25, v32;
	v20 =	vmul.f32 v20, v28;
	v28 =	vsub.f32 v30, v26;
	v36 =	vld [tilespmem:s31+$0x310]  }
0x5a3: {  	v30 =	vld [tilespmem:s31+$0x320]  }
0x5a4: {  	v20 =	vadd.f32 v20, v31;
	v28 =	vmul.f32 v33, v28;
	v21 =	vsub.f32 v21, v27;
	v31 =	vld [tilespmem:s31+$0x330]  }
0x5a5: {  	v25 =	vmul.f32 v25, v16;
	v32 =	vld [tilespmem:s31+$0x340]  }
0x5a6: {  	v21 =	vmul.f32 v29, v21;
	v34 =	vsub.f32 v34, v19;
	v33 =	vadd.f32 v35, v17;
	v29 =	vld [tilespmem:s31+$0x350]  }
0x5a7: {  	v20 =	vmul.f32 v20, v14;
	v26 =	vadd.f32 v28, v26;
	v35 =	vadd.f32 v36, v10;
	v28 =	vld [tilespmem:s31+$0x360]  }
0x5a8: {  	v21 =	vadd.f32 v21, v27;
	v22 =	vmul.f32 v22, v34;
	[tilespmem:s31+$0x8280] =	vst.add.f32.msk $0xffff, v23;
	v23 =	vadd.f32 v30, v11  }
0x5a9: {  	v27 =	vtrunc.f32 v33;
	[tilespmem:s31+$0x8290] =	vst.add.f32.msk $0xffff, v24;
	v24 =	vtrunc.f32 v35;
	v30 =	vadd.f32 v31, v13  }
0x5aa: {  	v19 =	vadd.f32 v22, v19;
	[tilespmem:s31+$0x82A0] =	vst.add.f32.msk $0xffff, v25;
	v25 =	vtrunc.f32 v23;
	v31 =	vadd.f32 v32, v12  }
0x5ab: {  	v22 =	vmul.f32 v26, v3;
	[tilespmem:s31+$0x82B0] =	vst.add.f32.msk $0xffff, v20;
	v20 =	vtrunc.f32 v30;
	v26 =	vadd.f32 v29, v9  }
0x5ac: {  	v21 =	vmul.f32 v21, v2;
	v29 =	vld [tilespmem:s31+$0x380];
	v32 =	vtrunc.f32 v31;
	v28 =	vadd.f32 v28, v8  }
0x5ad: {  	v19 =	vmul.f32 v19, v1;
	[tilespmem:s31+$0x82C0] =	vst.add.f32.msk $0xffff, v22;
	v22 =	vtrunc.f32 v26  }
0x5ae: {  	v27 =	vcvt.f32.s32 v27;
	[tilespmem:s31+$0x82D0] =	vst.add.f32.msk $0xffff, v21;
	v21 =	vtrunc.f32 v28  }
0x5af: {  	v24 =	vcvt.f32.s32 v24;
	v25 =	vcvt.f32.s32 v25;
	[tilespmem:s31+$0x82E0] =	vst.add.f32.msk $0xffff, v19  }
0x5b0: {  	v20 =	vcvt.f32.s32 v20;
	v32 =	vcvt.f32.s32 v32;
	v19 =	vadd.s32 $0x1, v27;
	v34 =	vld [tilespmem:s31+$0x390]  }
0x5b1: {  	v36 =	vadd.s32 $0x1, v24;
	v22 =	vcvt.f32.s32 v22;
	v21 =	vcvt.f32.s32 v21;
	v37 =	vld [tilespmem:s31+$0x3A0]  }
0x5b2: {  	v38 =	vadd.s32 $0x1, v25;
	v39 =	vadd.s32 $0x1, v20;
	v41 =	vadd.s32 $0x1, v32;
	v40 =	vld [tilespmem:s31+$0x3B0]  }
0x5b3: {  	v42 =	vcvt.s32.f32 v27;
	v44 =	vadd.s32 $0x1, v22;
	v45 =	vadd.s32 $0x1, v21;
	v43 =	vld [tilespmem:s31+$0x3C0]  }
0x5b4: {  	v46 =	vcvt.s32.f32 v25;
	v17 =	vadd.f32 v29, v17;
	v29 =	vcvt.s32.f32 v24;
	v27 =	vld.idx.msk [tilespmem:v27+s22+$0x0], $0xffff  }
0x5b5: {  	v33 =	vsub.f32 v33, v42;
	v42 =	vcvt.s32.f32 v20;
	v47 =	vcvt.s32.f32 v32;
	v19 =	vld.idx.msk [tilespmem:v19+s22+$0x0], $0xffff  }
0x5b6: {  	v48 =	vcvt.s32.f32 v21;
	v29 =	vsub.f32 v35, v29;
	v35 =	vcvt.s32.f32 v22;
	v24 =	vld.idx.msk [tilespmem:v24+s22+$0x0], $0xffff  }
0x5b7: {  	v23 =	vsub.f32 v23, v46;
	v30 =	vsub.f32 v30, v42;
	v49 =	vtrunc.f32 v17;
	v36 =	vld.idx.msk [tilespmem:v36+s22+$0x0], $0xffff  }
0x5b8: {  	v31 =	vsub.f32 v31, v47;
	v42 =	vcvt.f32.s32 v49;
	v26 =	vsub.f32 v26, v35;
	v25 =	vld.idx.msk [tilespmem:v25+s22+$0x0], $0xffff  }
0x5b9: {  	v28 =	vsub.f32 v28, v48;
	v10 =	vadd.f32 v34, v10;
	v34 =	vld.idx.msk [tilespmem:v38+s22+$0x0], $0xffff  }
0x5ba: {  	v35 =	vadd.s32 $0x1, v42;
	v11 =	vadd.f32 v37, v11;
	v13 =	vadd.f32 v40, v13;
	v20 =	vld.idx.msk [tilespmem:v20+s22+$0x0], $0xffff  }
0x5bb: {  	v37 =	vtrunc.f32 v10;
	v12 =	vadd.f32 v43, v12;
	v19 =	vsub.f32 v19, v27;
	v38 =	vld.idx.msk [tilespmem:v39+s22+$0x0], $0xffff  }
0x5bc: {  	v40 =	vtrunc.f32 v13;
	v39 =	vtrunc.f32 v11;
	v32 =	vld.idx.msk [tilespmem:v32+s22+$0x0], $0xffff  }
0x5bd: {  	v19 =	vmul.f32 v33, v19;
	v33 =	vsub.f32 v36, v24;
	v36 =	vld.idx.msk [tilespmem:v41+s22+$0x0], $0xffff;
	v41 =	vtrunc.f32 v12  }
0x5be: {  	v37 =	vcvt.f32.s32 v37;
	v39 =	vcvt.f32.s32 v39;
	v22 =	vld.idx.msk [tilespmem:v22+s22+$0x0], $0xffff  }
0x5bf: {  	v19 =	vadd.f32 v19, v27;
	v27 =	vmul.f32 v29, v33;
	v29 =	vsub.f32 v34, v25;
	v33 =	vld.idx.msk [tilespmem:v44+s22+$0x0], $0xffff  }
0x5c0: {  	v40 =	vcvt.f32.s32 v40;
	v34 =	vadd.s32 $0x1, v37;
	v41 =	vcvt.f32.s32 v41;
	v21 =	vld.idx.msk [tilespmem:v21+s22+$0x0], $0xffff  }
0x5c1: {  	v24 =	vadd.f32 v27, v24;
	v23 =	vmul.f32 v23, v29;
	v27 =	vsub.f32 v38, v20;
	v29 =	vld.idx.msk [tilespmem:v45+s22+$0x0], $0xffff  }
0x5c2: {  	v43 =	vadd.s32 $0x1, v40;
	v19 =	vmul.f32 v19, v15;
	v38 =	vadd.s32 $0x1, v39;
	v44 =	vld [tilespmem:s31+$0x3D0]  }
0x5c3: {  	v23 =	vadd.f32 v23, v25;
	v25 =	vmul.f32 v30, v27;
	v27 =	vsub.f32 v36, v32;
	v30 =	vld [tilespmem:s31+$0x3E0]  }
0x5c4: {  	v24 =	vmul.f32 v24, v18;
	v36 =	vadd.s32 $0x1, v41;
	[tilespmem:s31+$0x8300] =	vst.add.f32.msk $0xffff, v19;
	v19 =	vcvt.s32.f32 v42  }
0x5c5: {  	v20 =	vadd.f32 v25, v20;
	v25 =	vmul.f32 v31, v27;
	v27 =	vsub.f32 v33, v22;
	v42 =	vld.idx.msk [tilespmem:v42+s22+$0x0], $0xffff  }
0x5c6: {  	v23 =	vmul.f32 v23, v16;
	v17 =	vsub.f32 v17, v19;
	[tilespmem:s31+$0x8310] =	vst.add.f32.msk $0xffff, v24;
	v19 =	vcvt.s32.f32 v37  }
0x5c7: {  	v26 =	vmul.f32 v26, v27;
	v27 =	vsub.f32 v29, v21;
	v24 =	vld.idx.msk [tilespmem:v35+s22+$0x0], $0xffff;
	v9 =	vadd.f32 v44, v9  }
0x5c8: {  	v20 =	vmul.f32 v20, v14;
	[tilespmem:s31+$0x8320] =	vst.add.f32.msk $0xffff, v23;
	v23 =	vadd.f32 v25, v32;
	v8 =	vadd.f32 v30, v8  }
0x5c9: {  	v22 =	vadd.f32 v26, v22;
	v27 =	vmul.f32 v28, v27;
	v25 =	vld.idx.msk [tilespmem:v37+s22+$0x0], $0xffff;
	v26 =	vtrunc.f32 v9  }
0x5ca: {  	v19 =	vsub.f32 v10, v19;
	[tilespmem:s31+$0x8330] =	vst.add.f32.msk $0xffff, v20;
	v10 =	vmul.f32 v23, v3;
	v20 =	vtrunc.f32 v8  }
0x5cb: {  	v22 =	vmul.f32 v22, v2;
	v26 =	vcvt.f32.s32 v26;
	v21 =	vadd.f32 v27, v21;
	v23 =	vld.idx.msk [tilespmem:v34+s22+$0x0], $0xffff  }
0x5cc: {  	v27 =	vcvt.s32.f32 v39;
	v20 =	vcvt.f32.s32 v20;
	[tilespmem:s31+$0x8340] =	vst.add.f32.msk $0xffff, v10  }
0x5cd: {  	v10 =	vcvt.s32.f32 v40;
	v21 =	vmul.f32 v21, v1;
	[tilespmem:s31+$0x8350] =	vst.add.f32.msk $0xffff, v22;
	v22 =	vadd.s32 $0x1, v26  }
0x5ce: {  	v29 =	vcvt.s32.f32 v41;
	v30 =	vcvt.s32.f32 v26;
	v31 =	vadd.s32 $0x1, v20;
	v28 =	vld.idx.msk [tilespmem:v39+s22+$0x0], $0xffff  }
0x5cf: {  	v24 =	vsub.f32 v24, v42;
	v11 =	vsub.f32 v11, v27;
	[tilespmem:s31+$0x8360] =	vst.add.f32.msk $0xffff, v21;
	v21 =	vcvt.s32.f32 v20  }
0x5d0: {  	v12 =	vsub.f32 v12, v29;
	v13 =	vsub.f32 v13, v10;
	v27 =	vld.idx.msk [tilespmem:v38+s22+$0x0], $0xffff  }
0x5d1: {  	v17 =	vmul.f32 v17, v24;
	v29 =	vsub.f32 v9, v30;
	v23 =	vsub.f32 v23, v25;
	v24 =	vld.idx.msk [tilespmem:v40+s22+$0x0], $0xffff  }
0x5d2: {  	v10 =	vsub.f32 v8, v21;
	v30 =	vld.idx.msk [tilespmem:v43+s22+$0x0], $0xffff  }
0x5d3: {  	v8 =	vadd.f32 v17, v42;
	v9 =	vmul.f32 v19, v23;
	v17 =	vld.idx.msk [tilespmem:v41+s22+$0x0], $0xffff  }
0x5d4: {  	v19 =	vld.idx.msk [tilespmem:v36+s22+$0x0], $0xffff  }
0x5d5: {  	v15 =	vmul.f32 v8, v15;
	v9 =	vadd.f32 v9, v25;
	v8 =	vld.idx.msk [tilespmem:v26+s22+$0x0], $0xffff  }
0x5d6: {  	v21 =	vsub.f32 v27, v28;
	v22 =	vld.idx.msk [tilespmem:v22+s22+$0x0], $0xffff  }
0x5d7: {  	v18 =	vmul.f32 v9, v18;
	v9 =	vld.idx.msk [tilespmem:v20+s22+$0x0], $0xffff  }
0x5d8: {  	v11 =	vmul.f32 v11, v21;
	v20 =	vsub.f32 v30, v24;
	v21 =	vld.idx.msk [tilespmem:v31+s22+$0x0], $0xffff  }
0x5d9: {  	[tilespmem:s31+$0x8380] =	vst.add.f32.msk $0xffff, v15  }
0x5da: {  	v11 =	vadd.f32 v11, v28;
	v13 =	vmul.f32 v13, v20;
	v15 =	vsub.f32 v19, v17;
	[tilespmem:s31+$0x8390] =	vst.add.f32.msk $0xffff, v18  }
.Ltmp24:
0x5db: {  	[tilespmem:s12+$0x83B0] =	vst.add.f32.msk $0xffff, v4;
	(pc) =	sbr.rel @p2 .LBB2_52-.Ltmp24, $4  }
0x5dc: {  	v4 =	vadd.f32 v13, v24;
	v12 =	vmul.f32 v12, v15;
	v13 =	vsub.f32 v22, v8;
	[tilespmem:s12+$0x83C0] =	vst.add.f32.msk $0xffff, v5  }
0x5dd: {  	v11 =	vmul.f32 v11, v16;
	[tilespmem:s12+$0x83D0] =	vst.add.f32.msk $0xffff, v6  }
0x5de: {  	v5 =	vadd.f32 v12, v17;
	v6 =	vmul.f32 v29, v13;
	v12 =	vsub.f32 v21, v9;
	[tilespmem:s12+$0x83E0] =	vst.add.f32.msk $0xffff, v7;
	s12 =	smov.u32 s31  }
0x5df: {  	s30 =	sadd.s32 $0x100, s30;
	v4 =	vmul.f32 v4, v14;
	[tilespmem:s12+$0x83A0] =	vst.add.f32.msk $0xffff, v11  }
0x5e0: {  	v7 =	vmul.f32 v10, v12  }
0x5e1: {  	v6 =	vadd.f32 v6, v8  }
.Ltmp25:
0x5e2: {  	v3 =	vmul.f32 v5, v3;
	v63 =	vadd.f32 v7, v9;
	(pc) =	sbr.rel @p1 .LBB2_59-.Ltmp25, $4  }
0x5e3: {  	[tilespmem:s12+$0x83B0] =	vst.add.f32.msk $0xffff, v4;
	v2 =	vmul.f32 v6, v2  }
0x5e4: {  	[tilespmem:s12+$0x83C0] =	vst.add.f32.msk $0xffff, v3;
	v1 =	vmul.f32 v63, v1  }
0x5e5: {  	[tilespmem:s12+$0x83D0] =	vst.add.f32.msk $0xffff, v2  }
0x5e6: {  	[tilespmem:s12+$0x83E0] =	vst.add.f32.msk $0xffff, v1  }
0x5e7: {  	s0 =	sadd.s32 $0x3, s24  }
0x5e8: {  	s1 =	sshrl.u32 s0, $0x3  }
0x5e9: {  	s3 =	smul.u32 $0x41000, s1  }
0x5ea: {  	s0 =	sshll.u32 s0, $0x7;
	s1 =	sshll.u32 s1, $0x14  }
0x5eb: {  	s0 =	sand.u32 $0x380, s0;
	s1 =	sor.u32 s7, s1;
	s3 =	sadd.s32 s2, s3  }
0x5ec: {  	s3 =	sor.u32 s0, s3;
	s0 =	sor.u32 s0, s1  }
0x5ed: {  	s3 =	sshrl.u32 s3, $0x3;
	s12 =	sshrl.u32 s0, $0x3  }
0x5ee: {  	s26 =	simm.s32 $0x18280;
	s3 =	sadd.s32 s8, s3;
	s24 =	sadd.s32 s5, s12  }
0x5ef: {  	[tilespmem:s22], [sflag:$0x2] =	stream.strided.gather [hbm4b:s3+s19], $0x4100, s20, s19, $0x38;
	[tilespmem:$0x1C280] =	vst v63  }
0x5f0: {  	s28 =	simm.s32 $0x80;
	s29 =	simm.s32 $0x18380;
	s30 =	sadd.s32 $0x0, s24  }
.LBB2_55:
0x5f1: {  	[tilespmem:s26], [sflag:$0x2] =	stream.linear.gather [hbm4b:s30+s4], $0x80, $0x38;
	[tilespmem:$0x1C280] =	vst v63  }
0x5f2: {  	s0 =	smov.u32 s28;
	s26 =	smov.u32 s29;
	p1 =	sne.s32 s28, $0xF80  }
.Ltmp26:
0x5f3: {  	s28 =	sadd.s32 $0x80, s28;
	(pc) =	sbr.rel @p1 .LBB2_55-.Ltmp26, $2  }
0x5f4: {  	_ =	sdelay $0x2  }
0x5f5: {  	s29 =	sadd.s32 $0x100, s29;
	s30 =	sadd.s32 s0, s24  }
0x5f6: {  	[tilespmem:s26], [sflag:$0x2] =	stream.linear.gather [hbm4b:s30+s4], $0x80, $0x38;
	[tilespmem:$0x1C280] =	vst v63  }
0x5f7: {  	s12 =	sadd.s32 s6, s12;
	s24 =	simm.s32 $0x1A280  }
0x5f8: {  	s26 =	simm.s32 $0x80;
	s28 =	simm.s32 $0x1A380;
	s29 =	sadd.s32 $0x0, s12  }
.LBB2_57:
0x5f9: {  	[tilespmem:s24], [sflag:$0x2] =	stream.linear.gather [hbm4b:s29+s4], $0x80, $0x38;
	[tilespmem:$0x1C280] =	vst v63  }
0x5fa: {  	s0 =	smov.u32 s26;
	s24 =	smov.u32 s28;
	p1 =	sne.s32 s26, $0xF80  }
.Ltmp27:
0x5fb: {  	s26 =	sadd.s32 $0x80, s26;
	(pc) =	sbr.rel @p1 .LBB2_57-.Ltmp27, $2  }
0x5fc: {  	_ =	sdelay $0x2  }
0x5fd: {  	s28 =	sadd.s32 $0x100, s28;
	s29 =	sadd.s32 s0, s12  }
.Ltmp28:
0x5fe: {  	(pc) =	sbr.rel .LBB2_43-.Ltmp28, $3  }
0x5ff: {  	_ =	sdelay $0x1  }
0x600: {  	[tilespmem:s24], [sflag:$0x2] =	stream.linear.gather [hbm4b:s29+s4], $0x80, $0x38;
	[tilespmem:$0x1C280] =	vst v63  }
0x601: {  	s15 =	sadd.s32 $0x1, s15  }
.LBB2_59:
0x602: {  	s2 =	sadd.s32 s9, s25;
	s12 =	simm.s32 $0x8000  }
0x603: {  	s15 =	simm.s32 $0x80;
	s24 =	simm.s32 $0x8400;
	s25 =	sadd.s32 $0x0, s2  }
.LBB2_60:
0x604: {  	[hbm4b:s25+s4] =	stream.linear.scatter [tilespmem:s12], [sflag:$0x3], $0x80, $0x38;
	[tilespmem:$0x1C280] =	vst v63  }
0x605: {  	s0 =	smov.u32 s15;
	s12 =	smov.u32 s24;
	p1 =	sne.s32 s15, $0xF80  }
.Ltmp29:
0x606: {  	s15 =	sadd.s32 $0x80, s15;
	(pc) =	sbr.rel @p1 .LBB2_60-.Ltmp29, $2  }
0x607: {  	_ =	sdelay $0x2  }
0x608: {  	s24 =	sadd.s32 $0x400, s24;
	s25 =	sadd.s32 s0, s2  }
0x609: {  	[hbm4b:s25+s4] =	stream.linear.scatter [tilespmem:s12], [sflag:$0x3], $0x80, $0x38;
	[tilespmem:$0x1C280] =	vst v63  }
0x60a: {  	_ =	swait.ge [sflag:s17], $0x1000  }
0x60b: {  	s12 =	simm.s32 $0x8080;
	s0 =	rddreg [dreg:$0x8]  }
0x60c: {  	s15 =	simm.s32 $0x80;
	[sflag:s17] =	ssyncset.done $0x0;
	s2 =	sadd.s32 s9, s0  }
0x60d: {  	s24 =	simm.s32 $0x8480;
	[sflag:s17] =	ssyncadd.s32 $0xFFFFF000;
	s25 =	sadd.s32 $0x0, s2  }
.LBB2_62:
0x60e: {  	[hbm4b:s25+s4] =	stream.linear.scatter [tilespmem:s12], [sflag:$0x3], $0x80, $0x38;
	[tilespmem:$0x1C280] =	vst v63  }
0x60f: {  	s0 =	smov.u32 s15;
	s12 =	smov.u32 s24;
	p1 =	sne.s32 s15, $0xF80  }
.Ltmp30:
0x610: {  	s15 =	sadd.s32 $0x80, s15;
	(pc) =	sbr.rel @p1 .LBB2_62-.Ltmp30, $2  }
0x611: {  	_ =	sdelay $0x2  }
0x612: {  	s24 =	sadd.s32 $0x400, s24;
	s25 =	sadd.s32 s0, s2  }
0x613: {  	[hbm4b:s25+s4] =	stream.linear.scatter [tilespmem:s12], [sflag:$0x3], $0x80, $0x38;
	[tilespmem:$0x1C280] =	vst v63  }
0x614: {  	_ =	swait.ge [sflag:s17], $0x1000  }
0x615: {  	s12 =	simm.s32 $0x8100;
	s0 =	rddreg [dreg:$0x9]  }
0x616: {  	s15 =	simm.s32 $0x80;
	[sflag:s17] =	ssyncset.done $0x0;
	s2 =	sadd.s32 s9, s0  }
0x617: {  	s24 =	simm.s32 $0x8500;
	[sflag:s17] =	ssyncadd.s32 $0xFFFFF000;
	s25 =	sadd.s32 $0x0, s2  }
.LBB2_64:
0x618: {  	[hbm4b:s25+s4] =	stream.linear.scatter [tilespmem:s12], [sflag:$0x3], $0x80, $0x38;
	[tilespmem:$0x1C280] =	vst v63  }
0x619: {  	s0 =	smov.u32 s15;
	s12 =	smov.u32 s24;
	p1 =	sne.s32 s15, $0xF80  }
.Ltmp31:
0x61a: {  	s15 =	sadd.s32 $0x80, s15;
	(pc) =	sbr.rel @p1 .LBB2_64-.Ltmp31, $2  }
0x61b: {  	_ =	sdelay $0x2  }
0x61c: {  	s24 =	sadd.s32 $0x400, s24;
	s25 =	sadd.s32 s0, s2  }
0x61d: {  	[hbm4b:s25+s4] =	stream.linear.scatter [tilespmem:s12], [sflag:$0x3], $0x80, $0x38;
	[tilespmem:$0x1C280] =	vst v63  }
0x61e: {  	_ =	swait.ge [sflag:s17], $0x1000  }
0x61f: {  	s12 =	simm.s32 $0x8180;
	s0 =	rddreg [dreg:$0xa]  }
0x620: {  	s15 =	simm.s32 $0x80;
	[sflag:s17] =	ssyncset.done $0x0;
	s2 =	sadd.s32 s9, s0  }
0x621: {  	s24 =	simm.s32 $0x8580;
	[sflag:s17] =	ssyncadd.s32 $0xFFFFF000;
	s25 =	sadd.s32 $0x0, s2  }
.LBB2_66:
0x622: {  	[hbm4b:s25+s4] =	stream.linear.scatter [tilespmem:s12], [sflag:$0x3], $0x80, $0x38;
	[tilespmem:$0x1C280] =	vst v63  }
0x623: {  	s0 =	smov.u32 s15;
	s12 =	smov.u32 s24;
	p1 =	sne.s32 s15, $0xF80  }
.Ltmp32:
0x624: {  	s15 =	sadd.s32 $0x80, s15;
	(pc) =	sbr.rel @p1 .LBB2_66-.Ltmp32, $2  }
0x625: {  	_ =	sdelay $0x2  }
0x626: {  	s24 =	sadd.s32 $0x400, s24;
	s25 =	sadd.s32 s0, s2  }
0x627: {  	[hbm4b:s25+s4] =	stream.linear.scatter [tilespmem:s12], [sflag:$0x3], $0x80, $0x38;
	[tilespmem:$0x1C280] =	vst v63  }
0x628: {  	_ =	swait.ge [sflag:s17], $0x1000  }
0x629: {  	s12 =	simm.s32 $0x8200;
	s0 =	rddreg [dreg:$0xb]  }
0x62a: {  	s15 =	simm.s32 $0x80;
	[sflag:s17] =	ssyncset.done $0x0;
	s2 =	sadd.s32 s9, s0  }
0x62b: {  	s24 =	simm.s32 $0x8600;
	[sflag:s17] =	ssyncadd.s32 $0xFFFFF000;
	s25 =	sadd.s32 $0x0, s2  }
.LBB2_68:
0x62c: {  	[hbm4b:s25+s4] =	stream.linear.scatter [tilespmem:s12], [sflag:$0x3], $0x80, $0x38;
	[tilespmem:$0x1C280] =	vst v63  }
0x62d: {  	s0 =	smov.u32 s15;
	s12 =	smov.u32 s24;
	p1 =	sne.s32 s15, $0xF80  }
.Ltmp33:
0x62e: {  	s15 =	sadd.s32 $0x80, s15;
	(pc) =	sbr.rel @p1 .LBB2_68-.Ltmp33, $2  }
0x62f: {  	_ =	sdelay $0x2  }
0x630: {  	s24 =	sadd.s32 $0x400, s24;
	s25 =	sadd.s32 s0, s2  }
0x631: {  	[hbm4b:s25+s4] =	stream.linear.scatter [tilespmem:s12], [sflag:$0x3], $0x80, $0x38;
	[tilespmem:$0x1C280] =	vst v63  }
0x632: {  	_ =	swait.ge [sflag:s17], $0x1000  }
0x633: {  	s12 =	simm.s32 $0x8280;
	s0 =	rddreg [dreg:$0xc]  }
0x634: {  	s15 =	simm.s32 $0x80;
	[sflag:s17] =	ssyncset.done $0x0;
	s2 =	sadd.s32 s9, s0  }
0x635: {  	s24 =	simm.s32 $0x8680;
	[sflag:s17] =	ssyncadd.s32 $0xFFFFF000;
	s25 =	sadd.s32 $0x0, s2  }
.LBB2_70:
0x636: {  	[hbm4b:s25+s4] =	stream.linear.scatter [tilespmem:s12], [sflag:$0x3], $0x80, $0x38;
	[tilespmem:$0x1C280] =	vst v63  }
0x637: {  	s0 =	smov.u32 s15;
	s12 =	smov.u32 s24;
	p1 =	sne.s32 s15, $0xF80  }
.Ltmp34:
0x638: {  	s15 =	sadd.s32 $0x80, s15;
	(pc) =	sbr.rel @p1 .LBB2_70-.Ltmp34, $2  }
0x639: {  	_ =	sdelay $0x2  }
0x63a: {  	s24 =	sadd.s32 $0x400, s24;
	s25 =	sadd.s32 s0, s2  }
0x63b: {  	[hbm4b:s25+s4] =	stream.linear.scatter [tilespmem:s12], [sflag:$0x3], $0x80, $0x38;
	[tilespmem:$0x1C280] =	vst v63  }
0x63c: {  	_ =	swait.ge [sflag:s17], $0x1000  }
0x63d: {  	s2 =	simm.s32 $0x8300;
	s0 =	rddreg [dreg:$0xd]  }
0x63e: {  	s12 =	simm.s32 $0x80;
	[sflag:s17] =	ssyncset.done $0x0;
	s0 =	sadd.s32 s9, s0  }
0x63f: {  	s15 =	simm.s32 $0x8700;
	[sflag:s17] =	ssyncadd.s32 $0xFFFFF000;
	s24 =	sadd.s32 $0x0, s0  }
.LBB2_72:
0x640: {  	[hbm4b:s24+s4] =	stream.linear.scatter [tilespmem:s2], [sflag:$0x3], $0x80, $0x38;
	[tilespmem:$0x1C280] =	vst v63  }
0x641: {  	s1 =	smov.u32 s12;
	s2 =	smov.u32 s15;
	p1 =	sne.s32 s12, $0xF80  }
.Ltmp35:
0x642: {  	s12 =	sadd.s32 $0x80, s12;
	(pc) =	sbr.rel @p1 .LBB2_72-.Ltmp35, $2  }
0x643: {  	_ =	sdelay $0x2  }
0x644: {  	s15 =	sadd.s32 $0x400, s15;
	s24 =	sadd.s32 s1, s0  }
0x645: {  	[hbm4b:s24+s4] =	stream.linear.scatter [tilespmem:s2], [sflag:$0x3], $0x80, $0x38;
	[tilespmem:$0x1C280] =	vst v63  }
0x646: {  	_ =	swait.ge [sflag:s17], $0x1000  }
0x647: {  	s2 =	simm.s32 $0x8380;
	s0 =	rddreg [dreg:$0xe]  }
0x648: {  	s3 =	simm.s32 $0x80;
	[sflag:s17] =	ssyncset.done $0x0;
	s0 =	sadd.s32 s9, s0  }
0x649: {  	s12 =	simm.s32 $0x8780;
	[sflag:s17] =	ssyncadd.s32 $0xFFFFF000;
	s15 =	sadd.s32 $0x0, s0  }
.LBB2_74:
0x64a: {  	[hbm4b:s15+s4] =	stream.linear.scatter [tilespmem:s2], [sflag:$0x3], $0x80, $0x38;
	[tilespmem:$0x1C280] =	vst v63  }
0x64b: {  	s1 =	smov.u32 s3;
	s2 =	smov.u32 s12;
	p1 =	sne.s32 s3, $0xF80  }
.Ltmp36:
0x64c: {  	s3 =	sadd.s32 $0x80, s3;
	(pc) =	sbr.rel @p1 .LBB2_74-.Ltmp36, $2  }
0x64d: {  	_ =	sdelay $0x2  }
0x64e: {  	s12 =	sadd.s32 $0x400, s12;
	s15 =	sadd.s32 s1, s0  }
0x64f: {  	[hbm4b:s15+s4] =	stream.linear.scatter [tilespmem:s2], [sflag:$0x3], $0x80, $0x38;
	[tilespmem:$0x1C280] =	vst v63  }
.Ltmp37:
0x650: {  	_ = 	snop;
	(pc) =	sbr.rel @p0 .LBB2_2-.Ltmp37, $4  }
0x651: {  	_ =	swait.ge [sflag:s17], $0x1000  }
0x652: {  	[sflag:s17] =	ssyncset.done $0x0  }
0x653: {  	[sflag:s17] =	ssyncadd.s32 $0xFFFFF000  }
0x654: {  	s2 =	simm.s32 $0x1;
	p1 =	por $0x0, $0x0;
	s1 =	rddreg [dreg:$0x0]  }
0x655: {  	s2 =	rddreg [dreg:$0x6]  }
0x656: {  	s0 =	rddreg [dreg:$0x5];
	s2 =	sadd.s32 $0x1, s2  }
0x657: {  	p0 =	sne.s32 s2, s0  }
.Ltmp38:
0x658: {  	_ = 	snop;
	(pc) =	sbr.rel @p0 .LBB2_1-.Ltmp38, $1  }
0x659: {  	_ =	sdelay $0x3  }
0x65a: {  	_ =	sfence.sel $0x180000  }
0x65b: {  	[bflag:$0x0] =	sbarrier.arrive $0xFFFF  }
0x65c: {  	_ =	strace $0x9000004D  }
0x65d: {  	s0 =	stileid.u32;
	[bflag:$0x2] =	sbarrier.arrive $0xFFFF  }
0x65e: {  	p0 =	sne.s32 s0, $0x0;
	s0 =	rddreg [dreg:$0x3]  }
0x65f: {  	s0 =	sadd.s32 @!p0 $0x100000, s0  }
0x660: {  	[sflag:s0] =	ssyncadd.tile.s32 @!p0 $0x1;
	_ =	shalt  }
.Lfunc_end2:
_tile_overlayer_lowered:
.L_overlay_start_2:
0x661: {  	(tag) =	ssettag $0x2  }
0x662: {  	s0 =	rddreg [dreg:$0x0];
	s2 =	stileid.u32  }
0x663: {  	s1 =	rddreg [dreg:$0x1];
	p0 =	sne.s32 s2, $0x0  }
0x664: {  	s3 =	rddreg [dreg:$0x2];
	[bflag:$0x3] =	sbarrier.arrive $0xFFFF;
	s2 =	simm.s32 @!p0 $0x1C03  }
0x665: {  	[timem:s3], [sflag:s2] =	dma.local @!p0 [hbm:s0], s1  }
0x666: {  	s0 =	simm.s32 @!p0 $0x3  }
0x667: {  	_ =	swait.ge @!p0 [sflag:s0], s1  }
0x668: {  	s1 =	ssub.s32 @!p0 $0x0, s1;
	[sflag:s0] =	ssyncset.done @!p0 $0x0  }
0x669: {  	[sflag:s0] =	ssyncadd.s32 @!p0 s1  }
0x66a: {  	[bflag:$0x3] =	sbarrier.arrive $0xFFFF  }
0x66b: {  	_ =	shalt  }

// kernel: sparse-core-data-format-call.1.cloned.1.call-start
scs
called_computation.1_lowered:
.L_overlay_start_0:
0x0: {  	s2 =	sld [smem:$0x3FD9]  }
0x1: {  	s3 =	sld [smem:$0x3FFE];
	_ =	sdelay $0x1  }
0x2: {  	s1 =	srdreg.scid  }
0x3: {  	s0 =	sand.u32 $0x1, s1  }
0x4: {  	s18 =	sshll.u32 s0, $0xA;
	s2 =	sadd.s32 s3, s2  }
0x5: {  	s2 =	sadd.s32 s2, s18  }
0x6: {  	[smem:$0x3FC3] =	sst s2  }
0x7: {  	_ = 	snop  }
0x8: {  	s2 =	sld [smem:$0x3FC8];
	(tm) =	ssettm $0x1  }
0x9: {  	s19 =	sld [smem:$0x3FFB];
	_ =	sdelay $0x3  }
0xa: {  	_ =	strace s19  }
0xb: {  	s3 =	sld [smem:$0x3FFC];
	_ =	sdelay $0x3  }
0xc: {  	_ =	strace s3  }
0xd: {  	s3 =	sld [smem:$0x3FFD];
	_ =	sdelay $0x3  }
0xe: {  	_ =	strace s3  }
0xf: {  	_ =	strace $0x8FFFFFFF  }
0x10: {  	s20 =	sld [smem:$0x3FDB];
	_ =	sdelay $0x1  }
0x11: {  	s4 =	simm.s32 $_scs_section_size  }
0x12: {  	s5 =	simm.s32 $_size__tile_overlayer_lowered;
	s6 =	simm.s32 $_tile_overlayer_lowered  }
0x13: {  	s23 =	simm.s32 $0x1BFF;
	s22 =	sshll.u32 s6, $0x1;
	s3 =	sadd.s32 s4, s20  }
0x14: {  	s7 =	simm.s32 $0x0;
	s21 =	sshll.u32 s5, $0x1;
	s5 =	sadd.s32 s22, s3  }
0x15: {  	[timem:s7], [sflag:s23] =	dma.local [hbm:s5], s21  }
0x16: {  	_ =	swait.ge [sflag:s23], s21  }
0x17: {  	s4 =	ssub.s32 $0x0, s21;
	[sflag:s23] =	ssyncset.done $0x0  }
0x18: {  	[sflag:s23] =	ssyncadd.s32 s4;
	_ =	sdelay $0x1  }
0x19: {  	s24 =	simm.s32 $0x1B8B  }
0x1a: {  	_ =	swait.ge [sflag:s24], $0x1  }
0x1b: {  	[sflag:s24] =	ssyncset.done $0x0  }
0x1c: {  	s26 =	simm.s32 $0x1B8E;
	s25 =	sld [smem:$0x3FFE];
	[sflag:s24] =	ssyncadd.s32 $0xFFFFFFFF  }
0x1d: {  	s27 =	simm.s32 $execute0_lowered;
	[smem:$0x3FD2] =	sst s26  }
0x1e: {  	s5 =	sshll.u32 s27, $0x1;
	_ =	strace $0x80000046;
	[dreg:$0x1] =	wrdreg $0xFFFFFFFF  }
0x1f: {  	s28 =	simm.s32 $_size_execute0_lowered;
	s3 =	sadd.s32 s3, s5;
	[dreg:$0x0] =	wrdreg $0x0  }
0x20: {  	s5 =	sshll.u32 s28, $0x1;
	[dreg:$0x2] =	wrdreg s3  }
0x21: {  	[dreg:$0x3] =	wrdreg s5  }
0x22: {  	[dreg:$0x4] =	wrdreg $0xC0  }
0x23: {  	_ =	task [dreg:s7], $0x5FFFF  }
0x24: {  	[dreg:$0x1] =	wrdreg $0xFFFFFFFF  }
0x25: {  	[dreg:$0x0] =	wrdreg $0x60  }
0x26: {  	[dreg:$0x2] =	wrdreg s2  }
0x27: {  	[dreg:$0x3] =	wrdreg s25  }
0x28: {  	[dreg:$0x4] =	wrdreg $0xA  }
0x29: {  	_ =	task.clear_ibuf [dreg:s7], $0x5FFFF;
	_ =	strace $0x90000046  }
0x2a: {  	s29 =	simm.s32 $0xA;
	_ =	strace $0x80000048  }
0x2b: {  	_ =	swait.ge [sflag:s29], $0x1  }
0x2c: {  	[sflag:s29] =	ssyncadd.s32 $0xFFFFFFFF  }
0x2d: {  	_ =	strace $0x90000048  }
0x2e: {  	_ =	sfence  }
0x2f: {  	s30 =	sld [smem:$0x0];
	_ =	sdelay $0x2  }
0x30: {  	s31 =	sshll.u32 s1, $0xD;
	s1 =	sshrl.u32 s1, $0x2  }
0x31: {  	s3 =	sand.u32 $0x4000, s31;
	s1 =	sadd.s32 s1, s30  }
0x32: {  	s0 =	sor.u32 s3, s0;
	s1 =	sshll.u32 s1, $0x11  }
0x33: {  	s0 =	sor.u32 s1, s0  }
0x34: {  	s0 =	sadd.s32 $0x8F2B, s0  }
0x35: {  	[sflag:s0] =	ssyncadd.remote.s32 $0x1  }
0x36: {  	_ =	sfence.sel $0xFFFF  }
0x37: {  	[dreg:$0x0] =	wrdreg $0xFFFFFFFF;
	(pc) =	sbr.abs _section_cstart, $3  }
0x38: {  	[dreg:$0x1] =	wrdreg $0xFFFFFFFF  }
0x39: {  	_ =	task.clear_ibuf [dreg:s7], $0x2FFFF;
	_ =	strace $0x9FFFFFFF  }
0x3a: {  	(tm) =	ssettm $0x7FFFFFFF  }
0x3b: {  	_ =	shalt  }
tec
execute0_lowered:
.L_overlay_start_1:
0x0: {  	(tag) =	ssettag $0x1  }
0x1: {  	s2 =	rddreg [dreg:$0x0]  }
0x2: {  	s1 =	rddreg [dreg:$0x1]  }
0x3: {  	s3 =	srdreg.scid;
	s0 =	rddreg [dreg:$0x2]  }
0x4: {  	_ =	strace $0x80000047;
	s5 =	simm.s32 $0x1;
	s8 =	simm.s32 $0x2  }
0x5: {  	s14 =	simm.s32 $0x0;
	p0 =	por $0x0, $0x0;
	s15 =	simm.s32 $0x0  }
0x6: {  	s17 =	simm.s32 $0x0;
	s16 =	simm.s32 $0x0;
	s10 =	simm.s32 $0x0  }
0x7: {  	s11 =	simm.s32 $0x0;
	s13 =	stileid.u32;
	s3 =	sand.u32 $0x1, s3  }
.Ltmp0:
0x8: {  	s4 =	sadd.s32 $0x1E00, s1;
	s6 =	ssub.s32 $0x8, s3;
	(pc) =	sbr.rel .LBB1_1-.Ltmp0, $4  }
0x9: {  	s1 =	stileid.u32;
	[sflag:s5] =	ssyncpa.u1 $0x0;
	s7 =	sshrl.u32 s6, $0x1  }
0xa: {  	[sflag:s8] =	ssyncpa.u1 $0x0;
	s8 =	simm.s32 $0x800;
	s9 =	sadd.s32 s3, s7  }
0xb: {  	s12 =	smov.u32 s3;
	s6 =	ssub.s32 s6, s7;
	s31 =	sshll.u32 s9, $0x3  }
0xc: {  	s6 =	sshll.u32 s6, $0x3;
	s9 =	simm.s32 $0x0;
	s7 =	ssub.s32 $0x42, s31  }
.LBB1_4:
0xd: {  	_ =	sdelay $0x3  }
0xe: {  	[tilespmem:v0+s20+$0xFFFFFFA0 ss:$0x1] =	vst.idx.msk $0xffff, v6  }
0xf: {  	v56 =	vld.idx.msk [tilespmem:v1+s19+$0x30 ss:$0x1], $0xffff;
	[tilespmem:v0+s20+$0xFFFFFFB0 ss:$0x1] =	vst.idx.msk $0xffff, v4  }
0x10: {  	v57 =	vld.idx.msk [tilespmem:v1+s19+$0xFFFFFFC0 ss:$0x1], $0xffff;
	[tilespmem:v0+s20+$0xFFFFFFC0 ss:$0x1] =	vst.idx.msk $0xffff, v2  }
0x11: {  	v58 =	vld.idx.msk [tilespmem:v1+s19+$0xFFFFFFD0 ss:$0x1], $0xffff;
	[tilespmem:v0+s20+$0xFFFFFFD0 ss:$0x1] =	vst.idx.msk $0xffff, v3  }
0x12: {  	v59 =	vld.idx.msk [tilespmem:v1+s19+$0xFFFFFFE0 ss:$0x1], $0xffff;
	[tilespmem:v0+s20+$0xFFFFFFE0 ss:$0x1] =	vst.idx.msk $0xffff, v5  }
0x13: {  	v60 =	vld.idx.msk [tilespmem:v1+s19+$0xFFFFFFF0 ss:$0x1], $0xffff;
	[tilespmem:v0+s20+$0xFFFFFFF0 ss:$0x1] =	vst.idx.msk $0xffff, v7  }
0x14: {  	v61 =	vld.idx.msk [tilespmem:v1+s19+$0x0 ss:$0x1], $0xffff;
	[tilespmem:v0+s19+$0x0 ss:$0x1] =	vst.idx.msk $0xffff, v56  }
0x15: {  	v62 =	vld.idx.msk [tilespmem:v1+s19+$0x10 ss:$0x1], $0xffff;
	[tilespmem:v0+s19+$0xFFFFFF90 ss:$0x1] =	vst.idx.msk $0xffff, v57  }
0x16: {  	s17 =	sshll.u32 s17, $0x7;
	v63 =	vld.idx.msk [tilespmem:v1+s19+$0x20 ss:$0x1], $0xffff;
	s29 =	sand.u32 $0x78, s14;
	[tilespmem:v0+s19+$0xFFFFFFA0 ss:$0x1] =	vst.idx.msk $0xffff, v58  }
0x17: {  	s30 =	sshll.u32 s14, $0x3;
	s16 =	sshll.u32 s16, $0x11;
	s17 =	sand.u32 $0x380, s17;
	[tilespmem:v0+s19+$0xFFFFFFB0 ss:$0x1] =	vst.idx.msk $0xffff, v59  }
0x18: {  	s15 =	sshll.u32 s15, $0x8;
	s20 =	sand.u32 $0x400, s30;
	s17 =	sor.u32 s29, s17;
	[tilespmem:v0+s19+$0xFFFFFFC0 ss:$0x1] =	vst.idx.msk $0xffff, v60  }
0x19: {  	s31 =	sand.u32 $0x7, s14;
	s16 =	sadd.s32 s4, s16;
	s17 =	sor.u32 s20, s17;
	[tilespmem:v0+s19+$0xFFFFFFD0 ss:$0x1] =	vst.idx.msk $0xffff, v61  }
0x1a: {  	s14 =	sshll.u32 s31, $0x12;
	s15 =	sadd.s32 s15, s16;
	s17 =	sshrl.u32 s17, $0x3;
	[tilespmem:v0+s19+$0xFFFFFFE0 ss:$0x1] =	vst.idx.msk $0xffff, v62  }
0x1b: {  	s14 =	sor.u32 $0x80, s14;
	[tilespmem:v0+s19+$0xFFFFFFF0 ss:$0x1] =	vst.idx.msk $0xffff, v63;
	s15 =	sadd.s32 s17, s15  }
0x1c: {  	[hbm4b:s15+s14] =	stream.strided.scatter [tilespmem:s18], [sflag:$0x2], $0x4000, s8, s14, $0x38;
	[tilespmem:$0x10000] =	vst v63  }
.LBB1_5:
0x1d: {  	s18 =	sadd.s32 $0x80, s10  }
0x1e: {  	s14 =	sadd.s32 $0x80, s11;
	s19 =	smov.u32 s11;
	p2 =	sgt.s32 s18, $0xFF  }
0x1f: {  	s19 =	smov.u32 @p2 s14  }
0x20: {  	s20 =	smov.u32 s12;
	s14 =	sadd.s32 $0x2, s12;
	p3 =	sgt.s32 s19, $0x1FF  }
0x21: {  	s20 =	smov.u32 @p3 s14  }
0x22: {  	s21 =	smov.u32 s13;
	s14 =	sadd.s32 $0x10, s13;
	p4 =	sgt.s32 s20, $0x7  }
0x23: {  	p1 =	slt.u32 s9, $0x2;
	s21 =	smov.u32 @p4 s14  }
0x24: {  	s9 =	sadd.s32 $0x1, s9;
	s18 =	simm.s32 @p2 $0x0;
	p2 =	sgt.s32 s21, $0xF  }
0x25: {  	s22 =	simm.s32 @!p1 $0x2;
	s21 =	smov.u32 @p2 s1;
	p2 =	sne.s32 s9, s7  }
.Ltmp1:
0x26: {  	s15 =	smov.u32 s11;
	_ =	swait.ge @!p1 [sflag:s22], $0x4000;
	(pc) =	sbr.rel @!p2 .LBB1_6-.Ltmp1, $4  }
0x27: {  	s17 =	smov.u32 s12;
	s16 =	smov.u32 s13;
	[sflag:s22] =	ssyncset.done @!p1 $0x0  }
0x28: {  	p0 =	por !p0, !p0;
	s19 =	simm.s32 @p3 $0x0;
	[sflag:s22] =	ssyncadd.s32 @!p1 $0xFFFFC000  }
0x29: {  	s11 =	smov.u32 s19;
	s20 =	smov.u32 @p4 s3;
	s14 =	smov.u32 s10  }
0x2a: {  	s10 =	smov.u32 s18;
	s12 =	smov.u32 s20;
	s13 =	smov.u32 s21  }
.LBB1_1:
0x2b: {  	p1 =	sge.u32 s9, s6;
	s31 =	sadd.s32 $0xFFFFFFFF, s9  }
0x2c: {  	s18 =	sxor.u32 @!p1 $0xFFFFFFFF, s9;
	s19 =	sand.u32 @!p1 $0x78, s10;
	s20 =	sshll.u32 @!p1 s11, $0x8  }
0x2d: {  	s21 =	sshll.u32 @!p1 s10, $0x3;
	s22 =	sshll.u32 @!p1 s11, $0x7;
	s18 =	sshll.u32 @!p1 s18, $0xE  }
0x2e: {  	s20 =	sand.u32 @!p1 $0x1F800, s20;
	s21 =	sand.u32 @!p1 $0x1FC00, s21;
	s18 =	sand.u32 @!p1 $0x4000, s18  }
0x2f: {  	s20 =	sadd.s32 @!p1 s20, s21;
	s21 =	sand.u32 @!p1 $0x300, s22;
	s22 =	sand.u32 @!p1 $0x80, s22  }
0x30: {  	s20 =	sor.u32 @!p1 s21, s20;
	s19 =	sor.u32 @!p1 s19, s22;
	s21 =	sshll.u32 @!p1 s13, $0x11  }
0x31: {  	s22 =	sshll.u32 @!p1 s12, $0xE;
	s20 =	sshrl.u32 @!p1 s20, $0x3;
	s21 =	sadd.s32 @!p1 s2, s21  }
0x32: {  	s19 =	sshrl.u32 @!p1 s19, $0x3;
	s21 =	sadd.s32 @!p1 s22, s21;
	s22 =	sand.u32 @!p1 $0x7, s10  }
0x33: {  	s20 =	sand.u32 @!p1 $0x3FE0, s20;
	s19 =	sadd.s32 @!p1 s19, s21;
	s21 =	sshll.u32 @!p1 s22, $0x12  }
0x34: {  	s19 =	sadd.s32 @!p1 s20, s19;
	s20 =	sor.u32 @!p1 $0x400, s21;
	s21 =	simm.s32 @!p1 $0x800  }
0x35: {  	[tilespmem:s18], [sflag:$0x1] =	stream.strided.gather @!p1 [hbm4b:s19+s20], $0x4000, s21, s20, $0x38;
	[tilespmem:$0x10000] =	vst v63  }
0x36: {  	p1 =	sge.u32 s31, s6  }
.Ltmp2:
0x37: {  	_ = 	snop;
	(pc) =	sbr.rel @p1 .LBB1_5-.Ltmp2, $1  }
0x38: {  	_ =	sdelay $0x3  }
0x39: {  	s18 =	simm.s32 $0x1  }
0x3a: {  	s18 =	simm.s32 @!p0 $0x0  }
0x3b: {  	s18 =	sshll.u32 s18, $0xE  }
0x3c: {  	s19 =	sor.u32 $0x40, s18  }
0x3d: {  	v1 =	vmov s19;
	_ =	sdelay $0x1  }
0x3e: {  	_ =	swait.ge [sflag:s5], $0x4000  }
0x3f: {  	[sflag:s5] =	ssyncset.done $0x0  }
0x40: {  	s20 =	simm.s32 $0x0;
	[sflag:s5] =	ssyncadd.s32 $0xFFFFC000  }
0x41: {  	s18 =	sor.u32 $0x8070, s18;
	v7 =	vld.idx.msk [tilespmem:v1+s20+$0x30 ss:$0x1], $0xffff  }
0x42: {  	v0 =	vmov s18;
	v8 =	vld.idx.msk [tilespmem:v1+s20+$0xFFFFFFC0 ss:$0x1], $0xffff  }
0x43: {  	v6 =	vld.idx.msk [tilespmem:v1+s20+$0xFFFFFFD0 ss:$0x1], $0xffff  }
0x44: {  	v4 =	vld.idx.msk [tilespmem:v1+s20+$0xFFFFFFE0 ss:$0x1], $0xffff  }
0x45: {  	v2 =	vld.idx.msk [tilespmem:v1+s20+$0xFFFFFFF0 ss:$0x1], $0xffff  }
0x46: {  	s31 =	sshll.u32 s9, $0xE;
	v3 =	vld.idx.msk [tilespmem:v1+s20+$0x0 ss:$0x1], $0xffff  }
0x47: {  	s18 =	sand.u32 $0x4000, s31;
	v5 =	vld.idx.msk [tilespmem:v1+s20+$0x10 ss:$0x1], $0xffff;
	[tilespmem:v0+s20+$0x0 ss:$0x1] =	vst.idx.msk $0xffff, v7  }
0x48: {  	s21 =	simm.s32 $0x400;
	s19 =	simm.s32 $0x80;
	s18 =	sor.u32 $0x8000, s18;
	[tilespmem:v0+s20+$0xFFFFFF90 ss:$0x1] =	vst.idx.msk $0xffff, v8;
	v7 =	vld.idx.msk [tilespmem:v1+s20+$0x20 ss:$0x1], $0xffff  }
.LBB1_3:
0x49: {  	p1 =	sne.s32 s21, $0xFE00;
	v8 =	vld.idx.msk [tilespmem:v1+s19+$0x30 ss:$0x1], $0xffff;
	[tilespmem:v0+s20+$0xFFFFFFA0 ss:$0x1] =	vst.idx.msk $0xffff, v6  }
0x4a: {  	v9 =	vld.idx.msk [tilespmem:v1+s19+$0xFFFFFFC0 ss:$0x1], $0xffff;
	[tilespmem:v0+s20+$0xFFFFFFB0 ss:$0x1] =	vst.idx.msk $0xffff, v4  }
0x4b: {  	v6 =	vld.idx.msk [tilespmem:v1+s19+$0xFFFFFFD0 ss:$0x1], $0xffff;
	[tilespmem:v0+s20+$0xFFFFFFC0 ss:$0x1] =	vst.idx.msk $0xffff, v2  }
.Ltmp3:
0x4c: {  	v4 =	vld.idx.msk [tilespmem:v1+s19+$0xFFFFFFE0 ss:$0x1], $0xffff;
	[tilespmem:v0+s20+$0xFFFFFFD0 ss:$0x1] =	vst.idx.msk $0xffff, v3;
	(pc) =	sbr.rel @p1 .LBB1_3-.Ltmp3, $4  }
0x4d: {  	v2 =	vld.idx.msk [tilespmem:v1+s19+$0xFFFFFFF0 ss:$0x1], $0xffff;
	[tilespmem:v0+s20+$0xFFFFFFE0 ss:$0x1] =	vst.idx.msk $0xffff, v5  }
0x4e: {  	v3 =	vld.idx.msk [tilespmem:v1+s19+$0x0 ss:$0x1], $0xffff;
	[tilespmem:v0+s20+$0xFFFFFFF0 ss:$0x1] =	vst.idx.msk $0xffff, v7;
	s20 =	smov.u32 s19  }
0x4f: {  	v5 =	vld.idx.msk [tilespmem:v1+s20+$0x10 ss:$0x1], $0xffff;
	[tilespmem:v0+s20+$0x0 ss:$0x1] =	vst.idx.msk $0xffff, v8  }
0x50: {  	s19 =	sshra.s32 s21, $0x2;
	s21 =	sadd.s32 $0x200, s21;
	[tilespmem:v0+s20+$0xFFFFFF90 ss:$0x1] =	vst.idx.msk $0xffff, v9;
	v7 =	vld.idx.msk [tilespmem:v1+s20+$0x20 ss:$0x1], $0xffff  }
.Ltmp4:
0x51: {  	_ = 	snop;
	(pc) =	sbr.rel .LBB1_4-.Ltmp4, $1  }
0x52: {  	_ =	sdelay $0x3  }
.LBB1_6:
0x53: {  	_ =	sfence.sel $0x180000  }
0x54: {  	s2 =	simm.s32 $0x1;
	[bflag:$0x0] =	sbarrier.arrive $0xFFFF  }
0x55: {  	s31 =	simm.s32 $0x2;
	[sflag:s2] =	ssyncpa.u1 $0x1  }
0x56: {  	[sflag:s31] =	ssyncpa.u1 $0x1  }
0x57: {  	p0 =	sne.s32 s1, $0x0;
	_ =	strace $0x90000047  }
0x58: {  	s0 =	sadd.s32 @!p0 $0x100000, s0;
	[bflag:$0x2] =	sbarrier.arrive $0xFFFF  }
0x59: {  	[sflag:s0] =	ssyncadd.tile.s32 @!p0 $0x1;
	_ =	shalt  }
.Lfunc_end1:
_tile_overlayer_lowered:
.L_overlay_start_2:
0x5a: {  	(tag) =	ssettag $0x2  }
0x5b: {  	s0 =	rddreg [dreg:$0x0];
	s2 =	stileid.u32  }
0x5c: {  	s1 =	rddreg [dreg:$0x1];
	p0 =	sne.s32 s2, $0x0  }
0x5d: {  	s3 =	rddreg [dreg:$0x2];
	[bflag:$0x3] =	sbarrier.arrive $0xFFFF;
	s2 =	simm.s32 @!p0 $0x1C01  }
0x5e: {  	[timem:s3], [sflag:s2] =	dma.local @!p0 [hbm:s0], s1  }
0x5f: {  	s0 =	simm.s32 @!p0 $0x1  }
0x60: {  	_ =	swait.ge @!p0 [sflag:s0], s1  }
0x61: {  	s1 =	ssub.s32 @!p0 $0x0, s1;
	[sflag:s0] =	ssyncset.done @!p0 $0x0  }
0x62: {  	[sflag:s0] =	ssyncadd.s32 @!p0 s1  }
0x63: {  	[bflag:$0x3] =	sbarrier.arrive $0xFFFF  }
0x64: {  	_ =	shalt  }

// kernel: sparse-core-data-format-call.cloned.1.call-start
scs
called_computation_lowered:
.L_overlay_start_0:
0x0: {  	s2 =	sld [smem:$0x3FD9]  }
0x1: {  	s3 =	sld [smem:$0x3FFE];
	_ =	sdelay $0x1  }
0x2: {  	s1 =	srdreg.scid  }
0x3: {  	s0 =	sand.u32 $0x1, s1  }
0x4: {  	s18 =	sshll.u32 s0, $0xA;
	s2 =	sadd.s32 s3, s2  }
0x5: {  	s2 =	sadd.s32 s2, s18  }
0x6: {  	[smem:$0x3FC3] =	sst s2  }
0x7: {  	_ = 	snop  }
0x8: {  	s19 =	sld [smem:$0x3FC7];
	(tm) =	ssettm $0x1  }
0x9: {  	s20 =	sld [smem:$0x3FFB];
	_ =	sdelay $0x3  }
0xa: {  	_ =	strace s20  }
0xb: {  	s2 =	sld [smem:$0x3FFC];
	_ =	sdelay $0x3  }
0xc: {  	_ =	strace s2  }
0xd: {  	s2 =	sld [smem:$0x3FFD];
	_ =	sdelay $0x3  }
0xe: {  	_ =	strace s2  }
0xf: {  	_ =	strace $0x8FFFFFFF  }
0x10: {  	s21 =	sld [smem:$0x3FDB];
	_ =	sdelay $0x1  }
0x11: {  	s4 =	simm.s32 $_scs_section_size  }
0x12: {  	s5 =	simm.s32 $_size__tile_overlayer_lowered;
	s6 =	simm.s32 $_tile_overlayer_lowered  }
0x13: {  	s7 =	simm.s32 $0x1BFF;
	s22 =	sshll.u32 s6, $0x1;
	s4 =	sadd.s32 s4, s21  }
0x14: {  	s23 =	simm.s32 $0x0;
	s5 =	sshll.u32 s5, $0x1;
	s6 =	sadd.s32 s22, s4  }
0x15: {  	[timem:s23], [sflag:s7] =	dma.local [hbm:s6], s5  }
0x16: {  	_ =	swait.ge [sflag:s7], s5  }
0x17: {  	s5 =	ssub.s32 $0x0, s5;
	[sflag:s7] =	ssyncset.done $0x0  }
0x18: {  	[sflag:s7] =	ssyncadd.s32 s5;
	_ =	sdelay $0x1  }
0x19: {  	s24 =	simm.s32 $0x1B8B  }
0x1a: {  	_ =	swait.ge [sflag:s24], $0x1  }
0x1b: {  	[sflag:s24] =	ssyncset.done $0x0  }
0x1c: {  	[sflag:s24] =	ssyncadd.s32 $0xFFFFFFFF  }
0x1d: {  	s5 =	sld [smem:$0x0]  }
0x1e: {  	s6 =	sand.u32 $0xFFFFFFFE, s1  }
0x1f: {  	p0 =	sne.s32 s1, s6  }
0x20: {  	s6 =	sshll.u32 @p0 s6, $0xE  }
0x21: {  	s6 =	sadd.s32 @p0 $0x11B8D, s6;
	s7 =	sshll.u32 @p0 s5, $0x11  }
0x22: {  	s6 =	sor.u32 @p0 s7, s6  }
0x23: {  	[sflag:s6] =	ssyncadd.remote.s32 @p0 $0x1;
	_ =	sdelay $0x1  }
0x24: {  	s6 =	simm.s32 @p0 $0x1B8D  }
0x25: {  	_ =	swait.eq @p0 [sflag:s6], $0x1  }
0x26: {  	[sflag:s6] =	ssyncadd.s32 @p0 $0xFFFFFFFF  }
0x27: {  	s7 =	sshll.u32 @!p0 s1, $0xE  }
0x28: {  	s7 =	sor.u32 @!p0 $0x4000, s7;
	s6 =	simm.s32 @!p0 $0x1B8D  }
0x29: {  	s5 =	sshll.u32 @!p0 s5, $0x11;
	s7 =	sadd.s32 @!p0 $0x11B8D, s7;
	_ =	swait.eq @!p0 [sflag:s6], $0x1  }
0x2a: {  	s5 =	sor.u32 @!p0 s5, s7;
	[sflag:s6] =	ssyncadd.s32 @!p0 $0xFFFFFFFF  }
0x2b: {  	s26 =	simm.s32 $0x1B8E;
	s25 =	sld [smem:$0x3FFE];
	[sflag:s5] =	ssyncadd.remote.s32 @!p0 $0x1  }
0x2c: {  	s27 =	simm.s32 $execute0_lowered;
	[smem:$0x3FD2] =	sst s26  }
0x2d: {  	s6 =	sshll.u32 s27, $0x1;
	_ =	strace $0x80000049;
	[dreg:$0x1] =	wrdreg $0xFFFFFFFF  }
0x2e: {  	s28 =	simm.s32 $_size_execute0_lowered;
	s4 =	sadd.s32 s4, s6;
	[dreg:$0x0] =	wrdreg $0x0  }
0x2f: {  	s6 =	sshll.u32 s28, $0x1;
	[dreg:$0x2] =	wrdreg s4  }
0x30: {  	[dreg:$0x3] =	wrdreg s6  }
0x31: {  	[dreg:$0x4] =	wrdreg $0xC0  }
0x32: {  	_ =	task [dreg:s23], $0x5FFFF  }
0x33: {  	[dreg:$0x1] =	wrdreg $0xFFFFFFFF  }
0x34: {  	[dreg:$0x0] =	wrdreg $0x60  }
0x35: {  	[dreg:$0x2] =	wrdreg s19  }
0x36: {  	[dreg:$0x3] =	wrdreg s25  }
0x37: {  	[dreg:$0x4] =	wrdreg $0x9  }
0x38: {  	_ =	task.clear_ibuf [dreg:s23], $0x5FFFF;
	_ =	strace $0x90000049  }
0x39: {  	s29 =	simm.s32 $0x9;
	_ =	strace $0x8000004B  }
0x3a: {  	_ =	swait.ge [sflag:s29], $0x1  }
0x3b: {  	[sflag:s29] =	ssyncadd.s32 $0xFFFFFFFF  }
0x3c: {  	_ =	strace $0x9000004B  }
0x3d: {  	_ =	sfence  }
0x3e: {  	s30 =	sld [smem:$0x0];
	_ =	sdelay $0x2  }
0x3f: {  	s31 =	sshll.u32 s1, $0xD;
	s1 =	sshrl.u32 s1, $0x2  }
0x40: {  	s4 =	sand.u32 $0x4000, s31;
	s1 =	sadd.s32 s1, s30  }
0x41: {  	s0 =	sor.u32 s4, s0;
	s1 =	sshll.u32 s1, $0x11  }
0x42: {  	s0 =	sor.u32 s1, s0  }
0x43: {  	s0 =	sadd.s32 $0x8F2B, s0  }
0x44: {  	[sflag:s0] =	ssyncadd.remote.s32 $0x1  }
0x45: {  	_ =	sfence.sel $0xFFFF  }
0x46: {  	[dreg:$0x0] =	wrdreg $0xFFFFFFFF;
	(pc) =	sbr.abs _section_cstart, $3  }
0x47: {  	[dreg:$0x1] =	wrdreg $0xFFFFFFFF  }
0x48: {  	_ =	task.clear_ibuf [dreg:s23], $0x2FFFF;
	_ =	strace $0x9FFFFFFF  }
0x49: {  	(tm) =	ssettm $0x7FFFFFFF  }
tec
execute0_lowered:
.L_overlay_start_1:
0x0: {  	(tag) =	ssettag $0x1  }
0x1: {  	s2 =	rddreg [dreg:$0x0]  }
0x2: {  	s1 =	rddreg [dreg:$0x1]  }
0x3: {  	s3 =	srdreg.scid;
	s0 =	rddreg [dreg:$0x2]  }
0x4: {  	_ =	strace $0x8000004A;
	s5 =	simm.s32 $0x1;
	s8 =	simm.s32 $0x2  }
0x5: {  	s14 =	simm.s32 $0x0;
	p0 =	por $0x0, $0x0;
	s15 =	simm.s32 $0x0  }
0x6: {  	s17 =	simm.s32 $0x0;
	s16 =	simm.s32 $0x0;
	s10 =	simm.s32 $0x0  }
0x7: {  	s11 =	simm.s32 $0x0;
	s13 =	stileid.u32;
	s3 =	sand.u32 $0x1, s3  }
.Ltmp0:
0x8: {  	s4 =	sadd.s32 $0x201E00, s1;
	s6 =	ssub.s32 $0x8, s3;
	(pc) =	sbr.rel .LBB1_1-.Ltmp0, $4  }
0x9: {  	s1 =	stileid.u32;
	[sflag:s5] =	ssyncpa.u1 $0x0;
	s7 =	sshrl.u32 s6, $0x1  }
0xa: {  	[sflag:s8] =	ssyncpa.u1 $0x0;
	s8 =	simm.s32 $0x800;
	s9 =	sadd.s32 s3, s7  }
0xb: {  	s12 =	smov.u32 s3;
	s6 =	ssub.s32 s6, s7;
	s31 =	sshll.u32 s9, $0x3  }
0xc: {  	s6 =	sshll.u32 s6, $0x3;
	s9 =	simm.s32 $0x0;
	s7 =	ssub.s32 $0x42, s31  }
.LBB1_4:
0xd: {  	_ =	sdelay $0x3  }
0xe: {  	[tilespmem:v0+s20+$0xFFFFFFA0 ss:$0x1] =	vst.idx.msk $0xffff, v6  }
0xf: {  	v56 =	vld.idx.msk [tilespmem:v1+s19+$0x30 ss:$0x1], $0xffff;
	[tilespmem:v0+s20+$0xFFFFFFB0 ss:$0x1] =	vst.idx.msk $0xffff, v4  }
0x10: {  	v57 =	vld.idx.msk [tilespmem:v1+s19+$0xFFFFFFC0 ss:$0x1], $0xffff;
	[tilespmem:v0+s20+$0xFFFFFFC0 ss:$0x1] =	vst.idx.msk $0xffff, v2  }
0x11: {  	v58 =	vld.idx.msk [tilespmem:v1+s19+$0xFFFFFFD0 ss:$0x1], $0xffff;
	[tilespmem:v0+s20+$0xFFFFFFD0 ss:$0x1] =	vst.idx.msk $0xffff, v3  }
0x12: {  	v59 =	vld.idx.msk [tilespmem:v1+s19+$0xFFFFFFE0 ss:$0x1], $0xffff;
	[tilespmem:v0+s20+$0xFFFFFFE0 ss:$0x1] =	vst.idx.msk $0xffff, v5  }
0x13: {  	v60 =	vld.idx.msk [tilespmem:v1+s19+$0xFFFFFFF0 ss:$0x1], $0xffff;
	[tilespmem:v0+s20+$0xFFFFFFF0 ss:$0x1] =	vst.idx.msk $0xffff, v7  }
0x14: {  	v61 =	vld.idx.msk [tilespmem:v1+s19+$0x0 ss:$0x1], $0xffff;
	[tilespmem:v0+s19+$0x0 ss:$0x1] =	vst.idx.msk $0xffff, v56  }
0x15: {  	v62 =	vld.idx.msk [tilespmem:v1+s19+$0x10 ss:$0x1], $0xffff;
	[tilespmem:v0+s19+$0xFFFFFF90 ss:$0x1] =	vst.idx.msk $0xffff, v57  }
0x16: {  	s17 =	sshll.u32 s17, $0x7;
	v63 =	vld.idx.msk [tilespmem:v1+s19+$0x20 ss:$0x1], $0xffff;
	s29 =	sand.u32 $0x78, s14;
	[tilespmem:v0+s19+$0xFFFFFFA0 ss:$0x1] =	vst.idx.msk $0xffff, v58  }
0x17: {  	s30 =	sshll.u32 s14, $0x3;
	s16 =	sshll.u32 s16, $0x11;
	s17 =	sand.u32 $0x380, s17;
	[tilespmem:v0+s19+$0xFFFFFFB0 ss:$0x1] =	vst.idx.msk $0xffff, v59  }
0x18: {  	s15 =	sshll.u32 s15, $0x8;
	s20 =	sand.u32 $0x400, s30;
	s17 =	sor.u32 s29, s17;
	[tilespmem:v0+s19+$0xFFFFFFC0 ss:$0x1] =	vst.idx.msk $0xffff, v60  }
0x19: {  	s31 =	sand.u32 $0x7, s14;
	s16 =	sadd.s32 s4, s16;
	s17 =	sor.u32 s20, s17;
	[tilespmem:v0+s19+$0xFFFFFFD0 ss:$0x1] =	vst.idx.msk $0xffff, v61  }
0x1a: {  	s14 =	sshll.u32 s31, $0x12;
	s15 =	sadd.s32 s15, s16;
	s17 =	sshrl.u32 s17, $0x3;
	[tilespmem:v0+s19+$0xFFFFFFE0 ss:$0x1] =	vst.idx.msk $0xffff, v62  }
0x1b: {  	s14 =	sor.u32 $0x80, s14;
	[tilespmem:v0+s19+$0xFFFFFFF0 ss:$0x1] =	vst.idx.msk $0xffff, v63;
	s15 =	sadd.s32 s17, s15  }
0x1c: {  	[hbm4b:s15+s14] =	stream.strided.scatter [tilespmem:s18], [sflag:$0x2], $0x4000, s8, s14, $0x38;
	[tilespmem:$0x10000] =	vst v63  }
.LBB1_5:
0x1d: {  	s18 =	sadd.s32 $0x80, s10  }
0x1e: {  	s14 =	sadd.s32 $0x80, s11;
	s19 =	smov.u32 s11;
	p2 =	sgt.s32 s18, $0xFF  }
0x1f: {  	s19 =	smov.u32 @p2 s14  }
0x20: {  	s20 =	smov.u32 s12;
	s14 =	sadd.s32 $0x2, s12;
	p3 =	sgt.s32 s19, $0x1FF  }
0x21: {  	s20 =	smov.u32 @p3 s14  }
0x22: {  	s21 =	smov.u32 s13;
	s14 =	sadd.s32 $0x10, s13;
	p4 =	sgt.s32 s20, $0x7  }
0x23: {  	p1 =	slt.u32 s9, $0x2;
	s21 =	smov.u32 @p4 s14  }
0x24: {  	s9 =	sadd.s32 $0x1, s9;
	s18 =	simm.s32 @p2 $0x0;
	p2 =	sgt.s32 s21, $0xF  }
0x25: {  	s22 =	simm.s32 @!p1 $0x2;
	s21 =	smov.u32 @p2 s1;
	p2 =	sne.s32 s9, s7  }
.Ltmp1:
0x26: {  	s15 =	smov.u32 s11;
	_ =	swait.ge @!p1 [sflag:s22], $0x4000;
	(pc) =	sbr.rel @!p2 .LBB1_6-.Ltmp1, $4  }
0x27: {  	s17 =	smov.u32 s12;
	s16 =	smov.u32 s13;
	[sflag:s22] =	ssyncset.done @!p1 $0x0  }
0x28: {  	p0 =	por !p0, !p0;
	s19 =	simm.s32 @p3 $0x0;
	[sflag:s22] =	ssyncadd.s32 @!p1 $0xFFFFC000  }
0x29: {  	s11 =	smov.u32 s19;
	s20 =	smov.u32 @p4 s3;
	s14 =	smov.u32 s10  }
0x2a: {  	s10 =	smov.u32 s18;
	s12 =	smov.u32 s20;
	s13 =	smov.u32 s21  }
.LBB1_1:
0x2b: {  	p1 =	sge.u32 s9, s6;
	s31 =	sadd.s32 $0xFFFFFFFF, s9  }
0x2c: {  	s18 =	sxor.u32 @!p1 $0xFFFFFFFF, s9;
	s19 =	sand.u32 @!p1 $0x78, s10;
	s20 =	sshll.u32 @!p1 s11, $0x8  }
0x2d: {  	s21 =	sshll.u32 @!p1 s10, $0x3;
	s22 =	sshll.u32 @!p1 s11, $0x7;
	s18 =	sshll.u32 @!p1 s18, $0xE  }
0x2e: {  	s20 =	sand.u32 @!p1 $0x1F800, s20;
	s21 =	sand.u32 @!p1 $0x1FC00, s21;
	s18 =	sand.u32 @!p1 $0x4000, s18  }
0x2f: {  	s20 =	sadd.s32 @!p1 s20, s21;
	s21 =	sand.u32 @!p1 $0x300, s22;
	s22 =	sand.u32 @!p1 $0x80, s22  }
0x30: {  	s20 =	sor.u32 @!p1 s21, s20;
	s19 =	sor.u32 @!p1 s19, s22;
	s21 =	sshll.u32 @!p1 s13, $0x11  }
0x31: {  	s22 =	sshll.u32 @!p1 s12, $0xE;
	s20 =	sshrl.u32 @!p1 s20, $0x3;
	s21 =	sadd.s32 @!p1 s2, s21  }
0x32: {  	s19 =	sshrl.u32 @!p1 s19, $0x3;
	s21 =	sadd.s32 @!p1 s22, s21;
	s22 =	sand.u32 @!p1 $0x7, s10  }
0x33: {  	s20 =	sand.u32 @!p1 $0x3FE0, s20;
	s19 =	sadd.s32 @!p1 s19, s21;
	s21 =	sshll.u32 @!p1 s22, $0x12  }
0x34: {  	s19 =	sadd.s32 @!p1 s20, s19;
	s20 =	sor.u32 @!p1 $0x400, s21;
	s21 =	simm.s32 @!p1 $0x800  }
0x35: {  	[tilespmem:s18], [sflag:$0x1] =	stream.strided.gather @!p1 [hbm4b:s19+s20], $0x4000, s21, s20, $0x38;
	[tilespmem:$0x10000] =	vst v63  }
0x36: {  	p1 =	sge.u32 s31, s6  }
.Ltmp2:
0x37: {  	_ = 	snop;
	(pc) =	sbr.rel @p1 .LBB1_5-.Ltmp2, $1  }
0x38: {  	_ =	sdelay $0x3  }
0x39: {  	s18 =	simm.s32 $0x1  }
0x3a: {  	s18 =	simm.s32 @!p0 $0x0  }
0x3b: {  	s18 =	sshll.u32 s18, $0xE  }
0x3c: {  	s19 =	sor.u32 $0x40, s18  }
0x3d: {  	v1 =	vmov s19;
	_ =	sdelay $0x1  }
0x3e: {  	_ =	swait.ge [sflag:s5], $0x4000  }
0x3f: {  	[sflag:s5] =	ssyncset.done $0x0  }
0x40: {  	s20 =	simm.s32 $0x0;
	[sflag:s5] =	ssyncadd.s32 $0xFFFFC000  }
0x41: {  	s18 =	sor.u32 $0x8070, s18;
	v7 =	vld.idx.msk [tilespmem:v1+s20+$0x30 ss:$0x1], $0xffff  }
0x42: {  	v0 =	vmov s18;
	v8 =	vld.idx.msk [tilespmem:v1+s20+$0xFFFFFFC0 ss:$0x1], $0xffff  }
0x43: {  	v6 =	vld.idx.msk [tilespmem:v1+s20+$0xFFFFFFD0 ss:$0x1], $0xffff  }
0x44: {  	v4 =	vld.idx.msk [tilespmem:v1+s20+$0xFFFFFFE0 ss:$0x1], $0xffff  }
0x45: {  	v2 =	vld.idx.msk [tilespmem:v1+s20+$0xFFFFFFF0 ss:$0x1], $0xffff  }
0x46: {  	s31 =	sshll.u32 s9, $0xE;
	v3 =	vld.idx.msk [tilespmem:v1+s20+$0x0 ss:$0x1], $0xffff  }
0x47: {  	s18 =	sand.u32 $0x4000, s31;
	v5 =	vld.idx.msk [tilespmem:v1+s20+$0x10 ss:$0x1], $0xffff;
	[tilespmem:v0+s20+$0x0 ss:$0x1] =	vst.idx.msk $0xffff, v7  }
0x48: {  	s21 =	simm.s32 $0x400;
	s19 =	simm.s32 $0x80;
	s18 =	sor.u32 $0x8000, s18;
	[tilespmem:v0+s20+$0xFFFFFF90 ss:$0x1] =	vst.idx.msk $0xffff, v8;
	v7 =	vld.idx.msk [tilespmem:v1+s20+$0x20 ss:$0x1], $0xffff  }
.LBB1_3:
0x49: {  	p1 =	sne.s32 s21, $0xFE00;
	v8 =	vld.idx.msk [tilespmem:v1+s19+$0x30 ss:$0x1], $0xffff;
	[tilespmem:v0+s20+$0xFFFFFFA0 ss:$0x1] =	vst.idx.msk $0xffff, v6  }
0x4a: {  	v9 =	vld.idx.msk [tilespmem:v1+s19+$0xFFFFFFC0 ss:$0x1], $0xffff;
	[tilespmem:v0+s20+$0xFFFFFFB0 ss:$0x1] =	vst.idx.msk $0xffff, v4  }
0x4b: {  	v6 =	vld.idx.msk [tilespmem:v1+s19+$0xFFFFFFD0 ss:$0x1], $0xffff;
	[tilespmem:v0+s20+$0xFFFFFFC0 ss:$0x1] =	vst.idx.msk $0xffff, v2  }
.Ltmp3:
0x4c: {  	v4 =	vld.idx.msk [tilespmem:v1+s19+$0xFFFFFFE0 ss:$0x1], $0xffff;
	[tilespmem:v0+s20+$0xFFFFFFD0 ss:$0x1] =	vst.idx.msk $0xffff, v3;
	(pc) =	sbr.rel @p1 .LBB1_3-.Ltmp3, $4  }
0x4d: {  	v2 =	vld.idx.msk [tilespmem:v1+s19+$0xFFFFFFF0 ss:$0x1], $0xffff;
	[tilespmem:v0+s20+$0xFFFFFFE0 ss:$0x1] =	vst.idx.msk $0xffff, v5  }
0x4e: {  	v3 =	vld.idx.msk [tilespmem:v1+s19+$0x0 ss:$0x1], $0xffff;
	[tilespmem:v0+s20+$0xFFFFFFF0 ss:$0x1] =	vst.idx.msk $0xffff, v7;
	s20 =	smov.u32 s19  }
0x4f: {  	v5 =	vld.idx.msk [tilespmem:v1+s20+$0x10 ss:$0x1], $0xffff;
	[tilespmem:v0+s20+$0x0 ss:$0x1] =	vst.idx.msk $0xffff, v8  }
0x50: {  	s19 =	sshra.s32 s21, $0x2;
	s21 =	sadd.s32 $0x200, s21;
	[tilespmem:v0+s20+$0xFFFFFF90 ss:$0x1] =	vst.idx.msk $0xffff, v9;
	v7 =	vld.idx.msk [tilespmem:v1+s20+$0x20 ss:$0x1], $0xffff  }
.Ltmp4:
0x51: {  	_ = 	snop;
	(pc) =	sbr.rel .LBB1_4-.Ltmp4, $1  }
0x52: {  	_ =	sdelay $0x3  }
.LBB1_6:
0x53: {  	_ =	sfence.sel $0x180000  }
0x54: {  	s2 =	simm.s32 $0x1;
	[bflag:$0x0] =	sbarrier.arrive $0xFFFF  }
0x55: {  	s31 =	simm.s32 $0x2;
	[sflag:s2] =	ssyncpa.u1 $0x1  }
0x56: {  	[sflag:s31] =	ssyncpa.u1 $0x1  }
0x57: {  	p0 =	sne.s32 s1, $0x0;
	_ =	strace $0x9000004A  }
0x58: {  	s0 =	sadd.s32 @!p0 $0x100000, s0;
	[bflag:$0x2] =	sbarrier.arrive $0xFFFF  }
0x59: {  	[sflag:s0] =	ssyncadd.tile.s32 @!p0 $0x1;
	_ =	shalt  }
.Lfunc_end1:
_tile_overlayer_lowered:
.L_overlay_start_2:
0x5a: {  	(tag) =	ssettag $0x2  }
0x5b: {  	s0 =	rddreg [dreg:$0x0];
	s2 =	stileid.u32  }
0x5c: {  	s1 =	rddreg [dreg:$0x1];
	p0 =	sne.s32 s2, $0x0  }
0x5d: {  	s3 =	rddreg [dreg:$0x2];
	[bflag:$0x3] =	sbarrier.arrive $0xFFFF;
	s2 =	simm.s32 @!p0 $0x1C01  }
0x5e: {  	[timem:s3], [sflag:s2] =	dma.local @!p0 [hbm:s0], s1  }
0x5f: {  	s0 =	simm.s32 @!p0 $0x1  }
0x60: {  	_ =	swait.ge @!p0 [sflag:s0], s1  }
0x61: {  	s1 =	ssub.s32 @!p0 $0x0, s1;
	[sflag:s0] =	ssyncset.done @!p0 $0x0  }
0x62: {  	[sflag:s0] =	ssyncadd.s32 @!p0 s1  }
0x63: {  	[bflag:$0x3] =	sbarrier.arrive $0xFFFF  }
0x64: {  	_ =	shalt  }

</sc_bundles>
